<compile_context>
chip_gen: v7x
topology: tpu7x:2x2x1
jax: 0.10.2.dev20260603
libtpu: 0.0.44.dev20260713+nightly
codegen_flags: <defaults>
</compile_context>

<pallas_src>
import jax
import jax.numpy as jnp
from jax import lax
from jax.experimental import pallas as pl
from jax.experimental.pallas import tpu as pltpu
from jax.experimental.pallas import tpu_sc as plsc

N = 10000
E = 320000
D = 128
EPS_BN = 1e-5

_ROWS = 1000
_NPAD = 10240
_ROWSP = 1024

_NTILES = 16
_EPT = E // _NTILES
_CH = 64
_OB = 2048
_SUB = _OB // _CH
_GRP = _SUB // 4
_NOB = -(-_EPT // _OB)
_EPTP = _NOB * _OB
_RPT = _NPAD // _NTILES



def _feat_body(h_ref, wt_ref, a_ref, feat_ref, el_ref, er_ref):
    feat = jnp.dot(h_ref[...], wt_ref[0], preferred_element_type=jnp.float32)
    feat_ref[0] = feat
    elr = lax.dot_general(
        a_ref[0], feat, (((1,), (1,)), ((), ())),
        preferred_element_type=jnp.float32)
    el_ref[0] = elr[0:1]
    er_ref[0] = elr[1:2]


def _feat_stage(h, W0, al0, ar0, W1, al1, ar1):
    wt2 = jnp.stack([W0.T, W1.T])
    a2 = jnp.stack([jnp.stack([al0, ar0]), jnp.stack([al1, ar1])])
    hp = jnp.pad(h, ((0, _NPAD - N), (0, 0)))
    feat2, el2, er2 = pl.pallas_call(
        _feat_body,
        grid=(2, _NPAD // _ROWSP),
        in_specs=[
            pl.BlockSpec((_ROWSP, D), lambda k, i: (i, 0)),
            pl.BlockSpec((1, D, D), lambda k, i: (k, 0, 0)),
            pl.BlockSpec((1, 2, D), lambda k, i: (k, 0, 0)),
        ],
        out_specs=[
            pl.BlockSpec((1, _ROWSP, D), lambda k, i: (k, i, 0)),
            pl.BlockSpec((1, 1, _ROWSP), lambda k, i: (k, 0, i)),
            pl.BlockSpec((1, 1, _ROWSP), lambda k, i: (k, 0, i)),
        ],
        out_shape=[
            jax.ShapeDtypeStruct((2, _NPAD, D), jnp.float32),
            jax.ShapeDtypeStruct((2, 1, _NPAD), jnp.float32),
            jax.ShapeDtypeStruct((2, 1, _NPAD), jnp.float32),
        ],
    )(hp, wt2, a2)
    return feat2, el2, er2



def _sc_body(feat2, el2, er2, srcp, dstp, out2,
             srcbA, dstbA, srcbB, dstbB, erb, exb,
             rows0, rows1, rows2, rows3, zs_v,
             el_sh, er_sh, s_sh, acc_sh,
             gsem0, gsem1, gsem2, gsem3,
             ssem0, ssem1, ssem2, ssem3, psemS, psemD, xsem):
    c = lax.axis_index("c")
    wt = lax.axis_index("s")
    zv16 = jnp.zeros((16,), jnp.float32)

    def _zrow(r, _):
        for d in range(8):
            rows0[r, pl.ds(16 * d, 16)] = zv16
        return 0
    lax.fori_loop(0, _CH, _zrow, 0)
    def _zs(i, _):
        zs_v[pl.ds(16 * i, 16)] = zv16
        return 0
    lax.fori_loop(0, _RPT // 16, _zs, 0)
    pltpu.sync_copy(zs_v, s_sh.at[pl.ds(wt * _RPT, _RPT)])
    for k in range(_RPT // _CH):
        pltpu.sync_copy(rows0, acc_sh.at[pl.ds(wt * _RPT + _CH * k, _CH)])
    pltpu.sync_copy(el2.at[c, 0, pl.ds(wt * _RPT, _RPT)],
                    el_sh.at[pl.ds(wt * _RPT, _RPT)])
    pltpu.sync_copy(er2.at[c, 0, pl.ds(wt * _RPT, _RPT)],
                    er_sh.at[pl.ds(wt * _RPT, _RPT)])
    plsc.subcore_barrier()

    coff = c * _NPAD

    def _scale(rows, mm):
        def _srow(r, _3):
            a = plsc.load_gather(
                exb, [jnp.full((16,), mm * _CH, jnp.int32) + r])
            for d in range(8):
                rows[r, pl.ds(16 * d, 16)] = rows[r, pl.ds(16 * d, 16)] * a
            return 0
        lax.fori_loop(0, _CH, _srow, 0)

    rowbufs = (rows0, rows1, rows2, rows3)
    gsems = (gsem0, gsem1, gsem2, gsem3)
    ssems = (ssem0, ssem1, ssem2, ssem3)

    def _proc(o, srcb, dstb, srcbN, dstbN):
        pltpu.make_async_copy(
            srcp.at[c, wt, pl.ds(o * _OB, _OB)], srcb, psemS).wait()
        pltpu.make_async_copy(
            dstp.at[c, wt, pl.ds(o * _OB, _OB)], dstb, psemD).wait()
        pltpu.sync_copy(el_sh.at[srcb], exb)
        pltpu.sync_copy(er_sh.at[dstb], erb)
        def _cex(v, _2):
            sl = pl.ds(v * 16, 16)
            e = exb[sl] + erb[sl]
            e = jnp.where(e > 0, e, 0.2 * e)
            ex = jnp.exp(e)
            lane = lax.iota(jnp.int32, 16) + (o * _OB + v * 16)
            exb[sl] = jnp.where(lane < _EPT, ex, 0.0)
            srcb[sl] = srcb[sl] + coff
            return 0
        lax.fori_loop(0, _OB // 16, _cex, 0)
        pltpu.async_copy(exb, s_sh.at[dstb], xsem, add=True)
        @pl.when(o + 1 < _NOB)
        def _():
            pltpu.async_copy(
                srcp.at[c, wt, pl.ds((o + 1) * _OB, _OB)], srcbN, psemS)
            pltpu.async_copy(
                dstp.at[c, wt, pl.ds((o + 1) * _OB, _OB)], dstbN, psemD)

        def _gather(m, j):
            pltpu.async_copy(feat2.at[srcb.at[pl.ds(m * _CH, _CH)]],
                             rowbufs[j], gsems[j])
        def _scat(m, j):
            pltpu.async_copy(rowbufs[j],
                             acc_sh.at[dstb.at[pl.ds(m * _CH, _CH)]],
                             ssems[j], add=True)
        def _wait_g(m, j):
            pltpu.make_async_copy(feat2.at[srcb.at[pl.ds(m * _CH, _CH)]],
                                  rowbufs[j], gsems[j]).wait()
        def _wait_s(m, j):
            pltpu.make_async_copy(rowbufs[j],
                                  acc_sh.at[dstb.at[pl.ds(m * _CH, _CH)]],
                                  ssems[j]).wait()

        for j in range(3):
            _gather(j, j)
        def _grp(g, _2):
            m0 = 4 * g
            @pl.when(g >= 1)
            def _():
                _wait_s(m0 - 1, 3)
            _gather(m0 + 3, 3)
            _wait_g(m0, 0)
            _scale(rows0, m0)
            _scat(m0, 0)
            for j in (1, 2, 3):
                @pl.when(g < _GRP - 1)
                def _(j=j):
                    _wait_s(m0 + j - 1, j - 1)
                    _gather(m0 + 3 + j, j - 1)
                _wait_g(m0 + j, j)
                _scale(rowbufs[j], m0 + j)
                _scat(m0 + j, j)
            return 0
        lax.fori_loop(0, _GRP, _grp, 0)
        for j in range(4):
            _wait_s(_SUB - 4 + j, j)
        pltpu.make_async_copy(exb, s_sh.at[dstb], xsem).wait()

    pltpu.async_copy(srcp.at[c, wt, pl.ds(0, _OB)], srcbA, psemS)
    pltpu.async_copy(dstp.at[c, wt, pl.ds(0, _OB)], dstbA, psemD)
    def _bpair(b, _):
        _proc(2 * b, srcbA, dstbA, srcbB, dstbB)
        _proc(2 * b + 1, srcbB, dstbB, srcbA, dstbA)
        return 0
    lax.fori_loop(0, _NOB // 2, _bpair, 0)
    plsc.subcore_barrier()

    pltpu.sync_copy(s_sh.at[pl.ds(wt * _RPT, _RPT)], zs_v)
    def _inv(i, _):
        sl = pl.ds(16 * i, 16)
        zs_v[sl] = 1.0 / (zs_v[sl] + 1e-9)
        return 0
    lax.fori_loop(0, _RPT // 16, _inv, 0)
    for k in range(_RPT // _CH):
        pltpu.sync_copy(acc_sh.at[pl.ds(wt * _RPT + _CH * k, _CH)], rows0)
        def _drow(r, _2, k=k):
            a = plsc.load_gather(
                zs_v, [jnp.full((16,), k * _CH, jnp.int32) + r])
            for d in range(8):
                rows0[r, pl.ds(16 * d, 16)] = rows0[r, pl.ds(16 * d, 16)] * a
            return 0
        lax.fori_loop(0, _CH, _drow, 0)
        pltpu.sync_copy(rows0, out2.at[c, pl.ds(wt * _RPT + _CH * k, _CH)])


def _edge_stage(feat2, el2, er2, ei0, ei1):
    src0 = ei0[0].astype(jnp.int32)
    dst0 = ei0[1].astype(jnp.int32)
    src1 = ei1[0].astype(jnp.int32)
    dst1 = ei1[1].astype(jnp.int32)
    pad = ((0, 0), (0, _EPTP - _EPT))
    srcp = jnp.stack([
        jnp.pad(src0.reshape(_NTILES, _EPT), pad),
        jnp.pad(src1.reshape(_NTILES, _EPT), pad),
    ])
    dstp = jnp.stack([
        jnp.pad(dst0.reshape(_NTILES, _EPT), pad),
        jnp.pad(dst1.reshape(_NTILES, _EPT), pad),
    ])

    mesh = plsc.VectorSubcoreMesh(core_axis_name="c", subcore_axis_name="s")

    out2 = pl.kernel(
        _sc_body,
        out_type=jax.ShapeDtypeStruct((2, _NPAD, D), jnp.float32),
        mesh=mesh,
        compiler_params=pltpu.CompilerParams(needs_layout_passes=False),
        scratch_types=[
            pltpu.VMEM((_OB,), jnp.int32),
            pltpu.VMEM((_OB,), jnp.int32),
            pltpu.VMEM((_OB,), jnp.int32),
            pltpu.VMEM((_OB,), jnp.int32),
            pltpu.VMEM((_OB,), jnp.float32),
            pltpu.VMEM((_OB,), jnp.float32),
            pltpu.VMEM((_CH, D), jnp.float32),
            pltpu.VMEM((_CH, D), jnp.float32),
            pltpu.VMEM((_CH, D), jnp.float32),
            pltpu.VMEM((_CH, D), jnp.float32),
            pltpu.VMEM((_RPT,), jnp.float32),
            pltpu.VMEM_SHARED((_NPAD,), jnp.float32),
            pltpu.VMEM_SHARED((_NPAD,), jnp.float32),
            pltpu.VMEM_SHARED((_NPAD,), jnp.float32),
            pltpu.VMEM_SHARED((_NPAD, D), jnp.float32),
            pltpu.SemaphoreType.DMA,
            pltpu.SemaphoreType.DMA,
            pltpu.SemaphoreType.DMA,
            pltpu.SemaphoreType.DMA,
            pltpu.SemaphoreType.DMA,
            pltpu.SemaphoreType.DMA,
            pltpu.SemaphoreType.DMA,
            pltpu.SemaphoreType.DMA,
            pltpu.SemaphoreType.DMA,
            pltpu.SemaphoreType.DMA,
            pltpu.SemaphoreType.DMA,
        ],
    )(feat2.reshape(2 * _NPAD, D), el2, er2, srcp, dstp)
    return out2



def _stats_body(o0_ref, o1_ref, z_ref, stats_ref, acc_ref):
    i = pl.program_id(0)
    z = 0.5 * (o0_ref[0] + o1_ref[0])
    z_ref[...] = z
    @pl.when(i == 0)
    def _():
        acc_ref[...] = jnp.zeros_like(acc_ref)
    acc_ref[0, :] += jnp.sum(z, axis=0)
    acc_ref[1, :] += jnp.sum(z * z, axis=0)
    @pl.when(i == pl.num_programs(0) - 1)
    def _():
        stats_ref[...] = acc_ref[...]


def _bn_body(z_ref, stats_ref, gb_ref, out_ref):
    mu = stats_ref[0, :] * (1.0 / N)
    var = stats_ref[1, :] * (1.0 / N) - mu * mu
    scale = gb_ref[0, :] * lax.rsqrt(var + EPS_BN)
    out_ref[...] = (z_ref[...] - mu[None, :]) * scale[None, :] + gb_ref[1, :][None, :]


def _bn_stage(out2, gamma, beta):
    z, stats = pl.pallas_call(
        _stats_body,
        grid=(_NPAD // _ROWSP,),
        in_specs=[pl.BlockSpec((1, _ROWSP, D), lambda i: (0, i, 0)),
                  pl.BlockSpec((1, _ROWSP, D), lambda i: (1, i, 0))],
        out_specs=[pl.BlockSpec((_ROWSP, D), lambda i: (i, 0)),
                   pl.BlockSpec((8, D), lambda i: (0, 0))],
        out_shape=[jax.ShapeDtypeStruct((_NPAD, D), jnp.float32),
                   jax.ShapeDtypeStruct((8, D), jnp.float32)],
        scratch_shapes=[pltpu.VMEM((8, D), jnp.float32)],
    )(out2, out2)
    gb = jnp.stack([gamma, beta])
    out = pl.pallas_call(
        _bn_body,
        grid=(_NPAD // _ROWSP,),
        in_specs=[pl.BlockSpec((_ROWSP, D), lambda i: (i, 0)),
                  pl.BlockSpec((8, D), lambda i: (0, 0)),
                  pl.BlockSpec((2, D), lambda i: (0, 0))],
        out_specs=pl.BlockSpec((_ROWSP, D), lambda i: (i, 0)),
        out_shape=jax.ShapeDtypeStruct((_NPAD, D), jnp.float32),
    )(z, stats, gb)
    return out[:N]


def kernel(h, edge_index_0, edge_index_1, W0, al0, ar0, W1, al1, ar1, gamma, beta):
    feat2, el2, er2 = _feat_stage(h, W0, al0, ar0, W1, al1, ar1)
    out2 = _edge_stage(feat2, el2, er2, edge_index_0, edge_index_1)
    return _bn_stage(out2, gamma, beta)

# --- scband reference (transcript-rebuilt; emitter-appended) ---
"""Pipeline reference for scband-general-layer-88519275970680 (READ-ONLY COPY).

The authoritative reference and input builder live on the scoring server;
editing this copy changes nothing except your own understanding.
"""

import jax, jax.numpy as jnp
import numpy as np

N = 10000
E = 320000
D = 128
EPS_BN = 1e-5


def _gat_conv(h, W, attn_l, attn_r, src, dst):
    # DGL GATConv, num_heads=1, bias=False, negative_slope=0.2
    feat = h @ W.T                      # [N, D]
    el = feat @ attn_l                  # [N]
    er = feat @ attn_r                  # [N]
    e = el[src] + er[dst]               # [E]
    e = jnp.where(e > 0, e, 0.2 * e)    # leaky_relu
    # edge softmax over incoming edges of each dst node
    m = jax.ops.segment_max(e, dst, num_segments=N)
    m = jnp.where(jnp.isfinite(m), m, 0.0)
    ex = jnp.exp(e - jax.lax.stop_gradient(m)[dst])
    s = jax.ops.segment_sum(ex, dst, num_segments=N)
    alpha = ex / (s[dst] + 1e-9)
    out = jax.ops.segment_sum(feat[src] * alpha[:, None], dst, num_segments=N)
    return out


def setup_inputs(seed: int = 0) -> dict:
    key = jax.random.key(seed)
    ks = jax.random.split(key, 10)
    h = jax.random.normal(ks[0], (N, D), dtype=jnp.float32)
    edge_index_0 = jax.random.randint(ks[1], (2, E), 0, N, dtype=jnp.int64)
    edge_index_1 = jax.random.randint(ks[2], (2, E), 0, N, dtype=jnp.int64)
    sc = 1.0 / np.sqrt(D)
    W0 = jax.random.normal(ks[3], (D, D), dtype=jnp.float32) * sc
    W1 = jax.random.normal(ks[4], (D, D), dtype=jnp.float32) * sc
    al0 = jax.random.normal(ks[5], (D,), dtype=jnp.float32) * sc
    ar0 = jax.random.normal(ks[6], (D,), dtype=jnp.float32) * sc
    al1 = jax.random.normal(ks[7], (D,), dtype=jnp.float32) * sc
    ar1 = jax.random.normal(ks[8], (D,), dtype=jnp.float32) * sc
    gamma = jnp.ones((D,), dtype=jnp.float32)
    beta = jnp.zeros((D,), dtype=jnp.float32)
    return {"h": h, "edge_index_0": edge_index_0, "edge_index_1": edge_index_1,
            "W0": W0, "al0": al0, "ar0": ar0, "W1": W1, "al1": al1, "ar1": ar1,
            "gamma": gamma, "beta": beta}


def reference(h, edge_index_0, edge_index_1, W0, al0, ar0, W1, al1, ar1, gamma, beta):
    o0 = _gat_conv(h, W0, al0, ar0, edge_index_0[0], edge_index_0[1])
    o1 = _gat_conv(h, W1, al1, ar1, edge_index_1[0], edge_index_1[1])
    # MetapathConv stacks per-metapath outputs, Aggr_mean over metapath axis
    z = jnp.stack([o0, o1], axis=1)     # [N, 2, D]
    out = z.mean(axis=1)                # [N, D]
    # BatchNorm1d (training mode: batch statistics), dropout=0, act=None, no l2norm
    mu = out.mean(axis=0)
    var = out.var(axis=0)
    out = (out - mu) / jnp.sqrt(var + EPS_BN) * gamma + beta
    return out

if __name__ == "__main__":
    import jax
    _d = setup_inputs()
    print(jax.jit(kernel)(*tuple(_d.values())))

</pallas_src>

<mosaic_0001>
#map = affine_map<(d0, d1) -> (0, 0)>
#map1 = affine_map<(d0, d1) -> (0, 0, 0)>
module attributes {stable_mosaic.version = 14 : i64} {
  func.func @_sc_body(%arg0: i32, %arg1: i32, %arg2: memref<20480x128xf32, #tpu.memory_space<hbm>>, %arg3: memref<2x1x10240xf32, #tpu.memory_space<hbm>>, %arg4: memref<2x1x10240xf32, #tpu.memory_space<hbm>>, %arg5: memref<2x16x20480xi32, #tpu.memory_space<hbm>>, %arg6: memref<2x16x20480xi32, #tpu.memory_space<hbm>>, %arg7: memref<2x10240x128xf32, #tpu.memory_space<hbm>>, %arg8: memref<2048xi32, #tpu.memory_space<vmem>>, %arg9: memref<2048xi32, #tpu.memory_space<vmem>>, %arg10: memref<2048xi32, #tpu.memory_space<vmem>>, %arg11: memref<2048xi32, #tpu.memory_space<vmem>>, %arg12: memref<2048xf32, #tpu.memory_space<vmem>>, %arg13: memref<2048xf32, #tpu.memory_space<vmem>>, %arg14: memref<64x128xf32, #tpu.memory_space<vmem>>, %arg15: memref<64x128xf32, #tpu.memory_space<vmem>>, %arg16: memref<64x128xf32, #tpu.memory_space<vmem>>, %arg17: memref<64x128xf32, #tpu.memory_space<vmem>>, %arg18: memref<640xf32, #tpu.memory_space<vmem>>, %arg19: memref<10240xf32, #tpu.memory_space<vmem_shared>>, %arg20: memref<10240xf32, #tpu.memory_space<vmem_shared>>, %arg21: memref<10240xf32, #tpu.memory_space<vmem_shared>>, %arg22: memref<10240x128xf32, #tpu.memory_space<vmem_shared>>, %arg23: memref<!tpu.dma_semaphore, #tpu.memory_space<semaphore_mem>>, %arg24: memref<!tpu.dma_semaphore, #tpu.memory_space<semaphore_mem>>, %arg25: memref<!tpu.dma_semaphore, #tpu.memory_space<semaphore_mem>>, %arg26: memref<!tpu.dma_semaphore, #tpu.memory_space<semaphore_mem>>, %arg27: memref<!tpu.dma_semaphore, #tpu.memory_space<semaphore_mem>>, %arg28: memref<!tpu.dma_semaphore, #tpu.memory_space<semaphore_mem>>, %arg29: memref<!tpu.dma_semaphore, #tpu.memory_space<semaphore_mem>>, %arg30: memref<!tpu.dma_semaphore, #tpu.memory_space<semaphore_mem>>, %arg31: memref<!tpu.dma_semaphore, #tpu.memory_space<semaphore_mem>>, %arg32: memref<!tpu.dma_semaphore, #tpu.memory_space<semaphore_mem>>, %arg33: memref<!tpu.dma_semaphore, #tpu.memory_space<semaphore_mem>>) attributes {dimension_semantics = [#tpu.dimension_semantics<core_parallel>, #tpu.dimension_semantics<subcore_parallel>], iteration_bounds = array<i64: 2, 16>, scalar_prefetch = 0 : i64, scratch_operands = 26 : i64, tpu.core_type = #tpu.core_type<sc_vector_subcore>, window_params = [{transform_indices = #map}, {transform_indices = #map1}, {transform_indices = #map1}, {transform_indices = #map1}, {transform_indices = #map1}, {transform_indices = #map1}]} {
    %broadcast_in_dim3A = arith.constant 0.000000e+00 : f32
    %broadcast_in_dim3A_0 = vector.broadcast %broadcast_in_dim3A : f32 to vector<16xf32>
    %scan3A = arith.constant 0 : i32
    %scan3A_1 = arith.constant 0 : i32
    %scan3A_2 = arith.constant 64 : i32
    %scan3A_3 = arith.addi %scan3A_1, %scan3A_2 : i32
    %scan3A_4 = arith.constant 1 : i32
    %scan3A_5 = scf.for %scan3A_243 = %scan3A_1 to %scan3A_3 step %scan3A_4 iter_args(%scan3A_244 = %scan3A) -> (i32)  : i32 {
      %swap3A = arith.index_cast %scan3A_243 : i32 to index
      %swap3A_245 = arith.constant 0 : index
      %swap3A_246 = tpu.vector_load %arg14[%swap3A, %swap3A_245] {strides = array<i32>} : memref<64x128xf32, #tpu.memory_space<vmem>>, vector<16xf32>,
      tpu.vector_store %arg14[%swap3A, %swap3A_245], %broadcast_in_dim3A_0 {strides = array<i32>} : memref<64x128xf32, #tpu.memory_space<vmem>>, vector<16xf32>,
      %swap3A_247 = arith.index_cast %scan3A_243 : i32 to index
      %swap3A_248 = arith.constant 16 : index
      %swap3A_249 = tpu.vector_load %arg14[%swap3A_247, %swap3A_248] {strides = array<i32>} : memref<64x128xf32, #tpu.memory_space<vmem>>, vector<16xf32>,
      tpu.vector_store %arg14[%swap3A_247, %swap3A_248], %broadcast_in_dim3A_0 {strides = array<i32>} : memref<64x128xf32, #tpu.memory_space<vmem>>, vector<16xf32>,
      %swap3A_250 = arith.index_cast %scan3A_243 : i32 to index
      %swap3A_251 = arith.constant 32 : index
      %swap3A_252 = tpu.vector_load %arg14[%swap3A_250, %swap3A_251] {strides = array<i32>} : memref<64x128xf32, #tpu.memory_space<vmem>>, vector<16xf32>,
      tpu.vector_store %arg14[%swap3A_250, %swap3A_251], %broadcast_in_dim3A_0 {strides = array<i32>} : memref<64x128xf32, #tpu.memory_space<vmem>>, vector<16xf32>,
      %swap3A_253 = arith.index_cast %scan3A_243 : i32 to index
      %swap3A_254 = arith.constant 48 : index
      %swap3A_255 = tpu.vector_load %arg14[%swap3A_253, %swap3A_254] {strides = array<i32>} : memref<64x128xf32, #tpu.memory_space<vmem>>, vector<16xf32>,
      tpu.vector_store %arg14[%swap3A_253, %swap3A_254], %broadcast_in_dim3A_0 {strides = array<i32>} : memref<64x128xf32, #tpu.memory_space<vmem>>, vector<16xf32>,
      %swap3A_256 = arith.index_cast %scan3A_243 : i32 to index
      %swap3A_257 = arith.constant 64 : index
      %swap3A_258 = tpu.vector_load %arg14[%swap3A_256, %swap3A_257] {strides = array<i32>} : memref<64x128xf32, #tpu.memory_space<vmem>>, vector<16xf32>,
      tpu.vector_store %arg14[%swap3A_256, %swap3A_257], %broadcast_in_dim3A_0 {strides = array<i32>} : memref<64x128xf32, #tpu.memory_space<vmem>>, vector<16xf32>,
      %swap3A_259 = arith.index_cast %scan3A_243 : i32 to index
      %swap3A_260 = arith.constant 80 : index
      %swap3A_261 = tpu.vector_load %arg14[%swap3A_259, %swap3A_260] {strides = array<i32>} : memref<64x128xf32, #tpu.memory_space<vmem>>, vector<16xf32>,
      tpu.vector_store %arg14[%swap3A_259, %swap3A_260], %broadcast_in_dim3A_0 {strides = array<i32>} : memref<64x128xf32, #tpu.memory_space<vmem>>, vector<16xf32>,
      %swap3A_262 = arith.index_cast %scan3A_243 : i32 to index
      %swap3A_263 = arith.constant 96 : index
      %swap3A_264 = tpu.vector_load %arg14[%swap3A_262, %swap3A_263] {strides = array<i32>} : memref<64x128xf32, #tpu.memory_space<vmem>>, vector<16xf32>,
      tpu.vector_store %arg14[%swap3A_262, %swap3A_263], %broadcast_in_dim3A_0 {strides = array<i32>} : memref<64x128xf32, #tpu.memory_space<vmem>>, vector<16xf32>,
      %swap3A_265 = arith.index_cast %scan3A_243 : i32 to index
      %swap3A_266 = arith.constant 112 : index
      %swap3A_267 = tpu.vector_load %arg14[%swap3A_265, %swap3A_266] {strides = array<i32>} : memref<64x128xf32, #tpu.memory_space<vmem>>, vector<16xf32>,
      tpu.vector_store %arg14[%swap3A_265, %swap3A_266], %broadcast_in_dim3A_0 {strides = array<i32>} : memref<64x128xf32, #tpu.memory_space<vmem>>, vector<16xf32>,
      %scan3A_268 = arith.constant 0 : i32
      scf.yield %scan3A_268 : i32
    }
    %scan3A_6 = arith.constant 64 : i32
    %scan3A_7 = arith.constant 0 : i32
    %scan3A_8 = arith.constant 0 : i32
    %scan3A_9 = arith.constant 40 : i32
    %scan3A_10 = arith.addi %scan3A_8, %scan3A_9 : i32
    %scan3A_11 = arith.constant 1 : i32
    %scan3A_12 = scf.for %scan3A_243 = %scan3A_8 to %scan3A_10 step %scan3A_11 iter_args(%scan3A_244 = %scan3A_7) -> (i32)  : i32 {
      %mul3A_245 = arith.constant 16 : i32
      %mul3A_246 = arith.muli %mul3A_245, %scan3A_243 : i32
      %swap3A = arith.index_cast %mul3A_246 : i32 to index
      %swap3A_247 = tpu.vector_load %arg18[%swap3A] {strides = array<i32>} : memref<640xf32, #tpu.memory_space<vmem>>, vector<16xf32>,
      tpu.vector_store %arg18[%swap3A], %broadcast_in_dim3A_0 {strides = array<i32>} : memref<640xf32, #tpu.memory_space<vmem>>, vector<16xf32>,
      %scan3A_248 = arith.constant 0 : i32
      scf.yield %scan3A_248 : i32
    }
    %scan3A_13 = arith.constant 40 : i32
    %mul3A = arith.constant 640 : i32
    %mul3A_14 = arith.muli %arg1, %mul3A : i32
    "tpu.region"() ({
      %run_scoped3A_243 = tpu.sem_alloc : memref<!tpu.dma_semaphore, #tpu.memory_space<semaphore_mem>>
      %dma_start3A_244 = tpu.memref_slice %arg21[%mul3A_14] : memref<10240xf32, #tpu.memory_space<vmem_shared>> -> memref<640xf32, #tpu.memory_space<vmem_shared>>
      %dma_start3A_245 = tpu.memref_slice %arg21[%mul3A_14] : memref<10240xf32, #tpu.memory_space<vmem_shared>> -> memref<640xf32, #tpu.memory_space<vmem_shared>>
      tpu.enqueue_dma source(%arg18 : memref<640xf32, #tpu.memory_space<vmem>>) target(%dma_start3A_245 : memref<640xf32, #tpu.memory_space<vmem_shared>>) target_semaphore(%run_scoped3A_243 : memref<!tpu.dma_semaphore, #tpu.memory_space<semaphore_mem>>)
      %dma_wait3A = tpu.memref_slice %arg21[%mul3A_14] : memref<10240xf32, #tpu.memory_space<vmem_shared>> -> memref<640xf32, #tpu.memory_space<vmem_shared>>
      %dma_wait3A_246 = tpu.memref_slice %arg21[%mul3A_14] : memref<10240xf32, #tpu.memory_space<vmem_shared>> -> memref<640xf32, #tpu.memory_space<vmem_shared>>
      tpu.wait_dma2 semaphore(%run_scoped3A_243 : memref<!tpu.dma_semaphore, #tpu.memory_space<semaphore_mem>>) src(%arg18 : memref<640xf32, #tpu.memory_space<vmem>>) dst(%dma_wait3A_246 : memref<640xf32, #tpu.memory_space<vmem_shared>>)
      tpu.yield
    }) : () -> ()
    %mul3A_15 = arith.constant 640 : i32
    %mul3A_16 = arith.muli %arg1, %mul3A_15 : i32
    %add3A = arith.constant 0 : i32
    %add3A_17 = arith.addi %mul3A_16, %add3A : i32
    "tpu.region"() ({
      %run_scoped3A_243 = tpu.sem_alloc : memref<!tpu.dma_semaphore, #tpu.memory_space<semaphore_mem>>
      %dma_start3A_244 = arith.constant 0 : i32
      %dma_start3A_245 = tpu.memref_slice %arg22[%add3A_17, %dma_start3A_244] : memref<10240x128xf32, #tpu.memory_space<vmem_shared>> -> memref<64x128xf32, #tpu.memory_space<vmem_shared>>
      %dma_start3A_246 = arith.constant 0 : i32
      %dma_start3A_247 = tpu.memref_slice %arg22[%add3A_17, %dma_start3A_246] : memref<10240x128xf32, #tpu.memory_space<vmem_shared>> -> memref<64x128xf32, #tpu.memory_space<vmem_shared>>
      tpu.enqueue_dma source(%arg14 : memref<64x128xf32, #tpu.memory_space<vmem>>) target(%dma_start3A_247 : memref<64x128xf32, #tpu.memory_space<vmem_shared>>) target_semaphore(%run_scoped3A_243 : memref<!tpu.dma_semaphore, #tpu.memory_space<semaphore_mem>>)
      %dma_wait3A = arith.constant 0 : i32
      %dma_wait3A_248 = tpu.memref_slice %arg22[%add3A_17, %dma_wait3A] : memref<10240x128xf32, #tpu.memory_space<vmem_shared>> -> memref<64x128xf32, #tpu.memory_space<vmem_shared>>
      %dma_wait3A_249 = arith.constant 0 : i32
      %dma_wait3A_250 = tpu.memref_slice %arg22[%add3A_17, %dma_wait3A_249] : memref<10240x128xf32, #tpu.memory_space<vmem_shared>> -> memref<64x128xf32, #tpu.memory_space<vmem_shared>>
      tpu.wait_dma2 semaphore(%run_scoped3A_243 : memref<!tpu.dma_semaphore, #tpu.memory_space<semaphore_mem>>) src(%arg14 : memref<64x128xf32, #tpu.memory_space<vmem>>) dst(%dma_wait3A_250 : memref<64x128xf32, #tpu.memory_space<vmem_shared>>)
      tpu.yield
    }) : () -> ()
    %mul3A_18 = arith.constant 640 : i32
    %mul3A_19 = arith.muli %arg1, %mul3A_18 : i32
    %add3A_20 = arith.constant 64 : i32
    %add3A_21 = arith.addi %mul3A_19, %add3A_20 : i32
    "tpu.region"() ({
      %run_scoped3A_243 = tpu.sem_alloc : memref<!tpu.dma_semaphore, #tpu.memory_space<semaphore_mem>>
      %dma_start3A_244 = arith.constant 0 : i32
      %dma_start3A_245 = tpu.memref_slice %arg22[%add3A_21, %dma_start3A_244] : memref<10240x128xf32, #tpu.memory_space<vmem_shared>> -> memref<64x128xf32, #tpu.memory_space<vmem_shared>>
      %dma_start3A_246 = arith.constant 0 : i32
      %dma_start3A_247 = tpu.memref_slice %arg22[%add3A_21, %dma_start3A_246] : memref<10240x128xf32, #tpu.memory_space<vmem_shared>> -> memref<64x128xf32, #tpu.memory_space<vmem_shared>>
      tpu.enqueue_dma source(%arg14 : memref<64x128xf32, #tpu.memory_space<vmem>>) target(%dma_start3A_247 : memref<64x128xf32, #tpu.memory_space<vmem_shared>>) target_semaphore(%run_scoped3A_243 : memref<!tpu.dma_semaphore, #tpu.memory_space<semaphore_mem>>)
      %dma_wait3A = arith.constant 0 : i32
      %dma_wait3A_248 = tpu.memref_slice %arg22[%add3A_21, %dma_wait3A] : memref<10240x128xf32, #tpu.memory_space<vmem_shared>> -> memref<64x128xf32, #tpu.memory_space<vmem_shared>>
      %dma_wait3A_249 = arith.constant 0 : i32
      %dma_wait3A_250 = tpu.memref_slice %arg22[%add3A_21, %dma_wait3A_249] : memref<10240x128xf32, #tpu.memory_space<vmem_shared>> -> memref<64x128xf32, #tpu.memory_space<vmem_shared>>
      tpu.wait_dma2 semaphore(%run_scoped3A_243 : memref<!tpu.dma_semaphore, #tpu.memory_space<semaphore_mem>>) src(%arg14 : memref<64x128xf32, #tpu.memory_space<vmem>>) dst(%dma_wait3A_250 : memref<64x128xf32, #tpu.memory_space<vmem_shared>>)
      tpu.yield
    }) : () -> ()
    %mul3A_22 = arith.constant 640 : i32
    %mul3A_23 = arith.muli %arg1, %mul3A_22 : i32
    %add3A_24 = arith.constant 128 : i32
    %add3A_25 = arith.addi %mul3A_23, %add3A_24 : i32
    "tpu.region"() ({
      %run_scoped3A_243 = tpu.sem_alloc : memref<!tpu.dma_semaphore, #tpu.memory_space<semaphore_mem>>
      %dma_start3A_244 = arith.constant 0 : i32
      %dma_start3A_245 = tpu.memref_slice %arg22[%add3A_25, %dma_start3A_244] : memref<10240x128xf32, #tpu.memory_space<vmem_shared>> -> memref<64x128xf32, #tpu.memory_space<vmem_shared>>
      %dma_start3A_246 = arith.constant 0 : i32
      %dma_start3A_247 = tpu.memref_slice %arg22[%add3A_25, %dma_start3A_246] : memref<10240x128xf32, #tpu.memory_space<vmem_shared>> -> memref<64x128xf32, #tpu.memory_space<vmem_shared>>
      tpu.enqueue_dma source(%arg14 : memref<64x128xf32, #tpu.memory_space<vmem>>) target(%dma_start3A_247 : memref<64x128xf32, #tpu.memory_space<vmem_shared>>) target_semaphore(%run_scoped3A_243 : memref<!tpu.dma_semaphore, #tpu.memory_space<semaphore_mem>>)
      %dma_wait3A = arith.constant 0 : i32
      %dma_wait3A_248 = tpu.memref_slice %arg22[%add3A_25, %dma_wait3A] : memref<10240x128xf32, #tpu.memory_space<vmem_shared>> -> memref<64x128xf32, #tpu.memory_space<vmem_shared>>
      %dma_wait3A_249 = arith.constant 0 : i32
      %dma_wait3A_250 = tpu.memref_slice %arg22[%add3A_25, %dma_wait3A_249] : memref<10240x128xf32, #tpu.memory_space<vmem_shared>> -> memref<64x128xf32, #tpu.memory_space<vmem_shared>>
      tpu.wait_dma2 semaphore(%run_scoped3A_243 : memref<!tpu.dma_semaphore, #tpu.memory_space<semaphore_mem>>) src(%arg14 : memref<64x128xf32, #tpu.memory_space<vmem>>) dst(%dma_wait3A_250 : memref<64x128xf32, #tpu.memory_space<vmem_shared>>)
      tpu.yield
    }) : () -> ()
    %mul3A_26 = arith.constant 640 : i32
    %mul3A_27 = arith.muli %arg1, %mul3A_26 : i32
    %add3A_28 = arith.constant 192 : i32
    %add3A_29 = arith.addi %mul3A_27, %add3A_28 : i32
    "tpu.region"() ({
      %run_scoped3A_243 = tpu.sem_alloc : memref<!tpu.dma_semaphore, #tpu.memory_space<semaphore_mem>>
      %dma_start3A_244 = arith.constant 0 : i32
      %dma_start3A_245 = tpu.memref_slice %arg22[%add3A_29, %dma_start3A_244] : memref<10240x128xf32, #tpu.memory_space<vmem_shared>> -> memref<64x128xf32, #tpu.memory_space<vmem_shared>>
      %dma_start3A_246 = arith.constant 0 : i32
      %dma_start3A_247 = tpu.memref_slice %arg22[%add3A_29, %dma_start3A_246] : memref<10240x128xf32, #tpu.memory_space<vmem_shared>> -> memref<64x128xf32, #tpu.memory_space<vmem_shared>>
      tpu.enqueue_dma source(%arg14 : memref<64x128xf32, #tpu.memory_space<vmem>>) target(%dma_start3A_247 : memref<64x128xf32, #tpu.memory_space<vmem_shared>>) target_semaphore(%run_scoped3A_243 : memref<!tpu.dma_semaphore, #tpu.memory_space<semaphore_mem>>)
      %dma_wait3A = arith.constant 0 : i32
      %dma_wait3A_248 = tpu.memref_slice %arg22[%add3A_29, %dma_wait3A] : memref<10240x128xf32, #tpu.memory_space<vmem_shared>> -> memref<64x128xf32, #tpu.memory_space<vmem_shared>>
      %dma_wait3A_249 = arith.constant 0 : i32
      %dma_wait3A_250 = tpu.memref_slice %arg22[%add3A_29, %dma_wait3A_249] : memref<10240x128xf32, #tpu.memory_space<vmem_shared>> -> memref<64x128xf32, #tpu.memory_space<vmem_shared>>
      tpu.wait_dma2 semaphore(%run_scoped3A_243 : memref<!tpu.dma_semaphore, #tpu.memory_space<semaphore_mem>>) src(%arg14 : memref<64x128xf32, #tpu.memory_space<vmem>>) dst(%dma_wait3A_250 : memref<64x128xf32, #tpu.memory_space<vmem_shared>>)
      tpu.yield
    }) : () -> ()
    %mul3A_30 = arith.constant 640 : i32
    %mul3A_31 = arith.muli %arg1, %mul3A_30 : i32
    %add3A_32 = arith.constant 256 : i32
    %add3A_33 = arith.addi %mul3A_31, %add3A_32 : i32
    "tpu.region"() ({
      %run_scoped3A_243 = tpu.sem_alloc : memref<!tpu.dma_semaphore, #tpu.memory_space<semaphore_mem>>
      %dma_start3A_244 = arith.constant 0 : i32
      %dma_start3A_245 = tpu.memref_slice %arg22[%add3A_33, %dma_start3A_244] : memref<10240x128xf32, #tpu.memory_space<vmem_shared>> -> memref<64x128xf32, #tpu.memory_space<vmem_shared>>
      %dma_start3A_246 = arith.constant 0 : i32
      %dma_start3A_247 = tpu.memref_slice %arg22[%add3A_33, %dma_start3A_246] : memref<10240x128xf32, #tpu.memory_space<vmem_shared>> -> memref<64x128xf32, #tpu.memory_space<vmem_shared>>
      tpu.enqueue_dma source(%arg14 : memref<64x128xf32, #tpu.memory_space<vmem>>) target(%dma_start3A_247 : memref<64x128xf32, #tpu.memory_space<vmem_shared>>) target_semaphore(%run_scoped3A_243 : memref<!tpu.dma_semaphore, #tpu.memory_space<semaphore_mem>>)
      %dma_wait3A = arith.constant 0 : i32
      %dma_wait3A_248 = tpu.memref_slice %arg22[%add3A_33, %dma_wait3A] : memref<10240x128xf32, #tpu.memory_space<vmem_shared>> -> memref<64x128xf32, #tpu.memory_space<vmem_shared>>
      %dma_wait3A_249 = arith.constant 0 : i32
      %dma_wait3A_250 = tpu.memref_slice %arg22[%add3A_33, %dma_wait3A_249] : memref<10240x128xf32, #tpu.memory_space<vmem_shared>> -> memref<64x128xf32, #tpu.memory_space<vmem_shared>>
      tpu.wait_dma2 semaphore(%run_scoped3A_243 : memref<!tpu.dma_semaphore, #tpu.memory_space<semaphore_mem>>) src(%arg14 : memref<64x128xf32, #tpu.memory_space<vmem>>) dst(%dma_wait3A_250 : memref<64x128xf32, #tpu.memory_space<vmem_shared>>)
      tpu.yield
    }) : () -> ()
    %mul3A_34 = arith.constant 640 : i32
    %mul3A_35 = arith.muli %arg1, %mul3A_34 : i32
    %add3A_36 = arith.constant 320 : i32
    %add3A_37 = arith.addi %mul3A_35, %add3A_36 : i32
    "tpu.region"() ({
      %run_scoped3A_243 = tpu.sem_alloc : memref<!tpu.dma_semaphore, #tpu.memory_space<semaphore_mem>>
      %dma_start3A_244 = arith.constant 0 : i32
      %dma_start3A_245 = tpu.memref_slice %arg22[%add3A_37, %dma_start3A_244] : memref<10240x128xf32, #tpu.memory_space<vmem_shared>> -> memref<64x128xf32, #tpu.memory_space<vmem_shared>>
      %dma_start3A_246 = arith.constant 0 : i32
      %dma_start3A_247 = tpu.memref_slice %arg22[%add3A_37, %dma_start3A_246] : memref<10240x128xf32, #tpu.memory_space<vmem_shared>> -> memref<64x128xf32, #tpu.memory_space<vmem_shared>>
      tpu.enqueue_dma source(%arg14 : memref<64x128xf32, #tpu.memory_space<vmem>>) target(%dma_start3A_247 : memref<64x128xf32, #tpu.memory_space<vmem_shared>>) target_semaphore(%run_scoped3A_243 : memref<!tpu.dma_semaphore, #tpu.memory_space<semaphore_mem>>)
      %dma_wait3A = arith.constant 0 : i32
      %dma_wait3A_248 = tpu.memref_slice %arg22[%add3A_37, %dma_wait3A] : memref<10240x128xf32, #tpu.memory_space<vmem_shared>> -> memref<64x128xf32, #tpu.memory_space<vmem_shared>>
      %dma_wait3A_249 = arith.constant 0 : i32
      %dma_wait3A_250 = tpu.memref_slice %arg22[%add3A_37, %dma_wait3A_249] : memref<10240x128xf32, #tpu.memory_space<vmem_shared>> -> memref<64x128xf32, #tpu.memory_space<vmem_shared>>
      tpu.wait_dma2 semaphore(%run_scoped3A_243 : memref<!tpu.dma_semaphore, #tpu.memory_space<semaphore_mem>>) src(%arg14 : memref<64x128xf32, #tpu.memory_space<vmem>>) dst(%dma_wait3A_250 : memref<64x128xf32, #tpu.memory_space<vmem_shared>>)
      tpu.yield
    }) : () -> ()
    %mul3A_38 = arith.constant 640 : i32
    %mul3A_39 = arith.muli %arg1, %mul3A_38 : i32
    %add3A_40 = arith.constant 384 : i32
    %add3A_41 = arith.addi %mul3A_39, %add3A_40 : i32
    "tpu.region"() ({
      %run_scoped3A_243 = tpu.sem_alloc : memref<!tpu.dma_semaphore, #tpu.memory_space<semaphore_mem>>
      %dma_start3A_244 = arith.constant 0 : i32
      %dma_start3A_245 = tpu.memref_slice %arg22[%add3A_41, %dma_start3A_244] : memref<10240x128xf32, #tpu.memory_space<vmem_shared>> -> memref<64x128xf32, #tpu.memory_space<vmem_shared>>
      %dma_start3A_246 = arith.constant 0 : i32
      %dma_start3A_247 = tpu.memref_slice %arg22[%add3A_41, %dma_start3A_246] : memref<10240x128xf32, #tpu.memory_space<vmem_shared>> -> memref<64x128xf32, #tpu.memory_space<vmem_shared>>
      tpu.enqueue_dma source(%arg14 : memref<64x128xf32, #tpu.memory_space<vmem>>) target(%dma_start3A_247 : memref<64x128xf32, #tpu.memory_space<vmem_shared>>) target_semaphore(%run_scoped3A_243 : memref<!tpu.dma_semaphore, #tpu.memory_space<semaphore_mem>>)
      %dma_wait3A = arith.constant 0 : i32
      %dma_wait3A_248 = tpu.memref_slice %arg22[%add3A_41, %dma_wait3A] : memref<10240x128xf32, #tpu.memory_space<vmem_shared>> -> memref<64x128xf32, #tpu.memory_space<vmem_shared>>
      %dma_wait3A_249 = arith.constant 0 : i32
      %dma_wait3A_250 = tpu.memref_slice %arg22[%add3A_41, %dma_wait3A_249] : memref<10240x128xf32, #tpu.memory_space<vmem_shared>> -> memref<64x128xf32, #tpu.memory_space<vmem_shared>>
      tpu.wait_dma2 semaphore(%run_scoped3A_243 : memref<!tpu.dma_semaphore, #tpu.memory_space<semaphore_mem>>) src(%arg14 : memref<64x128xf32, #tpu.memory_space<vmem>>) dst(%dma_wait3A_250 : memref<64x128xf32, #tpu.memory_space<vmem_shared>>)
      tpu.yield
    }) : () -> ()
    %mul3A_42 = arith.constant 640 : i32
    %mul3A_43 = arith.muli %arg1, %mul3A_42 : i32
    %add3A_44 = arith.constant 448 : i32
    %add3A_45 = arith.addi %mul3A_43, %add3A_44 : i32
    "tpu.region"() ({
      %run_scoped3A_243 = tpu.sem_alloc : memref<!tpu.dma_semaphore, #tpu.memory_space<semaphore_mem>>
      %dma_start3A_244 = arith.constant 0 : i32
      %dma_start3A_245 = tpu.memref_slice %arg22[%add3A_45, %dma_start3A_244] : memref<10240x128xf32, #tpu.memory_space<vmem_shared>> -> memref<64x128xf32, #tpu.memory_space<vmem_shared>>
      %dma_start3A_246 = arith.constant 0 : i32
      %dma_start3A_247 = tpu.memref_slice %arg22[%add3A_45, %dma_start3A_246] : memref<10240x128xf32, #tpu.memory_space<vmem_shared>> -> memref<64x128xf32, #tpu.memory_space<vmem_shared>>
      tpu.enqueue_dma source(%arg14 : memref<64x128xf32, #tpu.memory_space<vmem>>) target(%dma_start3A_247 : memref<64x128xf32, #tpu.memory_space<vmem_shared>>) target_semaphore(%run_scoped3A_243 : memref<!tpu.dma_semaphore, #tpu.memory_space<semaphore_mem>>)
      %dma_wait3A = arith.constant 0 : i32
      %dma_wait3A_248 = tpu.memref_slice %arg22[%add3A_45, %dma_wait3A] : memref<10240x128xf32, #tpu.memory_space<vmem_shared>> -> memref<64x128xf32, #tpu.memory_space<vmem_shared>>
      %dma_wait3A_249 = arith.constant 0 : i32
      %dma_wait3A_250 = tpu.memref_slice %arg22[%add3A_45, %dma_wait3A_249] : memref<10240x128xf32, #tpu.memory_space<vmem_shared>> -> memref<64x128xf32, #tpu.memory_space<vmem_shared>>
      tpu.wait_dma2 semaphore(%run_scoped3A_243 : memref<!tpu.dma_semaphore, #tpu.memory_space<semaphore_mem>>) src(%arg14 : memref<64x128xf32, #tpu.memory_space<vmem>>) dst(%dma_wait3A_250 : memref<64x128xf32, #tpu.memory_space<vmem_shared>>)
      tpu.yield
    }) : () -> ()
    %mul3A_46 = arith.constant 640 : i32
    %mul3A_47 = arith.muli %arg1, %mul3A_46 : i32
    %add3A_48 = arith.constant 512 : i32
    %add3A_49 = arith.addi %mul3A_47, %add3A_48 : i32
    "tpu.region"() ({
      %run_scoped3A_243 = tpu.sem_alloc : memref<!tpu.dma_semaphore, #tpu.memory_space<semaphore_mem>>
      %dma_start3A_244 = arith.constant 0 : i32
      %dma_start3A_245 = tpu.memref_slice %arg22[%add3A_49, %dma_start3A_244] : memref<10240x128xf32, #tpu.memory_space<vmem_shared>> -> memref<64x128xf32, #tpu.memory_space<vmem_shared>>
      %dma_start3A_246 = arith.constant 0 : i32
      %dma_start3A_247 = tpu.memref_slice %arg22[%add3A_49, %dma_start3A_246] : memref<10240x128xf32, #tpu.memory_space<vmem_shared>> -> memref<64x128xf32, #tpu.memory_space<vmem_shared>>
      tpu.enqueue_dma source(%arg14 : memref<64x128xf32, #tpu.memory_space<vmem>>) target(%dma_start3A_247 : memref<64x128xf32, #tpu.memory_space<vmem_shared>>) target_semaphore(%run_scoped3A_243 : memref<!tpu.dma_semaphore, #tpu.memory_space<semaphore_mem>>)
      %dma_wait3A = arith.constant 0 : i32
      %dma_wait3A_248 = tpu.memref_slice %arg22[%add3A_49, %dma_wait3A] : memref<10240x128xf32, #tpu.memory_space<vmem_shared>> -> memref<64x128xf32, #tpu.memory_space<vmem_shared>>
      %dma_wait3A_249 = arith.constant 0 : i32
      %dma_wait3A_250 = tpu.memref_slice %arg22[%add3A_49, %dma_wait3A_249] : memref<10240x128xf32, #tpu.memory_space<vmem_shared>> -> memref<64x128xf32, #tpu.memory_space<vmem_shared>>
      tpu.wait_dma2 semaphore(%run_scoped3A_243 : memref<!tpu.dma_semaphore, #tpu.memory_space<semaphore_mem>>) src(%arg14 : memref<64x128xf32, #tpu.memory_space<vmem>>) dst(%dma_wait3A_250 : memref<64x128xf32, #tpu.memory_space<vmem_shared>>)
      tpu.yield
    }) : () -> ()
    %mul3A_50 = arith.constant 640 : i32
    %mul3A_51 = arith.muli %arg1, %mul3A_50 : i32
    %add3A_52 = arith.constant 576 : i32
    %add3A_53 = arith.addi %mul3A_51, %add3A_52 : i32
    "tpu.region"() ({
      %run_scoped3A_243 = tpu.sem_alloc : memref<!tpu.dma_semaphore, #tpu.memory_space<semaphore_mem>>
      %dma_start3A_244 = arith.constant 0 : i32
      %dma_start3A_245 = tpu.memref_slice %arg22[%add3A_53, %dma_start3A_244] : memref<10240x128xf32, #tpu.memory_space<vmem_shared>> -> memref<64x128xf32, #tpu.memory_space<vmem_shared>>
      %dma_start3A_246 = arith.constant 0 : i32
      %dma_start3A_247 = tpu.memref_slice %arg22[%add3A_53, %dma_start3A_246] : memref<10240x128xf32, #tpu.memory_space<vmem_shared>> -> memref<64x128xf32, #tpu.memory_space<vmem_shared>>
      tpu.enqueue_dma source(%arg14 : memref<64x128xf32, #tpu.memory_space<vmem>>) target(%dma_start3A_247 : memref<64x128xf32, #tpu.memory_space<vmem_shared>>) target_semaphore(%run_scoped3A_243 : memref<!tpu.dma_semaphore, #tpu.memory_space<semaphore_mem>>)
      %dma_wait3A = arith.constant 0 : i32
      %dma_wait3A_248 = tpu.memref_slice %arg22[%add3A_53, %dma_wait3A] : memref<10240x128xf32, #tpu.memory_space<vmem_shared>> -> memref<64x128xf32, #tpu.memory_space<vmem_shared>>
      %dma_wait3A_249 = arith.constant 0 : i32
      %dma_wait3A_250 = tpu.memref_slice %arg22[%add3A_53, %dma_wait3A_249] : memref<10240x128xf32, #tpu.memory_space<vmem_shared>> -> memref<64x128xf32, #tpu.memory_space<vmem_shared>>
      tpu.wait_dma2 semaphore(%run_scoped3A_243 : memref<!tpu.dma_semaphore, #tpu.memory_space<semaphore_mem>>) src(%arg14 : memref<64x128xf32, #tpu.memory_space<vmem>>) dst(%dma_wait3A_250 : memref<64x128xf32, #tpu.memory_space<vmem_shared>>)
      tpu.yield
    }) : () -> ()
    %mul3A_54 = arith.constant 640 : i32
    %mul3A_55 = arith.muli %arg1, %mul3A_54 : i32
    %mul3A_56 = arith.constant 640 : i32
    %mul3A_57 = arith.muli %arg1, %mul3A_56 : i32
    %run_scoped3A = arith.constant 0 : i32
    "tpu.region"() ({
      %run_scoped3A_243 = tpu.sem_alloc : memref<!tpu.dma_semaphore, #tpu.memory_space<semaphore_mem>>
      %dma_start3A_244 = tpu.memref_slice %arg19[%mul3A_57] : memref<10240xf32, #tpu.memory_space<vmem_shared>> -> memref<640xf32, #tpu.memory_space<vmem_shared>>
      %dma_start3A_245 = tpu.memref_slice %arg3[%arg0, %run_scoped3A, %mul3A_55] : memref<2x1x10240xf32, #tpu.memory_space<hbm>> -> memref<1x1x640xf32, #tpu.memory_space<hbm>>
      %dma_start3A_246 = tpu.memref_squeeze %dma_start3A_245 : memref<1x1x640xf32, #tpu.memory_space<hbm>> -> memref<640xf32, #tpu.memory_space<hbm>>
      tpu.enqueue_dma source(%dma_start3A_246 : memref<640xf32, #tpu.memory_space<hbm>>) target(%dma_start3A_244 : memref<640xf32, #tpu.memory_space<vmem_shared>>) target_semaphore(%run_scoped3A_243 : memref<!tpu.dma_semaphore, #tpu.memory_space<semaphore_mem>>)
      %dma_wait3A = tpu.memref_slice %arg19[%mul3A_57] : memref<10240xf32, #tpu.memory_space<vmem_shared>> -> memref<640xf32, #tpu.memory_space<vmem_shared>>
      %dma_wait3A_247 = tpu.memref_slice %arg3[%arg0, %run_scoped3A, %mul3A_55] : memref<2x1x10240xf32, #tpu.memory_space<hbm>> -> memref<1x1x640xf32, #tpu.memory_space<hbm>>
      %dma_wait3A_248 = tpu.memref_squeeze %dma_wait3A_247 : memref<1x1x640xf32, #tpu.memory_space<hbm>> -> memref<640xf32, #tpu.memory_space<hbm>>
      tpu.wait_dma2 semaphore(%run_scoped3A_243 : memref<!tpu.dma_semaphore, #tpu.memory_space<semaphore_mem>>) src(%dma_wait3A_248 : memref<640xf32, #tpu.memory_space<hbm>>) dst(%dma_wait3A : memref<640xf32, #tpu.memory_space<vmem_shared>>)
      tpu.yield
    }) : () -> ()
    %mul3A_58 = arith.constant 640 : i32
    %mul3A_59 = arith.muli %arg1, %mul3A_58 : i32
    %mul3A_60 = arith.constant 640 : i32
    %mul3A_61 = arith.muli %arg1, %mul3A_60 : i32
    %run_scoped3A_62 = arith.constant 0 : i32
    "tpu.region"() ({
      %run_scoped3A_243 = tpu.sem_alloc : memref<!tpu.dma_semaphore, #tpu.memory_space<semaphore_mem>>
      %dma_start3A_244 = tpu.memref_slice %arg20[%mul3A_61] : memref<10240xf32, #tpu.memory_space<vmem_shared>> -> memref<640xf32, #tpu.memory_space<vmem_shared>>
      %dma_start3A_245 = tpu.memref_slice %arg4[%arg0, %run_scoped3A_62, %mul3A_59] : memref<2x1x10240xf32, #tpu.memory_space<hbm>> -> memref<1x1x640xf32, #tpu.memory_space<hbm>>
      %dma_start3A_246 = tpu.memref_squeeze %dma_start3A_245 : memref<1x1x640xf32, #tpu.memory_space<hbm>> -> memref<640xf32, #tpu.memory_space<hbm>>
      tpu.enqueue_dma source(%dma_start3A_246 : memref<640xf32, #tpu.memory_space<hbm>>) target(%dma_start3A_244 : memref<640xf32, #tpu.memory_space<vmem_shared>>) target_semaphore(%run_scoped3A_243 : memref<!tpu.dma_semaphore, #tpu.memory_space<semaphore_mem>>)
      %dma_wait3A = tpu.memref_slice %arg20[%mul3A_61] : memref<10240xf32, #tpu.memory_space<vmem_shared>> -> memref<640xf32, #tpu.memory_space<vmem_shared>>
      %dma_wait3A_247 = tpu.memref_slice %arg4[%arg0, %run_scoped3A_62, %mul3A_59] : memref<2x1x10240xf32, #tpu.memory_space<hbm>> -> memref<1x1x640xf32, #tpu.memory_space<hbm>>
      %dma_wait3A_248 = tpu.memref_squeeze %dma_wait3A_247 : memref<1x1x640xf32, #tpu.memory_space<hbm>> -> memref<640xf32, #tpu.memory_space<hbm>>
      tpu.wait_dma2 semaphore(%run_scoped3A_243 : memref<!tpu.dma_semaphore, #tpu.memory_space<semaphore_mem>>) src(%dma_wait3A_248 : memref<640xf32, #tpu.memory_space<hbm>>) dst(%dma_wait3A : memref<640xf32, #tpu.memory_space<vmem_shared>>)
      tpu.yield
    }) : () -> ()
    %barrier3A = arith.constant 0 : index
    tpu.barrier barrier_id(%barrier3A)
    %mul3A_63 = arith.constant 10240 : i32
    %mul3A_64 = arith.muli %arg0, %mul3A_63 : i32
    %dma_start3A = arith.constant 0 : i32
    %dma_start3A_65 = tpu.memref_slice %arg5[%arg0, %arg1, %dma_start3A] : memref<2x16x20480xi32, #tpu.memory_space<hbm>> -> memref<1x1x2048xi32, #tpu.memory_space<hbm>>
    %dma_start3A_66 = tpu.memref_squeeze %dma_start3A_65 : memref<1x1x2048xi32, #tpu.memory_space<hbm>> -> memref<2048xi32, #tpu.memory_space<hbm>>
    %dma_start3A_67 = arith.constant 0 : i32
    %dma_start3A_68 = tpu.memref_slice %arg5[%arg0, %arg1, %dma_start3A_67] : memref<2x16x20480xi32, #tpu.memory_space<hbm>> -> memref<1x1x2048xi32, #tpu.memory_space<hbm>>
    %dma_start3A_69 = tpu.memref_squeeze %dma_start3A_68 : memref<1x1x2048xi32, #tpu.memory_space<hbm>> -> memref<2048xi32, #tpu.memory_space<hbm>>
    tpu.enqueue_dma source(%dma_start3A_69 : memref<2048xi32, #tpu.memory_space<hbm>>) target(%arg8 : memref<2048xi32, #tpu.memory_space<vmem>>) target_semaphore(%arg31 : memref<!tpu.dma_semaphore, #tpu.memory_space<semaphore_mem>>)
    %dma_start3A_70 = arith.constant 0 : i32
    %dma_start3A_71 = tpu.memref_slice %arg6[%arg0, %arg1, %dma_start3A_70] : memref<2x16x20480xi32, #tpu.memory_space<hbm>> -> memref<1x1x2048xi32, #tpu.memory_space<hbm>>
    %dma_start3A_72 = tpu.memref_squeeze %dma_start3A_71 : memref<1x1x2048xi32, #tpu.memory_space<hbm>> -> memref<2048xi32, #tpu.memory_space<hbm>>
    %dma_start3A_73 = arith.constant 0 : i32
    %dma_start3A_74 = tpu.memref_slice %arg6[%arg0, %arg1, %dma_start3A_73] : memref<2x16x20480xi32, #tpu.memory_space<hbm>> -> memref<1x1x2048xi32, #tpu.memory_space<hbm>>
    %dma_start3A_75 = tpu.memref_squeeze %dma_start3A_74 : memref<1x1x2048xi32, #tpu.memory_space<hbm>> -> memref<2048xi32, #tpu.memory_space<hbm>>
    tpu.enqueue_dma source(%dma_start3A_75 : memref<2048xi32, #tpu.memory_space<hbm>>) target(%arg9 : memref<2048xi32, #tpu.memory_space<vmem>>) target_semaphore(%arg32 : memref<!tpu.dma_semaphore, #tpu.memory_space<semaphore_mem>>)
    %scan3A_76 = arith.constant 0 : i32
    %scan3A_77 = arith.constant 0 : i32
    %scan3A_78 = arith.constant 5 : i32
    %scan3A_79 = arith.addi %scan3A_77, %scan3A_78 : i32
    %scan3A_80 = arith.constant 1 : i32
    %scan3A_81 = scf.for %scan3A_243 = %scan3A_77 to %scan3A_79 step %scan3A_80 iter_args(%scan3A_244 = %scan3A_76) -> (i32)  : i32 {
      %mul3A_245 = arith.constant 2 : i32
      %mul3A_246 = arith.muli %mul3A_245, %scan3A_243 : i32
      %mul3A_247 = arith.constant 2048 : i32
      %mul3A_248 = arith.muli %mul3A_246, %mul3A_247 : i32
      %dma_wait3A = tpu.memref_slice %arg5[%arg0, %arg1, %mul3A_248] : memref<2x16x20480xi32, #tpu.memory_space<hbm>> -> memref<1x1x2048xi32, #tpu.memory_space<hbm>>
      %dma_wait3A_249 = tpu.memref_squeeze %dma_wait3A : memref<1x1x2048xi32, #tpu.memory_space<hbm>> -> memref<2048xi32, #tpu.memory_space<hbm>>
      %dma_wait3A_250 = tpu.memref_slice %arg5[%arg0, %arg1, %mul3A_248] : memref<2x16x20480xi32, #tpu.memory_space<hbm>> -> memref<1x1x2048xi32, #tpu.memory_space<hbm>>
      %dma_wait3A_251 = tpu.memref_squeeze %dma_wait3A_250 : memref<1x1x2048xi32, #tpu.memory_space<hbm>> -> memref<2048xi32, #tpu.memory_space<hbm>>
      tpu.wait_dma2 semaphore(%arg31 : memref<!tpu.dma_semaphore, #tpu.memory_space<semaphore_mem>>) src(%dma_wait3A_251 : memref<2048xi32, #tpu.memory_space<hbm>>) dst(%arg8 : memref<2048xi32, #tpu.memory_space<vmem>>)
      %mul3A_252 = arith.constant 2048 : i32
      %mul3A_253 = arith.muli %mul3A_246, %mul3A_252 : i32
      %dma_wait3A_254 = tpu.memref_slice %arg6[%arg0, %arg1, %mul3A_253] : memref<2x16x20480xi32, #tpu.memory_space<hbm>> -> memref<1x1x2048xi32, #tpu.memory_space<hbm>>
      %dma_wait3A_255 = tpu.memref_squeeze %dma_wait3A_254 : memref<1x1x2048xi32, #tpu.memory_space<hbm>> -> memref<2048xi32, #tpu.memory_space<hbm>>
      %dma_wait3A_256 = tpu.memref_slice %arg6[%arg0, %arg1, %mul3A_253] : memref<2x16x20480xi32, #tpu.memory_space<hbm>> -> memref<1x1x2048xi32, #tpu.memory_space<hbm>>
      %dma_wait3A_257 = tpu.memref_squeeze %dma_wait3A_256 : memref<1x1x2048xi32, #tpu.memory_space<hbm>> -> memref<2048xi32, #tpu.memory_space<hbm>>
      tpu.wait_dma2 semaphore(%arg32 : memref<!tpu.dma_semaphore, #tpu.memory_space<semaphore_mem>>) src(%dma_wait3A_257 : memref<2048xi32, #tpu.memory_space<hbm>>) dst(%arg9 : memref<2048xi32, #tpu.memory_space<vmem>>)
      "tpu.region"() ({
        %run_scoped3A_392 = tpu.sem_alloc : memref<!tpu.dma_semaphore, #tpu.memory_space<semaphore_mem>>
        %dma_start3A_393 = arith.constant 0 : i32
        %dma_start3A_394 = tpu.memref_slice %arg19[%dma_start3A_393] : memref<10240xf32, #tpu.memory_space<vmem_shared>> -> memref<10240xf32, #tpu.memory_space<vmem_shared>>
        tpu.enqueue_indirect_dma source(%dma_start3A_394 : memref<10240xf32, #tpu.memory_space<vmem_shared>>) target(%arg13 : memref<2048xf32, #tpu.memory_space<vmem>>) offsets(%arg8 : memref<2048xi32, #tpu.memory_space<vmem>>) semaphore(%run_scoped3A_392 : memref<!tpu.dma_semaphore, #tpu.memory_space<semaphore_mem>>)
        %dma_wait3A_395 = arith.constant 0 : i32
        %dma_wait3A_396 = tpu.memref_slice %arg19[%dma_wait3A_395] : memref<10240xf32, #tpu.memory_space<vmem_shared>> -> memref<10240xf32, #tpu.memory_space<vmem_shared>>
        tpu.wait_indirect_dma semaphore(%run_scoped3A_392 : memref<!tpu.dma_semaphore, #tpu.memory_space<semaphore_mem>>) src(%dma_wait3A_396 : memref<10240xf32, #tpu.memory_space<vmem_shared>>) dst(%arg13 : memref<2048xf32, #tpu.memory_space<vmem>>)
        tpu.yield
      }) : () -> ()
      "tpu.region"() ({
        %run_scoped3A_392 = tpu.sem_alloc : memref<!tpu.dma_semaphore, #tpu.memory_space<semaphore_mem>>
        %dma_start3A_393 = arith.constant 0 : i32
        %dma_start3A_394 = tpu.memref_slice %arg20[%dma_start3A_393] : memref<10240xf32, #tpu.memory_space<vmem_shared>> -> memref<10240xf32, #tpu.memory_space<vmem_shared>>
        tpu.enqueue_indirect_dma source(%dma_start3A_394 : memref<10240xf32, #tpu.memory_space<vmem_shared>>) target(%arg12 : memref<2048xf32, #tpu.memory_space<vmem>>) offsets(%arg9 : memref<2048xi32, #tpu.memory_space<vmem>>) semaphore(%run_scoped3A_392 : memref<!tpu.dma_semaphore, #tpu.memory_space<semaphore_mem>>)
        %dma_wait3A_395 = arith.constant 0 : i32
        %dma_wait3A_396 = tpu.memref_slice %arg20[%dma_wait3A_395] : memref<10240xf32, #tpu.memory_space<vmem_shared>> -> memref<10240xf32, #tpu.memory_space<vmem_shared>>
        tpu.wait_indirect_dma semaphore(%run_scoped3A_392 : memref<!tpu.dma_semaphore, #tpu.memory_space<semaphore_mem>>) src(%dma_wait3A_396 : memref<10240xf32, #tpu.memory_space<vmem_shared>>) dst(%arg12 : memref<2048xf32, #tpu.memory_space<vmem>>)
        tpu.yield
      }) : () -> ()
      %scan3A_258 = arith.constant 0 : i32
      %scan3A_259 = arith.constant 0 : i32
      %scan3A_260 = arith.constant 128 : i32
      %scan3A_261 = arith.addi %scan3A_259, %scan3A_260 : i32
      %scan3A_262 = arith.constant 1 : i32
      %scan3A_263 = scf.for %scan3A_392 = %scan3A_259 to %scan3A_261 step %scan3A_262 iter_args(%scan3A_393 = %scan3A_258) -> (i32)  : i32 {
        %mul3A_394 = arith.constant 16 : i32
        %mul3A_395 = arith.muli %scan3A_392, %mul3A_394 : i32
        %get3A = arith.index_cast %mul3A_395 : i32 to index
        %get3A_396 = tpu.vector_load %arg13[%get3A] {strides = array<i32>} : memref<2048xf32, #tpu.memory_space<vmem>>, vector<16xf32>,
        %get3A_397 = arith.index_cast %mul3A_395 : i32 to index
        %get3A_398 = tpu.vector_load %arg12[%get3A_397] {strides = array<i32>} : memref<2048xf32, #tpu.memory_space<vmem>>, vector<16xf32>,
        %add3A_399 = arith.addf %get3A_396, %get3A_398 : vector<16xf32>
        %gt3A = arith.constant 0.000000e+00 : f32
        %gt3A_400 = vector.broadcast %gt3A : f32 to vector<16xf32>
        %gt3A_401 = arith.cmpf ogt, %add3A_399, %gt3A_400 : vector<16xf32>
        %mul3A_402 = arith.constant 2.000000e-01 : f32
        %mul3A_403 = vector.broadcast %mul3A_402 : f32 to vector<16xf32>
        %mul3A_404 = arith.mulf %mul3A_403, %add3A_399 : vector<16xf32>
        %select_n3A = arith.select %gt3A_401, %add3A_399, %mul3A_404 : vector<16xi1>, vector<16xf32>
        %exp3A = math.exp %select_n3A : vector<16xf32>
        %iota3A = tpu.iota {dimensions = array<i32: 0>} : vector<16xi32>
        %mul3A_405 = arith.constant 2048 : i32
        %mul3A_406 = arith.muli %mul3A_246, %mul3A_405 : i32
        %mul3A_407 = arith.constant 16 : i32
        %mul3A_408 = arith.muli %scan3A_392, %mul3A_407 : i32
        %add3A_409 = arith.addi %mul3A_406, %mul3A_408 : i32
        %add3A_410 = vector.broadcast %add3A_409 : i32 to vector<16xi32>
        %add3A_411 = arith.addi %iota3A, %add3A_410 : vector<16xi32>
        %lt3A_412 = arith.constant 20000 : i32
        %lt3A_413 = vector.broadcast %lt3A_412 : i32 to vector<16xi32>
        %lt3A_414 = arith.cmpi slt, %add3A_411, %lt3A_413 : vector<16xi32>
        %jit3A = arith.constant 0.000000e+00 : f32
        %broadcast_in_dim3A_415 = vector.broadcast %jit3A : f32 to vector<16xf32>
        %select_n3A_416 = arith.select %lt3A_414, %exp3A, %broadcast_in_dim3A_415 : vector<16xi1>, vector<16xf32>
        %swap3A = arith.index_cast %mul3A_395 : i32 to index
        %swap3A_417 = tpu.vector_load %arg13[%swap3A] {strides = array<i32>} : memref<2048xf32, #tpu.memory_space<vmem>>, vector<16xf32>,
        tpu.vector_store %arg13[%swap3A], %select_n3A_416 {strides = array<i32>} : memref<2048xf32, #tpu.memory_space<vmem>>, vector<16xf32>,
        %get3A_418 = arith.index_cast %mul3A_395 : i32 to index
        %get3A_419 = tpu.vector_load %arg8[%get3A_418] {strides = array<i32>} : memref<2048xi32, #tpu.memory_space<vmem>>, vector<16xi32>,
        %add3A_420 = vector.broadcast %mul3A_64 : i32 to vector<16xi32>
        %add3A_421 = arith.addi %get3A_419, %add3A_420 : vector<16xi32>
        %swap3A_422 = arith.index_cast %mul3A_395 : i32 to index
        %swap3A_423 = tpu.vector_load %arg8[%swap3A_422] {strides = array<i32>} : memref<2048xi32, #tpu.memory_space<vmem>>, vector<16xi32>,
        tpu.vector_store %arg8[%swap3A_422], %add3A_421 {strides = array<i32>} : memref<2048xi32, #tpu.memory_space<vmem>>, vector<16xi32>,
        %scan3A_424 = arith.constant 0 : i32
        scf.yield %scan3A_424 : i32
      }
      %scan3A_264 = arith.constant 128 : i32
      %dma_start3A_265 = arith.constant 0 : i32
      %dma_start3A_266 = tpu.memref_slice %arg21[%dma_start3A_265] : memref<10240xf32, #tpu.memory_space<vmem_shared>> -> memref<10240xf32, #tpu.memory_space<vmem_shared>>
      tpu.enqueue_indirect_dma source(%arg13 : memref<2048xf32, #tpu.memory_space<vmem>>) target(%dma_start3A_266 : memref<10240xf32, #tpu.memory_space<vmem_shared>>) offsets(%arg9 : memref<2048xi32, #tpu.memory_space<vmem>>) semaphore(%arg33 : memref<!tpu.dma_semaphore, #tpu.memory_space<semaphore_mem>>) {add = true}
      %add3A_267 = arith.constant 1 : i32
      %add3A_268 = arith.addi %mul3A_246, %add3A_267 : i32
      %lt3A = arith.constant 10 : i32
      %lt3A_269 = arith.cmpi slt, %add3A_268, %lt3A : i32
      %convert_element_type3A = arith.extui %lt3A_269 : i1 to i32
      %cond3A = arith.constant 0 : i32
      %cond3A_270 = arith.cmpi ne, %convert_element_type3A, %cond3A : i32
      scf.if %cond3A_270 {
        %add3A_392 = arith.constant 1 : i32
        %add3A_393 = arith.addi %mul3A_246, %add3A_392 : i32
        %mul3A_394 = arith.constant 2048 : i32
        %mul3A_395 = arith.muli %add3A_393, %mul3A_394 : i32
        %dma_start3A_396 = tpu.memref_slice %arg5[%arg0, %arg1, %mul3A_395] : memref<2x16x20480xi32, #tpu.memory_space<hbm>> -> memref<1x1x2048xi32, #tpu.memory_space<hbm>>
        %dma_start3A_397 = tpu.memref_squeeze %dma_start3A_396 : memref<1x1x2048xi32, #tpu.memory_space<hbm>> -> memref<2048xi32, #tpu.memory_space<hbm>>
        %dma_start3A_398 = tpu.memref_slice %arg5[%arg0, %arg1, %mul3A_395] : memref<2x16x20480xi32, #tpu.memory_space<hbm>> -> memref<1x1x2048xi32, #tpu.memory_space<hbm>>
        %dma_start3A_399 = tpu.memref_squeeze %dma_start3A_398 : memref<1x1x2048xi32, #tpu.memory_space<hbm>> -> memref<2048xi32, #tpu.memory_space<hbm>>
        tpu.enqueue_dma source(%dma_start3A_399 : memref<2048xi32, #tpu.memory_space<hbm>>) target(%arg10 : memref<2048xi32, #tpu.memory_space<vmem>>) target_semaphore(%arg31 : memref<!tpu.dma_semaphore, #tpu.memory_space<semaphore_mem>>)
        %add3A_400 = arith.constant 1 : i32
        %add3A_401 = arith.addi %mul3A_246, %add3A_400 : i32
        %mul3A_402 = arith.constant 2048 : i32
        %mul3A_403 = arith.muli %add3A_401, %mul3A_402 : i32
        %dma_start3A_404 = tpu.memref_slice %arg6[%arg0, %arg1, %mul3A_403] : memref<2x16x20480xi32, #tpu.memory_space<hbm>> -> memref<1x1x2048xi32, #tpu.memory_space<hbm>>
        %dma_start3A_405 = tpu.memref_squeeze %dma_start3A_404 : memref<1x1x2048xi32, #tpu.memory_space<hbm>> -> memref<2048xi32, #tpu.memory_space<hbm>>
        %dma_start3A_406 = tpu.memref_slice %arg6[%arg0, %arg1, %mul3A_403] : memref<2x16x20480xi32, #tpu.memory_space<hbm>> -> memref<1x1x2048xi32, #tpu.memory_space<hbm>>
        %dma_start3A_407 = tpu.memref_squeeze %dma_start3A_406 : memref<1x1x2048xi32, #tpu.memory_space<hbm>> -> memref<2048xi32, #tpu.memory_space<hbm>>
        tpu.enqueue_dma source(%dma_start3A_407 : memref<2048xi32, #tpu.memory_space<hbm>>) target(%arg11 : memref<2048xi32, #tpu.memory_space<vmem>>) target_semaphore(%arg32 : memref<!tpu.dma_semaphore, #tpu.memory_space<semaphore_mem>>)
      } else {
      }
      %dma_start3A_271 = arith.constant 0 : i32
      %dma_start3A_272 = tpu.memref_slice %arg8[%dma_start3A_271] : memref<2048xi32, #tpu.memory_space<vmem>> -> memref<64xi32, #tpu.memory_space<vmem>>
      %dma_start3A_273 = arith.constant 0 : i32
      %dma_start3A_274 = arith.constant 0 : i32
      %dma_start3A_275 = tpu.memref_slice %arg2[%dma_start3A_273, %dma_start3A_274] : memref<20480x128xf32, #tpu.memory_space<hbm>> -> memref<20480x128xf32, #tpu.memory_space<hbm>>
      tpu.enqueue_indirect_dma source(%dma_start3A_275 : memref<20480x128xf32, #tpu.memory_space<hbm>>) target(%arg14 : memref<64x128xf32, #tpu.memory_space<vmem>>) offsets(%dma_start3A_272 : memref<64xi32, #tpu.memory_space<vmem>>) semaphore(%arg23 : memref<!tpu.dma_semaphore, #tpu.memory_space<semaphore_mem>>)
      %dma_start3A_276 = arith.constant 64 : i32
      %dma_start3A_277 = tpu.memref_slice %arg8[%dma_start3A_276] : memref<2048xi32, #tpu.memory_space<vmem>> -> memref<64xi32, #tpu.memory_space<vmem>>
      %dma_start3A_278 = arith.constant 0 : i32
      %dma_start3A_279 = arith.constant 0 : i32
      %dma_start3A_280 = tpu.memref_slice %arg2[%dma_start3A_278, %dma_start3A_279] : memref<20480x128xf32, #tpu.memory_space<hbm>> -> memref<20480x128xf32, #tpu.memory_space<hbm>>
      tpu.enqueue_indirect_dma source(%dma_start3A_280 : memref<20480x128xf32, #tpu.memory_space<hbm>>) target(%arg15 : memref<64x128xf32, #tpu.memory_space<vmem>>) offsets(%dma_start3A_277 : memref<64xi32, #tpu.memory_space<vmem>>) semaphore(%arg24 : memref<!tpu.dma_semaphore, #tpu.memory_space<semaphore_mem>>)
      %dma_start3A_281 = arith.constant 128 : i32
      %dma_start3A_282 = tpu.memref_slice %arg8[%dma_start3A_281] : memref<2048xi32, #tpu.memory_space<vmem>> -> memref<64xi32, #tpu.memory_space<vmem>>
      %dma_start3A_283 = arith.constant 0 : i32
      %dma_start3A_284 = arith.constant 0 : i32
      %dma_start3A_285 = tpu.memref_slice %arg2[%dma_start3A_283, %dma_start3A_284] : memref<20480x128xf32, #tpu.memory_space<hbm>> -> memref<20480x128xf32, #tpu.memory_space<hbm>>
      tpu.enqueue_indirect_dma source(%dma_start3A_285 : memref<20480x128xf32, #tpu.memory_space<hbm>>) target(%arg16 : memref<64x128xf32, #tpu.memory_space<vmem>>) offsets(%dma_start3A_282 : memref<64xi32, #tpu.memory_space<vmem>>) semaphore(%arg25 : memref<!tpu.dma_semaphore, #tpu.memory_space<semaphore_mem>>)
      %scan3A_286 = arith.constant 0 : i32
      %scan3A_287 = arith.constant 0 : i32
      %scan3A_288 = arith.constant 8 : i32
      %scan3A_289 = arith.addi %scan3A_287, %scan3A_288 : i32
      %scan3A_290 = arith.constant 1 : i32
      %scan3A_291 = scf.for %scan3A_392 = %scan3A_287 to %scan3A_289 step %scan3A_290 iter_args(%scan3A_393 = %scan3A_286) -> (i32)  : i32 {
        %mul3A_394 = arith.constant 4 : i32
        %mul3A_395 = arith.muli %mul3A_394, %scan3A_392 : i32
        %ge3A = arith.constant 1 : i32
        %ge3A_396 = arith.cmpi sge, %scan3A_392, %ge3A : i32
        %convert_element_type3A_397 = arith.extui %ge3A_396 : i1 to i32
        %cond3A_398 = arith.constant 0 : i32
        %cond3A_399 = arith.cmpi ne, %convert_element_type3A_397, %cond3A_398 : i32
        scf.if %cond3A_399 {
          %sub3A = arith.constant 1 : i32
          %sub3A_518 = arith.subi %mul3A_395, %sub3A : i32
          %mul3A_519 = arith.constant 64 : i32
          %mul3A_520 = arith.muli %sub3A_518, %mul3A_519 : i32
          %dma_wait3A_521 = tpu.memref_slice %arg9[%mul3A_520] : memref<2048xi32, #tpu.memory_space<vmem>> -> memref<64xi32, #tpu.memory_space<vmem>>
          %dma_wait3A_522 = arith.constant 0 : i32
          %dma_wait3A_523 = arith.constant 0 : i32
          %dma_wait3A_524 = tpu.memref_slice %arg22[%dma_wait3A_522, %dma_wait3A_523] : memref<10240x128xf32, #tpu.memory_space<vmem_shared>> -> memref<10240x128xf32, #tpu.memory_space<vmem_shared>>
          tpu.wait_indirect_dma semaphore(%arg30 : memref<!tpu.dma_semaphore, #tpu.memory_space<semaphore_mem>>) src(%arg17 : memref<64x128xf32, #tpu.memory_space<vmem>>) dst(%dma_wait3A_524 : memref<10240x128xf32, #tpu.memory_space<vmem_shared>>)
        } else {
        }
        %add3A_400 = arith.constant 3 : i32
        %add3A_401 = arith.addi %mul3A_395, %add3A_400 : i32
        %mul3A_402 = arith.constant 64 : i32
        %mul3A_403 = arith.muli %add3A_401, %mul3A_402 : i32
        %dma_start3A_404 = tpu.memref_slice %arg8[%mul3A_403] : memref<2048xi32, #tpu.memory_space<vmem>> -> memref<64xi32, #tpu.memory_space<vmem>>
        %dma_start3A_405 = arith.constant 0 : i32
        %dma_start3A_406 = arith.constant 0 : i32
        %dma_start3A_407 = tpu.memref_slice %arg2[%dma_start3A_405, %dma_start3A_406] : memref<20480x128xf32, #tpu.memory_space<hbm>> -> memref<20480x128xf32, #tpu.memory_space<hbm>>
        tpu.enqueue_indirect_dma source(%dma_start3A_407 : memref<20480x128xf32, #tpu.memory_space<hbm>>) target(%arg17 : memref<64x128xf32, #tpu.memory_space<vmem>>) offsets(%dma_start3A_404 : memref<64xi32, #tpu.memory_space<vmem>>) semaphore(%arg26 : memref<!tpu.dma_semaphore, #tpu.memory_space<semaphore_mem>>)
        %mul3A_408 = arith.constant 64 : i32
        %mul3A_409 = arith.muli %mul3A_395, %mul3A_408 : i32
        %dma_wait3A_410 = tpu.memref_slice %arg8[%mul3A_409] : memref<2048xi32, #tpu.memory_space<vmem>> -> memref<64xi32, #tpu.memory_space<vmem>>
        %dma_wait3A_411 = arith.constant 0 : i32
        %dma_wait3A_412 = arith.constant 0 : i32
        %dma_wait3A_413 = tpu.memref_slice %arg2[%dma_wait3A_411, %dma_wait3A_412] : memref<20480x128xf32, #tpu.memory_space<hbm>> -> memref<20480x128xf32, #tpu.memory_space<hbm>>
        tpu.wait_indirect_dma semaphore(%arg23 : memref<!tpu.dma_semaphore, #tpu.memory_space<semaphore_mem>>) src(%dma_wait3A_413 : memref<20480x128xf32, #tpu.memory_space<hbm>>) dst(%arg14 : memref<64x128xf32, #tpu.memory_space<vmem>>)
        %scan3A_414 = arith.constant 0 : i32
        %scan3A_415 = arith.constant 0 : i32
        %scan3A_416 = arith.constant 64 : i32
        %scan3A_417 = arith.addi %scan3A_415, %scan3A_416 : i32
        %scan3A_418 = arith.constant 1 : i32
        %scan3A_419 = scf.for %scan3A_518 = %scan3A_415 to %scan3A_417 step %scan3A_418 iter_args(%scan3A_519 = %scan3A_414) -> (i32)  : i32 {
          %mul3A_520 = arith.constant 64 : i32
          %mul3A_521 = arith.muli %mul3A_395, %mul3A_520 : i32
          %broadcast_in_dim3A_522 = vector.broadcast %mul3A_521 : i32 to vector<16xi32>
          %add3A_523 = vector.broadcast %scan3A_518 : i32 to vector<16xi32>
          %add3A_524 = arith.addi %broadcast_in_dim3A_522, %add3A_523 : vector<16xi32>
          %gather3A = tpu.vector_load_idx %arg13[%add3A_524] : memref<2048xf32, #tpu.memory_space<vmem>>[vector<16xi32>], vector<16xf32>,
          %get3A = arith.index_cast %scan3A_518 : i32 to index
          %get3A_525 = arith.constant 0 : index
          %get3A_526 = tpu.vector_load %arg14[%get3A, %get3A_525] {strides = array<i32>} : memref<64x128xf32, #tpu.memory_space<vmem>>, vector<16xf32>,
          %mul3A_527 = arith.mulf %get3A_526, %gather3A : vector<16xf32>
          %swap3A = arith.index_cast %scan3A_518 : i32 to index
          %swap3A_528 = arith.constant 0 : index
          %swap3A_529 = tpu.vector_load %arg14[%swap3A, %swap3A_528] {strides = array<i32>} : memref<64x128xf32, #tpu.memory_space<vmem>>, vector<16xf32>,
          tpu.vector_store %arg14[%swap3A, %swap3A_528], %mul3A_527 {strides = array<i32>} : memref<64x128xf32, #tpu.memory_space<vmem>>, vector<16xf32>,
          %get3A_530 = arith.index_cast %scan3A_518 : i32 to index
          %get3A_531 = arith.constant 16 : index
          %get3A_532 = tpu.vector_load %arg14[%get3A_530, %get3A_531] {strides = array<i32>} : memref<64x128xf32, #tpu.memory_space<vmem>>, vector<16xf32>,
          %mul3A_533 = arith.mulf %get3A_532, %gather3A : vector<16xf32>
          %swap3A_534 = arith.index_cast %scan3A_518 : i32 to index
          %swap3A_535 = arith.constant 16 : index
          %swap3A_536 = tpu.vector_load %arg14[%swap3A_534, %swap3A_535] {strides = array<i32>} : memref<64x128xf32, #tpu.memory_space<vmem>>, vector<16xf32>,
          tpu.vector_store %arg14[%swap3A_534, %swap3A_535], %mul3A_533 {strides = array<i32>} : memref<64x128xf32, #tpu.memory_space<vmem>>, vector<16xf32>,
          %get3A_537 = arith.index_cast %scan3A_518 : i32 to index
          %get3A_538 = arith.constant 32 : index
          %get3A_539 = tpu.vector_load %arg14[%get3A_537, %get3A_538] {strides = array<i32>} : memref<64x128xf32, #tpu.memory_space<vmem>>, vector<16xf32>,
          %mul3A_540 = arith.mulf %get3A_539, %gather3A : vector<16xf32>
          %swap3A_541 = arith.index_cast %scan3A_518 : i32 to index
          %swap3A_542 = arith.constant 32 : index
          %swap3A_543 = tpu.vector_load %arg14[%swap3A_541, %swap3A_542] {strides = array<i32>} : memref<64x128xf32, #tpu.memory_space<vmem>>, vector<16xf32>,
          tpu.vector_store %arg14[%swap3A_541, %swap3A_542], %mul3A_540 {strides = array<i32>} : memref<64x128xf32, #tpu.memory_space<vmem>>, vector<16xf32>,
          %get3A_544 = arith.index_cast %scan3A_518 : i32 to index
          %get3A_545 = arith.constant 48 : index
          %get3A_546 = tpu.vector_load %arg14[%get3A_544, %get3A_545] {strides = array<i32>} : memref<64x128xf32, #tpu.memory_space<vmem>>, vector<16xf32>,
          %mul3A_547 = arith.mulf %get3A_546, %gather3A : vector<16xf32>
          %swap3A_548 = arith.index_cast %scan3A_518 : i32 to index
          %swap3A_549 = arith.constant 48 : index
          %swap3A_550 = tpu.vector_load %arg14[%swap3A_548, %swap3A_549] {strides = array<i32>} : memref<64x128xf32, #tpu.memory_space<vmem>>, vector<16xf32>,
          tpu.vector_store %arg14[%swap3A_548, %swap3A_549], %mul3A_547 {strides = array<i32>} : memref<64x128xf32, #tpu.memory_space<vmem>>, vector<16xf32>,
          %get3A_551 = arith.index_cast %scan3A_518 : i32 to index
          %get3A_552 = arith.constant 64 : index
          %get3A_553 = tpu.vector_load %arg14[%get3A_551, %get3A_552] {strides = array<i32>} : memref<64x128xf32, #tpu.memory_space<vmem>>, vector<16xf32>,
          %mul3A_554 = arith.mulf %get3A_553, %gather3A : vector<16xf32>
          %swap3A_555 = arith.index_cast %scan3A_518 : i32 to index
          %swap3A_556 = arith.constant 64 : index
          %swap3A_557 = tpu.vector_load %arg14[%swap3A_555, %swap3A_556] {strides = array<i32>} : memref<64x128xf32, #tpu.memory_space<vmem>>, vector<16xf32>,
          tpu.vector_store %arg14[%swap3A_555, %swap3A_556], %mul3A_554 {strides = array<i32>} : memref<64x128xf32, #tpu.memory_space<vmem>>, vector<16xf32>,
          %get3A_558 = arith.index_cast %scan3A_518 : i32 to index
          %get3A_559 = arith.constant 80 : index
          %get3A_560 = tpu.vector_load %arg14[%get3A_558, %get3A_559] {strides = array<i32>} : memref<64x128xf32, #tpu.memory_space<vmem>>, vector<16xf32>,
          %mul3A_561 = arith.mulf %get3A_560, %gather3A : vector<16xf32>
          %swap3A_562 = arith.index_cast %scan3A_518 : i32 to index
          %swap3A_563 = arith.constant 80 : index
          %swap3A_564 = tpu.vector_load %arg14[%swap3A_562, %swap3A_563] {strides = array<i32>} : memref<64x128xf32, #tpu.memory_space<vmem>>, vector<16xf32>,
          tpu.vector_store %arg14[%swap3A_562, %swap3A_563], %mul3A_561 {strides = array<i32>} : memref<64x128xf32, #tpu.memory_space<vmem>>, vector<16xf32>,
          %get3A_565 = arith.index_cast %scan3A_518 : i32 to index
          %get3A_566 = arith.constant 96 : index
          %get3A_567 = tpu.vector_load %arg14[%get3A_565, %get3A_566] {strides = array<i32>} : memref<64x128xf32, #tpu.memory_space<vmem>>, vector<16xf32>,
          %mul3A_568 = arith.mulf %get3A_567, %gather3A : vector<16xf32>
          %swap3A_569 = arith.index_cast %scan3A_518 : i32 to index
          %swap3A_570 = arith.constant 96 : index
          %swap3A_571 = tpu.vector_load %arg14[%swap3A_569, %swap3A_570] {strides = array<i32>} : memref<64x128xf32, #tpu.memory_space<vmem>>, vector<16xf32>,
          tpu.vector_store %arg14[%swap3A_569, %swap3A_570], %mul3A_568 {strides = array<i32>} : memref<64x128xf32, #tpu.memory_space<vmem>>, vector<16xf32>,
          %get3A_572 = arith.index_cast %scan3A_518 : i32 to index
          %get3A_573 = arith.constant 112 : index
          %get3A_574 = tpu.vector_load %arg14[%get3A_572, %get3A_573] {strides = array<i32>} : memref<64x128xf32, #tpu.memory_space<vmem>>, vector<16xf32>,
          %mul3A_575 = arith.mulf %get3A_574, %gather3A : vector<16xf32>
          %swap3A_576 = arith.index_cast %scan3A_518 : i32 to index
          %swap3A_577 = arith.constant 112 : index
          %swap3A_578 = tpu.vector_load %arg14[%swap3A_576, %swap3A_577] {strides = array<i32>} : memref<64x128xf32, #tpu.memory_space<vmem>>, vector<16xf32>,
          tpu.vector_store %arg14[%swap3A_576, %swap3A_577], %mul3A_575 {strides = array<i32>} : memref<64x128xf32, #tpu.memory_space<vmem>>, vector<16xf32>,
          %scan3A_579 = arith.constant 0 : i32
          scf.yield %scan3A_579 : i32
        }
        %scan3A_420 = arith.constant 64 : i32
        %mul3A_421 = arith.constant 64 : i32
        %mul3A_422 = arith.muli %mul3A_395, %mul3A_421 : i32
        %dma_start3A_423 = tpu.memref_slice %arg9[%mul3A_422] : memref<2048xi32, #tpu.memory_space<vmem>> -> memref<64xi32, #tpu.memory_space<vmem>>
        %dma_start3A_424 = arith.constant 0 : i32
        %dma_start3A_425 = arith.constant 0 : i32
        %dma_start3A_426 = tpu.memref_slice %arg22[%dma_start3A_424, %dma_start3A_425] : memref<10240x128xf32, #tpu.memory_space<vmem_shared>> -> memref<10240x128xf32, #tpu.memory_space<vmem_shared>>
        tpu.enqueue_indirect_dma source(%arg14 : memref<64x128xf32, #tpu.memory_space<vmem>>) target(%dma_start3A_426 : memref<10240x128xf32, #tpu.memory_space<vmem_shared>>) offsets(%dma_start3A_423 : memref<64xi32, #tpu.memory_space<vmem>>) semaphore(%arg27 : memref<!tpu.dma_semaphore, #tpu.memory_space<semaphore_mem>>) {add = true}
        %lt3A_427 = arith.constant 7 : i32
        %lt3A_428 = arith.cmpi slt, %scan3A_392, %lt3A_427 : i32
        %convert_element_type3A_429 = arith.extui %lt3A_428 : i1 to i32
        %cond3A_430 = arith.constant 0 : i32
        %cond3A_431 = arith.cmpi ne, %convert_element_type3A_429, %cond3A_430 : i32
        scf.if %cond3A_431 {
          %add3A_518 = arith.constant 1 : i32
          %add3A_519 = arith.addi %mul3A_395, %add3A_518 : i32
          %sub3A = arith.constant 1 : i32
          %sub3A_520 = arith.subi %add3A_519, %sub3A : i32
          %mul3A_521 = arith.constant 64 : i32
          %mul3A_522 = arith.muli %sub3A_520, %mul3A_521 : i32
          %dma_wait3A_523 = tpu.memref_slice %arg9[%mul3A_522] : memref<2048xi32, #tpu.memory_space<vmem>> -> memref<64xi32, #tpu.memory_space<vmem>>
          %dma_wait3A_524 = arith.constant 0 : i32
          %dma_wait3A_525 = arith.constant 0 : i32
          %dma_wait3A_526 = tpu.memref_slice %arg22[%dma_wait3A_524, %dma_wait3A_525] : memref<10240x128xf32, #tpu.memory_space<vmem_shared>> -> memref<10240x128xf32, #tpu.memory_space<vmem_shared>>
          tpu.wait_indirect_dma semaphore(%arg27 : memref<!tpu.dma_semaphore, #tpu.memory_space<semaphore_mem>>) src(%arg14 : memref<64x128xf32, #tpu.memory_space<vmem>>) dst(%dma_wait3A_526 : memref<10240x128xf32, #tpu.memory_space<vmem_shared>>)
          %add3A_527 = arith.constant 3 : i32
          %add3A_528 = arith.addi %mul3A_395, %add3A_527 : i32
          %add3A_529 = arith.constant 1 : i32
          %add3A_530 = arith.addi %add3A_528, %add3A_529 : i32
          %mul3A_531 = arith.constant 64 : i32
          %mul3A_532 = arith.muli %add3A_530, %mul3A_531 : i32
          %dma_start3A_533 = tpu.memref_slice %arg8[%mul3A_532] : memref<2048xi32, #tpu.memory_space<vmem>> -> memref<64xi32, #tpu.memory_space<vmem>>
          %dma_start3A_534 = arith.constant 0 : i32
          %dma_start3A_535 = arith.constant 0 : i32
          %dma_start3A_536 = tpu.memref_slice %arg2[%dma_start3A_534, %dma_start3A_535] : memref<20480x128xf32, #tpu.memory_space<hbm>> -> memref<20480x128xf32, #tpu.memory_space<hbm>>
          tpu.enqueue_indirect_dma source(%dma_start3A_536 : memref<20480x128xf32, #tpu.memory_space<hbm>>) target(%arg14 : memref<64x128xf32, #tpu.memory_space<vmem>>) offsets(%dma_start3A_533 : memref<64xi32, #tpu.memory_space<vmem>>) semaphore(%arg23 : memref<!tpu.dma_semaphore, #tpu.memory_space<semaphore_mem>>)
        } else {
        }
        %add3A_432 = arith.constant 1 : i32
        %add3A_433 = arith.addi %mul3A_395, %add3A_432 : i32
        %mul3A_434 = arith.constant 64 : i32
        %mul3A_435 = arith.muli %add3A_433, %mul3A_434 : i32
        %dma_wait3A_436 = tpu.memref_slice %arg8[%mul3A_435] : memref<2048xi32, #tpu.memory_space<vmem>> -> memref<64xi32, #tpu.memory_space<vmem>>
        %dma_wait3A_437 = arith.constant 0 : i32
        %dma_wait3A_438 = arith.constant 0 : i32
        %dma_wait3A_439 = tpu.memref_slice %arg2[%dma_wait3A_437, %dma_wait3A_438] : memref<20480x128xf32, #tpu.memory_space<hbm>> -> memref<20480x128xf32, #tpu.memory_space<hbm>>
        tpu.wait_indirect_dma semaphore(%arg24 : memref<!tpu.dma_semaphore, #tpu.memory_space<semaphore_mem>>) src(%dma_wait3A_439 : memref<20480x128xf32, #tpu.memory_space<hbm>>) dst(%arg15 : memref<64x128xf32, #tpu.memory_space<vmem>>)
        %add3A_440 = arith.constant 1 : i32
        %add3A_441 = arith.addi %mul3A_395, %add3A_440 : i32
        %scan3A_442 = arith.constant 0 : i32
        %scan3A_443 = arith.constant 0 : i32
        %scan3A_444 = arith.constant 64 : i32
        %scan3A_445 = arith.addi %scan3A_443, %scan3A_444 : i32
        %scan3A_446 = arith.constant 1 : i32
        %scan3A_447 = scf.for %scan3A_518 = %scan3A_443 to %scan3A_445 step %scan3A_446 iter_args(%scan3A_519 = %scan3A_442) -> (i32)  : i32 {
          %mul3A_520 = arith.constant 64 : i32
          %mul3A_521 = arith.muli %add3A_441, %mul3A_520 : i32
          %broadcast_in_dim3A_522 = vector.broadcast %mul3A_521 : i32 to vector<16xi32>
          %add3A_523 = vector.broadcast %scan3A_518 : i32 to vector<16xi32>
          %add3A_524 = arith.addi %broadcast_in_dim3A_522, %add3A_523 : vector<16xi32>
          %gather3A = tpu.vector_load_idx %arg13[%add3A_524] : memref<2048xf32, #tpu.memory_space<vmem>>[vector<16xi32>], vector<16xf32>,
          %get3A = arith.index_cast %scan3A_518 : i32 to index
          %get3A_525 = arith.constant 0 : index
          %get3A_526 = tpu.vector_load %arg15[%get3A, %get3A_525] {strides = array<i32>} : memref<64x128xf32, #tpu.memory_space<vmem>>, vector<16xf32>,
          %mul3A_527 = arith.mulf %get3A_526, %gather3A : vector<16xf32>
          %swap3A = arith.index_cast %scan3A_518 : i32 to index
          %swap3A_528 = arith.constant 0 : index
          %swap3A_529 = tpu.vector_load %arg15[%swap3A, %swap3A_528] {strides = array<i32>} : memref<64x128xf32, #tpu.memory_space<vmem>>, vector<16xf32>,
          tpu.vector_store %arg15[%swap3A, %swap3A_528], %mul3A_527 {strides = array<i32>} : memref<64x128xf32, #tpu.memory_space<vmem>>, vector<16xf32>,
          %get3A_530 = arith.index_cast %scan3A_518 : i32 to index
          %get3A_531 = arith.constant 16 : index
          %get3A_532 = tpu.vector_load %arg15[%get3A_530, %get3A_531] {strides = array<i32>} : memref<64x128xf32, #tpu.memory_space<vmem>>, vector<16xf32>,
          %mul3A_533 = arith.mulf %get3A_532, %gather3A : vector<16xf32>
          %swap3A_534 = arith.index_cast %scan3A_518 : i32 to index
          %swap3A_535 = arith.constant 16 : index
          %swap3A_536 = tpu.vector_load %arg15[%swap3A_534, %swap3A_535] {strides = array<i32>} : memref<64x128xf32, #tpu.memory_space<vmem>>, vector<16xf32>,
          tpu.vector_store %arg15[%swap3A_534, %swap3A_535], %mul3A_533 {strides = array<i32>} : memref<64x128xf32, #tpu.memory_space<vmem>>, vector<16xf32>,
          %get3A_537 = arith.index_cast %scan3A_518 : i32 to index
          %get3A_538 = arith.constant 32 : index
          %get3A_539 = tpu.vector_load %arg15[%get3A_537, %get3A_538] {strides = array<i32>} : memref<64x128xf32, #tpu.memory_space<vmem>>, vector<16xf32>,
          %mul3A_540 = arith.mulf %get3A_539, %gather3A : vector<16xf32>
          %swap3A_541 = arith.index_cast %scan3A_518 : i32 to index
          %swap3A_542 = arith.constant 32 : index
          %swap3A_543 = tpu.vector_load %arg15[%swap3A_541, %swap3A_542] {strides = array<i32>} : memref<64x128xf32, #tpu.memory_space<vmem>>, vector<16xf32>,
          tpu.vector_store %arg15[%swap3A_541, %swap3A_542], %mul3A_540 {strides = array<i32>} : memref<64x128xf32, #tpu.memory_space<vmem>>, vector<16xf32>,
          %get3A_544 = arith.index_cast %scan3A_518 : i32 to index
          %get3A_545 = arith.constant 48 : index
          %get3A_546 = tpu.vector_load %arg15[%get3A_544, %get3A_545] {strides = array<i32>} : memref<64x128xf32, #tpu.memory_space<vmem>>, vector<16xf32>,
          %mul3A_547 = arith.mulf %get3A_546, %gather3A : vector<16xf32>
          %swap3A_548 = arith.index_cast %scan3A_518 : i32 to index
          %swap3A_549 = arith.constant 48 : index
          %swap3A_550 = tpu.vector_load %arg15[%swap3A_548, %swap3A_549] {strides = array<i32>} : memref<64x128xf32, #tpu.memory_space<vmem>>, vector<16xf32>,
          tpu.vector_store %arg15[%swap3A_548, %swap3A_549], %mul3A_547 {strides = array<i32>} : memref<64x128xf32, #tpu.memory_space<vmem>>, vector<16xf32>,
          %get3A_551 = arith.index_cast %scan3A_518 : i32 to index
          %get3A_552 = arith.constant 64 : index
          %get3A_553 = tpu.vector_load %arg15[%get3A_551, %get3A_552] {strides = array<i32>} : memref<64x128xf32, #tpu.memory_space<vmem>>, vector<16xf32>,
          %mul3A_554 = arith.mulf %get3A_553, %gather3A : vector<16xf32>
          %swap3A_555 = arith.index_cast %scan3A_518 : i32 to index
          %swap3A_556 = arith.constant 64 : index
          %swap3A_557 = tpu.vector_load %arg15[%swap3A_555, %swap3A_556] {strides = array<i32>} : memref<64x128xf32, #tpu.memory_space<vmem>>, vector<16xf32>,
          tpu.vector_store %arg15[%swap3A_555, %swap3A_556], %mul3A_554 {strides = array<i32>} : memref<64x128xf32, #tpu.memory_space<vmem>>, vector<16xf32>,
          %get3A_558 = arith.index_cast %scan3A_518 : i32 to index
          %get3A_559 = arith.constant 80 : index
          %get3A_560 = tpu.vector_load %arg15[%get3A_558, %get3A_559] {strides = array<i32>} : memref<64x128xf32, #tpu.memory_space<vmem>>, vector<16xf32>,
          %mul3A_561 = arith.mulf %get3A_560, %gather3A : vector<16xf32>
          %swap3A_562 = arith.index_cast %scan3A_518 : i32 to index
          %swap3A_563 = arith.constant 80 : index
          %swap3A_564 = tpu.vector_load %arg15[%swap3A_562, %swap3A_563] {strides = array<i32>} : memref<64x128xf32, #tpu.memory_space<vmem>>, vector<16xf32>,
          tpu.vector_store %arg15[%swap3A_562, %swap3A_563], %mul3A_561 {strides = array<i32>} : memref<64x128xf32, #tpu.memory_space<vmem>>, vector<16xf32>,
          %get3A_565 = arith.index_cast %scan3A_518 : i32 to index
          %get3A_566 = arith.constant 96 : index
          %get3A_567 = tpu.vector_load %arg15[%get3A_565, %get3A_566] {strides = array<i32>} : memref<64x128xf32, #tpu.memory_space<vmem>>, vector<16xf32>,
          %mul3A_568 = arith.mulf %get3A_567, %gather3A : vector<16xf32>
          %swap3A_569 = arith.index_cast %scan3A_518 : i32 to index
          %swap3A_570 = arith.constant 96 : index
          %swap3A_571 = tpu.vector_load %arg15[%swap3A_569, %swap3A_570] {strides = array<i32>} : memref<64x128xf32, #tpu.memory_space<vmem>>, vector<16xf32>,
          tpu.vector_store %arg15[%swap3A_569, %swap3A_570], %mul3A_568 {strides = array<i32>} : memref<64x128xf32, #tpu.memory_space<vmem>>, vector<16xf32>,
          %get3A_572 = arith.index_cast %scan3A_518 : i32 to index
          %get3A_573 = arith.constant 112 : index
          %get3A_574 = tpu.vector_load %arg15[%get3A_572, %get3A_573] {strides = array<i32>} : memref<64x128xf32, #tpu.memory_space<vmem>>, vector<16xf32>,
          %mul3A_575 = arith.mulf %get3A_574, %gather3A : vector<16xf32>
          %swap3A_576 = arith.index_cast %scan3A_518 : i32 to index
          %swap3A_577 = arith.constant 112 : index
          %swap3A_578 = tpu.vector_load %arg15[%swap3A_576, %swap3A_577] {strides = array<i32>} : memref<64x128xf32, #tpu.memory_space<vmem>>, vector<16xf32>,
          tpu.vector_store %arg15[%swap3A_576, %swap3A_577], %mul3A_575 {strides = array<i32>} : memref<64x128xf32, #tpu.memory_space<vmem>>, vector<16xf32>,
          %scan3A_579 = arith.constant 0 : i32
          scf.yield %scan3A_579 : i32
        }
        %scan3A_448 = arith.constant 64 : i32
        %add3A_449 = arith.constant 1 : i32
        %add3A_450 = arith.addi %mul3A_395, %add3A_449 : i32
        %mul3A_451 = arith.constant 64 : i32
        %mul3A_452 = arith.muli %add3A_450, %mul3A_451 : i32
        %dma_start3A_453 = tpu.memref_slice %arg9[%mul3A_452] : memref<2048xi32, #tpu.memory_space<vmem>> -> memref<64xi32, #tpu.memory_space<vmem>>
        %dma_start3A_454 = arith.constant 0 : i32
        %dma_start3A_455 = arith.constant 0 : i32
        %dma_start3A_456 = tpu.memref_slice %arg22[%dma_start3A_454, %dma_start3A_455] : memref<10240x128xf32, #tpu.memory_space<vmem_shared>> -> memref<10240x128xf32, #tpu.memory_space<vmem_shared>>
        tpu.enqueue_indirect_dma source(%arg15 : memref<64x128xf32, #tpu.memory_space<vmem>>) target(%dma_start3A_456 : memref<10240x128xf32, #tpu.memory_space<vmem_shared>>) offsets(%dma_start3A_453 : memref<64xi32, #tpu.memory_space<vmem>>) semaphore(%arg28 : memref<!tpu.dma_semaphore, #tpu.memory_space<semaphore_mem>>) {add = true}
        %lt3A_457 = arith.constant 7 : i32
        %lt3A_458 = arith.cmpi slt, %scan3A_392, %lt3A_457 : i32
        %convert_element_type3A_459 = arith.extui %lt3A_458 : i1 to i32
        %cond3A_460 = arith.constant 0 : i32
        %cond3A_461 = arith.cmpi ne, %convert_element_type3A_459, %cond3A_460 : i32
        scf.if %cond3A_461 {
          %add3A_518 = arith.constant 2 : i32
          %add3A_519 = arith.addi %mul3A_395, %add3A_518 : i32
          %sub3A = arith.constant 1 : i32
          %sub3A_520 = arith.subi %add3A_519, %sub3A : i32
          %mul3A_521 = arith.constant 64 : i32
          %mul3A_522 = arith.muli %sub3A_520, %mul3A_521 : i32
          %dma_wait3A_523 = tpu.memref_slice %arg9[%mul3A_522] : memref<2048xi32, #tpu.memory_space<vmem>> -> memref<64xi32, #tpu.memory_space<vmem>>
          %dma_wait3A_524 = arith.constant 0 : i32
          %dma_wait3A_525 = arith.constant 0 : i32
          %dma_wait3A_526 = tpu.memref_slice %arg22[%dma_wait3A_524, %dma_wait3A_525] : memref<10240x128xf32, #tpu.memory_space<vmem_shared>> -> memref<10240x128xf32, #tpu.memory_space<vmem_shared>>
          tpu.wait_indirect_dma semaphore(%arg28 : memref<!tpu.dma_semaphore, #tpu.memory_space<semaphore_mem>>) src(%arg15 : memref<64x128xf32, #tpu.memory_space<vmem>>) dst(%dma_wait3A_526 : memref<10240x128xf32, #tpu.memory_space<vmem_shared>>)
          %add3A_527 = arith.constant 3 : i32
          %add3A_528 = arith.addi %mul3A_395, %add3A_527 : i32
          %add3A_529 = arith.constant 2 : i32
          %add3A_530 = arith.addi %add3A_528, %add3A_529 : i32
          %mul3A_531 = arith.constant 64 : i32
          %mul3A_532 = arith.muli %add3A_530, %mul3A_531 : i32
          %dma_start3A_533 = tpu.memref_slice %arg8[%mul3A_532] : memref<2048xi32, #tpu.memory_space<vmem>> -> memref<64xi32, #tpu.memory_space<vmem>>
          %dma_start3A_534 = arith.constant 0 : i32
          %dma_start3A_535 = arith.constant 0 : i32
          %dma_start3A_536 = tpu.memref_slice %arg2[%dma_start3A_534, %dma_start3A_535] : memref<20480x128xf32, #tpu.memory_space<hbm>> -> memref<20480x128xf32, #tpu.memory_space<hbm>>
          tpu.enqueue_indirect_dma source(%dma_start3A_536 : memref<20480x128xf32, #tpu.memory_space<hbm>>) target(%arg15 : memref<64x128xf32, #tpu.memory_space<vmem>>) offsets(%dma_start3A_533 : memref<64xi32, #tpu.memory_space<vmem>>) semaphore(%arg24 : memref<!tpu.dma_semaphore, #tpu.memory_space<semaphore_mem>>)
        } else {
        }
        %add3A_462 = arith.constant 2 : i32
        %add3A_463 = arith.addi %mul3A_395, %add3A_462 : i32
        %mul3A_464 = arith.constant 64 : i32
        %mul3A_465 = arith.muli %add3A_463, %mul3A_464 : i32
        %dma_wait3A_466 = tpu.memref_slice %arg8[%mul3A_465] : memref<2048xi32, #tpu.memory_space<vmem>> -> memref<64xi32, #tpu.memory_space<vmem>>
        %dma_wait3A_467 = arith.constant 0 : i32
        %dma_wait3A_468 = arith.constant 0 : i32
        %dma_wait3A_469 = tpu.memref_slice %arg2[%dma_wait3A_467, %dma_wait3A_468] : memref<20480x128xf32, #tpu.memory_space<hbm>> -> memref<20480x128xf32, #tpu.memory_space<hbm>>
        tpu.wait_indirect_dma semaphore(%arg25 : memref<!tpu.dma_semaphore, #tpu.memory_space<semaphore_mem>>) src(%dma_wait3A_469 : memref<20480x128xf32, #tpu.memory_space<hbm>>) dst(%arg16 : memref<64x128xf32, #tpu.memory_space<vmem>>)
        %add3A_470 = arith.constant 2 : i32
        %add3A_471 = arith.addi %mul3A_395, %add3A_470 : i32
        %scan3A_472 = arith.constant 0 : i32
        %scan3A_473 = arith.constant 0 : i32
        %scan3A_474 = arith.constant 64 : i32
        %scan3A_475 = arith.addi %scan3A_473, %scan3A_474 : i32
        %scan3A_476 = arith.constant 1 : i32
        %scan3A_477 = scf.for %scan3A_518 = %scan3A_473 to %scan3A_475 step %scan3A_476 iter_args(%scan3A_519 = %scan3A_472) -> (i32)  : i32 {
          %mul3A_520 = arith.constant 64 : i32
          %mul3A_521 = arith.muli %add3A_471, %mul3A_520 : i32
          %broadcast_in_dim3A_522 = vector.broadcast %mul3A_521 : i32 to vector<16xi32>
          %add3A_523 = vector.broadcast %scan3A_518 : i32 to vector<16xi32>
          %add3A_524 = arith.addi %broadcast_in_dim3A_522, %add3A_523 : vector<16xi32>
          %gather3A = tpu.vector_load_idx %arg13[%add3A_524] : memref<2048xf32, #tpu.memory_space<vmem>>[vector<16xi32>], vector<16xf32>,
          %get3A = arith.index_cast %scan3A_518 : i32 to index
          %get3A_525 = arith.constant 0 : index
          %get3A_526 = tpu.vector_load %arg16[%get3A, %get3A_525] {strides = array<i32>} : memref<64x128xf32, #tpu.memory_space<vmem>>, vector<16xf32>,
          %mul3A_527 = arith.mulf %get3A_526, %gather3A : vector<16xf32>
          %swap3A = arith.index_cast %scan3A_518 : i32 to index
          %swap3A_528 = arith.constant 0 : index
          %swap3A_529 = tpu.vector_load %arg16[%swap3A, %swap3A_528] {strides = array<i32>} : memref<64x128xf32, #tpu.memory_space<vmem>>, vector<16xf32>,
          tpu.vector_store %arg16[%swap3A, %swap3A_528], %mul3A_527 {strides = array<i32>} : memref<64x128xf32, #tpu.memory_space<vmem>>, vector<16xf32>,
          %get3A_530 = arith.index_cast %scan3A_518 : i32 to index
          %get3A_531 = arith.constant 16 : index
          %get3A_532 = tpu.vector_load %arg16[%get3A_530, %get3A_531] {strides = array<i32>} : memref<64x128xf32, #tpu.memory_space<vmem>>, vector<16xf32>,
          %mul3A_533 = arith.mulf %get3A_532, %gather3A : vector<16xf32>
          %swap3A_534 = arith.index_cast %scan3A_518 : i32 to index
          %swap3A_535 = arith.constant 16 : index
          %swap3A_536 = tpu.vector_load %arg16[%swap3A_534, %swap3A_535] {strides = array<i32>} : memref<64x128xf32, #tpu.memory_space<vmem>>, vector<16xf32>,
          tpu.vector_store %arg16[%swap3A_534, %swap3A_535], %mul3A_533 {strides = array<i32>} : memref<64x128xf32, #tpu.memory_space<vmem>>, vector<16xf32>,
          %get3A_537 = arith.index_cast %scan3A_518 : i32 to index
          %get3A_538 = arith.constant 32 : index
          %get3A_539 = tpu.vector_load %arg16[%get3A_537, %get3A_538] {strides = array<i32>} : memref<64x128xf32, #tpu.memory_space<vmem>>, vector<16xf32>,
          %mul3A_540 = arith.mulf %get3A_539, %gather3A : vector<16xf32>
          %swap3A_541 = arith.index_cast %scan3A_518 : i32 to index
          %swap3A_542 = arith.constant 32 : index
          %swap3A_543 = tpu.vector_load %arg16[%swap3A_541, %swap3A_542] {strides = array<i32>} : memref<64x128xf32, #tpu.memory_space<vmem>>, vector<16xf32>,
          tpu.vector_store %arg16[%swap3A_541, %swap3A_542], %mul3A_540 {strides = array<i32>} : memref<64x128xf32, #tpu.memory_space<vmem>>, vector<16xf32>,
          %get3A_544 = arith.index_cast %scan3A_518 : i32 to index
          %get3A_545 = arith.constant 48 : index
          %get3A_546 = tpu.vector_load %arg16[%get3A_544, %get3A_545] {strides = array<i32>} : memref<64x128xf32, #tpu.memory_space<vmem>>, vector<16xf32>,
          %mul3A_547 = arith.mulf %get3A_546, %gather3A : vector<16xf32>
          %swap3A_548 = arith.index_cast %scan3A_518 : i32 to index
          %swap3A_549 = arith.constant 48 : index
          %swap3A_550 = tpu.vector_load %arg16[%swap3A_548, %swap3A_549] {strides = array<i32>} : memref<64x128xf32, #tpu.memory_space<vmem>>, vector<16xf32>,
          tpu.vector_store %arg16[%swap3A_548, %swap3A_549], %mul3A_547 {strides = array<i32>} : memref<64x128xf32, #tpu.memory_space<vmem>>, vector<16xf32>,
          %get3A_551 = arith.index_cast %scan3A_518 : i32 to index
          %get3A_552 = arith.constant 64 : index
          %get3A_553 = tpu.vector_load %arg16[%get3A_551, %get3A_552] {strides = array<i32>} : memref<64x128xf32, #tpu.memory_space<vmem>>, vector<16xf32>,
          %mul3A_554 = arith.mulf %get3A_553, %gather3A : vector<16xf32>
          %swap3A_555 = arith.index_cast %scan3A_518 : i32 to index
          %swap3A_556 = arith.constant 64 : index
          %swap3A_557 = tpu.vector_load %arg16[%swap3A_555, %swap3A_556] {strides = array<i32>} : memref<64x128xf32, #tpu.memory_space<vmem>>, vector<16xf32>,
          tpu.vector_store %arg16[%swap3A_555, %swap3A_556], %mul3A_554 {strides = array<i32>} : memref<64x128xf32, #tpu.memory_space<vmem>>, vector<16xf32>,
          %get3A_558 = arith.index_cast %scan3A_518 : i32 to index
          %get3A_559 = arith.constant 80 : index
          %get3A_560 = tpu.vector_load %arg16[%get3A_558, %get3A_559] {strides = array<i32>} : memref<64x128xf32, #tpu.memory_space<vmem>>, vector<16xf32>,
          %mul3A_561 = arith.mulf %get3A_560, %gather3A : vector<16xf32>
          %swap3A_562 = arith.index_cast %scan3A_518 : i32 to index
          %swap3A_563 = arith.constant 80 : index
          %swap3A_564 = tpu.vector_load %arg16[%swap3A_562, %swap3A_563] {strides = array<i32>} : memref<64x128xf32, #tpu.memory_space<vmem>>, vector<16xf32>,
          tpu.vector_store %arg16[%swap3A_562, %swap3A_563], %mul3A_561 {strides = array<i32>} : memref<64x128xf32, #tpu.memory_space<vmem>>, vector<16xf32>,
          %get3A_565 = arith.index_cast %scan3A_518 : i32 to index
          %get3A_566 = arith.constant 96 : index
          %get3A_567 = tpu.vector_load %arg16[%get3A_565, %get3A_566] {strides = array<i32>} : memref<64x128xf32, #tpu.memory_space<vmem>>, vector<16xf32>,
          %mul3A_568 = arith.mulf %get3A_567, %gather3A : vector<16xf32>
          %swap3A_569 = arith.index_cast %scan3A_518 : i32 to index
          %swap3A_570 = arith.constant 96 : index
          %swap3A_571 = tpu.vector_load %arg16[%swap3A_569, %swap3A_570] {strides = array<i32>} : memref<64x128xf32, #tpu.memory_space<vmem>>, vector<16xf32>,
          tpu.vector_store %arg16[%swap3A_569, %swap3A_570], %mul3A_568 {strides = array<i32>} : memref<64x128xf32, #tpu.memory_space<vmem>>, vector<16xf32>,
          %get3A_572 = arith.index_cast %scan3A_518 : i32 to index
          %get3A_573 = arith.constant 112 : index
          %get3A_574 = tpu.vector_load %arg16[%get3A_572, %get3A_573] {strides = array<i32>} : memref<64x128xf32, #tpu.memory_space<vmem>>, vector<16xf32>,
          %mul3A_575 = arith.mulf %get3A_574, %gather3A : vector<16xf32>
          %swap3A_576 = arith.index_cast %scan3A_518 : i32 to index
          %swap3A_577 = arith.constant 112 : index
          %swap3A_578 = tpu.vector_load %arg16[%swap3A_576, %swap3A_577] {strides = array<i32>} : memref<64x128xf32, #tpu.memory_space<vmem>>, vector<16xf32>,
          tpu.vector_store %arg16[%swap3A_576, %swap3A_577], %mul3A_575 {strides = array<i32>} : memref<64x128xf32, #tpu.memory_space<vmem>>, vector<16xf32>,
          %scan3A_579 = arith.constant 0 : i32
          scf.yield %scan3A_579 : i32
        }
        %scan3A_478 = arith.constant 64 : i32
        %add3A_479 = arith.constant 2 : i32
        %add3A_480 = arith.addi %mul3A_395, %add3A_479 : i32
        %mul3A_481 = arith.constant 64 : i32
        %mul3A_482 = arith.muli %add3A_480, %mul3A_481 : i32
        %dma_start3A_483 = tpu.memref_slice %arg9[%mul3A_482] : memref<2048xi32, #tpu.memory_space<vmem>> -> memref<64xi32, #tpu.memory_space<vmem>>
        %dma_start3A_484 = arith.constant 0 : i32
        %dma_start3A_485 = arith.constant 0 : i32
        %dma_start3A_486 = tpu.memref_slice %arg22[%dma_start3A_484, %dma_start3A_485] : memref<10240x128xf32, #tpu.memory_space<vmem_shared>> -> memref<10240x128xf32, #tpu.memory_space<vmem_shared>>
        tpu.enqueue_indirect_dma source(%arg16 : memref<64x128xf32, #tpu.memory_space<vmem>>) target(%dma_start3A_486 : memref<10240x128xf32, #tpu.memory_space<vmem_shared>>) offsets(%dma_start3A_483 : memref<64xi32, #tpu.memory_space<vmem>>) semaphore(%arg29 : memref<!tpu.dma_semaphore, #tpu.memory_space<semaphore_mem>>) {add = true}
        %lt3A_487 = arith.constant 7 : i32
        %lt3A_488 = arith.cmpi slt, %scan3A_392, %lt3A_487 : i32
        %convert_element_type3A_489 = arith.extui %lt3A_488 : i1 to i32
        %cond3A_490 = arith.constant 0 : i32
        %cond3A_491 = arith.cmpi ne, %convert_element_type3A_489, %cond3A_490 : i32
        scf.if %cond3A_491 {
          %add3A_518 = arith.constant 3 : i32
          %add3A_519 = arith.addi %mul3A_395, %add3A_518 : i32
          %sub3A = arith.constant 1 : i32
          %sub3A_520 = arith.subi %add3A_519, %sub3A : i32
          %mul3A_521 = arith.constant 64 : i32
          %mul3A_522 = arith.muli %sub3A_520, %mul3A_521 : i32
          %dma_wait3A_523 = tpu.memref_slice %arg9[%mul3A_522] : memref<2048xi32, #tpu.memory_space<vmem>> -> memref<64xi32, #tpu.memory_space<vmem>>
          %dma_wait3A_524 = arith.constant 0 : i32
          %dma_wait3A_525 = arith.constant 0 : i32
          %dma_wait3A_526 = tpu.memref_slice %arg22[%dma_wait3A_524, %dma_wait3A_525] : memref<10240x128xf32, #tpu.memory_space<vmem_shared>> -> memref<10240x128xf32, #tpu.memory_space<vmem_shared>>
          tpu.wait_indirect_dma semaphore(%arg29 : memref<!tpu.dma_semaphore, #tpu.memory_space<semaphore_mem>>) src(%arg16 : memref<64x128xf32, #tpu.memory_space<vmem>>) dst(%dma_wait3A_526 : memref<10240x128xf32, #tpu.memory_space<vmem_shared>>)
          %add3A_527 = arith.constant 3 : i32
          %add3A_528 = arith.addi %mul3A_395, %add3A_527 : i32
          %add3A_529 = arith.constant 3 : i32
          %add3A_530 = arith.addi %add3A_528, %add3A_529 : i32
          %mul3A_531 = arith.constant 64 : i32
          %mul3A_532 = arith.muli %add3A_530, %mul3A_531 : i32
          %dma_start3A_533 = tpu.memref_slice %arg8[%mul3A_532] : memref<2048xi32, #tpu.memory_space<vmem>> -> memref<64xi32, #tpu.memory_space<vmem>>
          %dma_start3A_534 = arith.constant 0 : i32
          %dma_start3A_535 = arith.constant 0 : i32
          %dma_start3A_536 = tpu.memref_slice %arg2[%dma_start3A_534, %dma_start3A_535] : memref<20480x128xf32, #tpu.memory_space<hbm>> -> memref<20480x128xf32, #tpu.memory_space<hbm>>
          tpu.enqueue_indirect_dma source(%dma_start3A_536 : memref<20480x128xf32, #tpu.memory_space<hbm>>) target(%arg16 : memref<64x128xf32, #tpu.memory_space<vmem>>) offsets(%dma_start3A_533 : memref<64xi32, #tpu.memory_space<vmem>>) semaphore(%arg25 : memref<!tpu.dma_semaphore, #tpu.memory_space<semaphore_mem>>)
        } else {
        }
        %add3A_492 = arith.constant 3 : i32
        %add3A_493 = arith.addi %mul3A_395, %add3A_492 : i32
        %mul3A_494 = arith.constant 64 : i32
        %mul3A_495 = arith.muli %add3A_493, %mul3A_494 : i32
        %dma_wait3A_496 = tpu.memref_slice %arg8[%mul3A_495] : memref<2048xi32, #tpu.memory_space<vmem>> -> memref<64xi32, #tpu.memory_space<vmem>>
        %dma_wait3A_497 = arith.constant 0 : i32
        %dma_wait3A_498 = arith.constant 0 : i32
        %dma_wait3A_499 = tpu.memref_slice %arg2[%dma_wait3A_497, %dma_wait3A_498] : memref<20480x128xf32, #tpu.memory_space<hbm>> -> memref<20480x128xf32, #tpu.memory_space<hbm>>
        tpu.wait_indirect_dma semaphore(%arg26 : memref<!tpu.dma_semaphore, #tpu.memory_space<semaphore_mem>>) src(%dma_wait3A_499 : memref<20480x128xf32, #tpu.memory_space<hbm>>) dst(%arg17 : memref<64x128xf32, #tpu.memory_space<vmem>>)
        %add3A_500 = arith.constant 3 : i32
        %add3A_501 = arith.addi %mul3A_395, %add3A_500 : i32
        %scan3A_502 = arith.constant 0 : i32
        %scan3A_503 = arith.constant 0 : i32
        %scan3A_504 = arith.constant 64 : i32
        %scan3A_505 = arith.addi %scan3A_503, %scan3A_504 : i32
        %scan3A_506 = arith.constant 1 : i32
        %scan3A_507 = scf.for %scan3A_518 = %scan3A_503 to %scan3A_505 step %scan3A_506 iter_args(%scan3A_519 = %scan3A_502) -> (i32)  : i32 {
          %mul3A_520 = arith.constant 64 : i32
          %mul3A_521 = arith.muli %add3A_501, %mul3A_520 : i32
          %broadcast_in_dim3A_522 = vector.broadcast %mul3A_521 : i32 to vector<16xi32>
          %add3A_523 = vector.broadcast %scan3A_518 : i32 to vector<16xi32>
          %add3A_524 = arith.addi %broadcast_in_dim3A_522, %add3A_523 : vector<16xi32>
          %gather3A = tpu.vector_load_idx %arg13[%add3A_524] : memref<2048xf32, #tpu.memory_space<vmem>>[vector<16xi32>], vector<16xf32>,
          %get3A = arith.index_cast %scan3A_518 : i32 to index
          %get3A_525 = arith.constant 0 : index
          %get3A_526 = tpu.vector_load %arg17[%get3A, %get3A_525] {strides = array<i32>} : memref<64x128xf32, #tpu.memory_space<vmem>>, vector<16xf32>,
          %mul3A_527 = arith.mulf %get3A_526, %gather3A : vector<16xf32>
          %swap3A = arith.index_cast %scan3A_518 : i32 to index
          %swap3A_528 = arith.constant 0 : index
          %swap3A_529 = tpu.vector_load %arg17[%swap3A, %swap3A_528] {strides = array<i32>} : memref<64x128xf32, #tpu.memory_space<vmem>>, vector<16xf32>,
          tpu.vector_store %arg17[%swap3A, %swap3A_528], %mul3A_527 {strides = array<i32>} : memref<64x128xf32, #tpu.memory_space<vmem>>, vector<16xf32>,
          %get3A_530 = arith.index_cast %scan3A_518 : i32 to index
          %get3A_531 = arith.constant 16 : index
          %get3A_532 = tpu.vector_load %arg17[%get3A_530, %get3A_531] {strides = array<i32>} : memref<64x128xf32, #tpu.memory_space<vmem>>, vector<16xf32>,
          %mul3A_533 = arith.mulf %get3A_532, %gather3A : vector<16xf32>
          %swap3A_534 = arith.index_cast %scan3A_518 : i32 to index
          %swap3A_535 = arith.constant 16 : index
          %swap3A_536 = tpu.vector_load %arg17[%swap3A_534, %swap3A_535] {strides = array<i32>} : memref<64x128xf32, #tpu.memory_space<vmem>>, vector<16xf32>,
          tpu.vector_store %arg17[%swap3A_534, %swap3A_535], %mul3A_533 {strides = array<i32>} : memref<64x128xf32, #tpu.memory_space<vmem>>, vector<16xf32>,
          %get3A_537 = arith.index_cast %scan3A_518 : i32 to index
          %get3A_538 = arith.constant 32 : index
          %get3A_539 = tpu.vector_load %arg17[%get3A_537, %get3A_538] {strides = array<i32>} : memref<64x128xf32, #tpu.memory_space<vmem>>, vector<16xf32>,
          %mul3A_540 = arith.mulf %get3A_539, %gather3A : vector<16xf32>
          %swap3A_541 = arith.index_cast %scan3A_518 : i32 to index
          %swap3A_542 = arith.constant 32 : index
          %swap3A_543 = tpu.vector_load %arg17[%swap3A_541, %swap3A_542] {strides = array<i32>} : memref<64x128xf32, #tpu.memory_space<vmem>>, vector<16xf32>,
          tpu.vector_store %arg17[%swap3A_541, %swap3A_542], %mul3A_540 {strides = array<i32>} : memref<64x128xf32, #tpu.memory_space<vmem>>, vector<16xf32>,
          %get3A_544 = arith.index_cast %scan3A_518 : i32 to index
          %get3A_545 = arith.constant 48 : index
          %get3A_546 = tpu.vector_load %arg17[%get3A_544, %get3A_545] {strides = array<i32>} : memref<64x128xf32, #tpu.memory_space<vmem>>, vector<16xf32>,
          %mul3A_547 = arith.mulf %get3A_546, %gather3A : vector<16xf32>
          %swap3A_548 = arith.index_cast %scan3A_518 : i32 to index
          %swap3A_549 = arith.constant 48 : index
          %swap3A_550 = tpu.vector_load %arg17[%swap3A_548, %swap3A_549] {strides = array<i32>} : memref<64x128xf32, #tpu.memory_space<vmem>>, vector<16xf32>,
          tpu.vector_store %arg17[%swap3A_548, %swap3A_549], %mul3A_547 {strides = array<i32>} : memref<64x128xf32, #tpu.memory_space<vmem>>, vector<16xf32>,
          %get3A_551 = arith.index_cast %scan3A_518 : i32 to index
          %get3A_552 = arith.constant 64 : index
          %get3A_553 = tpu.vector_load %arg17[%get3A_551, %get3A_552] {strides = array<i32>} : memref<64x128xf32, #tpu.memory_space<vmem>>, vector<16xf32>,
          %mul3A_554 = arith.mulf %get3A_553, %gather3A : vector<16xf32>
          %swap3A_555 = arith.index_cast %scan3A_518 : i32 to index
          %swap3A_556 = arith.constant 64 : index
          %swap3A_557 = tpu.vector_load %arg17[%swap3A_555, %swap3A_556] {strides = array<i32>} : memref<64x128xf32, #tpu.memory_space<vmem>>, vector<16xf32>,
          tpu.vector_store %arg17[%swap3A_555, %swap3A_556], %mul3A_554 {strides = array<i32>} : memref<64x128xf32, #tpu.memory_space<vmem>>, vector<16xf32>,
          %get3A_558 = arith.index_cast %scan3A_518 : i32 to index
          %get3A_559 = arith.constant 80 : index
          %get3A_560 = tpu.vector_load %arg17[%get3A_558, %get3A_559] {strides = array<i32>} : memref<64x128xf32, #tpu.memory_space<vmem>>, vector<16xf32>,
          %mul3A_561 = arith.mulf %get3A_560, %gather3A : vector<16xf32>
          %swap3A_562 = arith.index_cast %scan3A_518 : i32 to index
          %swap3A_563 = arith.constant 80 : index
          %swap3A_564 = tpu.vector_load %arg17[%swap3A_562, %swap3A_563] {strides = array<i32>} : memref<64x128xf32, #tpu.memory_space<vmem>>, vector<16xf32>,
          tpu.vector_store %arg17[%swap3A_562, %swap3A_563], %mul3A_561 {strides = array<i32>} : memref<64x128xf32, #tpu.memory_space<vmem>>, vector<16xf32>,
          %get3A_565 = arith.index_cast %scan3A_518 : i32 to index
          %get3A_566 = arith.constant 96 : index
          %get3A_567 = tpu.vector_load %arg17[%get3A_565, %get3A_566] {strides = array<i32>} : memref<64x128xf32, #tpu.memory_space<vmem>>, vector<16xf32>,
          %mul3A_568 = arith.mulf %get3A_567, %gather3A : vector<16xf32>
          %swap3A_569 = arith.index_cast %scan3A_518 : i32 to index
          %swap3A_570 = arith.constant 96 : index
          %swap3A_571 = tpu.vector_load %arg17[%swap3A_569, %swap3A_570] {strides = array<i32>} : memref<64x128xf32, #tpu.memory_space<vmem>>, vector<16xf32>,
          tpu.vector_store %arg17[%swap3A_569, %swap3A_570], %mul3A_568 {strides = array<i32>} : memref<64x128xf32, #tpu.memory_space<vmem>>, vector<16xf32>,
          %get3A_572 = arith.index_cast %scan3A_518 : i32 to index
          %get3A_573 = arith.constant 112 : index
          %get3A_574 = tpu.vector_load %arg17[%get3A_572, %get3A_573] {strides = array<i32>} : memref<64x128xf32, #tpu.memory_space<vmem>>, vector<16xf32>,
          %mul3A_575 = arith.mulf %get3A_574, %gather3A : vector<16xf32>
          %swap3A_576 = arith.index_cast %scan3A_518 : i32 to index
          %swap3A_577 = arith.constant 112 : index
          %swap3A_578 = tpu.vector_load %arg17[%swap3A_576, %swap3A_577] {strides = array<i32>} : memref<64x128xf32, #tpu.memory_space<vmem>>, vector<16xf32>,
          tpu.vector_store %arg17[%swap3A_576, %swap3A_577], %mul3A_575 {strides = array<i32>} : memref<64x128xf32, #tpu.memory_space<vmem>>, vector<16xf32>,
          %scan3A_579 = arith.constant 0 : i32
          scf.yield %scan3A_579 : i32
        }
        %scan3A_508 = arith.constant 64 : i32
        %add3A_509 = arith.constant 3 : i32
        %add3A_510 = arith.addi %mul3A_395, %add3A_509 : i32
        %mul3A_511 = arith.constant 64 : i32
        %mul3A_512 = arith.muli %add3A_510, %mul3A_511 : i32
        %dma_start3A_513 = tpu.memref_slice %arg9[%mul3A_512] : memref<2048xi32, #tpu.memory_space<vmem>> -> memref<64xi32, #tpu.memory_space<vmem>>
        %dma_start3A_514 = arith.constant 0 : i32
        %dma_start3A_515 = arith.constant 0 : i32
        %dma_start3A_516 = tpu.memref_slice %arg22[%dma_start3A_514, %dma_start3A_515] : memref<10240x128xf32, #tpu.memory_space<vmem_shared>> -> memref<10240x128xf32, #tpu.memory_space<vmem_shared>>
        tpu.enqueue_indirect_dma source(%arg17 : memref<64x128xf32, #tpu.memory_space<vmem>>) target(%dma_start3A_516 : memref<10240x128xf32, #tpu.memory_space<vmem_shared>>) offsets(%dma_start3A_513 : memref<64xi32, #tpu.memory_space<vmem>>) semaphore(%arg30 : memref<!tpu.dma_semaphore, #tpu.memory_space<semaphore_mem>>) {add = true}
        %scan3A_517 = arith.constant 0 : i32
        scf.yield %scan3A_517 : i32
      }
      %scan3A_292 = arith.constant 8 : i32
      %dma_wait3A_293 = arith.constant 1792 : i32
      %dma_wait3A_294 = tpu.memref_slice %arg9[%dma_wait3A_293] : memref<2048xi32, #tpu.memory_space<vmem>> -> memref<64xi32, #tpu.memory_space<vmem>>
      %dma_wait3A_295 = arith.constant 0 : i32
      %dma_wait3A_296 = arith.constant 0 : i32
      %dma_wait3A_297 = tpu.memref_slice %arg22[%dma_wait3A_295, %dma_wait3A_296] : memref<10240x128xf32, #tpu.memory_space<vmem_shared>> -> memref<10240x128xf32, #tpu.memory_space<vmem_shared>>
      tpu.wait_indirect_dma semaphore(%arg27 : memref<!tpu.dma_semaphore, #tpu.memory_space<semaphore_mem>>) src(%arg14 : memref<64x128xf32, #tpu.memory_space<vmem>>) dst(%dma_wait3A_297 : memref<10240x128xf32, #tpu.memory_space<vmem_shared>>)
      %dma_wait3A_298 = arith.constant 1856 : i32
      %dma_wait3A_299 = tpu.memref_slice %arg9[%dma_wait3A_298] : memref<2048xi32, #tpu.memory_space<vmem>> -> memref<64xi32, #tpu.memory_space<vmem>>
      %dma_wait3A_300 = arith.constant 0 : i32
      %dma_wait3A_301 = arith.constant 0 : i32
      %dma_wait3A_302 = tpu.memref_slice %arg22[%dma_wait3A_300, %dma_wait3A_301] : memref<10240x128xf32, #tpu.memory_space<vmem_shared>> -> memref<10240x128xf32, #tpu.memory_space<vmem_shared>>
      tpu.wait_indirect_dma semaphore(%arg28 : memref<!tpu.dma_semaphore, #tpu.memory_space<semaphore_mem>>) src(%arg15 : memref<64x128xf32, #tpu.memory_space<vmem>>) dst(%dma_wait3A_302 : memref<10240x128xf32, #tpu.memory_space<vmem_shared>>)
      %dma_wait3A_303 = arith.constant 1920 : i32
      %dma_wait3A_304 = tpu.memref_slice %arg9[%dma_wait3A_303] : memref<2048xi32, #tpu.memory_space<vmem>> -> memref<64xi32, #tpu.memory_space<vmem>>
      %dma_wait3A_305 = arith.constant 0 : i32
      %dma_wait3A_306 = arith.constant 0 : i32
      %dma_wait3A_307 = tpu.memref_slice %arg22[%dma_wait3A_305, %dma_wait3A_306] : memref<10240x128xf32, #tpu.memory_space<vmem_shared>> -> memref<10240x128xf32, #tpu.memory_space<vmem_shared>>
      tpu.wait_indirect_dma semaphore(%arg29 : memref<!tpu.dma_semaphore, #tpu.memory_space<semaphore_mem>>) src(%arg16 : memref<64x128xf32, #tpu.memory_space<vmem>>) dst(%dma_wait3A_307 : memref<10240x128xf32, #tpu.memory_space<vmem_shared>>)
      %dma_wait3A_308 = arith.constant 1984 : i32
      %dma_wait3A_309 = tpu.memref_slice %arg9[%dma_wait3A_308] : memref<2048xi32, #tpu.memory_space<vmem>> -> memref<64xi32, #tpu.memory_space<vmem>>
      %dma_wait3A_310 = arith.constant 0 : i32
      %dma_wait3A_311 = arith.constant 0 : i32
      %dma_wait3A_312 = tpu.memref_slice %arg22[%dma_wait3A_310, %dma_wait3A_311] : memref<10240x128xf32, #tpu.memory_space<vmem_shared>> -> memref<10240x128xf32, #tpu.memory_space<vmem_shared>>
      tpu.wait_indirect_dma semaphore(%arg30 : memref<!tpu.dma_semaphore, #tpu.memory_space<semaphore_mem>>) src(%arg17 : memref<64x128xf32, #tpu.memory_space<vmem>>) dst(%dma_wait3A_312 : memref<10240x128xf32, #tpu.memory_space<vmem_shared>>)
      %dma_wait3A_313 = arith.constant 0 : i32
      %dma_wait3A_314 = tpu.memref_slice %arg21[%dma_wait3A_313] : memref<10240xf32, #tpu.memory_space<vmem_shared>> -> memref<10240xf32, #tpu.memory_space<vmem_shared>>
      tpu.wait_indirect_dma semaphore(%arg33 : memref<!tpu.dma_semaphore, #tpu.memory_space<semaphore_mem>>) src(%arg13 : memref<2048xf32, #tpu.memory_space<vmem>>) dst(%dma_wait3A_314 : memref<10240xf32, #tpu.memory_space<vmem_shared>>)
      %mul3A_315 = arith.constant 2 : i32
      %mul3A_316 = arith.muli %mul3A_315, %scan3A_243 : i32
      %add3A_317 = arith.constant 1 : i32
      %add3A_318 = arith.addi %mul3A_316, %add3A_317 : i32
      %mul3A_319 = arith.constant 2048 : i32
      %mul3A_320 = arith.muli %add3A_318, %mul3A_319 : i32
      %dma_wait3A_321 = tpu.memref_slice %arg5[%arg0, %arg1, %mul3A_320] : memref<2x16x20480xi32, #tpu.memory_space<hbm>> -> memref<1x1x2048xi32, #tpu.memory_space<hbm>>
      %dma_wait3A_322 = tpu.memref_squeeze %dma_wait3A_321 : memref<1x1x2048xi32, #tpu.memory_space<hbm>> -> memref<2048xi32, #tpu.memory_space<hbm>>
      %dma_wait3A_323 = tpu.memref_slice %arg5[%arg0, %arg1, %mul3A_320] : memref<2x16x20480xi32, #tpu.memory_space<hbm>> -> memref<1x1x2048xi32, #tpu.memory_space<hbm>>
      %dma_wait3A_324 = tpu.memref_squeeze %dma_wait3A_323 : memref<1x1x2048xi32, #tpu.memory_space<hbm>> -> memref<2048xi32, #tpu.memory_space<hbm>>
      tpu.wait_dma2 semaphore(%arg31 : memref<!tpu.dma_semaphore, #tpu.memory_space<semaphore_mem>>) src(%dma_wait3A_324 : memref<2048xi32, #tpu.memory_space<hbm>>) dst(%arg10 : memref<2048xi32, #tpu.memory_space<vmem>>)
      %mul3A_325 = arith.constant 2048 : i32
      %mul3A_326 = arith.muli %add3A_318, %mul3A_325 : i32
      %dma_wait3A_327 = tpu.memref_slice %arg6[%arg0, %arg1, %mul3A_326] : memref<2x16x20480xi32, #tpu.memory_space<hbm>> -> memref<1x1x2048xi32, #tpu.memory_space<hbm>>
      %dma_wait3A_328 = tpu.memref_squeeze %dma_wait3A_327 : memref<1x1x2048xi32, #tpu.memory_space<hbm>> -> memref<2048xi32, #tpu.memory_space<hbm>>
      %dma_wait3A_329 = tpu.memref_slice %arg6[%arg0, %arg1, %mul3A_326] : memref<2x16x20480xi32, #tpu.memory_space<hbm>> -> memref<1x1x2048xi32, #tpu.memory_space<hbm>>
      %dma_wait3A_330 = tpu.memref_squeeze %dma_wait3A_329 : memref<1x1x2048xi32, #tpu.memory_space<hbm>> -> memref<2048xi32, #tpu.memory_space<hbm>>
      tpu.wait_dma2 semaphore(%arg32 : memref<!tpu.dma_semaphore, #tpu.memory_space<semaphore_mem>>) src(%dma_wait3A_330 : memref<2048xi32, #tpu.memory_space<hbm>>) dst(%arg11 : memref<2048xi32, #tpu.memory_space<vmem>>)
      "tpu.region"() ({
        %run_scoped3A_392 = tpu.sem_alloc : memref<!tpu.dma_semaphore, #tpu.memory_space<semaphore_mem>>
        %dma_start3A_393 = arith.constant 0 : i32
        %dma_start3A_394 = tpu.memref_slice %arg19[%dma_start3A_393] : memref<10240xf32, #tpu.memory_space<vmem_shared>> -> memref<10240xf32, #tpu.memory_space<vmem_shared>>
        tpu.enqueue_indirect_dma source(%dma_start3A_394 : memref<10240xf32, #tpu.memory_space<vmem_shared>>) target(%arg13 : memref<2048xf32, #tpu.memory_space<vmem>>) offsets(%arg10 : memref<2048xi32, #tpu.memory_space<vmem>>) semaphore(%run_scoped3A_392 : memref<!tpu.dma_semaphore, #tpu.memory_space<semaphore_mem>>)
        %dma_wait3A_395 = arith.constant 0 : i32
        %dma_wait3A_396 = tpu.memref_slice %arg19[%dma_wait3A_395] : memref<10240xf32, #tpu.memory_space<vmem_shared>> -> memref<10240xf32, #tpu.memory_space<vmem_shared>>
        tpu.wait_indirect_dma semaphore(%run_scoped3A_392 : memref<!tpu.dma_semaphore, #tpu.memory_space<semaphore_mem>>) src(%dma_wait3A_396 : memref<10240xf32, #tpu.memory_space<vmem_shared>>) dst(%arg13 : memref<2048xf32, #tpu.memory_space<vmem>>)
        tpu.yield
      }) : () -> ()
      "tpu.region"() ({
        %run_scoped3A_392 = tpu.sem_alloc : memref<!tpu.dma_semaphore, #tpu.memory_space<semaphore_mem>>
        %dma_start3A_393 = arith.constant 0 : i32
        %dma_start3A_394 = tpu.memref_slice %arg20[%dma_start3A_393] : memref<10240xf32, #tpu.memory_space<vmem_shared>> -> memref<10240xf32, #tpu.memory_space<vmem_shared>>
        tpu.enqueue_indirect_dma source(%dma_start3A_394 : memref<10240xf32, #tpu.memory_space<vmem_shared>>) target(%arg12 : memref<2048xf32, #tpu.memory_space<vmem>>) offsets(%arg11 : memref<2048xi32, #tpu.memory_space<vmem>>) semaphore(%run_scoped3A_392 : memref<!tpu.dma_semaphore, #tpu.memory_space<semaphore_mem>>)
        %dma_wait3A_395 = arith.constant 0 : i32
        %dma_wait3A_396 = tpu.memref_slice %arg20[%dma_wait3A_395] : memref<10240xf32, #tpu.memory_space<vmem_shared>> -> memref<10240xf32, #tpu.memory_space<vmem_shared>>
        tpu.wait_indirect_dma semaphore(%run_scoped3A_392 : memref<!tpu.dma_semaphore, #tpu.memory_space<semaphore_mem>>) src(%dma_wait3A_396 : memref<10240xf32, #tpu.memory_space<vmem_shared>>) dst(%arg12 : memref<2048xf32, #tpu.memory_space<vmem>>)
        tpu.yield
      }) : () -> ()
      %scan3A_331 = arith.constant 0 : i32
      %scan3A_332 = arith.constant 0 : i32
      %scan3A_333 = arith.constant 128 : i32
      %scan3A_334 = arith.addi %scan3A_332, %scan3A_333 : i32
      %scan3A_335 = arith.constant 1 : i32
      %scan3A_336 = scf.for %scan3A_392 = %scan3A_332 to %scan3A_334 step %scan3A_335 iter_args(%scan3A_393 = %scan3A_331) -> (i32)  : i32 {
        %mul3A_394 = arith.constant 16 : i32
        %mul3A_395 = arith.muli %scan3A_392, %mul3A_394 : i32
        %get3A = arith.index_cast %mul3A_395 : i32 to index
        %get3A_396 = tpu.vector_load %arg13[%get3A] {strides = array<i32>} : memref<2048xf32, #tpu.memory_space<vmem>>, vector<16xf32>,
        %get3A_397 = arith.index_cast %mul3A_395 : i32 to index
        %get3A_398 = tpu.vector_load %arg12[%get3A_397] {strides = array<i32>} : memref<2048xf32, #tpu.memory_space<vmem>>, vector<16xf32>,
        %add3A_399 = arith.addf %get3A_396, %get3A_398 : vector<16xf32>
        %gt3A = arith.constant 0.000000e+00 : f32
        %gt3A_400 = vector.broadcast %gt3A : f32 to vector<16xf32>
        %gt3A_401 = arith.cmpf ogt, %add3A_399, %gt3A_400 : vector<16xf32>
        %mul3A_402 = arith.constant 2.000000e-01 : f32
        %mul3A_403 = vector.broadcast %mul3A_402 : f32 to vector<16xf32>
        %mul3A_404 = arith.mulf %mul3A_403, %add3A_399 : vector<16xf32>
        %select_n3A = arith.select %gt3A_401, %add3A_399, %mul3A_404 : vector<16xi1>, vector<16xf32>
        %exp3A = math.exp %select_n3A : vector<16xf32>
        %iota3A = tpu.iota {dimensions = array<i32: 0>} : vector<16xi32>
        %mul3A_405 = arith.constant 2048 : i32
        %mul3A_406 = arith.muli %add3A_318, %mul3A_405 : i32
        %mul3A_407 = arith.constant 16 : i32
        %mul3A_408 = arith.muli %scan3A_392, %mul3A_407 : i32
        %add3A_409 = arith.addi %mul3A_406, %mul3A_408 : i32
        %add3A_410 = vector.broadcast %add3A_409 : i32 to vector<16xi32>
        %add3A_411 = arith.addi %iota3A, %add3A_410 : vector<16xi32>
        %lt3A_412 = arith.constant 20000 : i32
        %lt3A_413 = vector.broadcast %lt3A_412 : i32 to vector<16xi32>
        %lt3A_414 = arith.cmpi slt, %add3A_411, %lt3A_413 : vector<16xi32>
        %jit3A = arith.constant 0.000000e+00 : f32
        %broadcast_in_dim3A_415 = vector.broadcast %jit3A : f32 to vector<16xf32>
        %select_n3A_416 = arith.select %lt3A_414, %exp3A, %broadcast_in_dim3A_415 : vector<16xi1>, vector<16xf32>
        %swap3A = arith.index_cast %mul3A_395 : i32 to index
        %swap3A_417 = tpu.vector_load %arg13[%swap3A] {strides = array<i32>} : memref<2048xf32, #tpu.memory_space<vmem>>, vector<16xf32>,
        tpu.vector_store %arg13[%swap3A], %select_n3A_416 {strides = array<i32>} : memref<2048xf32, #tpu.memory_space<vmem>>, vector<16xf32>,
        %get3A_418 = arith.index_cast %mul3A_395 : i32 to index
        %get3A_419 = tpu.vector_load %arg10[%get3A_418] {strides = array<i32>} : memref<2048xi32, #tpu.memory_space<vmem>>, vector<16xi32>,
        %add3A_420 = vector.broadcast %mul3A_64 : i32 to vector<16xi32>
        %add3A_421 = arith.addi %get3A_419, %add3A_420 : vector<16xi32>
        %swap3A_422 = arith.index_cast %mul3A_395 : i32 to index
        %swap3A_423 = tpu.vector_load %arg10[%swap3A_422] {strides = array<i32>} : memref<2048xi32, #tpu.memory_space<vmem>>, vector<16xi32>,
        tpu.vector_store %arg10[%swap3A_422], %add3A_421 {strides = array<i32>} : memref<2048xi32, #tpu.memory_space<vmem>>, vector<16xi32>,
        %scan3A_424 = arith.constant 0 : i32
        scf.yield %scan3A_424 : i32
      }
      %scan3A_337 = arith.constant 128 : i32
      %dma_start3A_338 = arith.constant 0 : i32
      %dma_start3A_339 = tpu.memref_slice %arg21[%dma_start3A_338] : memref<10240xf32, #tpu.memory_space<vmem_shared>> -> memref<10240xf32, #tpu.memory_space<vmem_shared>>
      tpu.enqueue_indirect_dma source(%arg13 : memref<2048xf32, #tpu.memory_space<vmem>>) target(%dma_start3A_339 : memref<10240xf32, #tpu.memory_space<vmem_shared>>) offsets(%arg11 : memref<2048xi32, #tpu.memory_space<vmem>>) semaphore(%arg33 : memref<!tpu.dma_semaphore, #tpu.memory_space<semaphore_mem>>) {add = true}
      %add3A_340 = arith.constant 1 : i32
      %add3A_341 = arith.addi %add3A_318, %add3A_340 : i32
      %lt3A_342 = arith.constant 10 : i32
      %lt3A_343 = arith.cmpi slt, %add3A_341, %lt3A_342 : i32
      %convert_element_type3A_344 = arith.extui %lt3A_343 : i1 to i32
      %cond3A_345 = arith.constant 0 : i32
      %cond3A_346 = arith.cmpi ne, %convert_element_type3A_344, %cond3A_345 : i32
      scf.if %cond3A_346 {
        %add3A_392 = arith.constant 1 : i32
        %add3A_393 = arith.addi %add3A_318, %add3A_392 : i32
        %mul3A_394 = arith.constant 2048 : i32
        %mul3A_395 = arith.muli %add3A_393, %mul3A_394 : i32
        %dma_start3A_396 = tpu.memref_slice %arg5[%arg0, %arg1, %mul3A_395] : memref<2x16x20480xi32, #tpu.memory_space<hbm>> -> memref<1x1x2048xi32, #tpu.memory_space<hbm>>
        %dma_start3A_397 = tpu.memref_squeeze %dma_start3A_396 : memref<1x1x2048xi32, #tpu.memory_space<hbm>> -> memref<2048xi32, #tpu.memory_space<hbm>>
        %dma_start3A_398 = tpu.memref_slice %arg5[%arg0, %arg1, %mul3A_395] : memref<2x16x20480xi32, #tpu.memory_space<hbm>> -> memref<1x1x2048xi32, #tpu.memory_space<hbm>>
        %dma_start3A_399 = tpu.memref_squeeze %dma_start3A_398 : memref<1x1x2048xi32, #tpu.memory_space<hbm>> -> memref<2048xi32, #tpu.memory_space<hbm>>
        tpu.enqueue_dma source(%dma_start3A_399 : memref<2048xi32, #tpu.memory_space<hbm>>) target(%arg8 : memref<2048xi32, #tpu.memory_space<vmem>>) target_semaphore(%arg31 : memref<!tpu.dma_semaphore, #tpu.memory_space<semaphore_mem>>)
        %add3A_400 = arith.constant 1 : i32
        %add3A_401 = arith.addi %add3A_318, %add3A_400 : i32
        %mul3A_402 = arith.constant 2048 : i32
        %mul3A_403 = arith.muli %add3A_401, %mul3A_402 : i32
        %dma_start3A_404 = tpu.memref_slice %arg6[%arg0, %arg1, %mul3A_403] : memref<2x16x20480xi32, #tpu.memory_space<hbm>> -> memref<1x1x2048xi32, #tpu.memory_space<hbm>>
        %dma_start3A_405 = tpu.memref_squeeze %dma_start3A_404 : memref<1x1x2048xi32, #tpu.memory_space<hbm>> -> memref<2048xi32, #tpu.memory_space<hbm>>
        %dma_start3A_406 = tpu.memref_slice %arg6[%arg0, %arg1, %mul3A_403] : memref<2x16x20480xi32, #tpu.memory_space<hbm>> -> memref<1x1x2048xi32, #tpu.memory_space<hbm>>
        %dma_start3A_407 = tpu.memref_squeeze %dma_start3A_406 : memref<1x1x2048xi32, #tpu.memory_space<hbm>> -> memref<2048xi32, #tpu.memory_space<hbm>>
        tpu.enqueue_dma source(%dma_start3A_407 : memref<2048xi32, #tpu.memory_space<hbm>>) target(%arg9 : memref<2048xi32, #tpu.memory_space<vmem>>) target_semaphore(%arg32 : memref<!tpu.dma_semaphore, #tpu.memory_space<semaphore_mem>>)
      } else {
      }
      %dma_start3A_347 = arith.constant 0 : i32
      %dma_start3A_348 = tpu.memref_slice %arg10[%dma_start3A_347] : memref<2048xi32, #tpu.memory_space<vmem>> -> memref<64xi32, #tpu.memory_space<vmem>>
      %dma_start3A_349 = arith.constant 0 : i32
      %dma_start3A_350 = arith.constant 0 : i32
      %dma_start3A_351 = tpu.memref_slice %arg2[%dma_start3A_349, %dma_start3A_350] : memref<20480x128xf32, #tpu.memory_space<hbm>> -> memref<20480x128xf32, #tpu.memory_space<hbm>>
      tpu.enqueue_indirect_dma source(%dma_start3A_351 : memref<20480x128xf32, #tpu.memory_space<hbm>>) target(%arg14 : memref<64x128xf32, #tpu.memory_space<vmem>>) offsets(%dma_start3A_348 : memref<64xi32, #tpu.memory_space<vmem>>) semaphore(%arg23 : memref<!tpu.dma_semaphore, #tpu.memory_space<semaphore_mem>>)
      %dma_start3A_352 = arith.constant 64 : i32
      %dma_start3A_353 = tpu.memref_slice %arg10[%dma_start3A_352] : memref<2048xi32, #tpu.memory_space<vmem>> -> memref<64xi32, #tpu.memory_space<vmem>>
      %dma_start3A_354 = arith.constant 0 : i32
      %dma_start3A_355 = arith.constant 0 : i32
      %dma_start3A_356 = tpu.memref_slice %arg2[%dma_start3A_354, %dma_start3A_355] : memref<20480x128xf32, #tpu.memory_space<hbm>> -> memref<20480x128xf32, #tpu.memory_space<hbm>>
      tpu.enqueue_indirect_dma source(%dma_start3A_356 : memref<20480x128xf32, #tpu.memory_space<hbm>>) target(%arg15 : memref<64x128xf32, #tpu.memory_space<vmem>>) offsets(%dma_start3A_353 : memref<64xi32, #tpu.memory_space<vmem>>) semaphore(%arg24 : memref<!tpu.dma_semaphore, #tpu.memory_space<semaphore_mem>>)
      %dma_start3A_357 = arith.constant 128 : i32
      %dma_start3A_358 = tpu.memref_slice %arg10[%dma_start3A_357] : memref<2048xi32, #tpu.memory_space<vmem>> -> memref<64xi32, #tpu.memory_space<vmem>>
      %dma_start3A_359 = arith.constant 0 : i32
      %dma_start3A_360 = arith.constant 0 : i32
      %dma_start3A_361 = tpu.memref_slice %arg2[%dma_start3A_359, %dma_start3A_360] : memref<20480x128xf32, #tpu.memory_space<hbm>> -> memref<20480x128xf32, #tpu.memory_space<hbm>>
      tpu.enqueue_indirect_dma source(%dma_start3A_361 : memref<20480x128xf32, #tpu.memory_space<hbm>>) target(%arg16 : memref<64x128xf32, #tpu.memory_space<vmem>>) offsets(%dma_start3A_358 : memref<64xi32, #tpu.memory_space<vmem>>) semaphore(%arg25 : memref<!tpu.dma_semaphore, #tpu.memory_space<semaphore_mem>>)
      %scan3A_362 = arith.constant 0 : i32
      %scan3A_363 = arith.constant 0 : i32
      %scan3A_364 = arith.constant 8 : i32
      %scan3A_365 = arith.addi %scan3A_363, %scan3A_364 : i32
      %scan3A_366 = arith.constant 1 : i32
      %scan3A_367 = scf.for %scan3A_392 = %scan3A_363 to %scan3A_365 step %scan3A_366 iter_args(%scan3A_393 = %scan3A_362) -> (i32)  : i32 {
        %mul3A_394 = arith.constant 4 : i32
        %mul3A_395 = arith.muli %mul3A_394, %scan3A_392 : i32
        %ge3A = arith.constant 1 : i32
        %ge3A_396 = arith.cmpi sge, %scan3A_392, %ge3A : i32
        %convert_element_type3A_397 = arith.extui %ge3A_396 : i1 to i32
        %cond3A_398 = arith.constant 0 : i32
        %cond3A_399 = arith.cmpi ne, %convert_element_type3A_397, %cond3A_398 : i32
        scf.if %cond3A_399 {
          %sub3A = arith.constant 1 : i32
          %sub3A_518 = arith.subi %mul3A_395, %sub3A : i32
          %mul3A_519 = arith.constant 64 : i32
          %mul3A_520 = arith.muli %sub3A_518, %mul3A_519 : i32
          %dma_wait3A_521 = tpu.memref_slice %arg11[%mul3A_520] : memref<2048xi32, #tpu.memory_space<vmem>> -> memref<64xi32, #tpu.memory_space<vmem>>
          %dma_wait3A_522 = arith.constant 0 : i32
          %dma_wait3A_523 = arith.constant 0 : i32
          %dma_wait3A_524 = tpu.memref_slice %arg22[%dma_wait3A_522, %dma_wait3A_523] : memref<10240x128xf32, #tpu.memory_space<vmem_shared>> -> memref<10240x128xf32, #tpu.memory_space<vmem_shared>>
          tpu.wait_indirect_dma semaphore(%arg30 : memref<!tpu.dma_semaphore, #tpu.memory_space<semaphore_mem>>) src(%arg17 : memref<64x128xf32, #tpu.memory_space<vmem>>) dst(%dma_wait3A_524 : memref<10240x128xf32, #tpu.memory_space<vmem_shared>>)
        } else {
        }
        %add3A_400 = arith.constant 3 : i32
        %add3A_401 = arith.addi %mul3A_395, %add3A_400 : i32
        %mul3A_402 = arith.constant 64 : i32
        %mul3A_403 = arith.muli %add3A_401, %mul3A_402 : i32
        %dma_start3A_404 = tpu.memref_slice %arg10[%mul3A_403] : memref<2048xi32, #tpu.memory_space<vmem>> -> memref<64xi32, #tpu.memory_space<vmem>>
        %dma_start3A_405 = arith.constant 0 : i32
        %dma_start3A_406 = arith.constant 0 : i32
        %dma_start3A_407 = tpu.memref_slice %arg2[%dma_start3A_405, %dma_start3A_406] : memref<20480x128xf32, #tpu.memory_space<hbm>> -> memref<20480x128xf32, #tpu.memory_space<hbm>>
        tpu.enqueue_indirect_dma source(%dma_start3A_407 : memref<20480x128xf32, #tpu.memory_space<hbm>>) target(%arg17 : memref<64x128xf32, #tpu.memory_space<vmem>>) offsets(%dma_start3A_404 : memref<64xi32, #tpu.memory_space<vmem>>) semaphore(%arg26 : memref<!tpu.dma_semaphore, #tpu.memory_space<semaphore_mem>>)
        %mul3A_408 = arith.constant 64 : i32
        %mul3A_409 = arith.muli %mul3A_395, %mul3A_408 : i32
        %dma_wait3A_410 = tpu.memref_slice %arg10[%mul3A_409] : memref<2048xi32, #tpu.memory_space<vmem>> -> memref<64xi32, #tpu.memory_space<vmem>>
        %dma_wait3A_411 = arith.constant 0 : i32
        %dma_wait3A_412 = arith.constant 0 : i32
        %dma_wait3A_413 = tpu.memref_slice %arg2[%dma_wait3A_411, %dma_wait3A_412] : memref<20480x128xf32, #tpu.memory_space<hbm>> -> memref<20480x128xf32, #tpu.memory_space<hbm>>
        tpu.wait_indirect_dma semaphore(%arg23 : memref<!tpu.dma_semaphore, #tpu.memory_space<semaphore_mem>>) src(%dma_wait3A_413 : memref<20480x128xf32, #tpu.memory_space<hbm>>) dst(%arg14 : memref<64x128xf32, #tpu.memory_space<vmem>>)
        %scan3A_414 = arith.constant 0 : i32
        %scan3A_415 = arith.constant 0 : i32
        %scan3A_416 = arith.constant 64 : i32
        %scan3A_417 = arith.addi %scan3A_415, %scan3A_416 : i32
        %scan3A_418 = arith.constant 1 : i32
        %scan3A_419 = scf.for %scan3A_518 = %scan3A_415 to %scan3A_417 step %scan3A_418 iter_args(%scan3A_519 = %scan3A_414) -> (i32)  : i32 {
          %mul3A_520 = arith.constant 64 : i32
          %mul3A_521 = arith.muli %mul3A_395, %mul3A_520 : i32
          %broadcast_in_dim3A_522 = vector.broadcast %mul3A_521 : i32 to vector<16xi32>
          %add3A_523 = vector.broadcast %scan3A_518 : i32 to vector<16xi32>
          %add3A_524 = arith.addi %broadcast_in_dim3A_522, %add3A_523 : vector<16xi32>
          %gather3A = tpu.vector_load_idx %arg13[%add3A_524] : memref<2048xf32, #tpu.memory_space<vmem>>[vector<16xi32>], vector<16xf32>,
          %get3A = arith.index_cast %scan3A_518 : i32 to index
          %get3A_525 = arith.constant 0 : index
          %get3A_526 = tpu.vector_load %arg14[%get3A, %get3A_525] {strides = array<i32>} : memref<64x128xf32, #tpu.memory_space<vmem>>, vector<16xf32>,
          %mul3A_527 = arith.mulf %get3A_526, %gather3A : vector<16xf32>
          %swap3A = arith.index_cast %scan3A_518 : i32 to index
          %swap3A_528 = arith.constant 0 : index
          %swap3A_529 = tpu.vector_load %arg14[%swap3A, %swap3A_528] {strides = array<i32>} : memref<64x128xf32, #tpu.memory_space<vmem>>, vector<16xf32>,
          tpu.vector_store %arg14[%swap3A, %swap3A_528], %mul3A_527 {strides = array<i32>} : memref<64x128xf32, #tpu.memory_space<vmem>>, vector<16xf32>,
          %get3A_530 = arith.index_cast %scan3A_518 : i32 to index
          %get3A_531 = arith.constant 16 : index
          %get3A_532 = tpu.vector_load %arg14[%get3A_530, %get3A_531] {strides = array<i32>} : memref<64x128xf32, #tpu.memory_space<vmem>>, vector<16xf32>,
          %mul3A_533 = arith.mulf %get3A_532, %gather3A : vector<16xf32>
          %swap3A_534 = arith.index_cast %scan3A_518 : i32 to index
          %swap3A_535 = arith.constant 16 : index
          %swap3A_536 = tpu.vector_load %arg14[%swap3A_534, %swap3A_535] {strides = array<i32>} : memref<64x128xf32, #tpu.memory_space<vmem>>, vector<16xf32>,
          tpu.vector_store %arg14[%swap3A_534, %swap3A_535], %mul3A_533 {strides = array<i32>} : memref<64x128xf32, #tpu.memory_space<vmem>>, vector<16xf32>,
          %get3A_537 = arith.index_cast %scan3A_518 : i32 to index
          %get3A_538 = arith.constant 32 : index
          %get3A_539 = tpu.vector_load %arg14[%get3A_537, %get3A_538] {strides = array<i32>} : memref<64x128xf32, #tpu.memory_space<vmem>>, vector<16xf32>,
          %mul3A_540 = arith.mulf %get3A_539, %gather3A : vector<16xf32>
          %swap3A_541 = arith.index_cast %scan3A_518 : i32 to index
          %swap3A_542 = arith.constant 32 : index
          %swap3A_543 = tpu.vector_load %arg14[%swap3A_541, %swap3A_542] {strides = array<i32>} : memref<64x128xf32, #tpu.memory_space<vmem>>, vector<16xf32>,
          tpu.vector_store %arg14[%swap3A_541, %swap3A_542], %mul3A_540 {strides = array<i32>} : memref<64x128xf32, #tpu.memory_space<vmem>>, vector<16xf32>,
          %get3A_544 = arith.index_cast %scan3A_518 : i32 to index
          %get3A_545 = arith.constant 48 : index
          %get3A_546 = tpu.vector_load %arg14[%get3A_544, %get3A_545] {strides = array<i32>} : memref<64x128xf32, #tpu.memory_space<vmem>>, vector<16xf32>,
          %mul3A_547 = arith.mulf %get3A_546, %gather3A : vector<16xf32>
          %swap3A_548 = arith.index_cast %scan3A_518 : i32 to index
          %swap3A_549 = arith.constant 48 : index
          %swap3A_550 = tpu.vector_load %arg14[%swap3A_548, %swap3A_549] {strides = array<i32>} : memref<64x128xf32, #tpu.memory_space<vmem>>, vector<16xf32>,
          tpu.vector_store %arg14[%swap3A_548, %swap3A_549], %mul3A_547 {strides = array<i32>} : memref<64x128xf32, #tpu.memory_space<vmem>>, vector<16xf32>,
          %get3A_551 = arith.index_cast %scan3A_518 : i32 to index
          %get3A_552 = arith.constant 64 : index
          %get3A_553 = tpu.vector_load %arg14[%get3A_551, %get3A_552] {strides = array<i32>} : memref<64x128xf32, #tpu.memory_space<vmem>>, vector<16xf32>,
          %mul3A_554 = arith.mulf %get3A_553, %gather3A : vector<16xf32>
          %swap3A_555 = arith.index_cast %scan3A_518 : i32 to index
          %swap3A_556 = arith.constant 64 : index
          %swap3A_557 = tpu.vector_load %arg14[%swap3A_555, %swap3A_556] {strides = array<i32>} : memref<64x128xf32, #tpu.memory_space<vmem>>, vector<16xf32>,
          tpu.vector_store %arg14[%swap3A_555, %swap3A_556], %mul3A_554 {strides = array<i32>} : memref<64x128xf32, #tpu.memory_space<vmem>>, vector<16xf32>,
          %get3A_558 = arith.index_cast %scan3A_518 : i32 to index
          %get3A_559 = arith.constant 80 : index
          %get3A_560 = tpu.vector_load %arg14[%get3A_558, %get3A_559] {strides = array<i32>} : memref<64x128xf32, #tpu.memory_space<vmem>>, vector<16xf32>,
          %mul3A_561 = arith.mulf %get3A_560, %gather3A : vector<16xf32>
          %swap3A_562 = arith.index_cast %scan3A_518 : i32 to index
          %swap3A_563 = arith.constant 80 : index
          %swap3A_564 = tpu.vector_load %arg14[%swap3A_562, %swap3A_563] {strides = array<i32>} : memref<64x128xf32, #tpu.memory_space<vmem>>, vector<16xf32>,
          tpu.vector_store %arg14[%swap3A_562, %swap3A_563], %mul3A_561 {strides = array<i32>} : memref<64x128xf32, #tpu.memory_space<vmem>>, vector<16xf32>,
          %get3A_565 = arith.index_cast %scan3A_518 : i32 to index
          %get3A_566 = arith.constant 96 : index
          %get3A_567 = tpu.vector_load %arg14[%get3A_565, %get3A_566] {strides = array<i32>} : memref<64x128xf32, #tpu.memory_space<vmem>>, vector<16xf32>,
          %mul3A_568 = arith.mulf %get3A_567, %gather3A : vector<16xf32>
          %swap3A_569 = arith.index_cast %scan3A_518 : i32 to index
          %swap3A_570 = arith.constant 96 : index
          %swap3A_571 = tpu.vector_load %arg14[%swap3A_569, %swap3A_570] {strides = array<i32>} : memref<64x128xf32, #tpu.memory_space<vmem>>, vector<16xf32>,
          tpu.vector_store %arg14[%swap3A_569, %swap3A_570], %mul3A_568 {strides = array<i32>} : memref<64x128xf32, #tpu.memory_space<vmem>>, vector<16xf32>,
          %get3A_572 = arith.index_cast %scan3A_518 : i32 to index
          %get3A_573 = arith.constant 112 : index
          %get3A_574 = tpu.vector_load %arg14[%get3A_572, %get3A_573] {strides = array<i32>} : memref<64x128xf32, #tpu.memory_space<vmem>>, vector<16xf32>,
          %mul3A_575 = arith.mulf %get3A_574, %gather3A : vector<16xf32>
          %swap3A_576 = arith.index_cast %scan3A_518 : i32 to index
          %swap3A_577 = arith.constant 112 : index
          %swap3A_578 = tpu.vector_load %arg14[%swap3A_576, %swap3A_577] {strides = array<i32>} : memref<64x128xf32, #tpu.memory_space<vmem>>, vector<16xf32>,
          tpu.vector_store %arg14[%swap3A_576, %swap3A_577], %mul3A_575 {strides = array<i32>} : memref<64x128xf32, #tpu.memory_space<vmem>>, vector<16xf32>,
          %scan3A_579 = arith.constant 0 : i32
          scf.yield %scan3A_579 : i32
        }
        %scan3A_420 = arith.constant 64 : i32
        %mul3A_421 = arith.constant 64 : i32
        %mul3A_422 = arith.muli %mul3A_395, %mul3A_421 : i32
        %dma_start3A_423 = tpu.memref_slice %arg11[%mul3A_422] : memref<2048xi32, #tpu.memory_space<vmem>> -> memref<64xi32, #tpu.memory_space<vmem>>
        %dma_start3A_424 = arith.constant 0 : i32
        %dma_start3A_425 = arith.constant 0 : i32
        %dma_start3A_426 = tpu.memref_slice %arg22[%dma_start3A_424, %dma_start3A_425] : memref<10240x128xf32, #tpu.memory_space<vmem_shared>> -> memref<10240x128xf32, #tpu.memory_space<vmem_shared>>
        tpu.enqueue_indirect_dma source(%arg14 : memref<64x128xf32, #tpu.memory_space<vmem>>) target(%dma_start3A_426 : memref<10240x128xf32, #tpu.memory_space<vmem_shared>>) offsets(%dma_start3A_423 : memref<64xi32, #tpu.memory_space<vmem>>) semaphore(%arg27 : memref<!tpu.dma_semaphore, #tpu.memory_space<semaphore_mem>>) {add = true}
        %lt3A_427 = arith.constant 7 : i32
        %lt3A_428 = arith.cmpi slt, %scan3A_392, %lt3A_427 : i32
        %convert_element_type3A_429 = arith.extui %lt3A_428 : i1 to i32
        %cond3A_430 = arith.constant 0 : i32
        %cond3A_431 = arith.cmpi ne, %convert_element_type3A_429, %cond3A_430 : i32
        scf.if %cond3A_431 {
          %add3A_518 = arith.constant 1 : i32
          %add3A_519 = arith.addi %mul3A_395, %add3A_518 : i32
          %sub3A = arith.constant 1 : i32
          %sub3A_520 = arith.subi %add3A_519, %sub3A : i32
          %mul3A_521 = arith.constant 64 : i32
          %mul3A_522 = arith.muli %sub3A_520, %mul3A_521 : i32
          %dma_wait3A_523 = tpu.memref_slice %arg11[%mul3A_522] : memref<2048xi32, #tpu.memory_space<vmem>> -> memref<64xi32, #tpu.memory_space<vmem>>
          %dma_wait3A_524 = arith.constant 0 : i32
          %dma_wait3A_525 = arith.constant 0 : i32
          %dma_wait3A_526 = tpu.memref_slice %arg22[%dma_wait3A_524, %dma_wait3A_525] : memref<10240x128xf32, #tpu.memory_space<vmem_shared>> -> memref<10240x128xf32, #tpu.memory_space<vmem_shared>>
          tpu.wait_indirect_dma semaphore(%arg27 : memref<!tpu.dma_semaphore, #tpu.memory_space<semaphore_mem>>) src(%arg14 : memref<64x128xf32, #tpu.memory_space<vmem>>) dst(%dma_wait3A_526 : memref<10240x128xf32, #tpu.memory_space<vmem_shared>>)
          %add3A_527 = arith.constant 3 : i32
          %add3A_528 = arith.addi %mul3A_395, %add3A_527 : i32
          %add3A_529 = arith.constant 1 : i32
          %add3A_530 = arith.addi %add3A_528, %add3A_529 : i32
          %mul3A_531 = arith.constant 64 : i32
          %mul3A_532 = arith.muli %add3A_530, %mul3A_531 : i32
          %dma_start3A_533 = tpu.memref_slice %arg10[%mul3A_532] : memref<2048xi32, #tpu.memory_space<vmem>> -> memref<64xi32, #tpu.memory_space<vmem>>
          %dma_start3A_534 = arith.constant 0 : i32
          %dma_start3A_535 = arith.constant 0 : i32
          %dma_start3A_536 = tpu.memref_slice %arg2[%dma_start3A_534, %dma_start3A_535] : memref<20480x128xf32, #tpu.memory_space<hbm>> -> memref<20480x128xf32, #tpu.memory_space<hbm>>
          tpu.enqueue_indirect_dma source(%dma_start3A_536 : memref<20480x128xf32, #tpu.memory_space<hbm>>) target(%arg14 : memref<64x128xf32, #tpu.memory_space<vmem>>) offsets(%dma_start3A_533 : memref<64xi32, #tpu.memory_space<vmem>>) semaphore(%arg23 : memref<!tpu.dma_semaphore, #tpu.memory_space<semaphore_mem>>)
        } else {
        }
        %add3A_432 = arith.constant 1 : i32
        %add3A_433 = arith.addi %mul3A_395, %add3A_432 : i32
        %mul3A_434 = arith.constant 64 : i32
        %mul3A_435 = arith.muli %add3A_433, %mul3A_434 : i32
        %dma_wait3A_436 = tpu.memref_slice %arg10[%mul3A_435] : memref<2048xi32, #tpu.memory_space<vmem>> -> memref<64xi32, #tpu.memory_space<vmem>>
        %dma_wait3A_437 = arith.constant 0 : i32
        %dma_wait3A_438 = arith.constant 0 : i32
        %dma_wait3A_439 = tpu.memref_slice %arg2[%dma_wait3A_437, %dma_wait3A_438] : memref<20480x128xf32, #tpu.memory_space<hbm>> -> memref<20480x128xf32, #tpu.memory_space<hbm>>
        tpu.wait_indirect_dma semaphore(%arg24 : memref<!tpu.dma_semaphore, #tpu.memory_space<semaphore_mem>>) src(%dma_wait3A_439 : memref<20480x128xf32, #tpu.memory_space<hbm>>) dst(%arg15 : memref<64x128xf32, #tpu.memory_space<vmem>>)
        %add3A_440 = arith.constant 1 : i32
        %add3A_441 = arith.addi %mul3A_395, %add3A_440 : i32
        %scan3A_442 = arith.constant 0 : i32
        %scan3A_443 = arith.constant 0 : i32
        %scan3A_444 = arith.constant 64 : i32
        %scan3A_445 = arith.addi %scan3A_443, %scan3A_444 : i32
        %scan3A_446 = arith.constant 1 : i32
        %scan3A_447 = scf.for %scan3A_518 = %scan3A_443 to %scan3A_445 step %scan3A_446 iter_args(%scan3A_519 = %scan3A_442) -> (i32)  : i32 {
          %mul3A_520 = arith.constant 64 : i32
          %mul3A_521 = arith.muli %add3A_441, %mul3A_520 : i32
          %broadcast_in_dim3A_522 = vector.broadcast %mul3A_521 : i32 to vector<16xi32>
          %add3A_523 = vector.broadcast %scan3A_518 : i32 to vector<16xi32>
          %add3A_524 = arith.addi %broadcast_in_dim3A_522, %add3A_523 : vector<16xi32>
          %gather3A = tpu.vector_load_idx %arg13[%add3A_524] : memref<2048xf32, #tpu.memory_space<vmem>>[vector<16xi32>], vector<16xf32>,
          %get3A = arith.index_cast %scan3A_518 : i32 to index
          %get3A_525 = arith.constant 0 : index
          %get3A_526 = tpu.vector_load %arg15[%get3A, %get3A_525] {strides = array<i32>} : memref<64x128xf32, #tpu.memory_space<vmem>>, vector<16xf32>,
          %mul3A_527 = arith.mulf %get3A_526, %gather3A : vector<16xf32>
          %swap3A = arith.index_cast %scan3A_518 : i32 to index
          %swap3A_528 = arith.constant 0 : index
          %swap3A_529 = tpu.vector_load %arg15[%swap3A, %swap3A_528] {strides = array<i32>} : memref<64x128xf32, #tpu.memory_space<vmem>>, vector<16xf32>,
          tpu.vector_store %arg15[%swap3A, %swap3A_528], %mul3A_527 {strides = array<i32>} : memref<64x128xf32, #tpu.memory_space<vmem>>, vector<16xf32>,
          %get3A_530 = arith.index_cast %scan3A_518 : i32 to index
          %get3A_531 = arith.constant 16 : index
          %get3A_532 = tpu.vector_load %arg15[%get3A_530, %get3A_531] {strides = array<i32>} : memref<64x128xf32, #tpu.memory_space<vmem>>, vector<16xf32>,
          %mul3A_533 = arith.mulf %get3A_532, %gather3A : vector<16xf32>
          %swap3A_534 = arith.index_cast %scan3A_518 : i32 to index
          %swap3A_535 = arith.constant 16 : index
          %swap3A_536 = tpu.vector_load %arg15[%swap3A_534, %swap3A_535] {strides = array<i32>} : memref<64x128xf32, #tpu.memory_space<vmem>>, vector<16xf32>,
          tpu.vector_store %arg15[%swap3A_534, %swap3A_535], %mul3A_533 {strides = array<i32>} : memref<64x128xf32, #tpu.memory_space<vmem>>, vector<16xf32>,
          %get3A_537 = arith.index_cast %scan3A_518 : i32 to index
          %get3A_538 = arith.constant 32 : index
          %get3A_539 = tpu.vector_load %arg15[%get3A_537, %get3A_538] {strides = array<i32>} : memref<64x128xf32, #tpu.memory_space<vmem>>, vector<16xf32>,
          %mul3A_540 = arith.mulf %get3A_539, %gather3A : vector<16xf32>
          %swap3A_541 = arith.index_cast %scan3A_518 : i32 to index
          %swap3A_542 = arith.constant 32 : index
          %swap3A_543 = tpu.vector_load %arg15[%swap3A_541, %swap3A_542] {strides = array<i32>} : memref<64x128xf32, #tpu.memory_space<vmem>>, vector<16xf32>,
          tpu.vector_store %arg15[%swap3A_541, %swap3A_542], %mul3A_540 {strides = array<i32>} : memref<64x128xf32, #tpu.memory_space<vmem>>, vector<16xf32>,
          %get3A_544 = arith.index_cast %scan3A_518 : i32 to index
          %get3A_545 = arith.constant 48 : index
          %get3A_546 = tpu.vector_load %arg15[%get3A_544, %get3A_545] {strides = array<i32>} : memref<64x128xf32, #tpu.memory_space<vmem>>, vector<16xf32>,
          %mul3A_547 = arith.mulf %get3A_546, %gather3A : vector<16xf32>
          %swap3A_548 = arith.index_cast %scan3A_518 : i32 to index
          %swap3A_549 = arith.constant 48 : index
          %swap3A_550 = tpu.vector_load %arg15[%swap3A_548, %swap3A_549] {strides = array<i32>} : memref<64x128xf32, #tpu.memory_space<vmem>>, vector<16xf32>,
          tpu.vector_store %arg15[%swap3A_548, %swap3A_549], %mul3A_547 {strides = array<i32>} : memref<64x128xf32, #tpu.memory_space<vmem>>, vector<16xf32>,
          %get3A_551 = arith.index_cast %scan3A_518 : i32 to index
          %get3A_552 = arith.constant 64 : index
          %get3A_553 = tpu.vector_load %arg15[%get3A_551, %get3A_552] {strides = array<i32>} : memref<64x128xf32, #tpu.memory_space<vmem>>, vector<16xf32>,
          %mul3A_554 = arith.mulf %get3A_553, %gather3A : vector<16xf32>
          %swap3A_555 = arith.index_cast %scan3A_518 : i32 to index
          %swap3A_556 = arith.constant 64 : index
          %swap3A_557 = tpu.vector_load %arg15[%swap3A_555, %swap3A_556] {strides = array<i32>} : memref<64x128xf32, #tpu.memory_space<vmem>>, vector<16xf32>,
          tpu.vector_store %arg15[%swap3A_555, %swap3A_556], %mul3A_554 {strides = array<i32>} : memref<64x128xf32, #tpu.memory_space<vmem>>, vector<16xf32>,
          %get3A_558 = arith.index_cast %scan3A_518 : i32 to index
          %get3A_559 = arith.constant 80 : index
          %get3A_560 = tpu.vector_load %arg15[%get3A_558, %get3A_559] {strides = array<i32>} : memref<64x128xf32, #tpu.memory_space<vmem>>, vector<16xf32>,
          %mul3A_561 = arith.mulf %get3A_560, %gather3A : vector<16xf32>
          %swap3A_562 = arith.index_cast %scan3A_518 : i32 to index
          %swap3A_563 = arith.constant 80 : index
          %swap3A_564 = tpu.vector_load %arg15[%swap3A_562, %swap3A_563] {strides = array<i32>} : memref<64x128xf32, #tpu.memory_space<vmem>>, vector<16xf32>,
          tpu.vector_store %arg15[%swap3A_562, %swap3A_563], %mul3A_561 {strides = array<i32>} : memref<64x128xf32, #tpu.memory_space<vmem>>, vector<16xf32>,
          %get3A_565 = arith.index_cast %scan3A_518 : i32 to index
          %get3A_566 = arith.constant 96 : index
          %get3A_567 = tpu.vector_load %arg15[%get3A_565, %get3A_566] {strides = array<i32>} : memref<64x128xf32, #tpu.memory_space<vmem>>, vector<16xf32>,
          %mul3A_568 = arith.mulf %get3A_567, %gather3A : vector<16xf32>
          %swap3A_569 = arith.index_cast %scan3A_518 : i32 to index
          %swap3A_570 = arith.constant 96 : index
          %swap3A_571 = tpu.vector_load %arg15[%swap3A_569, %swap3A_570] {strides = array<i32>} : memref<64x128xf32, #tpu.memory_space<vmem>>, vector<16xf32>,
          tpu.vector_store %arg15[%swap3A_569, %swap3A_570], %mul3A_568 {strides = array<i32>} : memref<64x128xf32, #tpu.memory_space<vmem>>, vector<16xf32>,
          %get3A_572 = arith.index_cast %scan3A_518 : i32 to index
          %get3A_573 = arith.constant 112 : index
          %get3A_574 = tpu.vector_load %arg15[%get3A_572, %get3A_573] {strides = array<i32>} : memref<64x128xf32, #tpu.memory_space<vmem>>, vector<16xf32>,
          %mul3A_575 = arith.mulf %get3A_574, %gather3A : vector<16xf32>
          %swap3A_576 = arith.index_cast %scan3A_518 : i32 to index
          %swap3A_577 = arith.constant 112 : index
          %swap3A_578 = tpu.vector_load %arg15[%swap3A_576, %swap3A_577] {strides = array<i32>} : memref<64x128xf32, #tpu.memory_space<vmem>>, vector<16xf32>,
          tpu.vector_store %arg15[%swap3A_576, %swap3A_577], %mul3A_575 {strides = array<i32>} : memref<64x128xf32, #tpu.memory_space<vmem>>, vector<16xf32>,
          %scan3A_579 = arith.constant 0 : i32
          scf.yield %scan3A_579 : i32
        }
        %scan3A_448 = arith.constant 64 : i32
        %add3A_449 = arith.constant 1 : i32
        %add3A_450 = arith.addi %mul3A_395, %add3A_449 : i32
        %mul3A_451 = arith.constant 64 : i32
        %mul3A_452 = arith.muli %add3A_450, %mul3A_451 : i32
        %dma_start3A_453 = tpu.memref_slice %arg11[%mul3A_452] : memref<2048xi32, #tpu.memory_space<vmem>> -> memref<64xi32, #tpu.memory_space<vmem>>
        %dma_start3A_454 = arith.constant 0 : i32
        %dma_start3A_455 = arith.constant 0 : i32
        %dma_start3A_456 = tpu.memref_slice %arg22[%dma_start3A_454, %dma_start3A_455] : memref<10240x128xf32, #tpu.memory_space<vmem_shared>> -> memref<10240x128xf32, #tpu.memory_space<vmem_shared>>
        tpu.enqueue_indirect_dma source(%arg15 : memref<64x128xf32, #tpu.memory_space<vmem>>) target(%dma_start3A_456 : memref<10240x128xf32, #tpu.memory_space<vmem_shared>>) offsets(%dma_start3A_453 : memref<64xi32, #tpu.memory_space<vmem>>) semaphore(%arg28 : memref<!tpu.dma_semaphore, #tpu.memory_space<semaphore_mem>>) {add = true}
        %lt3A_457 = arith.constant 7 : i32
        %lt3A_458 = arith.cmpi slt, %scan3A_392, %lt3A_457 : i32
        %convert_element_type3A_459 = arith.extui %lt3A_458 : i1 to i32
        %cond3A_460 = arith.constant 0 : i32
        %cond3A_461 = arith.cmpi ne, %convert_element_type3A_459, %cond3A_460 : i32
        scf.if %cond3A_461 {
          %add3A_518 = arith.constant 2 : i32
          %add3A_519 = arith.addi %mul3A_395, %add3A_518 : i32
          %sub3A = arith.constant 1 : i32
          %sub3A_520 = arith.subi %add3A_519, %sub3A : i32
          %mul3A_521 = arith.constant 64 : i32
          %mul3A_522 = arith.muli %sub3A_520, %mul3A_521 : i32
          %dma_wait3A_523 = tpu.memref_slice %arg11[%mul3A_522] : memref<2048xi32, #tpu.memory_space<vmem>> -> memref<64xi32, #tpu.memory_space<vmem>>
          %dma_wait3A_524 = arith.constant 0 : i32
          %dma_wait3A_525 = arith.constant 0 : i32
          %dma_wait3A_526 = tpu.memref_slice %arg22[%dma_wait3A_524, %dma_wait3A_525] : memref<10240x128xf32, #tpu.memory_space<vmem_shared>> -> memref<10240x128xf32, #tpu.memory_space<vmem_shared>>
          tpu.wait_indirect_dma semaphore(%arg28 : memref<!tpu.dma_semaphore, #tpu.memory_space<semaphore_mem>>) src(%arg15 : memref<64x128xf32, #tpu.memory_space<vmem>>) dst(%dma_wait3A_526 : memref<10240x128xf32, #tpu.memory_space<vmem_shared>>)
          %add3A_527 = arith.constant 3 : i32
          %add3A_528 = arith.addi %mul3A_395, %add3A_527 : i32
          %add3A_529 = arith.constant 2 : i32
          %add3A_530 = arith.addi %add3A_528, %add3A_529 : i32
          %mul3A_531 = arith.constant 64 : i32
          %mul3A_532 = arith.muli %add3A_530, %mul3A_531 : i32
          %dma_start3A_533 = tpu.memref_slice %arg10[%mul3A_532] : memref<2048xi32, #tpu.memory_space<vmem>> -> memref<64xi32, #tpu.memory_space<vmem>>
          %dma_start3A_534 = arith.constant 0 : i32
          %dma_start3A_535 = arith.constant 0 : i32
          %dma_start3A_536 = tpu.memref_slice %arg2[%dma_start3A_534, %dma_start3A_535] : memref<20480x128xf32, #tpu.memory_space<hbm>> -> memref<20480x128xf32, #tpu.memory_space<hbm>>
          tpu.enqueue_indirect_dma source(%dma_start3A_536 : memref<20480x128xf32, #tpu.memory_space<hbm>>) target(%arg15 : memref<64x128xf32, #tpu.memory_space<vmem>>) offsets(%dma_start3A_533 : memref<64xi32, #tpu.memory_space<vmem>>) semaphore(%arg24 : memref<!tpu.dma_semaphore, #tpu.memory_space<semaphore_mem>>)
        } else {
        }
        %add3A_462 = arith.constant 2 : i32
        %add3A_463 = arith.addi %mul3A_395, %add3A_462 : i32
        %mul3A_464 = arith.constant 64 : i32
        %mul3A_465 = arith.muli %add3A_463, %mul3A_464 : i32
        %dma_wait3A_466 = tpu.memref_slice %arg10[%mul3A_465] : memref<2048xi32, #tpu.memory_space<vmem>> -> memref<64xi32, #tpu.memory_space<vmem>>
        %dma_wait3A_467 = arith.constant 0 : i32
        %dma_wait3A_468 = arith.constant 0 : i32
        %dma_wait3A_469 = tpu.memref_slice %arg2[%dma_wait3A_467, %dma_wait3A_468] : memref<20480x128xf32, #tpu.memory_space<hbm>> -> memref<20480x128xf32, #tpu.memory_space<hbm>>
        tpu.wait_indirect_dma semaphore(%arg25 : memref<!tpu.dma_semaphore, #tpu.memory_space<semaphore_mem>>) src(%dma_wait3A_469 : memref<20480x128xf32, #tpu.memory_space<hbm>>) dst(%arg16 : memref<64x128xf32, #tpu.memory_space<vmem>>)
        %add3A_470 = arith.constant 2 : i32
        %add3A_471 = arith.addi %mul3A_395, %add3A_470 : i32
        %scan3A_472 = arith.constant 0 : i32
        %scan3A_473 = arith.constant 0 : i32
        %scan3A_474 = arith.constant 64 : i32
        %scan3A_475 = arith.addi %scan3A_473, %scan3A_474 : i32
        %scan3A_476 = arith.constant 1 : i32
        %scan3A_477 = scf.for %scan3A_518 = %scan3A_473 to %scan3A_475 step %scan3A_476 iter_args(%scan3A_519 = %scan3A_472) -> (i32)  : i32 {
          %mul3A_520 = arith.constant 64 : i32
          %mul3A_521 = arith.muli %add3A_471, %mul3A_520 : i32
          %broadcast_in_dim3A_522 = vector.broadcast %mul3A_521 : i32 to vector<16xi32>
          %add3A_523 = vector.broadcast %scan3A_518 : i32 to vector<16xi32>
          %add3A_524 = arith.addi %broadcast_in_dim3A_522, %add3A_523 : vector<16xi32>
          %gather3A = tpu.vector_load_idx %arg13[%add3A_524] : memref<2048xf32, #tpu.memory_space<vmem>>[vector<16xi32>], vector<16xf32>,
          %get3A = arith.index_cast %scan3A_518 : i32 to index
          %get3A_525 = arith.constant 0 : index
          %get3A_526 = tpu.vector_load %arg16[%get3A, %get3A_525] {strides = array<i32>} : memref<64x128xf32, #tpu.memory_space<vmem>>, vector<16xf32>,
          %mul3A_527 = arith.mulf %get3A_526, %gather3A : vector<16xf32>
          %swap3A = arith.index_cast %scan3A_518 : i32 to index
          %swap3A_528 = arith.constant 0 : index
          %swap3A_529 = tpu.vector_load %arg16[%swap3A, %swap3A_528] {strides = array<i32>} : memref<64x128xf32, #tpu.memory_space<vmem>>, vector<16xf32>,
          tpu.vector_store %arg16[%swap3A, %swap3A_528], %mul3A_527 {strides = array<i32>} : memref<64x128xf32, #tpu.memory_space<vmem>>, vector<16xf32>,
          %get3A_530 = arith.index_cast %scan3A_518 : i32 to index
          %get3A_531 = arith.constant 16 : index
          %get3A_532 = tpu.vector_load %arg16[%get3A_530, %get3A_531] {strides = array<i32>} : memref<64x128xf32, #tpu.memory_space<vmem>>, vector<16xf32>,
          %mul3A_533 = arith.mulf %get3A_532, %gather3A : vector<16xf32>
          %swap3A_534 = arith.index_cast %scan3A_518 : i32 to index
          %swap3A_535 = arith.constant 16 : index
          %swap3A_536 = tpu.vector_load %arg16[%swap3A_534, %swap3A_535] {strides = array<i32>} : memref<64x128xf32, #tpu.memory_space<vmem>>, vector<16xf32>,
          tpu.vector_store %arg16[%swap3A_534, %swap3A_535], %mul3A_533 {strides = array<i32>} : memref<64x128xf32, #tpu.memory_space<vmem>>, vector<16xf32>,
          %get3A_537 = arith.index_cast %scan3A_518 : i32 to index
          %get3A_538 = arith.constant 32 : index
          %get3A_539 = tpu.vector_load %arg16[%get3A_537, %get3A_538] {strides = array<i32>} : memref<64x128xf32, #tpu.memory_space<vmem>>, vector<16xf32>,
          %mul3A_540 = arith.mulf %get3A_539, %gather3A : vector<16xf32>
          %swap3A_541 = arith.index_cast %scan3A_518 : i32 to index
          %swap3A_542 = arith.constant 32 : index
          %swap3A_543 = tpu.vector_load %arg16[%swap3A_541, %swap3A_542] {strides = array<i32>} : memref<64x128xf32, #tpu.memory_space<vmem>>, vector<16xf32>,
          tpu.vector_store %arg16[%swap3A_541, %swap3A_542], %mul3A_540 {strides = array<i32>} : memref<64x128xf32, #tpu.memory_space<vmem>>, vector<16xf32>,
          %get3A_544 = arith.index_cast %scan3A_518 : i32 to index
          %get3A_545 = arith.constant 48 : index
          %get3A_546 = tpu.vector_load %arg16[%get3A_544, %get3A_545] {strides = array<i32>} : memref<64x128xf32, #tpu.memory_space<vmem>>, vector<16xf32>,
          %mul3A_547 = arith.mulf %get3A_546, %gather3A : vector<16xf32>
          %swap3A_548 = arith.index_cast %scan3A_518 : i32 to index
          %swap3A_549 = arith.constant 48 : index
          %swap3A_550 = tpu.vector_load %arg16[%swap3A_548, %swap3A_549] {strides = array<i32>} : memref<64x128xf32, #tpu.memory_space<vmem>>, vector<16xf32>,
          tpu.vector_store %arg16[%swap3A_548, %swap3A_549], %mul3A_547 {strides = array<i32>} : memref<64x128xf32, #tpu.memory_space<vmem>>, vector<16xf32>,
          %get3A_551 = arith.index_cast %scan3A_518 : i32 to index
          %get3A_552 = arith.constant 64 : index
          %get3A_553 = tpu.vector_load %arg16[%get3A_551, %get3A_552] {strides = array<i32>} : memref<64x128xf32, #tpu.memory_space<vmem>>, vector<16xf32>,
          %mul3A_554 = arith.mulf %get3A_553, %gather3A : vector<16xf32>
          %swap3A_555 = arith.index_cast %scan3A_518 : i32 to index
          %swap3A_556 = arith.constant 64 : index
          %swap3A_557 = tpu.vector_load %arg16[%swap3A_555, %swap3A_556] {strides = array<i32>} : memref<64x128xf32, #tpu.memory_space<vmem>>, vector<16xf32>,
          tpu.vector_store %arg16[%swap3A_555, %swap3A_556], %mul3A_554 {strides = array<i32>} : memref<64x128xf32, #tpu.memory_space<vmem>>, vector<16xf32>,
          %get3A_558 = arith.index_cast %scan3A_518 : i32 to index
          %get3A_559 = arith.constant 80 : index
          %get3A_560 = tpu.vector_load %arg16[%get3A_558, %get3A_559] {strides = array<i32>} : memref<64x128xf32, #tpu.memory_space<vmem>>, vector<16xf32>,
          %mul3A_561 = arith.mulf %get3A_560, %gather3A : vector<16xf32>
          %swap3A_562 = arith.index_cast %scan3A_518 : i32 to index
          %swap3A_563 = arith.constant 80 : index
          %swap3A_564 = tpu.vector_load %arg16[%swap3A_562, %swap3A_563] {strides = array<i32>} : memref<64x128xf32, #tpu.memory_space<vmem>>, vector<16xf32>,
          tpu.vector_store %arg16[%swap3A_562, %swap3A_563], %mul3A_561 {strides = array<i32>} : memref<64x128xf32, #tpu.memory_space<vmem>>, vector<16xf32>,
          %get3A_565 = arith.index_cast %scan3A_518 : i32 to index
          %get3A_566 = arith.constant 96 : index
          %get3A_567 = tpu.vector_load %arg16[%get3A_565, %get3A_566] {strides = array<i32>} : memref<64x128xf32, #tpu.memory_space<vmem>>, vector<16xf32>,
          %mul3A_568 = arith.mulf %get3A_567, %gather3A : vector<16xf32>
          %swap3A_569 = arith.index_cast %scan3A_518 : i32 to index
          %swap3A_570 = arith.constant 96 : index
          %swap3A_571 = tpu.vector_load %arg16[%swap3A_569, %swap3A_570] {strides = array<i32>} : memref<64x128xf32, #tpu.memory_space<vmem>>, vector<16xf32>,
          tpu.vector_store %arg16[%swap3A_569, %swap3A_570], %mul3A_568 {strides = array<i32>} : memref<64x128xf32, #tpu.memory_space<vmem>>, vector<16xf32>,
          %get3A_572 = arith.index_cast %scan3A_518 : i32 to index
          %get3A_573 = arith.constant 112 : index
          %get3A_574 = tpu.vector_load %arg16[%get3A_572, %get3A_573] {strides = array<i32>} : memref<64x128xf32, #tpu.memory_space<vmem>>, vector<16xf32>,
          %mul3A_575 = arith.mulf %get3A_574, %gather3A : vector<16xf32>
          %swap3A_576 = arith.index_cast %scan3A_518 : i32 to index
          %swap3A_577 = arith.constant 112 : index
          %swap3A_578 = tpu.vector_load %arg16[%swap3A_576, %swap3A_577] {strides = array<i32>} : memref<64x128xf32, #tpu.memory_space<vmem>>, vector<16xf32>,
          tpu.vector_store %arg16[%swap3A_576, %swap3A_577], %mul3A_575 {strides = array<i32>} : memref<64x128xf32, #tpu.memory_space<vmem>>, vector<16xf32>,
          %scan3A_579 = arith.constant 0 : i32
          scf.yield %scan3A_579 : i32
        }
        %scan3A_478 = arith.constant 64 : i32
        %add3A_479 = arith.constant 2 : i32
        %add3A_480 = arith.addi %mul3A_395, %add3A_479 : i32
        %mul3A_481 = arith.constant 64 : i32
        %mul3A_482 = arith.muli %add3A_480, %mul3A_481 : i32
        %dma_start3A_483 = tpu.memref_slice %arg11[%mul3A_482] : memref<2048xi32, #tpu.memory_space<vmem>> -> memref<64xi32, #tpu.memory_space<vmem>>
        %dma_start3A_484 = arith.constant 0 : i32
        %dma_start3A_485 = arith.constant 0 : i32
        %dma_start3A_486 = tpu.memref_slice %arg22[%dma_start3A_484, %dma_start3A_485] : memref<10240x128xf32, #tpu.memory_space<vmem_shared>> -> memref<10240x128xf32, #tpu.memory_space<vmem_shared>>
        tpu.enqueue_indirect_dma source(%arg16 : memref<64x128xf32, #tpu.memory_space<vmem>>) target(%dma_start3A_486 : memref<10240x128xf32, #tpu.memory_space<vmem_shared>>) offsets(%dma_start3A_483 : memref<64xi32, #tpu.memory_space<vmem>>) semaphore(%arg29 : memref<!tpu.dma_semaphore, #tpu.memory_space<semaphore_mem>>) {add = true}
        %lt3A_487 = arith.constant 7 : i32
        %lt3A_488 = arith.cmpi slt, %scan3A_392, %lt3A_487 : i32
        %convert_element_type3A_489 = arith.extui %lt3A_488 : i1 to i32
        %cond3A_490 = arith.constant 0 : i32
        %cond3A_491 = arith.cmpi ne, %convert_element_type3A_489, %cond3A_490 : i32
        scf.if %cond3A_491 {
          %add3A_518 = arith.constant 3 : i32
          %add3A_519 = arith.addi %mul3A_395, %add3A_518 : i32
          %sub3A = arith.constant 1 : i32
          %sub3A_520 = arith.subi %add3A_519, %sub3A : i32
          %mul3A_521 = arith.constant 64 : i32
          %mul3A_522 = arith.muli %sub3A_520, %mul3A_521 : i32
          %dma_wait3A_523 = tpu.memref_slice %arg11[%mul3A_522] : memref<2048xi32, #tpu.memory_space<vmem>> -> memref<64xi32, #tpu.memory_space<vmem>>
          %dma_wait3A_524 = arith.constant 0 : i32
          %dma_wait3A_525 = arith.constant 0 : i32
          %dma_wait3A_526 = tpu.memref_slice %arg22[%dma_wait3A_524, %dma_wait3A_525] : memref<10240x128xf32, #tpu.memory_space<vmem_shared>> -> memref<10240x128xf32, #tpu.memory_space<vmem_shared>>
          tpu.wait_indirect_dma semaphore(%arg29 : memref<!tpu.dma_semaphore, #tpu.memory_space<semaphore_mem>>) src(%arg16 : memref<64x128xf32, #tpu.memory_space<vmem>>) dst(%dma_wait3A_526 : memref<10240x128xf32, #tpu.memory_space<vmem_shared>>)
          %add3A_527 = arith.constant 3 : i32
          %add3A_528 = arith.addi %mul3A_395, %add3A_527 : i32
          %add3A_529 = arith.constant 3 : i32
          %add3A_530 = arith.addi %add3A_528, %add3A_529 : i32
          %mul3A_531 = arith.constant 64 : i32
          %mul3A_532 = arith.muli %add3A_530, %mul3A_531 : i32
          %dma_start3A_533 = tpu.memref_slice %arg10[%mul3A_532] : memref<2048xi32, #tpu.memory_space<vmem>> -> memref<64xi32, #tpu.memory_space<vmem>>
          %dma_start3A_534 = arith.constant 0 : i32
          %dma_start3A_535 = arith.constant 0 : i32
          %dma_start3A_536 = tpu.memref_slice %arg2[%dma_start3A_534, %dma_start3A_535] : memref<20480x128xf32, #tpu.memory_space<hbm>> -> memref<20480x128xf32, #tpu.memory_space<hbm>>
          tpu.enqueue_indirect_dma source(%dma_start3A_536 : memref<20480x128xf32, #tpu.memory_space<hbm>>) target(%arg16 : memref<64x128xf32, #tpu.memory_space<vmem>>) offsets(%dma_start3A_533 : memref<64xi32, #tpu.memory_space<vmem>>) semaphore(%arg25 : memref<!tpu.dma_semaphore, #tpu.memory_space<semaphore_mem>>)
        } else {
        }
        %add3A_492 = arith.constant 3 : i32
        %add3A_493 = arith.addi %mul3A_395, %add3A_492 : i32
        %mul3A_494 = arith.constant 64 : i32
        %mul3A_495 = arith.muli %add3A_493, %mul3A_494 : i32
        %dma_wait3A_496 = tpu.memref_slice %arg10[%mul3A_495] : memref<2048xi32, #tpu.memory_space<vmem>> -> memref<64xi32, #tpu.memory_space<vmem>>
        %dma_wait3A_497 = arith.constant 0 : i32
        %dma_wait3A_498 = arith.constant 0 : i32
        %dma_wait3A_499 = tpu.memref_slice %arg2[%dma_wait3A_497, %dma_wait3A_498] : memref<20480x128xf32, #tpu.memory_space<hbm>> -> memref<20480x128xf32, #tpu.memory_space<hbm>>
        tpu.wait_indirect_dma semaphore(%arg26 : memref<!tpu.dma_semaphore, #tpu.memory_space<semaphore_mem>>) src(%dma_wait3A_499 : memref<20480x128xf32, #tpu.memory_space<hbm>>) dst(%arg17 : memref<64x128xf32, #tpu.memory_space<vmem>>)
        %add3A_500 = arith.constant 3 : i32
        %add3A_501 = arith.addi %mul3A_395, %add3A_500 : i32
        %scan3A_502 = arith.constant 0 : i32
        %scan3A_503 = arith.constant 0 : i32
        %scan3A_504 = arith.constant 64 : i32
        %scan3A_505 = arith.addi %scan3A_503, %scan3A_504 : i32
        %scan3A_506 = arith.constant 1 : i32
        %scan3A_507 = scf.for %scan3A_518 = %scan3A_503 to %scan3A_505 step %scan3A_506 iter_args(%scan3A_519 = %scan3A_502) -> (i32)  : i32 {
          %mul3A_520 = arith.constant 64 : i32
          %mul3A_521 = arith.muli %add3A_501, %mul3A_520 : i32
          %broadcast_in_dim3A_522 = vector.broadcast %mul3A_521 : i32 to vector<16xi32>
          %add3A_523 = vector.broadcast %scan3A_518 : i32 to vector<16xi32>
          %add3A_524 = arith.addi %broadcast_in_dim3A_522, %add3A_523 : vector<16xi32>
          %gather3A = tpu.vector_load_idx %arg13[%add3A_524] : memref<2048xf32, #tpu.memory_space<vmem>>[vector<16xi32>], vector<16xf32>,
          %get3A = arith.index_cast %scan3A_518 : i32 to index
          %get3A_525 = arith.constant 0 : index
          %get3A_526 = tpu.vector_load %arg17[%get3A, %get3A_525] {strides = array<i32>} : memref<64x128xf32, #tpu.memory_space<vmem>>, vector<16xf32>,
          %mul3A_527 = arith.mulf %get3A_526, %gather3A : vector<16xf32>
          %swap3A = arith.index_cast %scan3A_518 : i32 to index
          %swap3A_528 = arith.constant 0 : index
          %swap3A_529 = tpu.vector_load %arg17[%swap3A, %swap3A_528] {strides = array<i32>} : memref<64x128xf32, #tpu.memory_space<vmem>>, vector<16xf32>,
          tpu.vector_store %arg17[%swap3A, %swap3A_528], %mul3A_527 {strides = array<i32>} : memref<64x128xf32, #tpu.memory_space<vmem>>, vector<16xf32>,
          %get3A_530 = arith.index_cast %scan3A_518 : i32 to index
          %get3A_531 = arith.constant 16 : index
          %get3A_532 = tpu.vector_load %arg17[%get3A_530, %get3A_531] {strides = array<i32>} : memref<64x128xf32, #tpu.memory_space<vmem>>, vector<16xf32>,
          %mul3A_533 = arith.mulf %get3A_532, %gather3A : vector<16xf32>
          %swap3A_534 = arith.index_cast %scan3A_518 : i32 to index
          %swap3A_535 = arith.constant 16 : index
          %swap3A_536 = tpu.vector_load %arg17[%swap3A_534, %swap3A_535] {strides = array<i32>} : memref<64x128xf32, #tpu.memory_space<vmem>>, vector<16xf32>,
          tpu.vector_store %arg17[%swap3A_534, %swap3A_535], %mul3A_533 {strides = array<i32>} : memref<64x128xf32, #tpu.memory_space<vmem>>, vector<16xf32>,
          %get3A_537 = arith.index_cast %scan3A_518 : i32 to index
          %get3A_538 = arith.constant 32 : index
          %get3A_539 = tpu.vector_load %arg17[%get3A_537, %get3A_538] {strides = array<i32>} : memref<64x128xf32, #tpu.memory_space<vmem>>, vector<16xf32>,
          %mul3A_540 = arith.mulf %get3A_539, %gather3A : vector<16xf32>
          %swap3A_541 = arith.index_cast %scan3A_518 : i32 to index
          %swap3A_542 = arith.constant 32 : index
          %swap3A_543 = tpu.vector_load %arg17[%swap3A_541, %swap3A_542] {strides = array<i32>} : memref<64x128xf32, #tpu.memory_space<vmem>>, vector<16xf32>,
          tpu.vector_store %arg17[%swap3A_541, %swap3A_542], %mul3A_540 {strides = array<i32>} : memref<64x128xf32, #tpu.memory_space<vmem>>, vector<16xf32>,
          %get3A_544 = arith.index_cast %scan3A_518 : i32 to index
          %get3A_545 = arith.constant 48 : index
          %get3A_546 = tpu.vector_load %arg17[%get3A_544, %get3A_545] {strides = array<i32>} : memref<64x128xf32, #tpu.memory_space<vmem>>, vector<16xf32>,
          %mul3A_547 = arith.mulf %get3A_546, %gather3A : vector<16xf32>
          %swap3A_548 = arith.index_cast %scan3A_518 : i32 to index
          %swap3A_549 = arith.constant 48 : index
          %swap3A_550 = tpu.vector_load %arg17[%swap3A_548, %swap3A_549] {strides = array<i32>} : memref<64x128xf32, #tpu.memory_space<vmem>>, vector<16xf32>,
          tpu.vector_store %arg17[%swap3A_548, %swap3A_549], %mul3A_547 {strides = array<i32>} : memref<64x128xf32, #tpu.memory_space<vmem>>, vector<16xf32>,
          %get3A_551 = arith.index_cast %scan3A_518 : i32 to index
          %get3A_552 = arith.constant 64 : index
          %get3A_553 = tpu.vector_load %arg17[%get3A_551, %get3A_552] {strides = array<i32>} : memref<64x128xf32, #tpu.memory_space<vmem>>, vector<16xf32>,
          %mul3A_554 = arith.mulf %get3A_553, %gather3A : vector<16xf32>
          %swap3A_555 = arith.index_cast %scan3A_518 : i32 to index
          %swap3A_556 = arith.constant 64 : index
          %swap3A_557 = tpu.vector_load %arg17[%swap3A_555, %swap3A_556] {strides = array<i32>} : memref<64x128xf32, #tpu.memory_space<vmem>>, vector<16xf32>,
          tpu.vector_store %arg17[%swap3A_555, %swap3A_556], %mul3A_554 {strides = array<i32>} : memref<64x128xf32, #tpu.memory_space<vmem>>, vector<16xf32>,
          %get3A_558 = arith.index_cast %scan3A_518 : i32 to index
          %get3A_559 = arith.constant 80 : index
          %get3A_560 = tpu.vector_load %arg17[%get3A_558, %get3A_559] {strides = array<i32>} : memref<64x128xf32, #tpu.memory_space<vmem>>, vector<16xf32>,
          %mul3A_561 = arith.mulf %get3A_560, %gather3A : vector<16xf32>
          %swap3A_562 = arith.index_cast %scan3A_518 : i32 to index
          %swap3A_563 = arith.constant 80 : index
          %swap3A_564 = tpu.vector_load %arg17[%swap3A_562, %swap3A_563] {strides = array<i32>} : memref<64x128xf32, #tpu.memory_space<vmem>>, vector<16xf32>,
          tpu.vector_store %arg17[%swap3A_562, %swap3A_563], %mul3A_561 {strides = array<i32>} : memref<64x128xf32, #tpu.memory_space<vmem>>, vector<16xf32>,
          %get3A_565 = arith.index_cast %scan3A_518 : i32 to index
          %get3A_566 = arith.constant 96 : index
          %get3A_567 = tpu.vector_load %arg17[%get3A_565, %get3A_566] {strides = array<i32>} : memref<64x128xf32, #tpu.memory_space<vmem>>, vector<16xf32>,
          %mul3A_568 = arith.mulf %get3A_567, %gather3A : vector<16xf32>
          %swap3A_569 = arith.index_cast %scan3A_518 : i32 to index
          %swap3A_570 = arith.constant 96 : index
          %swap3A_571 = tpu.vector_load %arg17[%swap3A_569, %swap3A_570] {strides = array<i32>} : memref<64x128xf32, #tpu.memory_space<vmem>>, vector<16xf32>,
          tpu.vector_store %arg17[%swap3A_569, %swap3A_570], %mul3A_568 {strides = array<i32>} : memref<64x128xf32, #tpu.memory_space<vmem>>, vector<16xf32>,
          %get3A_572 = arith.index_cast %scan3A_518 : i32 to index
          %get3A_573 = arith.constant 112 : index
          %get3A_574 = tpu.vector_load %arg17[%get3A_572, %get3A_573] {strides = array<i32>} : memref<64x128xf32, #tpu.memory_space<vmem>>, vector<16xf32>,
          %mul3A_575 = arith.mulf %get3A_574, %gather3A : vector<16xf32>
          %swap3A_576 = arith.index_cast %scan3A_518 : i32 to index
          %swap3A_577 = arith.constant 112 : index
          %swap3A_578 = tpu.vector_load %arg17[%swap3A_576, %swap3A_577] {strides = array<i32>} : memref<64x128xf32, #tpu.memory_space<vmem>>, vector<16xf32>,
          tpu.vector_store %arg17[%swap3A_576, %swap3A_577], %mul3A_575 {strides = array<i32>} : memref<64x128xf32, #tpu.memory_space<vmem>>, vector<16xf32>,
          %scan3A_579 = arith.constant 0 : i32
          scf.yield %scan3A_579 : i32
        }
        %scan3A_508 = arith.constant 64 : i32
        %add3A_509 = arith.constant 3 : i32
        %add3A_510 = arith.addi %mul3A_395, %add3A_509 : i32
        %mul3A_511 = arith.constant 64 : i32
        %mul3A_512 = arith.muli %add3A_510, %mul3A_511 : i32
        %dma_start3A_513 = tpu.memref_slice %arg11[%mul3A_512] : memref<2048xi32, #tpu.memory_space<vmem>> -> memref<64xi32, #tpu.memory_space<vmem>>
        %dma_start3A_514 = arith.constant 0 : i32
        %dma_start3A_515 = arith.constant 0 : i32
        %dma_start3A_516 = tpu.memref_slice %arg22[%dma_start3A_514, %dma_start3A_515] : memref<10240x128xf32, #tpu.memory_space<vmem_shared>> -> memref<10240x128xf32, #tpu.memory_space<vmem_shared>>
        tpu.enqueue_indirect_dma source(%arg17 : memref<64x128xf32, #tpu.memory_space<vmem>>) target(%dma_start3A_516 : memref<10240x128xf32, #tpu.memory_space<vmem_shared>>) offsets(%dma_start3A_513 : memref<64xi32, #tpu.memory_space<vmem>>) semaphore(%arg30 : memref<!tpu.dma_semaphore, #tpu.memory_space<semaphore_mem>>) {add = true}
        %scan3A_517 = arith.constant 0 : i32
        scf.yield %scan3A_517 : i32
      }
      %scan3A_368 = arith.constant 8 : i32
      %dma_wait3A_369 = arith.constant 1792 : i32
      %dma_wait3A_370 = tpu.memref_slice %arg11[%dma_wait3A_369] : memref<2048xi32, #tpu.memory_space<vmem>> -> memref<64xi32, #tpu.memory_space<vmem>>
      %dma_wait3A_371 = arith.constant 0 : i32
      %dma_wait3A_372 = arith.constant 0 : i32
      %dma_wait3A_373 = tpu.memref_slice %arg22[%dma_wait3A_371, %dma_wait3A_372] : memref<10240x128xf32, #tpu.memory_space<vmem_shared>> -> memref<10240x128xf32, #tpu.memory_space<vmem_shared>>
      tpu.wait_indirect_dma semaphore(%arg27 : memref<!tpu.dma_semaphore, #tpu.memory_space<semaphore_mem>>) src(%arg14 : memref<64x128xf32, #tpu.memory_space<vmem>>) dst(%dma_wait3A_373 : memref<10240x128xf32, #tpu.memory_space<vmem_shared>>)
      %dma_wait3A_374 = arith.constant 1856 : i32
      %dma_wait3A_375 = tpu.memref_slice %arg11[%dma_wait3A_374] : memref<2048xi32, #tpu.memory_space<vmem>> -> memref<64xi32, #tpu.memory_space<vmem>>
      %dma_wait3A_376 = arith.constant 0 : i32
      %dma_wait3A_377 = arith.constant 0 : i32
      %dma_wait3A_378 = tpu.memref_slice %arg22[%dma_wait3A_376, %dma_wait3A_377] : memref<10240x128xf32, #tpu.memory_space<vmem_shared>> -> memref<10240x128xf32, #tpu.memory_space<vmem_shared>>
      tpu.wait_indirect_dma semaphore(%arg28 : memref<!tpu.dma_semaphore, #tpu.memory_space<semaphore_mem>>) src(%arg15 : memref<64x128xf32, #tpu.memory_space<vmem>>) dst(%dma_wait3A_378 : memref<10240x128xf32, #tpu.memory_space<vmem_shared>>)
      %dma_wait3A_379 = arith.constant 1920 : i32
      %dma_wait3A_380 = tpu.memref_slice %arg11[%dma_wait3A_379] : memref<2048xi32, #tpu.memory_space<vmem>> -> memref<64xi32, #tpu.memory_space<vmem>>
      %dma_wait3A_381 = arith.constant 0 : i32
      %dma_wait3A_382 = arith.constant 0 : i32
      %dma_wait3A_383 = tpu.memref_slice %arg22[%dma_wait3A_381, %dma_wait3A_382] : memref<10240x128xf32, #tpu.memory_space<vmem_shared>> -> memref<10240x128xf32, #tpu.memory_space<vmem_shared>>
      tpu.wait_indirect_dma semaphore(%arg29 : memref<!tpu.dma_semaphore, #tpu.memory_space<semaphore_mem>>) src(%arg16 : memref<64x128xf32, #tpu.memory_space<vmem>>) dst(%dma_wait3A_383 : memref<10240x128xf32, #tpu.memory_space<vmem_shared>>)
      %dma_wait3A_384 = arith.constant 1984 : i32
      %dma_wait3A_385 = tpu.memref_slice %arg11[%dma_wait3A_384] : memref<2048xi32, #tpu.memory_space<vmem>> -> memref<64xi32, #tpu.memory_space<vmem>>
      %dma_wait3A_386 = arith.constant 0 : i32
      %dma_wait3A_387 = arith.constant 0 : i32
      %dma_wait3A_388 = tpu.memref_slice %arg22[%dma_wait3A_386, %dma_wait3A_387] : memref<10240x128xf32, #tpu.memory_space<vmem_shared>> -> memref<10240x128xf32, #tpu.memory_space<vmem_shared>>
      tpu.wait_indirect_dma semaphore(%arg30 : memref<!tpu.dma_semaphore, #tpu.memory_space<semaphore_mem>>) src(%arg17 : memref<64x128xf32, #tpu.memory_space<vmem>>) dst(%dma_wait3A_388 : memref<10240x128xf32, #tpu.memory_space<vmem_shared>>)
      %dma_wait3A_389 = arith.constant 0 : i32
      %dma_wait3A_390 = tpu.memref_slice %arg21[%dma_wait3A_389] : memref<10240xf32, #tpu.memory_space<vmem_shared>> -> memref<10240xf32, #tpu.memory_space<vmem_shared>>
      tpu.wait_indirect_dma semaphore(%arg33 : memref<!tpu.dma_semaphore, #tpu.memory_space<semaphore_mem>>) src(%arg13 : memref<2048xf32, #tpu.memory_space<vmem>>) dst(%dma_wait3A_390 : memref<10240xf32, #tpu.memory_space<vmem_shared>>)
      %scan3A_391 = arith.constant 0 : i32
      scf.yield %scan3A_391 : i32
    }
    %scan3A_82 = arith.constant 5 : i32
    %barrier3A_83 = arith.constant 0 : index
    tpu.barrier barrier_id(%barrier3A_83)
    %mul3A_84 = arith.constant 640 : i32
    %mul3A_85 = arith.muli %arg1, %mul3A_84 : i32
    "tpu.region"() ({
      %run_scoped3A_243 = tpu.sem_alloc : memref<!tpu.dma_semaphore, #tpu.memory_space<semaphore_mem>>
      %dma_start3A_244 = tpu.memref_slice %arg21[%mul3A_85] : memref<10240xf32, #tpu.memory_space<vmem_shared>> -> memref<640xf32, #tpu.memory_space<vmem_shared>>
      %dma_start3A_245 = tpu.memref_slice %arg21[%mul3A_85] : memref<10240xf32, #tpu.memory_space<vmem_shared>> -> memref<640xf32, #tpu.memory_space<vmem_shared>>
      tpu.enqueue_dma source(%dma_start3A_245 : memref<640xf32, #tpu.memory_space<vmem_shared>>) target(%arg18 : memref<640xf32, #tpu.memory_space<vmem>>) target_semaphore(%run_scoped3A_243 : memref<!tpu.dma_semaphore, #tpu.memory_space<semaphore_mem>>)
      %dma_wait3A = tpu.memref_slice %arg21[%mul3A_85] : memref<10240xf32, #tpu.memory_space<vmem_shared>> -> memref<640xf32, #tpu.memory_space<vmem_shared>>
      %dma_wait3A_246 = tpu.memref_slice %arg21[%mul3A_85] : memref<10240xf32, #tpu.memory_space<vmem_shared>> -> memref<640xf32, #tpu.memory_space<vmem_shared>>
      tpu.wait_dma2 semaphore(%run_scoped3A_243 : memref<!tpu.dma_semaphore, #tpu.memory_space<semaphore_mem>>) src(%dma_wait3A_246 : memref<640xf32, #tpu.memory_space<vmem_shared>>) dst(%arg18 : memref<640xf32, #tpu.memory_space<vmem>>)
      tpu.yield
    }) : () -> ()
    %scan3A_86 = arith.constant 0 : i32
    %scan3A_87 = arith.constant 0 : i32
    %scan3A_88 = arith.constant 40 : i32
    %scan3A_89 = arith.addi %scan3A_87, %scan3A_88 : i32
    %scan3A_90 = arith.constant 1 : i32
    %scan3A_91 = scf.for %scan3A_243 = %scan3A_87 to %scan3A_89 step %scan3A_90 iter_args(%scan3A_244 = %scan3A_86) -> (i32)  : i32 {
      %mul3A_245 = arith.constant 16 : i32
      %mul3A_246 = arith.muli %mul3A_245, %scan3A_243 : i32
      %get3A = arith.index_cast %mul3A_246 : i32 to index
      %get3A_247 = tpu.vector_load %arg18[%get3A] {strides = array<i32>} : memref<640xf32, #tpu.memory_space<vmem>>, vector<16xf32>,
      %add3A_248 = arith.constant 9.99999971E-10 : f32
      %add3A_249 = vector.broadcast %add3A_248 : f32 to vector<16xf32>
      %add3A_250 = arith.addf %get3A_247, %add3A_249 : vector<16xf32>
      %div3A = arith.constant 1.000000e+00 : f32
      %div3A_251 = vector.broadcast %div3A : f32 to vector<16xf32>
      %div3A_252 = arith.divf %div3A_251, %add3A_250 : vector<16xf32>
      %swap3A = arith.index_cast %mul3A_246 : i32 to index
      %swap3A_253 = tpu.vector_load %arg18[%swap3A] {strides = array<i32>} : memref<640xf32, #tpu.memory_space<vmem>>, vector<16xf32>,
      tpu.vector_store %arg18[%swap3A], %div3A_252 {strides = array<i32>} : memref<640xf32, #tpu.memory_space<vmem>>, vector<16xf32>,
      %scan3A_254 = arith.constant 0 : i32
      scf.yield %scan3A_254 : i32
    }
    %scan3A_92 = arith.constant 40 : i32
    %mul3A_93 = arith.constant 640 : i32
    %mul3A_94 = arith.muli %arg1, %mul3A_93 : i32
    %add3A_95 = arith.constant 0 : i32
    %add3A_96 = arith.addi %mul3A_94, %add3A_95 : i32
    "tpu.region"() ({
      %run_scoped3A_243 = tpu.sem_alloc : memref<!tpu.dma_semaphore, #tpu.memory_space<semaphore_mem>>
      %dma_start3A_244 = arith.constant 0 : i32
      %dma_start3A_245 = tpu.memref_slice %arg22[%add3A_96, %dma_start3A_244] : memref<10240x128xf32, #tpu.memory_space<vmem_shared>> -> memref<64x128xf32, #tpu.memory_space<vmem_shared>>
      %dma_start3A_246 = arith.constant 0 : i32
      %dma_start3A_247 = tpu.memref_slice %arg22[%add3A_96, %dma_start3A_246] : memref<10240x128xf32, #tpu.memory_space<vmem_shared>> -> memref<64x128xf32, #tpu.memory_space<vmem_shared>>
      tpu.enqueue_dma source(%dma_start3A_247 : memref<64x128xf32, #tpu.memory_space<vmem_shared>>) target(%arg14 : memref<64x128xf32, #tpu.memory_space<vmem>>) target_semaphore(%run_scoped3A_243 : memref<!tpu.dma_semaphore, #tpu.memory_space<semaphore_mem>>)
      %dma_wait3A = arith.constant 0 : i32
      %dma_wait3A_248 = tpu.memref_slice %arg22[%add3A_96, %dma_wait3A] : memref<10240x128xf32, #tpu.memory_space<vmem_shared>> -> memref<64x128xf32, #tpu.memory_space<vmem_shared>>
      %dma_wait3A_249 = arith.constant 0 : i32
      %dma_wait3A_250 = tpu.memref_slice %arg22[%add3A_96, %dma_wait3A_249] : memref<10240x128xf32, #tpu.memory_space<vmem_shared>> -> memref<64x128xf32, #tpu.memory_space<vmem_shared>>
      tpu.wait_dma2 semaphore(%run_scoped3A_243 : memref<!tpu.dma_semaphore, #tpu.memory_space<semaphore_mem>>) src(%dma_wait3A_250 : memref<64x128xf32, #tpu.memory_space<vmem_shared>>) dst(%arg14 : memref<64x128xf32, #tpu.memory_space<vmem>>)
      tpu.yield
    }) : () -> ()
    %scan3A_97 = arith.constant 0 : i32
    %scan3A_98 = arith.constant 0 : i32
    %scan3A_99 = arith.constant 64 : i32
    %scan3A_100 = arith.addi %scan3A_98, %scan3A_99 : i32
    %scan3A_101 = arith.constant 1 : i32
    %scan3A_102 = scf.for %scan3A_243 = %scan3A_98 to %scan3A_100 step %scan3A_101 iter_args(%scan3A_244 = %scan3A_97) -> (i32)  : i32 {
      %broadcast_in_dim3A_245 = arith.constant 0 : i32
      %broadcast_in_dim3A_246 = vector.broadcast %broadcast_in_dim3A_245 : i32 to vector<16xi32>
      %add3A_247 = vector.broadcast %scan3A_243 : i32 to vector<16xi32>
      %add3A_248 = arith.addi %broadcast_in_dim3A_246, %add3A_247 : vector<16xi32>
      %gather3A = tpu.vector_load_idx %arg18[%add3A_248] : memref<640xf32, #tpu.memory_space<vmem>>[vector<16xi32>], vector<16xf32>,
      %get3A = arith.index_cast %scan3A_243 : i32 to index
      %get3A_249 = arith.constant 0 : index
      %get3A_250 = tpu.vector_load %arg14[%get3A, %get3A_249] {strides = array<i32>} : memref<64x128xf32, #tpu.memory_space<vmem>>, vector<16xf32>,
      %mul3A_251 = arith.mulf %get3A_250, %gather3A : vector<16xf32>
      %swap3A = arith.index_cast %scan3A_243 : i32 to index
      %swap3A_252 = arith.constant 0 : index
      %swap3A_253 = tpu.vector_load %arg14[%swap3A, %swap3A_252] {strides = array<i32>} : memref<64x128xf32, #tpu.memory_space<vmem>>, vector<16xf32>,
      tpu.vector_store %arg14[%swap3A, %swap3A_252], %mul3A_251 {strides = array<i32>} : memref<64x128xf32, #tpu.memory_space<vmem>>, vector<16xf32>,
      %get3A_254 = arith.index_cast %scan3A_243 : i32 to index
      %get3A_255 = arith.constant 16 : index
      %get3A_256 = tpu.vector_load %arg14[%get3A_254, %get3A_255] {strides = array<i32>} : memref<64x128xf32, #tpu.memory_space<vmem>>, vector<16xf32>,
      %mul3A_257 = arith.mulf %get3A_256, %gather3A : vector<16xf32>
      %swap3A_258 = arith.index_cast %scan3A_243 : i32 to index
      %swap3A_259 = arith.constant 16 : index
      %swap3A_260 = tpu.vector_load %arg14[%swap3A_258, %swap3A_259] {strides = array<i32>} : memref<64x128xf32, #tpu.memory_space<vmem>>, vector<16xf32>,
      tpu.vector_store %arg14[%swap3A_258, %swap3A_259], %mul3A_257 {strides = array<i32>} : memref<64x128xf32, #tpu.memory_space<vmem>>, vector<16xf32>,
      %get3A_261 = arith.index_cast %scan3A_243 : i32 to index
      %get3A_262 = arith.constant 32 : index
      %get3A_263 = tpu.vector_load %arg14[%get3A_261, %get3A_262] {strides = array<i32>} : memref<64x128xf32, #tpu.memory_space<vmem>>, vector<16xf32>,
      %mul3A_264 = arith.mulf %get3A_263, %gather3A : vector<16xf32>
      %swap3A_265 = arith.index_cast %scan3A_243 : i32 to index
      %swap3A_266 = arith.constant 32 : index
      %swap3A_267 = tpu.vector_load %arg14[%swap3A_265, %swap3A_266] {strides = array<i32>} : memref<64x128xf32, #tpu.memory_space<vmem>>, vector<16xf32>,
      tpu.vector_store %arg14[%swap3A_265, %swap3A_266], %mul3A_264 {strides = array<i32>} : memref<64x128xf32, #tpu.memory_space<vmem>>, vector<16xf32>,
      %get3A_268 = arith.index_cast %scan3A_243 : i32 to index
      %get3A_269 = arith.constant 48 : index
      %get3A_270 = tpu.vector_load %arg14[%get3A_268, %get3A_269] {strides = array<i32>} : memref<64x128xf32, #tpu.memory_space<vmem>>, vector<16xf32>,
      %mul3A_271 = arith.mulf %get3A_270, %gather3A : vector<16xf32>
      %swap3A_272 = arith.index_cast %scan3A_243 : i32 to index
      %swap3A_273 = arith.constant 48 : index
      %swap3A_274 = tpu.vector_load %arg14[%swap3A_272, %swap3A_273] {strides = array<i32>} : memref<64x128xf32, #tpu.memory_space<vmem>>, vector<16xf32>,
      tpu.vector_store %arg14[%swap3A_272, %swap3A_273], %mul3A_271 {strides = array<i32>} : memref<64x128xf32, #tpu.memory_space<vmem>>, vector<16xf32>,
      %get3A_275 = arith.index_cast %scan3A_243 : i32 to index
      %get3A_276 = arith.constant 64 : index
      %get3A_277 = tpu.vector_load %arg14[%get3A_275, %get3A_276] {strides = array<i32>} : memref<64x128xf32, #tpu.memory_space<vmem>>, vector<16xf32>,
      %mul3A_278 = arith.mulf %get3A_277, %gather3A : vector<16xf32>
      %swap3A_279 = arith.index_cast %scan3A_243 : i32 to index
      %swap3A_280 = arith.constant 64 : index
      %swap3A_281 = tpu.vector_load %arg14[%swap3A_279, %swap3A_280] {strides = array<i32>} : memref<64x128xf32, #tpu.memory_space<vmem>>, vector<16xf32>,
      tpu.vector_store %arg14[%swap3A_279, %swap3A_280], %mul3A_278 {strides = array<i32>} : memref<64x128xf32, #tpu.memory_space<vmem>>, vector<16xf32>,
      %get3A_282 = arith.index_cast %scan3A_243 : i32 to index
      %get3A_283 = arith.constant 80 : index
      %get3A_284 = tpu.vector_load %arg14[%get3A_282, %get3A_283] {strides = array<i32>} : memref<64x128xf32, #tpu.memory_space<vmem>>, vector<16xf32>,
      %mul3A_285 = arith.mulf %get3A_284, %gather3A : vector<16xf32>
      %swap3A_286 = arith.index_cast %scan3A_243 : i32 to index
      %swap3A_287 = arith.constant 80 : index
      %swap3A_288 = tpu.vector_load %arg14[%swap3A_286, %swap3A_287] {strides = array<i32>} : memref<64x128xf32, #tpu.memory_space<vmem>>, vector<16xf32>,
      tpu.vector_store %arg14[%swap3A_286, %swap3A_287], %mul3A_285 {strides = array<i32>} : memref<64x128xf32, #tpu.memory_space<vmem>>, vector<16xf32>,
      %get3A_289 = arith.index_cast %scan3A_243 : i32 to index
      %get3A_290 = arith.constant 96 : index
      %get3A_291 = tpu.vector_load %arg14[%get3A_289, %get3A_290] {strides = array<i32>} : memref<64x128xf32, #tpu.memory_space<vmem>>, vector<16xf32>,
      %mul3A_292 = arith.mulf %get3A_291, %gather3A : vector<16xf32>
      %swap3A_293 = arith.index_cast %scan3A_243 : i32 to index
      %swap3A_294 = arith.constant 96 : index
      %swap3A_295 = tpu.vector_load %arg14[%swap3A_293, %swap3A_294] {strides = array<i32>} : memref<64x128xf32, #tpu.memory_space<vmem>>, vector<16xf32>,
      tpu.vector_store %arg14[%swap3A_293, %swap3A_294], %mul3A_292 {strides = array<i32>} : memref<64x128xf32, #tpu.memory_space<vmem>>, vector<16xf32>,
      %get3A_296 = arith.index_cast %scan3A_243 : i32 to index
      %get3A_297 = arith.constant 112 : index
      %get3A_298 = tpu.vector_load %arg14[%get3A_296, %get3A_297] {strides = array<i32>} : memref<64x128xf32, #tpu.memory_space<vmem>>, vector<16xf32>,
      %mul3A_299 = arith.mulf %get3A_298, %gather3A : vector<16xf32>
      %swap3A_300 = arith.index_cast %scan3A_243 : i32 to index
      %swap3A_301 = arith.constant 112 : index
      %swap3A_302 = tpu.vector_load %arg14[%swap3A_300, %swap3A_301] {strides = array<i32>} : memref<64x128xf32, #tpu.memory_space<vmem>>, vector<16xf32>,
      tpu.vector_store %arg14[%swap3A_300, %swap3A_301], %mul3A_299 {strides = array<i32>} : memref<64x128xf32, #tpu.memory_space<vmem>>, vector<16xf32>,
      %scan3A_303 = arith.constant 0 : i32
      scf.yield %scan3A_303 : i32
    }
    %scan3A_103 = arith.constant 64 : i32
    %mul3A_104 = arith.constant 640 : i32
    %mul3A_105 = arith.muli %arg1, %mul3A_104 : i32
    %add3A_106 = arith.constant 0 : i32
    %add3A_107 = arith.addi %mul3A_105, %add3A_106 : i32
    "tpu.region"() ({
      %run_scoped3A_243 = tpu.sem_alloc : memref<!tpu.dma_semaphore, #tpu.memory_space<semaphore_mem>>
      %dma_start3A_244 = arith.constant 0 : i32
      %dma_start3A_245 = tpu.memref_slice %arg7[%arg0, %add3A_107, %dma_start3A_244] : memref<2x10240x128xf32, #tpu.memory_space<hbm>> -> memref<1x64x128xf32, #tpu.memory_space<hbm>>
      %dma_start3A_246 = tpu.memref_squeeze %dma_start3A_245 : memref<1x64x128xf32, #tpu.memory_space<hbm>> -> memref<64x128xf32, #tpu.memory_space<hbm>>
      %dma_start3A_247 = arith.constant 0 : i32
      %dma_start3A_248 = tpu.memref_slice %arg7[%arg0, %add3A_107, %dma_start3A_247] : memref<2x10240x128xf32, #tpu.memory_space<hbm>> -> memref<1x64x128xf32, #tpu.memory_space<hbm>>
      %dma_start3A_249 = tpu.memref_squeeze %dma_start3A_248 : memref<1x64x128xf32, #tpu.memory_space<hbm>> -> memref<64x128xf32, #tpu.memory_space<hbm>>
      tpu.enqueue_dma source(%arg14 : memref<64x128xf32, #tpu.memory_space<vmem>>) target(%dma_start3A_249 : memref<64x128xf32, #tpu.memory_space<hbm>>) target_semaphore(%run_scoped3A_243 : memref<!tpu.dma_semaphore, #tpu.memory_space<semaphore_mem>>)
      %dma_wait3A = arith.constant 0 : i32
      %dma_wait3A_250 = tpu.memref_slice %arg7[%arg0, %add3A_107, %dma_wait3A] : memref<2x10240x128xf32, #tpu.memory_space<hbm>> -> memref<1x64x128xf32, #tpu.memory_space<hbm>>
      %dma_wait3A_251 = tpu.memref_squeeze %dma_wait3A_250 : memref<1x64x128xf32, #tpu.memory_space<hbm>> -> memref<64x128xf32, #tpu.memory_space<hbm>>
      %dma_wait3A_252 = arith.constant 0 : i32
      %dma_wait3A_253 = tpu.memref_slice %arg7[%arg0, %add3A_107, %dma_wait3A_252] : memref<2x10240x128xf32, #tpu.memory_space<hbm>> -> memref<1x64x128xf32, #tpu.memory_space<hbm>>
      %dma_wait3A_254 = tpu.memref_squeeze %dma_wait3A_253 : memref<1x64x128xf32, #tpu.memory_space<hbm>> -> memref<64x128xf32, #tpu.memory_space<hbm>>
      tpu.wait_dma2 semaphore(%run_scoped3A_243 : memref<!tpu.dma_semaphore, #tpu.memory_space<semaphore_mem>>) src(%arg14 : memref<64x128xf32, #tpu.memory_space<vmem>>) dst(%dma_wait3A_254 : memref<64x128xf32, #tpu.memory_space<hbm>>)
      tpu.yield
    }) : () -> ()
    %mul3A_108 = arith.constant 640 : i32
    %mul3A_109 = arith.muli %arg1, %mul3A_108 : i32
    %add3A_110 = arith.constant 64 : i32
    %add3A_111 = arith.addi %mul3A_109, %add3A_110 : i32
    "tpu.region"() ({
      %run_scoped3A_243 = tpu.sem_alloc : memref<!tpu.dma_semaphore, #tpu.memory_space<semaphore_mem>>
      %dma_start3A_244 = arith.constant 0 : i32
      %dma_start3A_245 = tpu.memref_slice %arg22[%add3A_111, %dma_start3A_244] : memref<10240x128xf32, #tpu.memory_space<vmem_shared>> -> memref<64x128xf32, #tpu.memory_space<vmem_shared>>
      %dma_start3A_246 = arith.constant 0 : i32
      %dma_start3A_247 = tpu.memref_slice %arg22[%add3A_111, %dma_start3A_246] : memref<10240x128xf32, #tpu.memory_space<vmem_shared>> -> memref<64x128xf32, #tpu.memory_space<vmem_shared>>
      tpu.enqueue_dma source(%dma_start3A_247 : memref<64x128xf32, #tpu.memory_space<vmem_shared>>) target(%arg14 : memref<64x128xf32, #tpu.memory_space<vmem>>) target_semaphore(%run_scoped3A_243 : memref<!tpu.dma_semaphore, #tpu.memory_space<semaphore_mem>>)
      %dma_wait3A = arith.constant 0 : i32
      %dma_wait3A_248 = tpu.memref_slice %arg22[%add3A_111, %dma_wait3A] : memref<10240x128xf32, #tpu.memory_space<vmem_shared>> -> memref<64x128xf32, #tpu.memory_space<vmem_shared>>
      %dma_wait3A_249 = arith.constant 0 : i32
      %dma_wait3A_250 = tpu.memref_slice %arg22[%add3A_111, %dma_wait3A_249] : memref<10240x128xf32, #tpu.memory_space<vmem_shared>> -> memref<64x128xf32, #tpu.memory_space<vmem_shared>>
      tpu.wait_dma2 semaphore(%run_scoped3A_243 : memref<!tpu.dma_semaphore, #tpu.memory_space<semaphore_mem>>) src(%dma_wait3A_250 : memref<64x128xf32, #tpu.memory_space<vmem_shared>>) dst(%arg14 : memref<64x128xf32, #tpu.memory_space<vmem>>)
      tpu.yield
    }) : () -> ()
    %scan3A_112 = arith.constant 0 : i32
    %scan3A_113 = arith.constant 0 : i32
    %scan3A_114 = arith.constant 64 : i32
    %scan3A_115 = arith.addi %scan3A_113, %scan3A_114 : i32
    %scan3A_116 = arith.constant 1 : i32
    %scan3A_117 = scf.for %scan3A_243 = %scan3A_113 to %scan3A_115 step %scan3A_116 iter_args(%scan3A_244 = %scan3A_112) -> (i32)  : i32 {
      %broadcast_in_dim3A_245 = arith.constant 64 : i32
      %broadcast_in_dim3A_246 = vector.broadcast %broadcast_in_dim3A_245 : i32 to vector<16xi32>
      %add3A_247 = vector.broadcast %scan3A_243 : i32 to vector<16xi32>
      %add3A_248 = arith.addi %broadcast_in_dim3A_246, %add3A_247 : vector<16xi32>
      %gather3A = tpu.vector_load_idx %arg18[%add3A_248] : memref<640xf32, #tpu.memory_space<vmem>>[vector<16xi32>], vector<16xf32>,
      %get3A = arith.index_cast %scan3A_243 : i32 to index
      %get3A_249 = arith.constant 0 : index
      %get3A_250 = tpu.vector_load %arg14[%get3A, %get3A_249] {strides = array<i32>} : memref<64x128xf32, #tpu.memory_space<vmem>>, vector<16xf32>,
      %mul3A_251 = arith.mulf %get3A_250, %gather3A : vector<16xf32>
      %swap3A = arith.index_cast %scan3A_243 : i32 to index
      %swap3A_252 = arith.constant 0 : index
      %swap3A_253 = tpu.vector_load %arg14[%swap3A, %swap3A_252] {strides = array<i32>} : memref<64x128xf32, #tpu.memory_space<vmem>>, vector<16xf32>,
      tpu.vector_store %arg14[%swap3A, %swap3A_252], %mul3A_251 {strides = array<i32>} : memref<64x128xf32, #tpu.memory_space<vmem>>, vector<16xf32>,
      %get3A_254 = arith.index_cast %scan3A_243 : i32 to index
      %get3A_255 = arith.constant 16 : index
      %get3A_256 = tpu.vector_load %arg14[%get3A_254, %get3A_255] {strides = array<i32>} : memref<64x128xf32, #tpu.memory_space<vmem>>, vector<16xf32>,
      %mul3A_257 = arith.mulf %get3A_256, %gather3A : vector<16xf32>
      %swap3A_258 = arith.index_cast %scan3A_243 : i32 to index
      %swap3A_259 = arith.constant 16 : index
      %swap3A_260 = tpu.vector_load %arg14[%swap3A_258, %swap3A_259] {strides = array<i32>} : memref<64x128xf32, #tpu.memory_space<vmem>>, vector<16xf32>,
      tpu.vector_store %arg14[%swap3A_258, %swap3A_259], %mul3A_257 {strides = array<i32>} : memref<64x128xf32, #tpu.memory_space<vmem>>, vector<16xf32>,
      %get3A_261 = arith.index_cast %scan3A_243 : i32 to index
      %get3A_262 = arith.constant 32 : index
      %get3A_263 = tpu.vector_load %arg14[%get3A_261, %get3A_262] {strides = array<i32>} : memref<64x128xf32, #tpu.memory_space<vmem>>, vector<16xf32>,
      %mul3A_264 = arith.mulf %get3A_263, %gather3A : vector<16xf32>
      %swap3A_265 = arith.index_cast %scan3A_243 : i32 to index
      %swap3A_266 = arith.constant 32 : index
      %swap3A_267 = tpu.vector_load %arg14[%swap3A_265, %swap3A_266] {strides = array<i32>} : memref<64x128xf32, #tpu.memory_space<vmem>>, vector<16xf32>,
      tpu.vector_store %arg14[%swap3A_265, %swap3A_266], %mul3A_264 {strides = array<i32>} : memref<64x128xf32, #tpu.memory_space<vmem>>, vector<16xf32>,
      %get3A_268 = arith.index_cast %scan3A_243 : i32 to index
      %get3A_269 = arith.constant 48 : index
      %get3A_270 = tpu.vector_load %arg14[%get3A_268, %get3A_269] {strides = array<i32>} : memref<64x128xf32, #tpu.memory_space<vmem>>, vector<16xf32>,
      %mul3A_271 = arith.mulf %get3A_270, %gather3A : vector<16xf32>
      %swap3A_272 = arith.index_cast %scan3A_243 : i32 to index
      %swap3A_273 = arith.constant 48 : index
      %swap3A_274 = tpu.vector_load %arg14[%swap3A_272, %swap3A_273] {strides = array<i32>} : memref<64x128xf32, #tpu.memory_space<vmem>>, vector<16xf32>,
      tpu.vector_store %arg14[%swap3A_272, %swap3A_273], %mul3A_271 {strides = array<i32>} : memref<64x128xf32, #tpu.memory_space<vmem>>, vector<16xf32>,
      %get3A_275 = arith.index_cast %scan3A_243 : i32 to index
      %get3A_276 = arith.constant 64 : index
      %get3A_277 = tpu.vector_load %arg14[%get3A_275, %get3A_276] {strides = array<i32>} : memref<64x128xf32, #tpu.memory_space<vmem>>, vector<16xf32>,
      %mul3A_278 = arith.mulf %get3A_277, %gather3A : vector<16xf32>
      %swap3A_279 = arith.index_cast %scan3A_243 : i32 to index
      %swap3A_280 = arith.constant 64 : index
      %swap3A_281 = tpu.vector_load %arg14[%swap3A_279, %swap3A_280] {strides = array<i32>} : memref<64x128xf32, #tpu.memory_space<vmem>>, vector<16xf32>,
      tpu.vector_store %arg14[%swap3A_279, %swap3A_280], %mul3A_278 {strides = array<i32>} : memref<64x128xf32, #tpu.memory_space<vmem>>, vector<16xf32>,
      %get3A_282 = arith.index_cast %scan3A_243 : i32 to index
      %get3A_283 = arith.constant 80 : index
      %get3A_284 = tpu.vector_load %arg14[%get3A_282, %get3A_283] {strides = array<i32>} : memref<64x128xf32, #tpu.memory_space<vmem>>, vector<16xf32>,
      %mul3A_285 = arith.mulf %get3A_284, %gather3A : vector<16xf32>
      %swap3A_286 = arith.index_cast %scan3A_243 : i32 to index
      %swap3A_287 = arith.constant 80 : index
      %swap3A_288 = tpu.vector_load %arg14[%swap3A_286, %swap3A_287] {strides = array<i32>} : memref<64x128xf32, #tpu.memory_space<vmem>>, vector<16xf32>,
      tpu.vector_store %arg14[%swap3A_286, %swap3A_287], %mul3A_285 {strides = array<i32>} : memref<64x128xf32, #tpu.memory_space<vmem>>, vector<16xf32>,
      %get3A_289 = arith.index_cast %scan3A_243 : i32 to index
      %get3A_290 = arith.constant 96 : index
      %get3A_291 = tpu.vector_load %arg14[%get3A_289, %get3A_290] {strides = array<i32>} : memref<64x128xf32, #tpu.memory_space<vmem>>, vector<16xf32>,
      %mul3A_292 = arith.mulf %get3A_291, %gather3A : vector<16xf32>
      %swap3A_293 = arith.index_cast %scan3A_243 : i32 to index
      %swap3A_294 = arith.constant 96 : index
      %swap3A_295 = tpu.vector_load %arg14[%swap3A_293, %swap3A_294] {strides = array<i32>} : memref<64x128xf32, #tpu.memory_space<vmem>>, vector<16xf32>,
      tpu.vector_store %arg14[%swap3A_293, %swap3A_294], %mul3A_292 {strides = array<i32>} : memref<64x128xf32, #tpu.memory_space<vmem>>, vector<16xf32>,
      %get3A_296 = arith.index_cast %scan3A_243 : i32 to index
      %get3A_297 = arith.constant 112 : index
      %get3A_298 = tpu.vector_load %arg14[%get3A_296, %get3A_297] {strides = array<i32>} : memref<64x128xf32, #tpu.memory_space<vmem>>, vector<16xf32>,
      %mul3A_299 = arith.mulf %get3A_298, %gather3A : vector<16xf32>
      %swap3A_300 = arith.index_cast %scan3A_243 : i32 to index
      %swap3A_301 = arith.constant 112 : index
      %swap3A_302 = tpu.vector_load %arg14[%swap3A_300, %swap3A_301] {strides = array<i32>} : memref<64x128xf32, #tpu.memory_space<vmem>>, vector<16xf32>,
      tpu.vector_store %arg14[%swap3A_300, %swap3A_301], %mul3A_299 {strides = array<i32>} : memref<64x128xf32, #tpu.memory_space<vmem>>, vector<16xf32>,
      %scan3A_303 = arith.constant 0 : i32
      scf.yield %scan3A_303 : i32
    }
    %scan3A_118 = arith.constant 64 : i32
    %mul3A_119 = arith.constant 640 : i32
    %mul3A_120 = arith.muli %arg1, %mul3A_119 : i32
    %add3A_121 = arith.constant 64 : i32
    %add3A_122 = arith.addi %mul3A_120, %add3A_121 : i32
    "tpu.region"() ({
      %run_scoped3A_243 = tpu.sem_alloc : memref<!tpu.dma_semaphore, #tpu.memory_space<semaphore_mem>>
      %dma_start3A_244 = arith.constant 0 : i32
      %dma_start3A_245 = tpu.memref_slice %arg7[%arg0, %add3A_122, %dma_start3A_244] : memref<2x10240x128xf32, #tpu.memory_space<hbm>> -> memref<1x64x128xf32, #tpu.memory_space<hbm>>
      %dma_start3A_246 = tpu.memref_squeeze %dma_start3A_245 : memref<1x64x128xf32, #tpu.memory_space<hbm>> -> memref<64x128xf32, #tpu.memory_space<hbm>>
      %dma_start3A_247 = arith.constant 0 : i32
      %dma_start3A_248 = tpu.memref_slice %arg7[%arg0, %add3A_122, %dma_start3A_247] : memref<2x10240x128xf32, #tpu.memory_space<hbm>> -> memref<1x64x128xf32, #tpu.memory_space<hbm>>
      %dma_start3A_249 = tpu.memref_squeeze %dma_start3A_248 : memref<1x64x128xf32, #tpu.memory_space<hbm>> -> memref<64x128xf32, #tpu.memory_space<hbm>>
      tpu.enqueue_dma source(%arg14 : memref<64x128xf32, #tpu.memory_space<vmem>>) target(%dma_start3A_249 : memref<64x128xf32, #tpu.memory_space<hbm>>) target_semaphore(%run_scoped3A_243 : memref<!tpu.dma_semaphore, #tpu.memory_space<semaphore_mem>>)
      %dma_wait3A = arith.constant 0 : i32
      %dma_wait3A_250 = tpu.memref_slice %arg7[%arg0, %add3A_122, %dma_wait3A] : memref<2x10240x128xf32, #tpu.memory_space<hbm>> -> memref<1x64x128xf32, #tpu.memory_space<hbm>>
      %dma_wait3A_251 = tpu.memref_squeeze %dma_wait3A_250 : memref<1x64x128xf32, #tpu.memory_space<hbm>> -> memref<64x128xf32, #tpu.memory_space<hbm>>
      %dma_wait3A_252 = arith.constant 0 : i32
      %dma_wait3A_253 = tpu.memref_slice %arg7[%arg0, %add3A_122, %dma_wait3A_252] : memref<2x10240x128xf32, #tpu.memory_space<hbm>> -> memref<1x64x128xf32, #tpu.memory_space<hbm>>
      %dma_wait3A_254 = tpu.memref_squeeze %dma_wait3A_253 : memref<1x64x128xf32, #tpu.memory_space<hbm>> -> memref<64x128xf32, #tpu.memory_space<hbm>>
      tpu.wait_dma2 semaphore(%run_scoped3A_243 : memref<!tpu.dma_semaphore, #tpu.memory_space<semaphore_mem>>) src(%arg14 : memref<64x128xf32, #tpu.memory_space<vmem>>) dst(%dma_wait3A_254 : memref<64x128xf32, #tpu.memory_space<hbm>>)
      tpu.yield
    }) : () -> ()
    %mul3A_123 = arith.constant 640 : i32
    %mul3A_124 = arith.muli %arg1, %mul3A_123 : i32
    %add3A_125 = arith.constant 128 : i32
    %add3A_126 = arith.addi %mul3A_124, %add3A_125 : i32
    "tpu.region"() ({
      %run_scoped3A_243 = tpu.sem_alloc : memref<!tpu.dma_semaphore, #tpu.memory_space<semaphore_mem>>
      %dma_start3A_244 = arith.constant 0 : i32
      %dma_start3A_245 = tpu.memref_slice %arg22[%add3A_126, %dma_start3A_244] : memref<10240x128xf32, #tpu.memory_space<vmem_shared>> -> memref<64x128xf32, #tpu.memory_space<vmem_shared>>
      %dma_start3A_246 = arith.constant 0 : i32
      %dma_start3A_247 = tpu.memref_slice %arg22[%add3A_126, %dma_start3A_246] : memref<10240x128xf32, #tpu.memory_space<vmem_shared>> -> memref<64x128xf32, #tpu.memory_space<vmem_shared>>
      tpu.enqueue_dma source(%dma_start3A_247 : memref<64x128xf32, #tpu.memory_space<vmem_shared>>) target(%arg14 : memref<64x128xf32, #tpu.memory_space<vmem>>) target_semaphore(%run_scoped3A_243 : memref<!tpu.dma_semaphore, #tpu.memory_space<semaphore_mem>>)
      %dma_wait3A = arith.constant 0 : i32
      %dma_wait3A_248 = tpu.memref_slice %arg22[%add3A_126, %dma_wait3A] : memref<10240x128xf32, #tpu.memory_space<vmem_shared>> -> memref<64x128xf32, #tpu.memory_space<vmem_shared>>
      %dma_wait3A_249 = arith.constant 0 : i32
      %dma_wait3A_250 = tpu.memref_slice %arg22[%add3A_126, %dma_wait3A_249] : memref<10240x128xf32, #tpu.memory_space<vmem_shared>> -> memref<64x128xf32, #tpu.memory_space<vmem_shared>>
      tpu.wait_dma2 semaphore(%run_scoped3A_243 : memref<!tpu.dma_semaphore, #tpu.memory_space<semaphore_mem>>) src(%dma_wait3A_250 : memref<64x128xf32, #tpu.memory_space<vmem_shared>>) dst(%arg14 : memref<64x128xf32, #tpu.memory_space<vmem>>)
      tpu.yield
    }) : () -> ()
    %scan3A_127 = arith.constant 0 : i32
    %scan3A_128 = arith.constant 0 : i32
    %scan3A_129 = arith.constant 64 : i32
    %scan3A_130 = arith.addi %scan3A_128, %scan3A_129 : i32
    %scan3A_131 = arith.constant 1 : i32
    %scan3A_132 = scf.for %scan3A_243 = %scan3A_128 to %scan3A_130 step %scan3A_131 iter_args(%scan3A_244 = %scan3A_127) -> (i32)  : i32 {
      %broadcast_in_dim3A_245 = arith.constant 128 : i32
      %broadcast_in_dim3A_246 = vector.broadcast %broadcast_in_dim3A_245 : i32 to vector<16xi32>
      %add3A_247 = vector.broadcast %scan3A_243 : i32 to vector<16xi32>
      %add3A_248 = arith.addi %broadcast_in_dim3A_246, %add3A_247 : vector<16xi32>
      %gather3A = tpu.vector_load_idx %arg18[%add3A_248] : memref<640xf32, #tpu.memory_space<vmem>>[vector<16xi32>], vector<16xf32>,
      %get3A = arith.index_cast %scan3A_243 : i32 to index
      %get3A_249 = arith.constant 0 : index
      %get3A_250 = tpu.vector_load %arg14[%get3A, %get3A_249] {strides = array<i32>} : memref<64x128xf32, #tpu.memory_space<vmem>>, vector<16xf32>,
      %mul3A_251 = arith.mulf %get3A_250, %gather3A : vector<16xf32>
      %swap3A = arith.index_cast %scan3A_243 : i32 to index
      %swap3A_252 = arith.constant 0 : index
      %swap3A_253 = tpu.vector_load %arg14[%swap3A, %swap3A_252] {strides = array<i32>} : memref<64x128xf32, #tpu.memory_space<vmem>>, vector<16xf32>,
      tpu.vector_store %arg14[%swap3A, %swap3A_252], %mul3A_251 {strides = array<i32>} : memref<64x128xf32, #tpu.memory_space<vmem>>, vector<16xf32>,
      %get3A_254 = arith.index_cast %scan3A_243 : i32 to index
      %get3A_255 = arith.constant 16 : index
      %get3A_256 = tpu.vector_load %arg14[%get3A_254, %get3A_255] {strides = array<i32>} : memref<64x128xf32, #tpu.memory_space<vmem>>, vector<16xf32>,
      %mul3A_257 = arith.mulf %get3A_256, %gather3A : vector<16xf32>
      %swap3A_258 = arith.index_cast %scan3A_243 : i32 to index
      %swap3A_259 = arith.constant 16 : index
      %swap3A_260 = tpu.vector_load %arg14[%swap3A_258, %swap3A_259] {strides = array<i32>} : memref<64x128xf32, #tpu.memory_space<vmem>>, vector<16xf32>,
      tpu.vector_store %arg14[%swap3A_258, %swap3A_259], %mul3A_257 {strides = array<i32>} : memref<64x128xf32, #tpu.memory_space<vmem>>, vector<16xf32>,
      %get3A_261 = arith.index_cast %scan3A_243 : i32 to index
      %get3A_262 = arith.constant 32 : index
      %get3A_263 = tpu.vector_load %arg14[%get3A_261, %get3A_262] {strides = array<i32>} : memref<64x128xf32, #tpu.memory_space<vmem>>, vector<16xf32>,
      %mul3A_264 = arith.mulf %get3A_263, %gather3A : vector<16xf32>
      %swap3A_265 = arith.index_cast %scan3A_243 : i32 to index
      %swap3A_266 = arith.constant 32 : index
      %swap3A_267 = tpu.vector_load %arg14[%swap3A_265, %swap3A_266] {strides = array<i32>} : memref<64x128xf32, #tpu.memory_space<vmem>>, vector<16xf32>,
      tpu.vector_store %arg14[%swap3A_265, %swap3A_266], %mul3A_264 {strides = array<i32>} : memref<64x128xf32, #tpu.memory_space<vmem>>, vector<16xf32>,
      %get3A_268 = arith.index_cast %scan3A_243 : i32 to index
      %get3A_269 = arith.constant 48 : index
      %get3A_270 = tpu.vector_load %arg14[%get3A_268, %get3A_269] {strides = array<i32>} : memref<64x128xf32, #tpu.memory_space<vmem>>, vector<16xf32>,
      %mul3A_271 = arith.mulf %get3A_270, %gather3A : vector<16xf32>
      %swap3A_272 = arith.index_cast %scan3A_243 : i32 to index
      %swap3A_273 = arith.constant 48 : index
      %swap3A_274 = tpu.vector_load %arg14[%swap3A_272, %swap3A_273] {strides = array<i32>} : memref<64x128xf32, #tpu.memory_space<vmem>>, vector<16xf32>,
      tpu.vector_store %arg14[%swap3A_272, %swap3A_273], %mul3A_271 {strides = array<i32>} : memref<64x128xf32, #tpu.memory_space<vmem>>, vector<16xf32>,
      %get3A_275 = arith.index_cast %scan3A_243 : i32 to index
      %get3A_276 = arith.constant 64 : index
      %get3A_277 = tpu.vector_load %arg14[%get3A_275, %get3A_276] {strides = array<i32>} : memref<64x128xf32, #tpu.memory_space<vmem>>, vector<16xf32>,
      %mul3A_278 = arith.mulf %get3A_277, %gather3A : vector<16xf32>
      %swap3A_279 = arith.index_cast %scan3A_243 : i32 to index
      %swap3A_280 = arith.constant 64 : index
      %swap3A_281 = tpu.vector_load %arg14[%swap3A_279, %swap3A_280] {strides = array<i32>} : memref<64x128xf32, #tpu.memory_space<vmem>>, vector<16xf32>,
      tpu.vector_store %arg14[%swap3A_279, %swap3A_280], %mul3A_278 {strides = array<i32>} : memref<64x128xf32, #tpu.memory_space<vmem>>, vector<16xf32>,
      %get3A_282 = arith.index_cast %scan3A_243 : i32 to index
      %get3A_283 = arith.constant 80 : index
      %get3A_284 = tpu.vector_load %arg14[%get3A_282, %get3A_283] {strides = array<i32>} : memref<64x128xf32, #tpu.memory_space<vmem>>, vector<16xf32>,
      %mul3A_285 = arith.mulf %get3A_284, %gather3A : vector<16xf32>
      %swap3A_286 = arith.index_cast %scan3A_243 : i32 to index
      %swap3A_287 = arith.constant 80 : index
      %swap3A_288 = tpu.vector_load %arg14[%swap3A_286, %swap3A_287] {strides = array<i32>} : memref<64x128xf32, #tpu.memory_space<vmem>>, vector<16xf32>,
      tpu.vector_store %arg14[%swap3A_286, %swap3A_287], %mul3A_285 {strides = array<i32>} : memref<64x128xf32, #tpu.memory_space<vmem>>, vector<16xf32>,
      %get3A_289 = arith.index_cast %scan3A_243 : i32 to index
      %get3A_290 = arith.constant 96 : index
      %get3A_291 = tpu.vector_load %arg14[%get3A_289, %get3A_290] {strides = array<i32>} : memref<64x128xf32, #tpu.memory_space<vmem>>, vector<16xf32>,
      %mul3A_292 = arith.mulf %get3A_291, %gather3A : vector<16xf32>
      %swap3A_293 = arith.index_cast %scan3A_243 : i32 to index
      %swap3A_294 = arith.constant 96 : index
      %swap3A_295 = tpu.vector_load %arg14[%swap3A_293, %swap3A_294] {strides = array<i32>} : memref<64x128xf32, #tpu.memory_space<vmem>>, vector<16xf32>,
      tpu.vector_store %arg14[%swap3A_293, %swap3A_294], %mul3A_292 {strides = array<i32>} : memref<64x128xf32, #tpu.memory_space<vmem>>, vector<16xf32>,
      %get3A_296 = arith.index_cast %scan3A_243 : i32 to index
      %get3A_297 = arith.constant 112 : index
      %get3A_298 = tpu.vector_load %arg14[%get3A_296, %get3A_297] {strides = array<i32>} : memref<64x128xf32, #tpu.memory_space<vmem>>, vector<16xf32>,
      %mul3A_299 = arith.mulf %get3A_298, %gather3A : vector<16xf32>
      %swap3A_300 = arith.index_cast %scan3A_243 : i32 to index
      %swap3A_301 = arith.constant 112 : index
      %swap3A_302 = tpu.vector_load %arg14[%swap3A_300, %swap3A_301] {strides = array<i32>} : memref<64x128xf32, #tpu.memory_space<vmem>>, vector<16xf32>,
      tpu.vector_store %arg14[%swap3A_300, %swap3A_301], %mul3A_299 {strides = array<i32>} : memref<64x128xf32, #tpu.memory_space<vmem>>, vector<16xf32>,
      %scan3A_303 = arith.constant 0 : i32
      scf.yield %scan3A_303 : i32
    }
    %scan3A_133 = arith.constant 64 : i32
    %mul3A_134 = arith.constant 640 : i32
    %mul3A_135 = arith.muli %arg1, %mul3A_134 : i32
    %add3A_136 = arith.constant 128 : i32
    %add3A_137 = arith.addi %mul3A_135, %add3A_136 : i32
    "tpu.region"() ({
      %run_scoped3A_243 = tpu.sem_alloc : memref<!tpu.dma_semaphore, #tpu.memory_space<semaphore_mem>>
      %dma_start3A_244 = arith.constant 0 : i32
      %dma_start3A_245 = tpu.memref_slice %arg7[%arg0, %add3A_137, %dma_start3A_244] : memref<2x10240x128xf32, #tpu.memory_space<hbm>> -> memref<1x64x128xf32, #tpu.memory_space<hbm>>
      %dma_start3A_246 = tpu.memref_squeeze %dma_start3A_245 : memref<1x64x128xf32, #tpu.memory_space<hbm>> -> memref<64x128xf32, #tpu.memory_space<hbm>>
      %dma_start3A_247 = arith.constant 0 : i32
      %dma_start3A_248 = tpu.memref_slice %arg7[%arg0, %add3A_137, %dma_start3A_247] : memref<2x10240x128xf32, #tpu.memory_space<hbm>> -> memref<1x64x128xf32, #tpu.memory_space<hbm>>
      %dma_start3A_249 = tpu.memref_squeeze %dma_start3A_248 : memref<1x64x128xf32, #tpu.memory_space<hbm>> -> memref<64x128xf32, #tpu.memory_space<hbm>>
      tpu.enqueue_dma source(%arg14 : memref<64x128xf32, #tpu.memory_space<vmem>>) target(%dma_start3A_249 : memref<64x128xf32, #tpu.memory_space<hbm>>) target_semaphore(%run_scoped3A_243 : memref<!tpu.dma_semaphore, #tpu.memory_space<semaphore_mem>>)
      %dma_wait3A = arith.constant 0 : i32
      %dma_wait3A_250 = tpu.memref_slice %arg7[%arg0, %add3A_137, %dma_wait3A] : memref<2x10240x128xf32, #tpu.memory_space<hbm>> -> memref<1x64x128xf32, #tpu.memory_space<hbm>>
      %dma_wait3A_251 = tpu.memref_squeeze %dma_wait3A_250 : memref<1x64x128xf32, #tpu.memory_space<hbm>> -> memref<64x128xf32, #tpu.memory_space<hbm>>
      %dma_wait3A_252 = arith.constant 0 : i32
      %dma_wait3A_253 = tpu.memref_slice %arg7[%arg0, %add3A_137, %dma_wait3A_252] : memref<2x10240x128xf32, #tpu.memory_space<hbm>> -> memref<1x64x128xf32, #tpu.memory_space<hbm>>
      %dma_wait3A_254 = tpu.memref_squeeze %dma_wait3A_253 : memref<1x64x128xf32, #tpu.memory_space<hbm>> -> memref<64x128xf32, #tpu.memory_space<hbm>>
      tpu.wait_dma2 semaphore(%run_scoped3A_243 : memref<!tpu.dma_semaphore, #tpu.memory_space<semaphore_mem>>) src(%arg14 : memref<64x128xf32, #tpu.memory_space<vmem>>) dst(%dma_wait3A_254 : memref<64x128xf32, #tpu.memory_space<hbm>>)
      tpu.yield
    }) : () -> ()
    %mul3A_138 = arith.constant 640 : i32
    %mul3A_139 = arith.muli %arg1, %mul3A_138 : i32
    %add3A_140 = arith.constant 192 : i32
    %add3A_141 = arith.addi %mul3A_139, %add3A_140 : i32
    "tpu.region"() ({
      %run_scoped3A_243 = tpu.sem_alloc : memref<!tpu.dma_semaphore, #tpu.memory_space<semaphore_mem>>
      %dma_start3A_244 = arith.constant 0 : i32
      %dma_start3A_245 = tpu.memref_slice %arg22[%add3A_141, %dma_start3A_244] : memref<10240x128xf32, #tpu.memory_space<vmem_shared>> -> memref<64x128xf32, #tpu.memory_space<vmem_shared>>
      %dma_start3A_246 = arith.constant 0 : i32
      %dma_start3A_247 = tpu.memref_slice %arg22[%add3A_141, %dma_start3A_246] : memref<10240x128xf32, #tpu.memory_space<vmem_shared>> -> memref<64x128xf32, #tpu.memory_space<vmem_shared>>
      tpu.enqueue_dma source(%dma_start3A_247 : memref<64x128xf32, #tpu.memory_space<vmem_shared>>) target(%arg14 : memref<64x128xf32, #tpu.memory_space<vmem>>) target_semaphore(%run_scoped3A_243 : memref<!tpu.dma_semaphore, #tpu.memory_space<semaphore_mem>>)
      %dma_wait3A = arith.constant 0 : i32
      %dma_wait3A_248 = tpu.memref_slice %arg22[%add3A_141, %dma_wait3A] : memref<10240x128xf32, #tpu.memory_space<vmem_shared>> -> memref<64x128xf32, #tpu.memory_space<vmem_shared>>
      %dma_wait3A_249 = arith.constant 0 : i32
      %dma_wait3A_250 = tpu.memref_slice %arg22[%add3A_141, %dma_wait3A_249] : memref<10240x128xf32, #tpu.memory_space<vmem_shared>> -> memref<64x128xf32, #tpu.memory_space<vmem_shared>>
      tpu.wait_dma2 semaphore(%run_scoped3A_243 : memref<!tpu.dma_semaphore, #tpu.memory_space<semaphore_mem>>) src(%dma_wait3A_250 : memref<64x128xf32, #tpu.memory_space<vmem_shared>>) dst(%arg14 : memref<64x128xf32, #tpu.memory_space<vmem>>)
      tpu.yield
    }) : () -> ()
    %scan3A_142 = arith.constant 0 : i32
    %scan3A_143 = arith.constant 0 : i32
    %scan3A_144 = arith.constant 64 : i32
    %scan3A_145 = arith.addi %scan3A_143, %scan3A_144 : i32
    %scan3A_146 = arith.constant 1 : i32
    %scan3A_147 = scf.for %scan3A_243 = %scan3A_143 to %scan3A_145 step %scan3A_146 iter_args(%scan3A_244 = %scan3A_142) -> (i32)  : i32 {
      %broadcast_in_dim3A_245 = arith.constant 192 : i32
      %broadcast_in_dim3A_246 = vector.broadcast %broadcast_in_dim3A_245 : i32 to vector<16xi32>
      %add3A_247 = vector.broadcast %scan3A_243 : i32 to vector<16xi32>
      %add3A_248 = arith.addi %broadcast_in_dim3A_246, %add3A_247 : vector<16xi32>
      %gather3A = tpu.vector_load_idx %arg18[%add3A_248] : memref<640xf32, #tpu.memory_space<vmem>>[vector<16xi32>], vector<16xf32>,
      %get3A = arith.index_cast %scan3A_243 : i32 to index
      %get3A_249 = arith.constant 0 : index
      %get3A_250 = tpu.vector_load %arg14[%get3A, %get3A_249] {strides = array<i32>} : memref<64x128xf32, #tpu.memory_space<vmem>>, vector<16xf32>,
      %mul3A_251 = arith.mulf %get3A_250, %gather3A : vector<16xf32>
      %swap3A = arith.index_cast %scan3A_243 : i32 to index
      %swap3A_252 = arith.constant 0 : index
      %swap3A_253 = tpu.vector_load %arg14[%swap3A, %swap3A_252] {strides = array<i32>} : memref<64x128xf32, #tpu.memory_space<vmem>>, vector<16xf32>,
      tpu.vector_store %arg14[%swap3A, %swap3A_252], %mul3A_251 {strides = array<i32>} : memref<64x128xf32, #tpu.memory_space<vmem>>, vector<16xf32>,
      %get3A_254 = arith.index_cast %scan3A_243 : i32 to index
      %get3A_255 = arith.constant 16 : index
      %get3A_256 = tpu.vector_load %arg14[%get3A_254, %get3A_255] {strides = array<i32>} : memref<64x128xf32, #tpu.memory_space<vmem>>, vector<16xf32>,
      %mul3A_257 = arith.mulf %get3A_256, %gather3A : vector<16xf32>
      %swap3A_258 = arith.index_cast %scan3A_243 : i32 to index
      %swap3A_259 = arith.constant 16 : index
      %swap3A_260 = tpu.vector_load %arg14[%swap3A_258, %swap3A_259] {strides = array<i32>} : memref<64x128xf32, #tpu.memory_space<vmem>>, vector<16xf32>,
      tpu.vector_store %arg14[%swap3A_258, %swap3A_259], %mul3A_257 {strides = array<i32>} : memref<64x128xf32, #tpu.memory_space<vmem>>, vector<16xf32>,
      %get3A_261 = arith.index_cast %scan3A_243 : i32 to index
      %get3A_262 = arith.constant 32 : index
      %get3A_263 = tpu.vector_load %arg14[%get3A_261, %get3A_262] {strides = array<i32>} : memref<64x128xf32, #tpu.memory_space<vmem>>, vector<16xf32>,
      %mul3A_264 = arith.mulf %get3A_263, %gather3A : vector<16xf32>
      %swap3A_265 = arith.index_cast %scan3A_243 : i32 to index
      %swap3A_266 = arith.constant 32 : index
      %swap3A_267 = tpu.vector_load %arg14[%swap3A_265, %swap3A_266] {strides = array<i32>} : memref<64x128xf32, #tpu.memory_space<vmem>>, vector<16xf32>,
      tpu.vector_store %arg14[%swap3A_265, %swap3A_266], %mul3A_264 {strides = array<i32>} : memref<64x128xf32, #tpu.memory_space<vmem>>, vector<16xf32>,
      %get3A_268 = arith.index_cast %scan3A_243 : i32 to index
      %get3A_269 = arith.constant 48 : index
      %get3A_270 = tpu.vector_load %arg14[%get3A_268, %get3A_269] {strides = array<i32>} : memref<64x128xf32, #tpu.memory_space<vmem>>, vector<16xf32>,
      %mul3A_271 = arith.mulf %get3A_270, %gather3A : vector<16xf32>
      %swap3A_272 = arith.index_cast %scan3A_243 : i32 to index
      %swap3A_273 = arith.constant 48 : index
      %swap3A_274 = tpu.vector_load %arg14[%swap3A_272, %swap3A_273] {strides = array<i32>} : memref<64x128xf32, #tpu.memory_space<vmem>>, vector<16xf32>,
      tpu.vector_store %arg14[%swap3A_272, %swap3A_273], %mul3A_271 {strides = array<i32>} : memref<64x128xf32, #tpu.memory_space<vmem>>, vector<16xf32>,
      %get3A_275 = arith.index_cast %scan3A_243 : i32 to index
      %get3A_276 = arith.constant 64 : index
      %get3A_277 = tpu.vector_load %arg14[%get3A_275, %get3A_276] {strides = array<i32>} : memref<64x128xf32, #tpu.memory_space<vmem>>, vector<16xf32>,
      %mul3A_278 = arith.mulf %get3A_277, %gather3A : vector<16xf32>
      %swap3A_279 = arith.index_cast %scan3A_243 : i32 to index
      %swap3A_280 = arith.constant 64 : index
      %swap3A_281 = tpu.vector_load %arg14[%swap3A_279, %swap3A_280] {strides = array<i32>} : memref<64x128xf32, #tpu.memory_space<vmem>>, vector<16xf32>,
      tpu.vector_store %arg14[%swap3A_279, %swap3A_280], %mul3A_278 {strides = array<i32>} : memref<64x128xf32, #tpu.memory_space<vmem>>, vector<16xf32>,
      %get3A_282 = arith.index_cast %scan3A_243 : i32 to index
      %get3A_283 = arith.constant 80 : index
      %get3A_284 = tpu.vector_load %arg14[%get3A_282, %get3A_283] {strides = array<i32>} : memref<64x128xf32, #tpu.memory_space<vmem>>, vector<16xf32>,
      %mul3A_285 = arith.mulf %get3A_284, %gather3A : vector<16xf32>
      %swap3A_286 = arith.index_cast %scan3A_243 : i32 to index
      %swap3A_287 = arith.constant 80 : index
      %swap3A_288 = tpu.vector_load %arg14[%swap3A_286, %swap3A_287] {strides = array<i32>} : memref<64x128xf32, #tpu.memory_space<vmem>>, vector<16xf32>,
      tpu.vector_store %arg14[%swap3A_286, %swap3A_287], %mul3A_285 {strides = array<i32>} : memref<64x128xf32, #tpu.memory_space<vmem>>, vector<16xf32>,
      %get3A_289 = arith.index_cast %scan3A_243 : i32 to index
      %get3A_290 = arith.constant 96 : index
      %get3A_291 = tpu.vector_load %arg14[%get3A_289, %get3A_290] {strides = array<i32>} : memref<64x128xf32, #tpu.memory_space<vmem>>, vector<16xf32>,
      %mul3A_292 = arith.mulf %get3A_291, %gather3A : vector<16xf32>
      %swap3A_293 = arith.index_cast %scan3A_243 : i32 to index
      %swap3A_294 = arith.constant 96 : index
      %swap3A_295 = tpu.vector_load %arg14[%swap3A_293, %swap3A_294] {strides = array<i32>} : memref<64x128xf32, #tpu.memory_space<vmem>>, vector<16xf32>,
      tpu.vector_store %arg14[%swap3A_293, %swap3A_294], %mul3A_292 {strides = array<i32>} : memref<64x128xf32, #tpu.memory_space<vmem>>, vector<16xf32>,
      %get3A_296 = arith.index_cast %scan3A_243 : i32 to index
      %get3A_297 = arith.constant 112 : index
      %get3A_298 = tpu.vector_load %arg14[%get3A_296, %get3A_297] {strides = array<i32>} : memref<64x128xf32, #tpu.memory_space<vmem>>, vector<16xf32>,
      %mul3A_299 = arith.mulf %get3A_298, %gather3A : vector<16xf32>
      %swap3A_300 = arith.index_cast %scan3A_243 : i32 to index
      %swap3A_301 = arith.constant 112 : index
      %swap3A_302 = tpu.vector_load %arg14[%swap3A_300, %swap3A_301] {strides = array<i32>} : memref<64x128xf32, #tpu.memory_space<vmem>>, vector<16xf32>,
      tpu.vector_store %arg14[%swap3A_300, %swap3A_301], %mul3A_299 {strides = array<i32>} : memref<64x128xf32, #tpu.memory_space<vmem>>, vector<16xf32>,
      %scan3A_303 = arith.constant 0 : i32
      scf.yield %scan3A_303 : i32
    }
    %scan3A_148 = arith.constant 64 : i32
    %mul3A_149 = arith.constant 640 : i32
    %mul3A_150 = arith.muli %arg1, %mul3A_149 : i32
    %add3A_151 = arith.constant 192 : i32
    %add3A_152 = arith.addi %mul3A_150, %add3A_151 : i32
    "tpu.region"() ({
      %run_scoped3A_243 = tpu.sem_alloc : memref<!tpu.dma_semaphore, #tpu.memory_space<semaphore_mem>>
      %dma_start3A_244 = arith.constant 0 : i32
      %dma_start3A_245 = tpu.memref_slice %arg7[%arg0, %add3A_152, %dma_start3A_244] : memref<2x10240x128xf32, #tpu.memory_space<hbm>> -> memref<1x64x128xf32, #tpu.memory_space<hbm>>
      %dma_start3A_246 = tpu.memref_squeeze %dma_start3A_245 : memref<1x64x128xf32, #tpu.memory_space<hbm>> -> memref<64x128xf32, #tpu.memory_space<hbm>>
      %dma_start3A_247 = arith.constant 0 : i32
      %dma_start3A_248 = tpu.memref_slice %arg7[%arg0, %add3A_152, %dma_start3A_247] : memref<2x10240x128xf32, #tpu.memory_space<hbm>> -> memref<1x64x128xf32, #tpu.memory_space<hbm>>
      %dma_start3A_249 = tpu.memref_squeeze %dma_start3A_248 : memref<1x64x128xf32, #tpu.memory_space<hbm>> -> memref<64x128xf32, #tpu.memory_space<hbm>>
      tpu.enqueue_dma source(%arg14 : memref<64x128xf32, #tpu.memory_space<vmem>>) target(%dma_start3A_249 : memref<64x128xf32, #tpu.memory_space<hbm>>) target_semaphore(%run_scoped3A_243 : memref<!tpu.dma_semaphore, #tpu.memory_space<semaphore_mem>>)
      %dma_wait3A = arith.constant 0 : i32
      %dma_wait3A_250 = tpu.memref_slice %arg7[%arg0, %add3A_152, %dma_wait3A] : memref<2x10240x128xf32, #tpu.memory_space<hbm>> -> memref<1x64x128xf32, #tpu.memory_space<hbm>>
      %dma_wait3A_251 = tpu.memref_squeeze %dma_wait3A_250 : memref<1x64x128xf32, #tpu.memory_space<hbm>> -> memref<64x128xf32, #tpu.memory_space<hbm>>
      %dma_wait3A_252 = arith.constant 0 : i32
      %dma_wait3A_253 = tpu.memref_slice %arg7[%arg0, %add3A_152, %dma_wait3A_252] : memref<2x10240x128xf32, #tpu.memory_space<hbm>> -> memref<1x64x128xf32, #tpu.memory_space<hbm>>
      %dma_wait3A_254 = tpu.memref_squeeze %dma_wait3A_253 : memref<1x64x128xf32, #tpu.memory_space<hbm>> -> memref<64x128xf32, #tpu.memory_space<hbm>>
      tpu.wait_dma2 semaphore(%run_scoped3A_243 : memref<!tpu.dma_semaphore, #tpu.memory_space<semaphore_mem>>) src(%arg14 : memref<64x128xf32, #tpu.memory_space<vmem>>) dst(%dma_wait3A_254 : memref<64x128xf32, #tpu.memory_space<hbm>>)
      tpu.yield
    }) : () -> ()
    %mul3A_153 = arith.constant 640 : i32
    %mul3A_154 = arith.muli %arg1, %mul3A_153 : i32
    %add3A_155 = arith.constant 256 : i32
    %add3A_156 = arith.addi %mul3A_154, %add3A_155 : i32
    "tpu.region"() ({
      %run_scoped3A_243 = tpu.sem_alloc : memref<!tpu.dma_semaphore, #tpu.memory_space<semaphore_mem>>
      %dma_start3A_244 = arith.constant 0 : i32
      %dma_start3A_245 = tpu.memref_slice %arg22[%add3A_156, %dma_start3A_244] : memref<10240x128xf32, #tpu.memory_space<vmem_shared>> -> memref<64x128xf32, #tpu.memory_space<vmem_shared>>
      %dma_start3A_246 = arith.constant 0 : i32
      %dma_start3A_247 = tpu.memref_slice %arg22[%add3A_156, %dma_start3A_246] : memref<10240x128xf32, #tpu.memory_space<vmem_shared>> -> memref<64x128xf32, #tpu.memory_space<vmem_shared>>
      tpu.enqueue_dma source(%dma_start3A_247 : memref<64x128xf32, #tpu.memory_space<vmem_shared>>) target(%arg14 : memref<64x128xf32, #tpu.memory_space<vmem>>) target_semaphore(%run_scoped3A_243 : memref<!tpu.dma_semaphore, #tpu.memory_space<semaphore_mem>>)
      %dma_wait3A = arith.constant 0 : i32
      %dma_wait3A_248 = tpu.memref_slice %arg22[%add3A_156, %dma_wait3A] : memref<10240x128xf32, #tpu.memory_space<vmem_shared>> -> memref<64x128xf32, #tpu.memory_space<vmem_shared>>
      %dma_wait3A_249 = arith.constant 0 : i32
      %dma_wait3A_250 = tpu.memref_slice %arg22[%add3A_156, %dma_wait3A_249] : memref<10240x128xf32, #tpu.memory_space<vmem_shared>> -> memref<64x128xf32, #tpu.memory_space<vmem_shared>>
      tpu.wait_dma2 semaphore(%run_scoped3A_243 : memref<!tpu.dma_semaphore, #tpu.memory_space<semaphore_mem>>) src(%dma_wait3A_250 : memref<64x128xf32, #tpu.memory_space<vmem_shared>>) dst(%arg14 : memref<64x128xf32, #tpu.memory_space<vmem>>)
      tpu.yield
    }) : () -> ()
    %scan3A_157 = arith.constant 0 : i32
    %scan3A_158 = arith.constant 0 : i32
    %scan3A_159 = arith.constant 64 : i32
    %scan3A_160 = arith.addi %scan3A_158, %scan3A_159 : i32
    %scan3A_161 = arith.constant 1 : i32
    %scan3A_162 = scf.for %scan3A_243 = %scan3A_158 to %scan3A_160 step %scan3A_161 iter_args(%scan3A_244 = %scan3A_157) -> (i32)  : i32 {
      %broadcast_in_dim3A_245 = arith.constant 256 : i32
      %broadcast_in_dim3A_246 = vector.broadcast %broadcast_in_dim3A_245 : i32 to vector<16xi32>
      %add3A_247 = vector.broadcast %scan3A_243 : i32 to vector<16xi32>
      %add3A_248 = arith.addi %broadcast_in_dim3A_246, %add3A_247 : vector<16xi32>
      %gather3A = tpu.vector_load_idx %arg18[%add3A_248] : memref<640xf32, #tpu.memory_space<vmem>>[vector<16xi32>], vector<16xf32>,
      %get3A = arith.index_cast %scan3A_243 : i32 to index
      %get3A_249 = arith.constant 0 : index
      %get3A_250 = tpu.vector_load %arg14[%get3A, %get3A_249] {strides = array<i32>} : memref<64x128xf32, #tpu.memory_space<vmem>>, vector<16xf32>,
      %mul3A_251 = arith.mulf %get3A_250, %gather3A : vector<16xf32>
      %swap3A = arith.index_cast %scan3A_243 : i32 to index
      %swap3A_252 = arith.constant 0 : index
      %swap3A_253 = tpu.vector_load %arg14[%swap3A, %swap3A_252] {strides = array<i32>} : memref<64x128xf32, #tpu.memory_space<vmem>>, vector<16xf32>,
      tpu.vector_store %arg14[%swap3A, %swap3A_252], %mul3A_251 {strides = array<i32>} : memref<64x128xf32, #tpu.memory_space<vmem>>, vector<16xf32>,
      %get3A_254 = arith.index_cast %scan3A_243 : i32 to index
      %get3A_255 = arith.constant 16 : index
      %get3A_256 = tpu.vector_load %arg14[%get3A_254, %get3A_255] {strides = array<i32>} : memref<64x128xf32, #tpu.memory_space<vmem>>, vector<16xf32>,
      %mul3A_257 = arith.mulf %get3A_256, %gather3A : vector<16xf32>
      %swap3A_258 = arith.index_cast %scan3A_243 : i32 to index
      %swap3A_259 = arith.constant 16 : index
      %swap3A_260 = tpu.vector_load %arg14[%swap3A_258, %swap3A_259] {strides = array<i32>} : memref<64x128xf32, #tpu.memory_space<vmem>>, vector<16xf32>,
      tpu.vector_store %arg14[%swap3A_258, %swap3A_259], %mul3A_257 {strides = array<i32>} : memref<64x128xf32, #tpu.memory_space<vmem>>, vector<16xf32>,
      %get3A_261 = arith.index_cast %scan3A_243 : i32 to index
      %get3A_262 = arith.constant 32 : index
      %get3A_263 = tpu.vector_load %arg14[%get3A_261, %get3A_262] {strides = array<i32>} : memref<64x128xf32, #tpu.memory_space<vmem>>, vector<16xf32>,
      %mul3A_264 = arith.mulf %get3A_263, %gather3A : vector<16xf32>
      %swap3A_265 = arith.index_cast %scan3A_243 : i32 to index
      %swap3A_266 = arith.constant 32 : index
      %swap3A_267 = tpu.vector_load %arg14[%swap3A_265, %swap3A_266] {strides = array<i32>} : memref<64x128xf32, #tpu.memory_space<vmem>>, vector<16xf32>,
      tpu.vector_store %arg14[%swap3A_265, %swap3A_266], %mul3A_264 {strides = array<i32>} : memref<64x128xf32, #tpu.memory_space<vmem>>, vector<16xf32>,
      %get3A_268 = arith.index_cast %scan3A_243 : i32 to index
      %get3A_269 = arith.constant 48 : index
      %get3A_270 = tpu.vector_load %arg14[%get3A_268, %get3A_269] {strides = array<i32>} : memref<64x128xf32, #tpu.memory_space<vmem>>, vector<16xf32>,
      %mul3A_271 = arith.mulf %get3A_270, %gather3A : vector<16xf32>
      %swap3A_272 = arith.index_cast %scan3A_243 : i32 to index
      %swap3A_273 = arith.constant 48 : index
      %swap3A_274 = tpu.vector_load %arg14[%swap3A_272, %swap3A_273] {strides = array<i32>} : memref<64x128xf32, #tpu.memory_space<vmem>>, vector<16xf32>,
      tpu.vector_store %arg14[%swap3A_272, %swap3A_273], %mul3A_271 {strides = array<i32>} : memref<64x128xf32, #tpu.memory_space<vmem>>, vector<16xf32>,
      %get3A_275 = arith.index_cast %scan3A_243 : i32 to index
      %get3A_276 = arith.constant 64 : index
      %get3A_277 = tpu.vector_load %arg14[%get3A_275, %get3A_276] {strides = array<i32>} : memref<64x128xf32, #tpu.memory_space<vmem>>, vector<16xf32>,
      %mul3A_278 = arith.mulf %get3A_277, %gather3A : vector<16xf32>
      %swap3A_279 = arith.index_cast %scan3A_243 : i32 to index
      %swap3A_280 = arith.constant 64 : index
      %swap3A_281 = tpu.vector_load %arg14[%swap3A_279, %swap3A_280] {strides = array<i32>} : memref<64x128xf32, #tpu.memory_space<vmem>>, vector<16xf32>,
      tpu.vector_store %arg14[%swap3A_279, %swap3A_280], %mul3A_278 {strides = array<i32>} : memref<64x128xf32, #tpu.memory_space<vmem>>, vector<16xf32>,
      %get3A_282 = arith.index_cast %scan3A_243 : i32 to index
      %get3A_283 = arith.constant 80 : index
      %get3A_284 = tpu.vector_load %arg14[%get3A_282, %get3A_283] {strides = array<i32>} : memref<64x128xf32, #tpu.memory_space<vmem>>, vector<16xf32>,
      %mul3A_285 = arith.mulf %get3A_284, %gather3A : vector<16xf32>
      %swap3A_286 = arith.index_cast %scan3A_243 : i32 to index
      %swap3A_287 = arith.constant 80 : index
      %swap3A_288 = tpu.vector_load %arg14[%swap3A_286, %swap3A_287] {strides = array<i32>} : memref<64x128xf32, #tpu.memory_space<vmem>>, vector<16xf32>,
      tpu.vector_store %arg14[%swap3A_286, %swap3A_287], %mul3A_285 {strides = array<i32>} : memref<64x128xf32, #tpu.memory_space<vmem>>, vector<16xf32>,
      %get3A_289 = arith.index_cast %scan3A_243 : i32 to index
      %get3A_290 = arith.constant 96 : index
      %get3A_291 = tpu.vector_load %arg14[%get3A_289, %get3A_290] {strides = array<i32>} : memref<64x128xf32, #tpu.memory_space<vmem>>, vector<16xf32>,
      %mul3A_292 = arith.mulf %get3A_291, %gather3A : vector<16xf32>
      %swap3A_293 = arith.index_cast %scan3A_243 : i32 to index
      %swap3A_294 = arith.constant 96 : index
      %swap3A_295 = tpu.vector_load %arg14[%swap3A_293, %swap3A_294] {strides = array<i32>} : memref<64x128xf32, #tpu.memory_space<vmem>>, vector<16xf32>,
      tpu.vector_store %arg14[%swap3A_293, %swap3A_294], %mul3A_292 {strides = array<i32>} : memref<64x128xf32, #tpu.memory_space<vmem>>, vector<16xf32>,
      %get3A_296 = arith.index_cast %scan3A_243 : i32 to index
      %get3A_297 = arith.constant 112 : index
      %get3A_298 = tpu.vector_load %arg14[%get3A_296, %get3A_297] {strides = array<i32>} : memref<64x128xf32, #tpu.memory_space<vmem>>, vector<16xf32>,
      %mul3A_299 = arith.mulf %get3A_298, %gather3A : vector<16xf32>
      %swap3A_300 = arith.index_cast %scan3A_243 : i32 to index
      %swap3A_301 = arith.constant 112 : index
      %swap3A_302 = tpu.vector_load %arg14[%swap3A_300, %swap3A_301] {strides = array<i32>} : memref<64x128xf32, #tpu.memory_space<vmem>>, vector<16xf32>,
      tpu.vector_store %arg14[%swap3A_300, %swap3A_301], %mul3A_299 {strides = array<i32>} : memref<64x128xf32, #tpu.memory_space<vmem>>, vector<16xf32>,
      %scan3A_303 = arith.constant 0 : i32
      scf.yield %scan3A_303 : i32
    }
    %scan3A_163 = arith.constant 64 : i32
    %mul3A_164 = arith.constant 640 : i32
    %mul3A_165 = arith.muli %arg1, %mul3A_164 : i32
    %add3A_166 = arith.constant 256 : i32
    %add3A_167 = arith.addi %mul3A_165, %add3A_166 : i32
    "tpu.region"() ({
      %run_scoped3A_243 = tpu.sem_alloc : memref<!tpu.dma_semaphore, #tpu.memory_space<semaphore_mem>>
      %dma_start3A_244 = arith.constant 0 : i32
      %dma_start3A_245 = tpu.memref_slice %arg7[%arg0, %add3A_167, %dma_start3A_244] : memref<2x10240x128xf32, #tpu.memory_space<hbm>> -> memref<1x64x128xf32, #tpu.memory_space<hbm>>
      %dma_start3A_246 = tpu.memref_squeeze %dma_start3A_245 : memref<1x64x128xf32, #tpu.memory_space<hbm>> -> memref<64x128xf32, #tpu.memory_space<hbm>>
      %dma_start3A_247 = arith.constant 0 : i32
      %dma_start3A_248 = tpu.memref_slice %arg7[%arg0, %add3A_167, %dma_start3A_247] : memref<2x10240x128xf32, #tpu.memory_space<hbm>> -> memref<1x64x128xf32, #tpu.memory_space<hbm>>
      %dma_start3A_249 = tpu.memref_squeeze %dma_start3A_248 : memref<1x64x128xf32, #tpu.memory_space<hbm>> -> memref<64x128xf32, #tpu.memory_space<hbm>>
      tpu.enqueue_dma source(%arg14 : memref<64x128xf32, #tpu.memory_space<vmem>>) target(%dma_start3A_249 : memref<64x128xf32, #tpu.memory_space<hbm>>) target_semaphore(%run_scoped3A_243 : memref<!tpu.dma_semaphore, #tpu.memory_space<semaphore_mem>>)
      %dma_wait3A = arith.constant 0 : i32
      %dma_wait3A_250 = tpu.memref_slice %arg7[%arg0, %add3A_167, %dma_wait3A] : memref<2x10240x128xf32, #tpu.memory_space<hbm>> -> memref<1x64x128xf32, #tpu.memory_space<hbm>>
      %dma_wait3A_251 = tpu.memref_squeeze %dma_wait3A_250 : memref<1x64x128xf32, #tpu.memory_space<hbm>> -> memref<64x128xf32, #tpu.memory_space<hbm>>
      %dma_wait3A_252 = arith.constant 0 : i32
      %dma_wait3A_253 = tpu.memref_slice %arg7[%arg0, %add3A_167, %dma_wait3A_252] : memref<2x10240x128xf32, #tpu.memory_space<hbm>> -> memref<1x64x128xf32, #tpu.memory_space<hbm>>
      %dma_wait3A_254 = tpu.memref_squeeze %dma_wait3A_253 : memref<1x64x128xf32, #tpu.memory_space<hbm>> -> memref<64x128xf32, #tpu.memory_space<hbm>>
      tpu.wait_dma2 semaphore(%run_scoped3A_243 : memref<!tpu.dma_semaphore, #tpu.memory_space<semaphore_mem>>) src(%arg14 : memref<64x128xf32, #tpu.memory_space<vmem>>) dst(%dma_wait3A_254 : memref<64x128xf32, #tpu.memory_space<hbm>>)
      tpu.yield
    }) : () -> ()
    %mul3A_168 = arith.constant 640 : i32
    %mul3A_169 = arith.muli %arg1, %mul3A_168 : i32
    %add3A_170 = arith.constant 320 : i32
    %add3A_171 = arith.addi %mul3A_169, %add3A_170 : i32
    "tpu.region"() ({
      %run_scoped3A_243 = tpu.sem_alloc : memref<!tpu.dma_semaphore, #tpu.memory_space<semaphore_mem>>
      %dma_start3A_244 = arith.constant 0 : i32
      %dma_start3A_245 = tpu.memref_slice %arg22[%add3A_171, %dma_start3A_244] : memref<10240x128xf32, #tpu.memory_space<vmem_shared>> -> memref<64x128xf32, #tpu.memory_space<vmem_shared>>
      %dma_start3A_246 = arith.constant 0 : i32
      %dma_start3A_247 = tpu.memref_slice %arg22[%add3A_171, %dma_start3A_246] : memref<10240x128xf32, #tpu.memory_space<vmem_shared>> -> memref<64x128xf32, #tpu.memory_space<vmem_shared>>
      tpu.enqueue_dma source(%dma_start3A_247 : memref<64x128xf32, #tpu.memory_space<vmem_shared>>) target(%arg14 : memref<64x128xf32, #tpu.memory_space<vmem>>) target_semaphore(%run_scoped3A_243 : memref<!tpu.dma_semaphore, #tpu.memory_space<semaphore_mem>>)
      %dma_wait3A = arith.constant 0 : i32
      %dma_wait3A_248 = tpu.memref_slice %arg22[%add3A_171, %dma_wait3A] : memref<10240x128xf32, #tpu.memory_space<vmem_shared>> -> memref<64x128xf32, #tpu.memory_space<vmem_shared>>
      %dma_wait3A_249 = arith.constant 0 : i32
      %dma_wait3A_250 = tpu.memref_slice %arg22[%add3A_171, %dma_wait3A_249] : memref<10240x128xf32, #tpu.memory_space<vmem_shared>> -> memref<64x128xf32, #tpu.memory_space<vmem_shared>>
      tpu.wait_dma2 semaphore(%run_scoped3A_243 : memref<!tpu.dma_semaphore, #tpu.memory_space<semaphore_mem>>) src(%dma_wait3A_250 : memref<64x128xf32, #tpu.memory_space<vmem_shared>>) dst(%arg14 : memref<64x128xf32, #tpu.memory_space<vmem>>)
      tpu.yield
    }) : () -> ()
    %scan3A_172 = arith.constant 0 : i32
    %scan3A_173 = arith.constant 0 : i32
    %scan3A_174 = arith.constant 64 : i32
    %scan3A_175 = arith.addi %scan3A_173, %scan3A_174 : i32
    %scan3A_176 = arith.constant 1 : i32
    %scan3A_177 = scf.for %scan3A_243 = %scan3A_173 to %scan3A_175 step %scan3A_176 iter_args(%scan3A_244 = %scan3A_172) -> (i32)  : i32 {
      %broadcast_in_dim3A_245 = arith.constant 320 : i32
      %broadcast_in_dim3A_246 = vector.broadcast %broadcast_in_dim3A_245 : i32 to vector<16xi32>
      %add3A_247 = vector.broadcast %scan3A_243 : i32 to vector<16xi32>
      %add3A_248 = arith.addi %broadcast_in_dim3A_246, %add3A_247 : vector<16xi32>
      %gather3A = tpu.vector_load_idx %arg18[%add3A_248] : memref<640xf32, #tpu.memory_space<vmem>>[vector<16xi32>], vector<16xf32>,
      %get3A = arith.index_cast %scan3A_243 : i32 to index
      %get3A_249 = arith.constant 0 : index
      %get3A_250 = tpu.vector_load %arg14[%get3A, %get3A_249] {strides = array<i32>} : memref<64x128xf32, #tpu.memory_space<vmem>>, vector<16xf32>,
      %mul3A_251 = arith.mulf %get3A_250, %gather3A : vector<16xf32>
      %swap3A = arith.index_cast %scan3A_243 : i32 to index
      %swap3A_252 = arith.constant 0 : index
      %swap3A_253 = tpu.vector_load %arg14[%swap3A, %swap3A_252] {strides = array<i32>} : memref<64x128xf32, #tpu.memory_space<vmem>>, vector<16xf32>,
      tpu.vector_store %arg14[%swap3A, %swap3A_252], %mul3A_251 {strides = array<i32>} : memref<64x128xf32, #tpu.memory_space<vmem>>, vector<16xf32>,
      %get3A_254 = arith.index_cast %scan3A_243 : i32 to index
      %get3A_255 = arith.constant 16 : index
      %get3A_256 = tpu.vector_load %arg14[%get3A_254, %get3A_255] {strides = array<i32>} : memref<64x128xf32, #tpu.memory_space<vmem>>, vector<16xf32>,
      %mul3A_257 = arith.mulf %get3A_256, %gather3A : vector<16xf32>
      %swap3A_258 = arith.index_cast %scan3A_243 : i32 to index
      %swap3A_259 = arith.constant 16 : index
      %swap3A_260 = tpu.vector_load %arg14[%swap3A_258, %swap3A_259] {strides = array<i32>} : memref<64x128xf32, #tpu.memory_space<vmem>>, vector<16xf32>,
      tpu.vector_store %arg14[%swap3A_258, %swap3A_259], %mul3A_257 {strides = array<i32>} : memref<64x128xf32, #tpu.memory_space<vmem>>, vector<16xf32>,
      %get3A_261 = arith.index_cast %scan3A_243 : i32 to index
      %get3A_262 = arith.constant 32 : index
      %get3A_263 = tpu.vector_load %arg14[%get3A_261, %get3A_262] {strides = array<i32>} : memref<64x128xf32, #tpu.memory_space<vmem>>, vector<16xf32>,
      %mul3A_264 = arith.mulf %get3A_263, %gather3A : vector<16xf32>
      %swap3A_265 = arith.index_cast %scan3A_243 : i32 to index
      %swap3A_266 = arith.constant 32 : index
      %swap3A_267 = tpu.vector_load %arg14[%swap3A_265, %swap3A_266] {strides = array<i32>} : memref<64x128xf32, #tpu.memory_space<vmem>>, vector<16xf32>,
      tpu.vector_store %arg14[%swap3A_265, %swap3A_266], %mul3A_264 {strides = array<i32>} : memref<64x128xf32, #tpu.memory_space<vmem>>, vector<16xf32>,
      %get3A_268 = arith.index_cast %scan3A_243 : i32 to index
      %get3A_269 = arith.constant 48 : index
      %get3A_270 = tpu.vector_load %arg14[%get3A_268, %get3A_269] {strides = array<i32>} : memref<64x128xf32, #tpu.memory_space<vmem>>, vector<16xf32>,
      %mul3A_271 = arith.mulf %get3A_270, %gather3A : vector<16xf32>
      %swap3A_272 = arith.index_cast %scan3A_243 : i32 to index
      %swap3A_273 = arith.constant 48 : index
      %swap3A_274 = tpu.vector_load %arg14[%swap3A_272, %swap3A_273] {strides = array<i32>} : memref<64x128xf32, #tpu.memory_space<vmem>>, vector<16xf32>,
      tpu.vector_store %arg14[%swap3A_272, %swap3A_273], %mul3A_271 {strides = array<i32>} : memref<64x128xf32, #tpu.memory_space<vmem>>, vector<16xf32>,
      %get3A_275 = arith.index_cast %scan3A_243 : i32 to index
      %get3A_276 = arith.constant 64 : index
      %get3A_277 = tpu.vector_load %arg14[%get3A_275, %get3A_276] {strides = array<i32>} : memref<64x128xf32, #tpu.memory_space<vmem>>, vector<16xf32>,
      %mul3A_278 = arith.mulf %get3A_277, %gather3A : vector<16xf32>
      %swap3A_279 = arith.index_cast %scan3A_243 : i32 to index
      %swap3A_280 = arith.constant 64 : index
      %swap3A_281 = tpu.vector_load %arg14[%swap3A_279, %swap3A_280] {strides = array<i32>} : memref<64x128xf32, #tpu.memory_space<vmem>>, vector<16xf32>,
      tpu.vector_store %arg14[%swap3A_279, %swap3A_280], %mul3A_278 {strides = array<i32>} : memref<64x128xf32, #tpu.memory_space<vmem>>, vector<16xf32>,
      %get3A_282 = arith.index_cast %scan3A_243 : i32 to index
      %get3A_283 = arith.constant 80 : index
      %get3A_284 = tpu.vector_load %arg14[%get3A_282, %get3A_283] {strides = array<i32>} : memref<64x128xf32, #tpu.memory_space<vmem>>, vector<16xf32>,
      %mul3A_285 = arith.mulf %get3A_284, %gather3A : vector<16xf32>
      %swap3A_286 = arith.index_cast %scan3A_243 : i32 to index
      %swap3A_287 = arith.constant 80 : index
      %swap3A_288 = tpu.vector_load %arg14[%swap3A_286, %swap3A_287] {strides = array<i32>} : memref<64x128xf32, #tpu.memory_space<vmem>>, vector<16xf32>,
      tpu.vector_store %arg14[%swap3A_286, %swap3A_287], %mul3A_285 {strides = array<i32>} : memref<64x128xf32, #tpu.memory_space<vmem>>, vector<16xf32>,
      %get3A_289 = arith.index_cast %scan3A_243 : i32 to index
      %get3A_290 = arith.constant 96 : index
      %get3A_291 = tpu.vector_load %arg14[%get3A_289, %get3A_290] {strides = array<i32>} : memref<64x128xf32, #tpu.memory_space<vmem>>, vector<16xf32>,
      %mul3A_292 = arith.mulf %get3A_291, %gather3A : vector<16xf32>
      %swap3A_293 = arith.index_cast %scan3A_243 : i32 to index
      %swap3A_294 = arith.constant 96 : index
      %swap3A_295 = tpu.vector_load %arg14[%swap3A_293, %swap3A_294] {strides = array<i32>} : memref<64x128xf32, #tpu.memory_space<vmem>>, vector<16xf32>,
      tpu.vector_store %arg14[%swap3A_293, %swap3A_294], %mul3A_292 {strides = array<i32>} : memref<64x128xf32, #tpu.memory_space<vmem>>, vector<16xf32>,
      %get3A_296 = arith.index_cast %scan3A_243 : i32 to index
      %get3A_297 = arith.constant 112 : index
      %get3A_298 = tpu.vector_load %arg14[%get3A_296, %get3A_297] {strides = array<i32>} : memref<64x128xf32, #tpu.memory_space<vmem>>, vector<16xf32>,
      %mul3A_299 = arith.mulf %get3A_298, %gather3A : vector<16xf32>
      %swap3A_300 = arith.index_cast %scan3A_243 : i32 to index
      %swap3A_301 = arith.constant 112 : index
      %swap3A_302 = tpu.vector_load %arg14[%swap3A_300, %swap3A_301] {strides = array<i32>} : memref<64x128xf32, #tpu.memory_space<vmem>>, vector<16xf32>,
      tpu.vector_store %arg14[%swap3A_300, %swap3A_301], %mul3A_299 {strides = array<i32>} : memref<64x128xf32, #tpu.memory_space<vmem>>, vector<16xf32>,
      %scan3A_303 = arith.constant 0 : i32
      scf.yield %scan3A_303 : i32
    }
    %scan3A_178 = arith.constant 64 : i32
    %mul3A_179 = arith.constant 640 : i32
    %mul3A_180 = arith.muli %arg1, %mul3A_179 : i32
    %add3A_181 = arith.constant 320 : i32
    %add3A_182 = arith.addi %mul3A_180, %add3A_181 : i32
    "tpu.region"() ({
      %run_scoped3A_243 = tpu.sem_alloc : memref<!tpu.dma_semaphore, #tpu.memory_space<semaphore_mem>>
      %dma_start3A_244 = arith.constant 0 : i32
      %dma_start3A_245 = tpu.memref_slice %arg7[%arg0, %add3A_182, %dma_start3A_244] : memref<2x10240x128xf32, #tpu.memory_space<hbm>> -> memref<1x64x128xf32, #tpu.memory_space<hbm>>
      %dma_start3A_246 = tpu.memref_squeeze %dma_start3A_245 : memref<1x64x128xf32, #tpu.memory_space<hbm>> -> memref<64x128xf32, #tpu.memory_space<hbm>>
      %dma_start3A_247 = arith.constant 0 : i32
      %dma_start3A_248 = tpu.memref_slice %arg7[%arg0, %add3A_182, %dma_start3A_247] : memref<2x10240x128xf32, #tpu.memory_space<hbm>> -> memref<1x64x128xf32, #tpu.memory_space<hbm>>
      %dma_start3A_249 = tpu.memref_squeeze %dma_start3A_248 : memref<1x64x128xf32, #tpu.memory_space<hbm>> -> memref<64x128xf32, #tpu.memory_space<hbm>>
      tpu.enqueue_dma source(%arg14 : memref<64x128xf32, #tpu.memory_space<vmem>>) target(%dma_start3A_249 : memref<64x128xf32, #tpu.memory_space<hbm>>) target_semaphore(%run_scoped3A_243 : memref<!tpu.dma_semaphore, #tpu.memory_space<semaphore_mem>>)
      %dma_wait3A = arith.constant 0 : i32
      %dma_wait3A_250 = tpu.memref_slice %arg7[%arg0, %add3A_182, %dma_wait3A] : memref<2x10240x128xf32, #tpu.memory_space<hbm>> -> memref<1x64x128xf32, #tpu.memory_space<hbm>>
      %dma_wait3A_251 = tpu.memref_squeeze %dma_wait3A_250 : memref<1x64x128xf32, #tpu.memory_space<hbm>> -> memref<64x128xf32, #tpu.memory_space<hbm>>
      %dma_wait3A_252 = arith.constant 0 : i32
      %dma_wait3A_253 = tpu.memref_slice %arg7[%arg0, %add3A_182, %dma_wait3A_252] : memref<2x10240x128xf32, #tpu.memory_space<hbm>> -> memref<1x64x128xf32, #tpu.memory_space<hbm>>
      %dma_wait3A_254 = tpu.memref_squeeze %dma_wait3A_253 : memref<1x64x128xf32, #tpu.memory_space<hbm>> -> memref<64x128xf32, #tpu.memory_space<hbm>>
      tpu.wait_dma2 semaphore(%run_scoped3A_243 : memref<!tpu.dma_semaphore, #tpu.memory_space<semaphore_mem>>) src(%arg14 : memref<64x128xf32, #tpu.memory_space<vmem>>) dst(%dma_wait3A_254 : memref<64x128xf32, #tpu.memory_space<hbm>>)
      tpu.yield
    }) : () -> ()
    %mul3A_183 = arith.constant 640 : i32
    %mul3A_184 = arith.muli %arg1, %mul3A_183 : i32
    %add3A_185 = arith.constant 384 : i32
    %add3A_186 = arith.addi %mul3A_184, %add3A_185 : i32
    "tpu.region"() ({
      %run_scoped3A_243 = tpu.sem_alloc : memref<!tpu.dma_semaphore, #tpu.memory_space<semaphore_mem>>
      %dma_start3A_244 = arith.constant 0 : i32
      %dma_start3A_245 = tpu.memref_slice %arg22[%add3A_186, %dma_start3A_244] : memref<10240x128xf32, #tpu.memory_space<vmem_shared>> -> memref<64x128xf32, #tpu.memory_space<vmem_shared>>
      %dma_start3A_246 = arith.constant 0 : i32
      %dma_start3A_247 = tpu.memref_slice %arg22[%add3A_186, %dma_start3A_246] : memref<10240x128xf32, #tpu.memory_space<vmem_shared>> -> memref<64x128xf32, #tpu.memory_space<vmem_shared>>
      tpu.enqueue_dma source(%dma_start3A_247 : memref<64x128xf32, #tpu.memory_space<vmem_shared>>) target(%arg14 : memref<64x128xf32, #tpu.memory_space<vmem>>) target_semaphore(%run_scoped3A_243 : memref<!tpu.dma_semaphore, #tpu.memory_space<semaphore_mem>>)
      %dma_wait3A = arith.constant 0 : i32
      %dma_wait3A_248 = tpu.memref_slice %arg22[%add3A_186, %dma_wait3A] : memref<10240x128xf32, #tpu.memory_space<vmem_shared>> -> memref<64x128xf32, #tpu.memory_space<vmem_shared>>
      %dma_wait3A_249 = arith.constant 0 : i32
      %dma_wait3A_250 = tpu.memref_slice %arg22[%add3A_186, %dma_wait3A_249] : memref<10240x128xf32, #tpu.memory_space<vmem_shared>> -> memref<64x128xf32, #tpu.memory_space<vmem_shared>>
      tpu.wait_dma2 semaphore(%run_scoped3A_243 : memref<!tpu.dma_semaphore, #tpu.memory_space<semaphore_mem>>) src(%dma_wait3A_250 : memref<64x128xf32, #tpu.memory_space<vmem_shared>>) dst(%arg14 : memref<64x128xf32, #tpu.memory_space<vmem>>)
      tpu.yield
    }) : () -> ()
    %scan3A_187 = arith.constant 0 : i32
    %scan3A_188 = arith.constant 0 : i32
    %scan3A_189 = arith.constant 64 : i32
    %scan3A_190 = arith.addi %scan3A_188, %scan3A_189 : i32
    %scan3A_191 = arith.constant 1 : i32
    %scan3A_192 = scf.for %scan3A_243 = %scan3A_188 to %scan3A_190 step %scan3A_191 iter_args(%scan3A_244 = %scan3A_187) -> (i32)  : i32 {
      %broadcast_in_dim3A_245 = arith.constant 384 : i32
      %broadcast_in_dim3A_246 = vector.broadcast %broadcast_in_dim3A_245 : i32 to vector<16xi32>
      %add3A_247 = vector.broadcast %scan3A_243 : i32 to vector<16xi32>
      %add3A_248 = arith.addi %broadcast_in_dim3A_246, %add3A_247 : vector<16xi32>
      %gather3A = tpu.vector_load_idx %arg18[%add3A_248] : memref<640xf32, #tpu.memory_space<vmem>>[vector<16xi32>], vector<16xf32>,
      %get3A = arith.index_cast %scan3A_243 : i32 to index
      %get3A_249 = arith.constant 0 : index
      %get3A_250 = tpu.vector_load %arg14[%get3A, %get3A_249] {strides = array<i32>} : memref<64x128xf32, #tpu.memory_space<vmem>>, vector<16xf32>,
      %mul3A_251 = arith.mulf %get3A_250, %gather3A : vector<16xf32>
      %swap3A = arith.index_cast %scan3A_243 : i32 to index
      %swap3A_252 = arith.constant 0 : index
      %swap3A_253 = tpu.vector_load %arg14[%swap3A, %swap3A_252] {strides = array<i32>} : memref<64x128xf32, #tpu.memory_space<vmem>>, vector<16xf32>,
      tpu.vector_store %arg14[%swap3A, %swap3A_252], %mul3A_251 {strides = array<i32>} : memref<64x128xf32, #tpu.memory_space<vmem>>, vector<16xf32>,
      %get3A_254 = arith.index_cast %scan3A_243 : i32 to index
      %get3A_255 = arith.constant 16 : index
      %get3A_256 = tpu.vector_load %arg14[%get3A_254, %get3A_255] {strides = array<i32>} : memref<64x128xf32, #tpu.memory_space<vmem>>, vector<16xf32>,
      %mul3A_257 = arith.mulf %get3A_256, %gather3A : vector<16xf32>
      %swap3A_258 = arith.index_cast %scan3A_243 : i32 to index
      %swap3A_259 = arith.constant 16 : index
      %swap3A_260 = tpu.vector_load %arg14[%swap3A_258, %swap3A_259] {strides = array<i32>} : memref<64x128xf32, #tpu.memory_space<vmem>>, vector<16xf32>,
      tpu.vector_store %arg14[%swap3A_258, %swap3A_259], %mul3A_257 {strides = array<i32>} : memref<64x128xf32, #tpu.memory_space<vmem>>, vector<16xf32>,
      %get3A_261 = arith.index_cast %scan3A_243 : i32 to index
      %get3A_262 = arith.constant 32 : index
      %get3A_263 = tpu.vector_load %arg14[%get3A_261, %get3A_262] {strides = array<i32>} : memref<64x128xf32, #tpu.memory_space<vmem>>, vector<16xf32>,
      %mul3A_264 = arith.mulf %get3A_263, %gather3A : vector<16xf32>
      %swap3A_265 = arith.index_cast %scan3A_243 : i32 to index
      %swap3A_266 = arith.constant 32 : index
      %swap3A_267 = tpu.vector_load %arg14[%swap3A_265, %swap3A_266] {strides = array<i32>} : memref<64x128xf32, #tpu.memory_space<vmem>>, vector<16xf32>,
      tpu.vector_store %arg14[%swap3A_265, %swap3A_266], %mul3A_264 {strides = array<i32>} : memref<64x128xf32, #tpu.memory_space<vmem>>, vector<16xf32>,
      %get3A_268 = arith.index_cast %scan3A_243 : i32 to index
      %get3A_269 = arith.constant 48 : index
      %get3A_270 = tpu.vector_load %arg14[%get3A_268, %get3A_269] {strides = array<i32>} : memref<64x128xf32, #tpu.memory_space<vmem>>, vector<16xf32>,
      %mul3A_271 = arith.mulf %get3A_270, %gather3A : vector<16xf32>
      %swap3A_272 = arith.index_cast %scan3A_243 : i32 to index
      %swap3A_273 = arith.constant 48 : index
      %swap3A_274 = tpu.vector_load %arg14[%swap3A_272, %swap3A_273] {strides = array<i32>} : memref<64x128xf32, #tpu.memory_space<vmem>>, vector<16xf32>,
      tpu.vector_store %arg14[%swap3A_272, %swap3A_273], %mul3A_271 {strides = array<i32>} : memref<64x128xf32, #tpu.memory_space<vmem>>, vector<16xf32>,
      %get3A_275 = arith.index_cast %scan3A_243 : i32 to index
      %get3A_276 = arith.constant 64 : index
      %get3A_277 = tpu.vector_load %arg14[%get3A_275, %get3A_276] {strides = array<i32>} : memref<64x128xf32, #tpu.memory_space<vmem>>, vector<16xf32>,
      %mul3A_278 = arith.mulf %get3A_277, %gather3A : vector<16xf32>
      %swap3A_279 = arith.index_cast %scan3A_243 : i32 to index
      %swap3A_280 = arith.constant 64 : index
      %swap3A_281 = tpu.vector_load %arg14[%swap3A_279, %swap3A_280] {strides = array<i32>} : memref<64x128xf32, #tpu.memory_space<vmem>>, vector<16xf32>,
      tpu.vector_store %arg14[%swap3A_279, %swap3A_280], %mul3A_278 {strides = array<i32>} : memref<64x128xf32, #tpu.memory_space<vmem>>, vector<16xf32>,
      %get3A_282 = arith.index_cast %scan3A_243 : i32 to index
      %get3A_283 = arith.constant 80 : index
      %get3A_284 = tpu.vector_load %arg14[%get3A_282, %get3A_283] {strides = array<i32>} : memref<64x128xf32, #tpu.memory_space<vmem>>, vector<16xf32>,
      %mul3A_285 = arith.mulf %get3A_284, %gather3A : vector<16xf32>
      %swap3A_286 = arith.index_cast %scan3A_243 : i32 to index
      %swap3A_287 = arith.constant 80 : index
      %swap3A_288 = tpu.vector_load %arg14[%swap3A_286, %swap3A_287] {strides = array<i32>} : memref<64x128xf32, #tpu.memory_space<vmem>>, vector<16xf32>,
      tpu.vector_store %arg14[%swap3A_286, %swap3A_287], %mul3A_285 {strides = array<i32>} : memref<64x128xf32, #tpu.memory_space<vmem>>, vector<16xf32>,
      %get3A_289 = arith.index_cast %scan3A_243 : i32 to index
      %get3A_290 = arith.constant 96 : index
      %get3A_291 = tpu.vector_load %arg14[%get3A_289, %get3A_290] {strides = array<i32>} : memref<64x128xf32, #tpu.memory_space<vmem>>, vector<16xf32>,
      %mul3A_292 = arith.mulf %get3A_291, %gather3A : vector<16xf32>
      %swap3A_293 = arith.index_cast %scan3A_243 : i32 to index
      %swap3A_294 = arith.constant 96 : index
      %swap3A_295 = tpu.vector_load %arg14[%swap3A_293, %swap3A_294] {strides = array<i32>} : memref<64x128xf32, #tpu.memory_space<vmem>>, vector<16xf32>,
      tpu.vector_store %arg14[%swap3A_293, %swap3A_294], %mul3A_292 {strides = array<i32>} : memref<64x128xf32, #tpu.memory_space<vmem>>, vector<16xf32>,
      %get3A_296 = arith.index_cast %scan3A_243 : i32 to index
      %get3A_297 = arith.constant 112 : index
      %get3A_298 = tpu.vector_load %arg14[%get3A_296, %get3A_297] {strides = array<i32>} : memref<64x128xf32, #tpu.memory_space<vmem>>, vector<16xf32>,
      %mul3A_299 = arith.mulf %get3A_298, %gather3A : vector<16xf32>
      %swap3A_300 = arith.index_cast %scan3A_243 : i32 to index
      %swap3A_301 = arith.constant 112 : index
      %swap3A_302 = tpu.vector_load %arg14[%swap3A_300, %swap3A_301] {strides = array<i32>} : memref<64x128xf32, #tpu.memory_space<vmem>>, vector<16xf32>,
      tpu.vector_store %arg14[%swap3A_300, %swap3A_301], %mul3A_299 {strides = array<i32>} : memref<64x128xf32, #tpu.memory_space<vmem>>, vector<16xf32>,
      %scan3A_303 = arith.constant 0 : i32
      scf.yield %scan3A_303 : i32
    }
    %scan3A_193 = arith.constant 64 : i32
    %mul3A_194 = arith.constant 640 : i32
    %mul3A_195 = arith.muli %arg1, %mul3A_194 : i32
    %add3A_196 = arith.constant 384 : i32
    %add3A_197 = arith.addi %mul3A_195, %add3A_196 : i32
    "tpu.region"() ({
      %run_scoped3A_243 = tpu.sem_alloc : memref<!tpu.dma_semaphore, #tpu.memory_space<semaphore_mem>>
      %dma_start3A_244 = arith.constant 0 : i32
      %dma_start3A_245 = tpu.memref_slice %arg7[%arg0, %add3A_197, %dma_start3A_244] : memref<2x10240x128xf32, #tpu.memory_space<hbm>> -> memref<1x64x128xf32, #tpu.memory_space<hbm>>
      %dma_start3A_246 = tpu.memref_squeeze %dma_start3A_245 : memref<1x64x128xf32, #tpu.memory_space<hbm>> -> memref<64x128xf32, #tpu.memory_space<hbm>>
      %dma_start3A_247 = arith.constant 0 : i32
      %dma_start3A_248 = tpu.memref_slice %arg7[%arg0, %add3A_197, %dma_start3A_247] : memref<2x10240x128xf32, #tpu.memory_space<hbm>> -> memref<1x64x128xf32, #tpu.memory_space<hbm>>
      %dma_start3A_249 = tpu.memref_squeeze %dma_start3A_248 : memref<1x64x128xf32, #tpu.memory_space<hbm>> -> memref<64x128xf32, #tpu.memory_space<hbm>>
      tpu.enqueue_dma source(%arg14 : memref<64x128xf32, #tpu.memory_space<vmem>>) target(%dma_start3A_249 : memref<64x128xf32, #tpu.memory_space<hbm>>) target_semaphore(%run_scoped3A_243 : memref<!tpu.dma_semaphore, #tpu.memory_space<semaphore_mem>>)
      %dma_wait3A = arith.constant 0 : i32
      %dma_wait3A_250 = tpu.memref_slice %arg7[%arg0, %add3A_197, %dma_wait3A] : memref<2x10240x128xf32, #tpu.memory_space<hbm>> -> memref<1x64x128xf32, #tpu.memory_space<hbm>>
      %dma_wait3A_251 = tpu.memref_squeeze %dma_wait3A_250 : memref<1x64x128xf32, #tpu.memory_space<hbm>> -> memref<64x128xf32, #tpu.memory_space<hbm>>
      %dma_wait3A_252 = arith.constant 0 : i32
      %dma_wait3A_253 = tpu.memref_slice %arg7[%arg0, %add3A_197, %dma_wait3A_252] : memref<2x10240x128xf32, #tpu.memory_space<hbm>> -> memref<1x64x128xf32, #tpu.memory_space<hbm>>
      %dma_wait3A_254 = tpu.memref_squeeze %dma_wait3A_253 : memref<1x64x128xf32, #tpu.memory_space<hbm>> -> memref<64x128xf32, #tpu.memory_space<hbm>>
      tpu.wait_dma2 semaphore(%run_scoped3A_243 : memref<!tpu.dma_semaphore, #tpu.memory_space<semaphore_mem>>) src(%arg14 : memref<64x128xf32, #tpu.memory_space<vmem>>) dst(%dma_wait3A_254 : memref<64x128xf32, #tpu.memory_space<hbm>>)
      tpu.yield
    }) : () -> ()
    %mul3A_198 = arith.constant 640 : i32
    %mul3A_199 = arith.muli %arg1, %mul3A_198 : i32
    %add3A_200 = arith.constant 448 : i32
    %add3A_201 = arith.addi %mul3A_199, %add3A_200 : i32
    "tpu.region"() ({
      %run_scoped3A_243 = tpu.sem_alloc : memref<!tpu.dma_semaphore, #tpu.memory_space<semaphore_mem>>
      %dma_start3A_244 = arith.constant 0 : i32
      %dma_start3A_245 = tpu.memref_slice %arg22[%add3A_201, %dma_start3A_244] : memref<10240x128xf32, #tpu.memory_space<vmem_shared>> -> memref<64x128xf32, #tpu.memory_space<vmem_shared>>
      %dma_start3A_246 = arith.constant 0 : i32
      %dma_start3A_247 = tpu.memref_slice %arg22[%add3A_201, %dma_start3A_246] : memref<10240x128xf32, #tpu.memory_space<vmem_shared>> -> memref<64x128xf32, #tpu.memory_space<vmem_shared>>
      tpu.enqueue_dma source(%dma_start3A_247 : memref<64x128xf32, #tpu.memory_space<vmem_shared>>) target(%arg14 : memref<64x128xf32, #tpu.memory_space<vmem>>) target_semaphore(%run_scoped3A_243 : memref<!tpu.dma_semaphore, #tpu.memory_space<semaphore_mem>>)
      %dma_wait3A = arith.constant 0 : i32
      %dma_wait3A_248 = tpu.memref_slice %arg22[%add3A_201, %dma_wait3A] : memref<10240x128xf32, #tpu.memory_space<vmem_shared>> -> memref<64x128xf32, #tpu.memory_space<vmem_shared>>
      %dma_wait3A_249 = arith.constant 0 : i32
      %dma_wait3A_250 = tpu.memref_slice %arg22[%add3A_201, %dma_wait3A_249] : memref<10240x128xf32, #tpu.memory_space<vmem_shared>> -> memref<64x128xf32, #tpu.memory_space<vmem_shared>>
      tpu.wait_dma2 semaphore(%run_scoped3A_243 : memref<!tpu.dma_semaphore, #tpu.memory_space<semaphore_mem>>) src(%dma_wait3A_250 : memref<64x128xf32, #tpu.memory_space<vmem_shared>>) dst(%arg14 : memref<64x128xf32, #tpu.memory_space<vmem>>)
      tpu.yield
    }) : () -> ()
    %scan3A_202 = arith.constant 0 : i32
    %scan3A_203 = arith.constant 0 : i32
    %scan3A_204 = arith.constant 64 : i32
    %scan3A_205 = arith.addi %scan3A_203, %scan3A_204 : i32
    %scan3A_206 = arith.constant 1 : i32
    %scan3A_207 = scf.for %scan3A_243 = %scan3A_203 to %scan3A_205 step %scan3A_206 iter_args(%scan3A_244 = %scan3A_202) -> (i32)  : i32 {
      %broadcast_in_dim3A_245 = arith.constant 448 : i32
      %broadcast_in_dim3A_246 = vector.broadcast %broadcast_in_dim3A_245 : i32 to vector<16xi32>
      %add3A_247 = vector.broadcast %scan3A_243 : i32 to vector<16xi32>
      %add3A_248 = arith.addi %broadcast_in_dim3A_246, %add3A_247 : vector<16xi32>
      %gather3A = tpu.vector_load_idx %arg18[%add3A_248] : memref<640xf32, #tpu.memory_space<vmem>>[vector<16xi32>], vector<16xf32>,
      %get3A = arith.index_cast %scan3A_243 : i32 to index
      %get3A_249 = arith.constant 0 : index
      %get3A_250 = tpu.vector_load %arg14[%get3A, %get3A_249] {strides = array<i32>} : memref<64x128xf32, #tpu.memory_space<vmem>>, vector<16xf32>,
      %mul3A_251 = arith.mulf %get3A_250, %gather3A : vector<16xf32>
      %swap3A = arith.index_cast %scan3A_243 : i32 to index
      %swap3A_252 = arith.constant 0 : index
      %swap3A_253 = tpu.vector_load %arg14[%swap3A, %swap3A_252] {strides = array<i32>} : memref<64x128xf32, #tpu.memory_space<vmem>>, vector<16xf32>,
      tpu.vector_store %arg14[%swap3A, %swap3A_252], %mul3A_251 {strides = array<i32>} : memref<64x128xf32, #tpu.memory_space<vmem>>, vector<16xf32>,
      %get3A_254 = arith.index_cast %scan3A_243 : i32 to index
      %get3A_255 = arith.constant 16 : index
      %get3A_256 = tpu.vector_load %arg14[%get3A_254, %get3A_255] {strides = array<i32>} : memref<64x128xf32, #tpu.memory_space<vmem>>, vector<16xf32>,
      %mul3A_257 = arith.mulf %get3A_256, %gather3A : vector<16xf32>
      %swap3A_258 = arith.index_cast %scan3A_243 : i32 to index
      %swap3A_259 = arith.constant 16 : index
      %swap3A_260 = tpu.vector_load %arg14[%swap3A_258, %swap3A_259] {strides = array<i32>} : memref<64x128xf32, #tpu.memory_space<vmem>>, vector<16xf32>,
      tpu.vector_store %arg14[%swap3A_258, %swap3A_259], %mul3A_257 {strides = array<i32>} : memref<64x128xf32, #tpu.memory_space<vmem>>, vector<16xf32>,
      %get3A_261 = arith.index_cast %scan3A_243 : i32 to index
      %get3A_262 = arith.constant 32 : index
      %get3A_263 = tpu.vector_load %arg14[%get3A_261, %get3A_262] {strides = array<i32>} : memref<64x128xf32, #tpu.memory_space<vmem>>, vector<16xf32>,
      %mul3A_264 = arith.mulf %get3A_263, %gather3A : vector<16xf32>
      %swap3A_265 = arith.index_cast %scan3A_243 : i32 to index
      %swap3A_266 = arith.constant 32 : index
      %swap3A_267 = tpu.vector_load %arg14[%swap3A_265, %swap3A_266] {strides = array<i32>} : memref<64x128xf32, #tpu.memory_space<vmem>>, vector<16xf32>,
      tpu.vector_store %arg14[%swap3A_265, %swap3A_266], %mul3A_264 {strides = array<i32>} : memref<64x128xf32, #tpu.memory_space<vmem>>, vector<16xf32>,
      %get3A_268 = arith.index_cast %scan3A_243 : i32 to index
      %get3A_269 = arith.constant 48 : index
      %get3A_270 = tpu.vector_load %arg14[%get3A_268, %get3A_269] {strides = array<i32>} : memref<64x128xf32, #tpu.memory_space<vmem>>, vector<16xf32>,
      %mul3A_271 = arith.mulf %get3A_270, %gather3A : vector<16xf32>
      %swap3A_272 = arith.index_cast %scan3A_243 : i32 to index
      %swap3A_273 = arith.constant 48 : index
      %swap3A_274 = tpu.vector_load %arg14[%swap3A_272, %swap3A_273] {strides = array<i32>} : memref<64x128xf32, #tpu.memory_space<vmem>>, vector<16xf32>,
      tpu.vector_store %arg14[%swap3A_272, %swap3A_273], %mul3A_271 {strides = array<i32>} : memref<64x128xf32, #tpu.memory_space<vmem>>, vector<16xf32>,
      %get3A_275 = arith.index_cast %scan3A_243 : i32 to index
      %get3A_276 = arith.constant 64 : index
      %get3A_277 = tpu.vector_load %arg14[%get3A_275, %get3A_276] {strides = array<i32>} : memref<64x128xf32, #tpu.memory_space<vmem>>, vector<16xf32>,
      %mul3A_278 = arith.mulf %get3A_277, %gather3A : vector<16xf32>
      %swap3A_279 = arith.index_cast %scan3A_243 : i32 to index
      %swap3A_280 = arith.constant 64 : index
      %swap3A_281 = tpu.vector_load %arg14[%swap3A_279, %swap3A_280] {strides = array<i32>} : memref<64x128xf32, #tpu.memory_space<vmem>>, vector<16xf32>,
      tpu.vector_store %arg14[%swap3A_279, %swap3A_280], %mul3A_278 {strides = array<i32>} : memref<64x128xf32, #tpu.memory_space<vmem>>, vector<16xf32>,
      %get3A_282 = arith.index_cast %scan3A_243 : i32 to index
      %get3A_283 = arith.constant 80 : index
      %get3A_284 = tpu.vector_load %arg14[%get3A_282, %get3A_283] {strides = array<i32>} : memref<64x128xf32, #tpu.memory_space<vmem>>, vector<16xf32>,
      %mul3A_285 = arith.mulf %get3A_284, %gather3A : vector<16xf32>
      %swap3A_286 = arith.index_cast %scan3A_243 : i32 to index
      %swap3A_287 = arith.constant 80 : index
      %swap3A_288 = tpu.vector_load %arg14[%swap3A_286, %swap3A_287] {strides = array<i32>} : memref<64x128xf32, #tpu.memory_space<vmem>>, vector<16xf32>,
      tpu.vector_store %arg14[%swap3A_286, %swap3A_287], %mul3A_285 {strides = array<i32>} : memref<64x128xf32, #tpu.memory_space<vmem>>, vector<16xf32>,
      %get3A_289 = arith.index_cast %scan3A_243 : i32 to index
      %get3A_290 = arith.constant 96 : index
      %get3A_291 = tpu.vector_load %arg14[%get3A_289, %get3A_290] {strides = array<i32>} : memref<64x128xf32, #tpu.memory_space<vmem>>, vector<16xf32>,
      %mul3A_292 = arith.mulf %get3A_291, %gather3A : vector<16xf32>
      %swap3A_293 = arith.index_cast %scan3A_243 : i32 to index
      %swap3A_294 = arith.constant 96 : index
      %swap3A_295 = tpu.vector_load %arg14[%swap3A_293, %swap3A_294] {strides = array<i32>} : memref<64x128xf32, #tpu.memory_space<vmem>>, vector<16xf32>,
      tpu.vector_store %arg14[%swap3A_293, %swap3A_294], %mul3A_292 {strides = array<i32>} : memref<64x128xf32, #tpu.memory_space<vmem>>, vector<16xf32>,
      %get3A_296 = arith.index_cast %scan3A_243 : i32 to index
      %get3A_297 = arith.constant 112 : index
      %get3A_298 = tpu.vector_load %arg14[%get3A_296, %get3A_297] {strides = array<i32>} : memref<64x128xf32, #tpu.memory_space<vmem>>, vector<16xf32>,
      %mul3A_299 = arith.mulf %get3A_298, %gather3A : vector<16xf32>
      %swap3A_300 = arith.index_cast %scan3A_243 : i32 to index
      %swap3A_301 = arith.constant 112 : index
      %swap3A_302 = tpu.vector_load %arg14[%swap3A_300, %swap3A_301] {strides = array<i32>} : memref<64x128xf32, #tpu.memory_space<vmem>>, vector<16xf32>,
      tpu.vector_store %arg14[%swap3A_300, %swap3A_301], %mul3A_299 {strides = array<i32>} : memref<64x128xf32, #tpu.memory_space<vmem>>, vector<16xf32>,
      %scan3A_303 = arith.constant 0 : i32
      scf.yield %scan3A_303 : i32
    }
    %scan3A_208 = arith.constant 64 : i32
    %mul3A_209 = arith.constant 640 : i32
    %mul3A_210 = arith.muli %arg1, %mul3A_209 : i32
    %add3A_211 = arith.constant 448 : i32
    %add3A_212 = arith.addi %mul3A_210, %add3A_211 : i32
    "tpu.region"() ({
      %run_scoped3A_243 = tpu.sem_alloc : memref<!tpu.dma_semaphore, #tpu.memory_space<semaphore_mem>>
      %dma_start3A_244 = arith.constant 0 : i32
      %dma_start3A_245 = tpu.memref_slice %arg7[%arg0, %add3A_212, %dma_start3A_244] : memref<2x10240x128xf32, #tpu.memory_space<hbm>> -> memref<1x64x128xf32, #tpu.memory_space<hbm>>
      %dma_start3A_246 = tpu.memref_squeeze %dma_start3A_245 : memref<1x64x128xf32, #tpu.memory_space<hbm>> -> memref<64x128xf32, #tpu.memory_space<hbm>>
      %dma_start3A_247 = arith.constant 0 : i32
      %dma_start3A_248 = tpu.memref_slice %arg7[%arg0, %add3A_212, %dma_start3A_247] : memref<2x10240x128xf32, #tpu.memory_space<hbm>> -> memref<1x64x128xf32, #tpu.memory_space<hbm>>
      %dma_start3A_249 = tpu.memref_squeeze %dma_start3A_248 : memref<1x64x128xf32, #tpu.memory_space<hbm>> -> memref<64x128xf32, #tpu.memory_space<hbm>>
      tpu.enqueue_dma source(%arg14 : memref<64x128xf32, #tpu.memory_space<vmem>>) target(%dma_start3A_249 : memref<64x128xf32, #tpu.memory_space<hbm>>) target_semaphore(%run_scoped3A_243 : memref<!tpu.dma_semaphore, #tpu.memory_space<semaphore_mem>>)
      %dma_wait3A = arith.constant 0 : i32
      %dma_wait3A_250 = tpu.memref_slice %arg7[%arg0, %add3A_212, %dma_wait3A] : memref<2x10240x128xf32, #tpu.memory_space<hbm>> -> memref<1x64x128xf32, #tpu.memory_space<hbm>>
      %dma_wait3A_251 = tpu.memref_squeeze %dma_wait3A_250 : memref<1x64x128xf32, #tpu.memory_space<hbm>> -> memref<64x128xf32, #tpu.memory_space<hbm>>
      %dma_wait3A_252 = arith.constant 0 : i32
      %dma_wait3A_253 = tpu.memref_slice %arg7[%arg0, %add3A_212, %dma_wait3A_252] : memref<2x10240x128xf32, #tpu.memory_space<hbm>> -> memref<1x64x128xf32, #tpu.memory_space<hbm>>
      %dma_wait3A_254 = tpu.memref_squeeze %dma_wait3A_253 : memref<1x64x128xf32, #tpu.memory_space<hbm>> -> memref<64x128xf32, #tpu.memory_space<hbm>>
      tpu.wait_dma2 semaphore(%run_scoped3A_243 : memref<!tpu.dma_semaphore, #tpu.memory_space<semaphore_mem>>) src(%arg14 : memref<64x128xf32, #tpu.memory_space<vmem>>) dst(%dma_wait3A_254 : memref<64x128xf32, #tpu.memory_space<hbm>>)
      tpu.yield
    }) : () -> ()
    %mul3A_213 = arith.constant 640 : i32
    %mul3A_214 = arith.muli %arg1, %mul3A_213 : i32
    %add3A_215 = arith.constant 512 : i32
    %add3A_216 = arith.addi %mul3A_214, %add3A_215 : i32
    "tpu.region"() ({
      %run_scoped3A_243 = tpu.sem_alloc : memref<!tpu.dma_semaphore, #tpu.memory_space<semaphore_mem>>
      %dma_start3A_244 = arith.constant 0 : i32
      %dma_start3A_245 = tpu.memref_slice %arg22[%add3A_216, %dma_start3A_244] : memref<10240x128xf32, #tpu.memory_space<vmem_shared>> -> memref<64x128xf32, #tpu.memory_space<vmem_shared>>
      %dma_start3A_246 = arith.constant 0 : i32
      %dma_start3A_247 = tpu.memref_slice %arg22[%add3A_216, %dma_start3A_246] : memref<10240x128xf32, #tpu.memory_space<vmem_shared>> -> memref<64x128xf32, #tpu.memory_space<vmem_shared>>
      tpu.enqueue_dma source(%dma_start3A_247 : memref<64x128xf32, #tpu.memory_space<vmem_shared>>) target(%arg14 : memref<64x128xf32, #tpu.memory_space<vmem>>) target_semaphore(%run_scoped3A_243 : memref<!tpu.dma_semaphore, #tpu.memory_space<semaphore_mem>>)
      %dma_wait3A = arith.constant 0 : i32
      %dma_wait3A_248 = tpu.memref_slice %arg22[%add3A_216, %dma_wait3A] : memref<10240x128xf32, #tpu.memory_space<vmem_shared>> -> memref<64x128xf32, #tpu.memory_space<vmem_shared>>
      %dma_wait3A_249 = arith.constant 0 : i32
      %dma_wait3A_250 = tpu.memref_slice %arg22[%add3A_216, %dma_wait3A_249] : memref<10240x128xf32, #tpu.memory_space<vmem_shared>> -> memref<64x128xf32, #tpu.memory_space<vmem_shared>>
      tpu.wait_dma2 semaphore(%run_scoped3A_243 : memref<!tpu.dma_semaphore, #tpu.memory_space<semaphore_mem>>) src(%dma_wait3A_250 : memref<64x128xf32, #tpu.memory_space<vmem_shared>>) dst(%arg14 : memref<64x128xf32, #tpu.memory_space<vmem>>)
      tpu.yield
    }) : () -> ()
    %scan3A_217 = arith.constant 0 : i32
    %scan3A_218 = arith.constant 0 : i32
    %scan3A_219 = arith.constant 64 : i32
    %scan3A_220 = arith.addi %scan3A_218, %scan3A_219 : i32
    %scan3A_221 = arith.constant 1 : i32
    %scan3A_222 = scf.for %scan3A_243 = %scan3A_218 to %scan3A_220 step %scan3A_221 iter_args(%scan3A_244 = %scan3A_217) -> (i32)  : i32 {
      %broadcast_in_dim3A_245 = arith.constant 512 : i32
      %broadcast_in_dim3A_246 = vector.broadcast %broadcast_in_dim3A_245 : i32 to vector<16xi32>
      %add3A_247 = vector.broadcast %scan3A_243 : i32 to vector<16xi32>
      %add3A_248 = arith.addi %broadcast_in_dim3A_246, %add3A_247 : vector<16xi32>
      %gather3A = tpu.vector_load_idx %arg18[%add3A_248] : memref<640xf32, #tpu.memory_space<vmem>>[vector<16xi32>], vector<16xf32>,
      %get3A = arith.index_cast %scan3A_243 : i32 to index
      %get3A_249 = arith.constant 0 : index
      %get3A_250 = tpu.vector_load %arg14[%get3A, %get3A_249] {strides = array<i32>} : memref<64x128xf32, #tpu.memory_space<vmem>>, vector<16xf32>,
      %mul3A_251 = arith.mulf %get3A_250, %gather3A : vector<16xf32>
      %swap3A = arith.index_cast %scan3A_243 : i32 to index
      %swap3A_252 = arith.constant 0 : index
      %swap3A_253 = tpu.vector_load %arg14[%swap3A, %swap3A_252] {strides = array<i32>} : memref<64x128xf32, #tpu.memory_space<vmem>>, vector<16xf32>,
      tpu.vector_store %arg14[%swap3A, %swap3A_252], %mul3A_251 {strides = array<i32>} : memref<64x128xf32, #tpu.memory_space<vmem>>, vector<16xf32>,
      %get3A_254 = arith.index_cast %scan3A_243 : i32 to index
      %get3A_255 = arith.constant 16 : index
      %get3A_256 = tpu.vector_load %arg14[%get3A_254, %get3A_255] {strides = array<i32>} : memref<64x128xf32, #tpu.memory_space<vmem>>, vector<16xf32>,
      %mul3A_257 = arith.mulf %get3A_256, %gather3A : vector<16xf32>
      %swap3A_258 = arith.index_cast %scan3A_243 : i32 to index
      %swap3A_259 = arith.constant 16 : index
      %swap3A_260 = tpu.vector_load %arg14[%swap3A_258, %swap3A_259] {strides = array<i32>} : memref<64x128xf32, #tpu.memory_space<vmem>>, vector<16xf32>,
      tpu.vector_store %arg14[%swap3A_258, %swap3A_259], %mul3A_257 {strides = array<i32>} : memref<64x128xf32, #tpu.memory_space<vmem>>, vector<16xf32>,
      %get3A_261 = arith.index_cast %scan3A_243 : i32 to index
      %get3A_262 = arith.constant 32 : index
      %get3A_263 = tpu.vector_load %arg14[%get3A_261, %get3A_262] {strides = array<i32>} : memref<64x128xf32, #tpu.memory_space<vmem>>, vector<16xf32>,
      %mul3A_264 = arith.mulf %get3A_263, %gather3A : vector<16xf32>
      %swap3A_265 = arith.index_cast %scan3A_243 : i32 to index
      %swap3A_266 = arith.constant 32 : index
      %swap3A_267 = tpu.vector_load %arg14[%swap3A_265, %swap3A_266] {strides = array<i32>} : memref<64x128xf32, #tpu.memory_space<vmem>>, vector<16xf32>,
      tpu.vector_store %arg14[%swap3A_265, %swap3A_266], %mul3A_264 {strides = array<i32>} : memref<64x128xf32, #tpu.memory_space<vmem>>, vector<16xf32>,
      %get3A_268 = arith.index_cast %scan3A_243 : i32 to index
      %get3A_269 = arith.constant 48 : index
      %get3A_270 = tpu.vector_load %arg14[%get3A_268, %get3A_269] {strides = array<i32>} : memref<64x128xf32, #tpu.memory_space<vmem>>, vector<16xf32>,
      %mul3A_271 = arith.mulf %get3A_270, %gather3A : vector<16xf32>
      %swap3A_272 = arith.index_cast %scan3A_243 : i32 to index
      %swap3A_273 = arith.constant 48 : index
      %swap3A_274 = tpu.vector_load %arg14[%swap3A_272, %swap3A_273] {strides = array<i32>} : memref<64x128xf32, #tpu.memory_space<vmem>>, vector<16xf32>,
      tpu.vector_store %arg14[%swap3A_272, %swap3A_273], %mul3A_271 {strides = array<i32>} : memref<64x128xf32, #tpu.memory_space<vmem>>, vector<16xf32>,
      %get3A_275 = arith.index_cast %scan3A_243 : i32 to index
      %get3A_276 = arith.constant 64 : index
      %get3A_277 = tpu.vector_load %arg14[%get3A_275, %get3A_276] {strides = array<i32>} : memref<64x128xf32, #tpu.memory_space<vmem>>, vector<16xf32>,
      %mul3A_278 = arith.mulf %get3A_277, %gather3A : vector<16xf32>
      %swap3A_279 = arith.index_cast %scan3A_243 : i32 to index
      %swap3A_280 = arith.constant 64 : index
      %swap3A_281 = tpu.vector_load %arg14[%swap3A_279, %swap3A_280] {strides = array<i32>} : memref<64x128xf32, #tpu.memory_space<vmem>>, vector<16xf32>,
      tpu.vector_store %arg14[%swap3A_279, %swap3A_280], %mul3A_278 {strides = array<i32>} : memref<64x128xf32, #tpu.memory_space<vmem>>, vector<16xf32>,
      %get3A_282 = arith.index_cast %scan3A_243 : i32 to index
      %get3A_283 = arith.constant 80 : index
      %get3A_284 = tpu.vector_load %arg14[%get3A_282, %get3A_283] {strides = array<i32>} : memref<64x128xf32, #tpu.memory_space<vmem>>, vector<16xf32>,
      %mul3A_285 = arith.mulf %get3A_284, %gather3A : vector<16xf32>
      %swap3A_286 = arith.index_cast %scan3A_243 : i32 to index
      %swap3A_287 = arith.constant 80 : index
      %swap3A_288 = tpu.vector_load %arg14[%swap3A_286, %swap3A_287] {strides = array<i32>} : memref<64x128xf32, #tpu.memory_space<vmem>>, vector<16xf32>,
      tpu.vector_store %arg14[%swap3A_286, %swap3A_287], %mul3A_285 {strides = array<i32>} : memref<64x128xf32, #tpu.memory_space<vmem>>, vector<16xf32>,
      %get3A_289 = arith.index_cast %scan3A_243 : i32 to index
      %get3A_290 = arith.constant 96 : index
      %get3A_291 = tpu.vector_load %arg14[%get3A_289, %get3A_290] {strides = array<i32>} : memref<64x128xf32, #tpu.memory_space<vmem>>, vector<16xf32>,
      %mul3A_292 = arith.mulf %get3A_291, %gather3A : vector<16xf32>
      %swap3A_293 = arith.index_cast %scan3A_243 : i32 to index
      %swap3A_294 = arith.constant 96 : index
      %swap3A_295 = tpu.vector_load %arg14[%swap3A_293, %swap3A_294] {strides = array<i32>} : memref<64x128xf32, #tpu.memory_space<vmem>>, vector<16xf32>,
      tpu.vector_store %arg14[%swap3A_293, %swap3A_294], %mul3A_292 {strides = array<i32>} : memref<64x128xf32, #tpu.memory_space<vmem>>, vector<16xf32>,
      %get3A_296 = arith.index_cast %scan3A_243 : i32 to index
      %get3A_297 = arith.constant 112 : index
      %get3A_298 = tpu.vector_load %arg14[%get3A_296, %get3A_297] {strides = array<i32>} : memref<64x128xf32, #tpu.memory_space<vmem>>, vector<16xf32>,
      %mul3A_299 = arith.mulf %get3A_298, %gather3A : vector<16xf32>
      %swap3A_300 = arith.index_cast %scan3A_243 : i32 to index
      %swap3A_301 = arith.constant 112 : index
      %swap3A_302 = tpu.vector_load %arg14[%swap3A_300, %swap3A_301] {strides = array<i32>} : memref<64x128xf32, #tpu.memory_space<vmem>>, vector<16xf32>,
      tpu.vector_store %arg14[%swap3A_300, %swap3A_301], %mul3A_299 {strides = array<i32>} : memref<64x128xf32, #tpu.memory_space<vmem>>, vector<16xf32>,
      %scan3A_303 = arith.constant 0 : i32
      scf.yield %scan3A_303 : i32
    }
    %scan3A_223 = arith.constant 64 : i32
    %mul3A_224 = arith.constant 640 : i32
    %mul3A_225 = arith.muli %arg1, %mul3A_224 : i32
    %add3A_226 = arith.constant 512 : i32
    %add3A_227 = arith.addi %mul3A_225, %add3A_226 : i32
    "tpu.region"() ({
      %run_scoped3A_243 = tpu.sem_alloc : memref<!tpu.dma_semaphore, #tpu.memory_space<semaphore_mem>>
      %dma_start3A_244 = arith.constant 0 : i32
      %dma_start3A_245 = tpu.memref_slice %arg7[%arg0, %add3A_227, %dma_start3A_244] : memref<2x10240x128xf32, #tpu.memory_space<hbm>> -> memref<1x64x128xf32, #tpu.memory_space<hbm>>
      %dma_start3A_246 = tpu.memref_squeeze %dma_start3A_245 : memref<1x64x128xf32, #tpu.memory_space<hbm>> -> memref<64x128xf32, #tpu.memory_space<hbm>>
      %dma_start3A_247 = arith.constant 0 : i32
      %dma_start3A_248 = tpu.memref_slice %arg7[%arg0, %add3A_227, %dma_start3A_247] : memref<2x10240x128xf32, #tpu.memory_space<hbm>> -> memref<1x64x128xf32, #tpu.memory_space<hbm>>
      %dma_start3A_249 = tpu.memref_squeeze %dma_start3A_248 : memref<1x64x128xf32, #tpu.memory_space<hbm>> -> memref<64x128xf32, #tpu.memory_space<hbm>>
      tpu.enqueue_dma source(%arg14 : memref<64x128xf32, #tpu.memory_space<vmem>>) target(%dma_start3A_249 : memref<64x128xf32, #tpu.memory_space<hbm>>) target_semaphore(%run_scoped3A_243 : memref<!tpu.dma_semaphore, #tpu.memory_space<semaphore_mem>>)
      %dma_wait3A = arith.constant 0 : i32
      %dma_wait3A_250 = tpu.memref_slice %arg7[%arg0, %add3A_227, %dma_wait3A] : memref<2x10240x128xf32, #tpu.memory_space<hbm>> -> memref<1x64x128xf32, #tpu.memory_space<hbm>>
      %dma_wait3A_251 = tpu.memref_squeeze %dma_wait3A_250 : memref<1x64x128xf32, #tpu.memory_space<hbm>> -> memref<64x128xf32, #tpu.memory_space<hbm>>
      %dma_wait3A_252 = arith.constant 0 : i32
      %dma_wait3A_253 = tpu.memref_slice %arg7[%arg0, %add3A_227, %dma_wait3A_252] : memref<2x10240x128xf32, #tpu.memory_space<hbm>> -> memref<1x64x128xf32, #tpu.memory_space<hbm>>
      %dma_wait3A_254 = tpu.memref_squeeze %dma_wait3A_253 : memref<1x64x128xf32, #tpu.memory_space<hbm>> -> memref<64x128xf32, #tpu.memory_space<hbm>>
      tpu.wait_dma2 semaphore(%run_scoped3A_243 : memref<!tpu.dma_semaphore, #tpu.memory_space<semaphore_mem>>) src(%arg14 : memref<64x128xf32, #tpu.memory_space<vmem>>) dst(%dma_wait3A_254 : memref<64x128xf32, #tpu.memory_space<hbm>>)
      tpu.yield
    }) : () -> ()
    %mul3A_228 = arith.constant 640 : i32
    %mul3A_229 = arith.muli %arg1, %mul3A_228 : i32
    %add3A_230 = arith.constant 576 : i32
    %add3A_231 = arith.addi %mul3A_229, %add3A_230 : i32
    "tpu.region"() ({
      %run_scoped3A_243 = tpu.sem_alloc : memref<!tpu.dma_semaphore, #tpu.memory_space<semaphore_mem>>
      %dma_start3A_244 = arith.constant 0 : i32
      %dma_start3A_245 = tpu.memref_slice %arg22[%add3A_231, %dma_start3A_244] : memref<10240x128xf32, #tpu.memory_space<vmem_shared>> -> memref<64x128xf32, #tpu.memory_space<vmem_shared>>
      %dma_start3A_246 = arith.constant 0 : i32
      %dma_start3A_247 = tpu.memref_slice %arg22[%add3A_231, %dma_start3A_246] : memref<10240x128xf32, #tpu.memory_space<vmem_shared>> -> memref<64x128xf32, #tpu.memory_space<vmem_shared>>
      tpu.enqueue_dma source(%dma_start3A_247 : memref<64x128xf32, #tpu.memory_space<vmem_shared>>) target(%arg14 : memref<64x128xf32, #tpu.memory_space<vmem>>) target_semaphore(%run_scoped3A_243 : memref<!tpu.dma_semaphore, #tpu.memory_space<semaphore_mem>>)
      %dma_wait3A = arith.constant 0 : i32
      %dma_wait3A_248 = tpu.memref_slice %arg22[%add3A_231, %dma_wait3A] : memref<10240x128xf32, #tpu.memory_space<vmem_shared>> -> memref<64x128xf32, #tpu.memory_space<vmem_shared>>
      %dma_wait3A_249 = arith.constant 0 : i32
      %dma_wait3A_250 = tpu.memref_slice %arg22[%add3A_231, %dma_wait3A_249] : memref<10240x128xf32, #tpu.memory_space<vmem_shared>> -> memref<64x128xf32, #tpu.memory_space<vmem_shared>>
      tpu.wait_dma2 semaphore(%run_scoped3A_243 : memref<!tpu.dma_semaphore, #tpu.memory_space<semaphore_mem>>) src(%dma_wait3A_250 : memref<64x128xf32, #tpu.memory_space<vmem_shared>>) dst(%arg14 : memref<64x128xf32, #tpu.memory_space<vmem>>)
      tpu.yield
    }) : () -> ()
    %scan3A_232 = arith.constant 0 : i32
    %scan3A_233 = arith.constant 0 : i32
    %scan3A_234 = arith.constant 64 : i32
    %scan3A_235 = arith.addi %scan3A_233, %scan3A_234 : i32
    %scan3A_236 = arith.constant 1 : i32
    %scan3A_237 = scf.for %scan3A_243 = %scan3A_233 to %scan3A_235 step %scan3A_236 iter_args(%scan3A_244 = %scan3A_232) -> (i32)  : i32 {
      %broadcast_in_dim3A_245 = arith.constant 576 : i32
      %broadcast_in_dim3A_246 = vector.broadcast %broadcast_in_dim3A_245 : i32 to vector<16xi32>
      %add3A_247 = vector.broadcast %scan3A_243 : i32 to vector<16xi32>
      %add3A_248 = arith.addi %broadcast_in_dim3A_246, %add3A_247 : vector<16xi32>
      %gather3A = tpu.vector_load_idx %arg18[%add3A_248] : memref<640xf32, #tpu.memory_space<vmem>>[vector<16xi32>], vector<16xf32>,
      %get3A = arith.index_cast %scan3A_243 : i32 to index
      %get3A_249 = arith.constant 0 : index
      %get3A_250 = tpu.vector_load %arg14[%get3A, %get3A_249] {strides = array<i32>} : memref<64x128xf32, #tpu.memory_space<vmem>>, vector<16xf32>,
      %mul3A_251 = arith.mulf %get3A_250, %gather3A : vector<16xf32>
      %swap3A = arith.index_cast %scan3A_243 : i32 to index
      %swap3A_252 = arith.constant 0 : index
      %swap3A_253 = tpu.vector_load %arg14[%swap3A, %swap3A_252] {strides = array<i32>} : memref<64x128xf32, #tpu.memory_space<vmem>>, vector<16xf32>,
      tpu.vector_store %arg14[%swap3A, %swap3A_252], %mul3A_251 {strides = array<i32>} : memref<64x128xf32, #tpu.memory_space<vmem>>, vector<16xf32>,
      %get3A_254 = arith.index_cast %scan3A_243 : i32 to index
      %get3A_255 = arith.constant 16 : index
      %get3A_256 = tpu.vector_load %arg14[%get3A_254, %get3A_255] {strides = array<i32>} : memref<64x128xf32, #tpu.memory_space<vmem>>, vector<16xf32>,
      %mul3A_257 = arith.mulf %get3A_256, %gather3A : vector<16xf32>
      %swap3A_258 = arith.index_cast %scan3A_243 : i32 to index
      %swap3A_259 = arith.constant 16 : index
      %swap3A_260 = tpu.vector_load %arg14[%swap3A_258, %swap3A_259] {strides = array<i32>} : memref<64x128xf32, #tpu.memory_space<vmem>>, vector<16xf32>,
      tpu.vector_store %arg14[%swap3A_258, %swap3A_259], %mul3A_257 {strides = array<i32>} : memref<64x128xf32, #tpu.memory_space<vmem>>, vector<16xf32>,
      %get3A_261 = arith.index_cast %scan3A_243 : i32 to index
      %get3A_262 = arith.constant 32 : index
      %get3A_263 = tpu.vector_load %arg14[%get3A_261, %get3A_262] {strides = array<i32>} : memref<64x128xf32, #tpu.memory_space<vmem>>, vector<16xf32>,
      %mul3A_264 = arith.mulf %get3A_263, %gather3A : vector<16xf32>
      %swap3A_265 = arith.index_cast %scan3A_243 : i32 to index
      %swap3A_266 = arith.constant 32 : index
      %swap3A_267 = tpu.vector_load %arg14[%swap3A_265, %swap3A_266] {strides = array<i32>} : memref<64x128xf32, #tpu.memory_space<vmem>>, vector<16xf32>,
      tpu.vector_store %arg14[%swap3A_265, %swap3A_266], %mul3A_264 {strides = array<i32>} : memref<64x128xf32, #tpu.memory_space<vmem>>, vector<16xf32>,
      %get3A_268 = arith.index_cast %scan3A_243 : i32 to index
      %get3A_269 = arith.constant 48 : index
      %get3A_270 = tpu.vector_load %arg14[%get3A_268, %get3A_269] {strides = array<i32>} : memref<64x128xf32, #tpu.memory_space<vmem>>, vector<16xf32>,
      %mul3A_271 = arith.mulf %get3A_270, %gather3A : vector<16xf32>
      %swap3A_272 = arith.index_cast %scan3A_243 : i32 to index
      %swap3A_273 = arith.constant 48 : index
      %swap3A_274 = tpu.vector_load %arg14[%swap3A_272, %swap3A_273] {strides = array<i32>} : memref<64x128xf32, #tpu.memory_space<vmem>>, vector<16xf32>,
      tpu.vector_store %arg14[%swap3A_272, %swap3A_273], %mul3A_271 {strides = array<i32>} : memref<64x128xf32, #tpu.memory_space<vmem>>, vector<16xf32>,
      %get3A_275 = arith.index_cast %scan3A_243 : i32 to index
      %get3A_276 = arith.constant 64 : index
      %get3A_277 = tpu.vector_load %arg14[%get3A_275, %get3A_276] {strides = array<i32>} : memref<64x128xf32, #tpu.memory_space<vmem>>, vector<16xf32>,
      %mul3A_278 = arith.mulf %get3A_277, %gather3A : vector<16xf32>
      %swap3A_279 = arith.index_cast %scan3A_243 : i32 to index
      %swap3A_280 = arith.constant 64 : index
      %swap3A_281 = tpu.vector_load %arg14[%swap3A_279, %swap3A_280] {strides = array<i32>} : memref<64x128xf32, #tpu.memory_space<vmem>>, vector<16xf32>,
      tpu.vector_store %arg14[%swap3A_279, %swap3A_280], %mul3A_278 {strides = array<i32>} : memref<64x128xf32, #tpu.memory_space<vmem>>, vector<16xf32>,
      %get3A_282 = arith.index_cast %scan3A_243 : i32 to index
      %get3A_283 = arith.constant 80 : index
      %get3A_284 = tpu.vector_load %arg14[%get3A_282, %get3A_283] {strides = array<i32>} : memref<64x128xf32, #tpu.memory_space<vmem>>, vector<16xf32>,
      %mul3A_285 = arith.mulf %get3A_284, %gather3A : vector<16xf32>
      %swap3A_286 = arith.index_cast %scan3A_243 : i32 to index
      %swap3A_287 = arith.constant 80 : index
      %swap3A_288 = tpu.vector_load %arg14[%swap3A_286, %swap3A_287] {strides = array<i32>} : memref<64x128xf32, #tpu.memory_space<vmem>>, vector<16xf32>,
      tpu.vector_store %arg14[%swap3A_286, %swap3A_287], %mul3A_285 {strides = array<i32>} : memref<64x128xf32, #tpu.memory_space<vmem>>, vector<16xf32>,
      %get3A_289 = arith.index_cast %scan3A_243 : i32 to index
      %get3A_290 = arith.constant 96 : index
      %get3A_291 = tpu.vector_load %arg14[%get3A_289, %get3A_290] {strides = array<i32>} : memref<64x128xf32, #tpu.memory_space<vmem>>, vector<16xf32>,
      %mul3A_292 = arith.mulf %get3A_291, %gather3A : vector<16xf32>
      %swap3A_293 = arith.index_cast %scan3A_243 : i32 to index
      %swap3A_294 = arith.constant 96 : index
      %swap3A_295 = tpu.vector_load %arg14[%swap3A_293, %swap3A_294] {strides = array<i32>} : memref<64x128xf32, #tpu.memory_space<vmem>>, vector<16xf32>,
      tpu.vector_store %arg14[%swap3A_293, %swap3A_294], %mul3A_292 {strides = array<i32>} : memref<64x128xf32, #tpu.memory_space<vmem>>, vector<16xf32>,
      %get3A_296 = arith.index_cast %scan3A_243 : i32 to index
      %get3A_297 = arith.constant 112 : index
      %get3A_298 = tpu.vector_load %arg14[%get3A_296, %get3A_297] {strides = array<i32>} : memref<64x128xf32, #tpu.memory_space<vmem>>, vector<16xf32>,
      %mul3A_299 = arith.mulf %get3A_298, %gather3A : vector<16xf32>
      %swap3A_300 = arith.index_cast %scan3A_243 : i32 to index
      %swap3A_301 = arith.constant 112 : index
      %swap3A_302 = tpu.vector_load %arg14[%swap3A_300, %swap3A_301] {strides = array<i32>} : memref<64x128xf32, #tpu.memory_space<vmem>>, vector<16xf32>,
      tpu.vector_store %arg14[%swap3A_300, %swap3A_301], %mul3A_299 {strides = array<i32>} : memref<64x128xf32, #tpu.memory_space<vmem>>, vector<16xf32>,
      %scan3A_303 = arith.constant 0 : i32
      scf.yield %scan3A_303 : i32
    }
    %scan3A_238 = arith.constant 64 : i32
    %mul3A_239 = arith.constant 640 : i32
    %mul3A_240 = arith.muli %arg1, %mul3A_239 : i32
    %add3A_241 = arith.constant 576 : i32
    %add3A_242 = arith.addi %mul3A_240, %add3A_241 : i32
    "tpu.region"() ({
      %run_scoped3A_243 = tpu.sem_alloc : memref<!tpu.dma_semaphore, #tpu.memory_space<semaphore_mem>>
      %dma_start3A_244 = arith.constant 0 : i32
      %dma_start3A_245 = tpu.memref_slice %arg7[%arg0, %add3A_242, %dma_start3A_244] : memref<2x10240x128xf32, #tpu.memory_space<hbm>> -> memref<1x64x128xf32, #tpu.memory_space<hbm>>
      %dma_start3A_246 = tpu.memref_squeeze %dma_start3A_245 : memref<1x64x128xf32, #tpu.memory_space<hbm>> -> memref<64x128xf32, #tpu.memory_space<hbm>>
      %dma_start3A_247 = arith.constant 0 : i32
      %dma_start3A_248 = tpu.memref_slice %arg7[%arg0, %add3A_242, %dma_start3A_247] : memref<2x10240x128xf32, #tpu.memory_space<hbm>> -> memref<1x64x128xf32, #tpu.memory_space<hbm>>
      %dma_start3A_249 = tpu.memref_squeeze %dma_start3A_248 : memref<1x64x128xf32, #tpu.memory_space<hbm>> -> memref<64x128xf32, #tpu.memory_space<hbm>>
      tpu.enqueue_dma source(%arg14 : memref<64x128xf32, #tpu.memory_space<vmem>>) target(%dma_start3A_249 : memref<64x128xf32, #tpu.memory_space<hbm>>) target_semaphore(%run_scoped3A_243 : memref<!tpu.dma_semaphore, #tpu.memory_space<semaphore_mem>>)
      %dma_wait3A = arith.constant 0 : i32
      %dma_wait3A_250 = tpu.memref_slice %arg7[%arg0, %add3A_242, %dma_wait3A] : memref<2x10240x128xf32, #tpu.memory_space<hbm>> -> memref<1x64x128xf32, #tpu.memory_space<hbm>>
      %dma_wait3A_251 = tpu.memref_squeeze %dma_wait3A_250 : memref<1x64x128xf32, #tpu.memory_space<hbm>> -> memref<64x128xf32, #tpu.memory_space<hbm>>
      %dma_wait3A_252 = arith.constant 0 : i32
      %dma_wait3A_253 = tpu.memref_slice %arg7[%arg0, %add3A_242, %dma_wait3A_252] : memref<2x10240x128xf32, #tpu.memory_space<hbm>> -> memref<1x64x128xf32, #tpu.memory_space<hbm>>
      %dma_wait3A_254 = tpu.memref_squeeze %dma_wait3A_253 : memref<1x64x128xf32, #tpu.memory_space<hbm>> -> memref<64x128xf32, #tpu.memory_space<hbm>>
      tpu.wait_dma2 semaphore(%run_scoped3A_243 : memref<!tpu.dma_semaphore, #tpu.memory_space<semaphore_mem>>) src(%arg14 : memref<64x128xf32, #tpu.memory_space<vmem>>) dst(%dma_wait3A_254 : memref<64x128xf32, #tpu.memory_space<hbm>>)
      tpu.yield
    }) : () -> ()
    return
  }
}

module attributes {stable_mosaic.version = 14 : i64} {
  func.func @_feat_body(%arg0: i32, %arg1: i32, %arg2: memref<1024x128xf32, #tpu.memory_space<vmem>>, %arg3: memref<1x128x128xf32, #tpu.memory_space<vmem>>, %arg4: memref<1x2x128xf32, #tpu.memory_space<vmem>>, %arg5: memref<1x1024x128xf32, #tpu.memory_space<vmem>>, %arg6: memref<1x1x1024xf32, #tpu.memory_space<vmem>>, %arg7: memref<1x1x1024xf32, #tpu.memory_space<vmem>>) attributes {dimension_semantics = [#tpu.dimension_semantics<arbitrary>, #tpu.dimension_semantics<arbitrary>], iteration_bounds = array<i64: 2, 10>, scalar_prefetch = 0 : i64, scratch_operands = 0 : i64, tpu.core_type = #tpu.core_type<tc>, window_params = [{transform_indices = @transform_0, window_bounds = array<i64: 1024, 128>}, {transform_indices = @transform_1, window_bounds = array<i64: 1, 128, 128>}, {transform_indices = @transform_2, window_bounds = array<i64: 1, 2, 128>}, {transform_indices = @transform_3, window_bounds = array<i64: 1, 1024, 128>}, {transform_indices = @transform_4, window_bounds = array<i64: 1, 1, 1024>}, {transform_indices = @transform_5, window_bounds = array<i64: 1, 1, 1024>}]} {
    %get3A = arith.constant 0 : index
    %get3A_0 = arith.constant 0 : index
    %get3A_1 = vector.load %arg2[%get3A, %get3A_0] : memref<1024x128xf32, #tpu.memory_space<vmem>>, vector<1024x128xf32>
    %get3A_2 = arith.constant 0 : index
    %get3A_3 = arith.constant 0 : index
    %get3A_4 = arith.constant 0 : index
    %get3A_5 = vector.load %arg3[%get3A_2, %get3A_3, %get3A_4] : memref<1x128x128xf32, #tpu.memory_space<vmem>>, vector<1x128x128xf32>
    %get3A_6 = vector.shape_cast %get3A_5 : vector<1x128x128xf32> to vector<128x128xf32>
    %dot_general3A = arith.constant dense<0.000000e+00> : vector<1024x128xf32>
    %dot_general3A_7 = tpu.matmul %get3A_1, %get3A_6, %dot_general3A {dimension_numbers = #tpu.dot_dimension_numbers<[1], [0], [0], [1], [0, 0, 1, 1], [], []>, transpose_lhs_hint = false} : vector<1024x128xf32>, vector<128x128xf32>, vector<1024x128xf32> -> vector<1024x128xf32>
    %swap3A = arith.constant 0 : index
    %swap3A_8 = arith.constant 0 : index
    %swap3A_9 = arith.constant 0 : index
    %swap3A_10 = vector.load %arg5[%swap3A, %swap3A_8, %swap3A_9] : memref<1x1024x128xf32, #tpu.memory_space<vmem>>, vector<1x1024x128xf32>
    %swap3A_11 = vector.shape_cast %swap3A_10 : vector<1x1024x128xf32> to vector<1024x128xf32>
    %swap3A_12 = vector.shape_cast %dot_general3A_7 : vector<1024x128xf32> to vector<1x1024x128xf32>
    tpu.vector_store %arg5[%swap3A, %swap3A_8, %swap3A_9], %swap3A_12 {strides = array<i32>} : memref<1x1024x128xf32, #tpu.memory_space<vmem>>, vector<1x1024x128xf32>,
    %get3A_13 = arith.constant 0 : index
    %get3A_14 = arith.constant 0 : index
    %get3A_15 = arith.constant 0 : index
    %get3A_16 = vector.load %arg4[%get3A_13, %get3A_14, %get3A_15] : memref<1x2x128xf32, #tpu.memory_space<vmem>>, vector<1x2x128xf32>
    %get3A_17 = vector.shape_cast %get3A_16 : vector<1x2x128xf32> to vector<2x128xf32>
    %dot_general3A_18 = arith.constant dense<0.000000e+00> : vector<2x1024xf32>
    %dot_general3A_19 = tpu.matmul %get3A_17, %dot_general3A_7, %dot_general3A_18 {dimension_numbers = #tpu.dot_dimension_numbers<[1], [1], [0], [0], [0, 0, 1, 0], [], []>, transpose_lhs_hint = false} : vector<2x128xf32>, vector<1024x128xf32>, vector<2x1024xf32> -> vector<2x1024xf32>
    %slice3A = vector.extract_strided_slice %dot_general3A_19 {offsets = [0, 0], sizes = [1, 1024], strides = [1, 1]} : vector<2x1024xf32> to vector<1x1024xf32>
    %swap3A_20 = arith.constant 0 : index
    %swap3A_21 = arith.constant 0 : index
    %swap3A_22 = arith.constant 0 : index
    %swap3A_23 = vector.load %arg6[%swap3A_20, %swap3A_21, %swap3A_22] : memref<1x1x1024xf32, #tpu.memory_space<vmem>>, vector<1x1x1024xf32>
    %swap3A_24 = vector.shape_cast %swap3A_23 : vector<1x1x1024xf32> to vector<1x1024xf32>
    %swap3A_25 = vector.shape_cast %slice3A : vector<1x1024xf32> to vector<1x1x1024xf32>
    tpu.vector_store %arg6[%swap3A_20, %swap3A_21, %swap3A_22], %swap3A_25 {strides = array<i32>} : memref<1x1x1024xf32, #tpu.memory_space<vmem>>, vector<1x1x1024xf32>,
    %slice3A_26 = vector.extract_strided_slice %dot_general3A_19 {offsets = [1, 0], sizes = [1, 1024], strides = [1, 1]} : vector<2x1024xf32> to vector<1x1024xf32>
    %swap3A_27 = arith.constant 0 : index
    %swap3A_28 = arith.constant 0 : index
    %swap3A_29 = arith.constant 0 : index
    %swap3A_30 = vector.load %arg7[%swap3A_27, %swap3A_28, %swap3A_29] : memref<1x1x1024xf32, #tpu.memory_space<vmem>>, vector<1x1x1024xf32>
    %swap3A_31 = vector.shape_cast %swap3A_30 : vector<1x1x1024xf32> to vector<1x1024xf32>
    %swap3A_32 = vector.shape_cast %slice3A_26 : vector<1x1024xf32> to vector<1x1x1024xf32>
    tpu.vector_store %arg7[%swap3A_27, %swap3A_28, %swap3A_29], %swap3A_32 {strides = array<i32>} : memref<1x1x1024xf32, #tpu.memory_space<vmem>>, vector<1x1x1024xf32>,
    return
  }
  func.func @transform_0(%arg0: i32, %arg1: i32) -> (i32, i32) {
    %c0_i32 = arith.constant 0 : i32
    %c0_i32_0 = arith.constant 0 : i32
    return %arg1, %c0_i32 : i32, i32
  }
  func.func @transform_1(%arg0: i32, %arg1: i32) -> (i32, i32, i32) {
    %c0_i32 = arith.constant 0 : i32
    %c0_i32_0 = arith.constant 0 : i32
    %c0_i32_1 = arith.constant 0 : i32
    return %arg0, %c0_i32, %c0_i32_0 : i32, i32, i32
  }
  func.func @transform_2(%arg0: i32, %arg1: i32) -> (i32, i32, i32) {
    %c0_i32 = arith.constant 0 : i32
    %c0_i32_0 = arith.constant 0 : i32
    %c0_i32_1 = arith.constant 0 : i32
    return %arg0, %c0_i32, %c0_i32_0 : i32, i32, i32
  }
  func.func @transform_3(%arg0: i32, %arg1: i32) -> (i32, i32, i32) {
    %c0_i32 = arith.constant 0 : i32
    %c0_i32_0 = arith.constant 0 : i32
    return %arg0, %arg1, %c0_i32 : i32, i32, i32
  }
  func.func @transform_4(%arg0: i32, %arg1: i32) -> (i32, i32, i32) {
    %c0_i32 = arith.constant 0 : i32
    %c0_i32_0 = arith.constant 0 : i32
    return %arg0, %c0_i32, %arg1 : i32, i32, i32
  }
  func.func @transform_5(%arg0: i32, %arg1: i32) -> (i32, i32, i32) {
    %c0_i32 = arith.constant 0 : i32
    %c0_i32_0 = arith.constant 0 : i32
    return %arg0, %c0_i32, %arg1 : i32, i32, i32
  }
}

module attributes {stable_mosaic.version = 14 : i64} {
  func.func @_stats_body(%arg0: i32, %arg1: memref<1x1024x128xf32, #tpu.memory_space<vmem>>, %arg2: memref<1x1024x128xf32, #tpu.memory_space<vmem>>, %arg3: memref<1024x128xf32, #tpu.memory_space<vmem>>, %arg4: memref<8x128xf32, #tpu.memory_space<vmem>>, %arg5: memref<8x128xf32, #tpu.memory_space<vmem>>) attributes {dimension_semantics = [#tpu.dimension_semantics<arbitrary>], iteration_bounds = array<i64: 10>, scalar_prefetch = 0 : i64, scratch_operands = 1 : i64, tpu.core_type = #tpu.core_type<tc>, window_params = [{transform_indices = @transform_0, window_bounds = array<i64: 1, 1024, 128>}, {transform_indices = @transform_1, window_bounds = array<i64: 1, 1024, 128>}, {transform_indices = @transform_2, window_bounds = array<i64: 1024, 128>}, {pipeline_mode = #tpu.pipeline_mode<synchronous>, transform_indices = @transform_3, window_bounds = array<i64: 8, 128>}]} {
    %get3A = arith.constant 0 : index
    %get3A_0 = arith.constant 0 : index
    %get3A_1 = arith.constant 0 : index
    %get3A_2 = vector.load %arg1[%get3A, %get3A_0, %get3A_1] : memref<1x1024x128xf32, #tpu.memory_space<vmem>>, vector<1x1024x128xf32>
    %get3A_3 = vector.shape_cast %get3A_2 : vector<1x1024x128xf32> to vector<1024x128xf32>
    %get3A_4 = arith.constant 0 : index
    %get3A_5 = arith.constant 0 : index
    %get3A_6 = arith.constant 0 : index
    %get3A_7 = vector.load %arg2[%get3A_4, %get3A_5, %get3A_6] : memref<1x1024x128xf32, #tpu.memory_space<vmem>>, vector<1x1024x128xf32>
    %get3A_8 = vector.shape_cast %get3A_7 : vector<1x1024x128xf32> to vector<1024x128xf32>
    %add3A = arith.addf %get3A_3, %get3A_8 : vector<1024x128xf32>
    %mul3A = arith.constant 5.000000e-01 : f32
    %mul3A_9 = vector.broadcast %mul3A : f32 to vector<1024x128xf32>
    %mul3A_10 = arith.mulf %mul3A_9, %add3A : vector<1024x128xf32>
    %swap3A = arith.constant 0 : index
    %swap3A_11 = arith.constant 0 : index
    %swap3A_12 = vector.load %arg3[%swap3A, %swap3A_11] : memref<1024x128xf32, #tpu.memory_space<vmem>>, vector<1024x128xf32>
    tpu.vector_store %arg3[%swap3A, %swap3A_11], %mul3A_10 {strides = array<i32>} : memref<1024x128xf32, #tpu.memory_space<vmem>>, vector<1024x128xf32>,
    %eq3A = arith.constant 0 : i32
    %eq3A_13 = arith.cmpi eq, %arg0, %eq3A : i32
    %convert_element_type3A = arith.extui %eq3A_13 : i1 to i32
    %cond3A = arith.constant 0 : i32
    %cond3A_14 = arith.cmpi ne, %convert_element_type3A, %cond3A : i32
    scf.if %cond3A_14 {
      %broadcast_in_dim3A = arith.constant 0.000000e+00 : f32
      %broadcast_in_dim3A_44 = vector.broadcast %broadcast_in_dim3A : f32 to vector<8x128xf32>
      %swap3A_45 = arith.constant 0 : index
      %swap3A_46 = arith.constant 0 : index
      %swap3A_47 = vector.load %arg5[%swap3A_45, %swap3A_46] : memref<8x128xf32, #tpu.memory_space<vmem>>, vector<8x128xf32>
      tpu.vector_store %arg5[%swap3A_45, %swap3A_46], %broadcast_in_dim3A_44 {strides = array<i32>} : memref<8x128xf32, #tpu.memory_space<vmem>>, vector<8x128xf32>,
    } else {
    }
    %get3A_15 = arith.constant 0 : index
    %get3A_16 = arith.constant 0 : index
    %get3A_17 = vector.load %arg5[%get3A_15, %get3A_16] : memref<8x128xf32, #tpu.memory_space<vmem>>, vector<1x128xf32>
    %get3A_18 = vector.shape_cast %get3A_17 : vector<1x128xf32> to vector<128xf32>
    %reduce_sum3A = arith.constant dense<0.000000e+00> : vector<128xf32>
    %reduce_sum3A_19 = vector.multi_reduction <add>, %mul3A_10, %reduce_sum3A [0] : vector<1024x128xf32> to vector<128xf32>
    %add3A_20 = arith.addf %get3A_18, %reduce_sum3A_19 : vector<128xf32>
    %swap3A_21 = arith.constant 0 : index
    %swap3A_22 = arith.constant 0 : index
    %swap3A_23 = vector.load %arg5[%swap3A_21, %swap3A_22] : memref<8x128xf32, #tpu.memory_space<vmem>>, vector<1x128xf32>
    %swap3A_24 = vector.shape_cast %swap3A_23 : vector<1x128xf32> to vector<128xf32>
    %swap3A_25 = vector.shape_cast %add3A_20 : vector<128xf32> to vector<1x128xf32>
    tpu.vector_store %arg5[%swap3A_21, %swap3A_22], %swap3A_25 {strides = array<i32>} : memref<8x128xf32, #tpu.memory_space<vmem>>, vector<1x128xf32>,
    %get3A_26 = arith.constant 1 : index
    %get3A_27 = arith.constant 0 : index
    %get3A_28 = vector.load %arg5[%get3A_26, %get3A_27] : memref<8x128xf32, #tpu.memory_space<vmem>>, vector<1x128xf32>
    %get3A_29 = vector.shape_cast %get3A_28 : vector<1x128xf32> to vector<128xf32>
    %mul3A_30 = arith.mulf %mul3A_10, %mul3A_10 : vector<1024x128xf32>
    %reduce_sum3A_31 = arith.constant dense<0.000000e+00> : vector<128xf32>
    %reduce_sum3A_32 = vector.multi_reduction <add>, %mul3A_30, %reduce_sum3A_31 [0] : vector<1024x128xf32> to vector<128xf32>
    %add3A_33 = arith.addf %get3A_29, %reduce_sum3A_32 : vector<128xf32>
    %swap3A_34 = arith.constant 1 : index
    %swap3A_35 = arith.constant 0 : index
    %swap3A_36 = vector.load %arg5[%swap3A_34, %swap3A_35] : memref<8x128xf32, #tpu.memory_space<vmem>>, vector<1x128xf32>
    %swap3A_37 = vector.shape_cast %swap3A_36 : vector<1x128xf32> to vector<128xf32>
    %swap3A_38 = vector.shape_cast %add3A_33 : vector<128xf32> to vector<1x128xf32>
    tpu.vector_store %arg5[%swap3A_34, %swap3A_35], %swap3A_38 {strides = array<i32>} : memref<8x128xf32, #tpu.memory_space<vmem>>, vector<1x128xf32>,
    %eq3A_39 = arith.constant 9 : i32
    %eq3A_40 = arith.cmpi eq, %arg0, %eq3A_39 : i32
    %convert_element_type3A_41 = arith.extui %eq3A_40 : i1 to i32
    %cond3A_42 = arith.constant 0 : i32
    %cond3A_43 = arith.cmpi ne, %convert_element_type3A_41, %cond3A_42 : i32
    scf.if %cond3A_43 {
      %get3A_44 = arith.constant 0 : index
      %get3A_45 = arith.constant 0 : index
      %get3A_46 = vector.load %arg5[%get3A_44, %get3A_45] : memref<8x128xf32, #tpu.memory_space<vmem>>, vector<8x128xf32>
      %swap3A_47 = arith.constant 0 : index
      %swap3A_48 = arith.constant 0 : index
      %swap3A_49 = vector.load %arg4[%swap3A_47, %swap3A_48] : memref<8x128xf32, #tpu.memory_space<vmem>>, vector<8x128xf32>
      tpu.vector_store %arg4[%swap3A_47, %swap3A_48], %get3A_46 {strides = array<i32>} : memref<8x128xf32, #tpu.memory_space<vmem>>, vector<8x128xf32>,
    } else {
    }
    return
  }
  func.func @transform_0(%arg0: i32) -> (i32, i32, i32) {
    %c0_i32 = arith.constant 0 : i32
    %c0_i32_0 = arith.constant 0 : i32
    %c0_i32_1 = arith.constant 0 : i32
    return %c0_i32, %arg0, %c0_i32_0 : i32, i32, i32
  }
  func.func @transform_1(%arg0: i32) -> (i32, i32, i32) {
    %c1_i32 = arith.constant 1 : i32
    %c0_i32 = arith.constant 0 : i32
    %c0_i32_0 = arith.constant 0 : i32
    return %c1_i32, %arg0, %c0_i32 : i32, i32, i32
  }
  func.func @transform_2(%arg0: i32) -> (i32, i32) {
    %c0_i32 = arith.constant 0 : i32
    %c0_i32_0 = arith.constant 0 : i32
    return %arg0, %c0_i32 : i32, i32
  }
  func.func @transform_3(%arg0: i32) -> (i32, i32) {
    %c0_i32 = arith.constant 0 : i32
    %c0_i32_0 = arith.constant 0 : i32
    %c0_i32_1 = arith.constant 0 : i32
    return %c0_i32, %c0_i32_0 : i32, i32
  }
}

module attributes {stable_mosaic.version = 14 : i64} {
  func.func @_bn_body(%arg0: i32, %arg1: memref<1024x128xf32, #tpu.memory_space<vmem>>, %arg2: memref<8x128xf32, #tpu.memory_space<vmem>>, %arg3: memref<2x128xf32, #tpu.memory_space<vmem>>, %arg4: memref<1024x128xf32, #tpu.memory_space<vmem>>) attributes {dimension_semantics = [#tpu.dimension_semantics<arbitrary>], iteration_bounds = array<i64: 10>, scalar_prefetch = 0 : i64, scratch_operands = 0 : i64, tpu.core_type = #tpu.core_type<tc>, window_params = [{transform_indices = @transform_0, window_bounds = array<i64: 1024, 128>}, {pipeline_mode = #tpu.pipeline_mode<synchronous>, transform_indices = @transform_1, window_bounds = array<i64: 8, 128>}, {pipeline_mode = #tpu.pipeline_mode<synchronous>, transform_indices = @transform_2, window_bounds = array<i64: 2, 128>}, {transform_indices = @transform_3, window_bounds = array<i64: 1024, 128>}]} {
    %get3A = arith.constant 0 : index
    %get3A_0 = arith.constant 0 : index
    %get3A_1 = vector.load %arg2[%get3A, %get3A_0] : memref<8x128xf32, #tpu.memory_space<vmem>>, vector<1x128xf32>
    %get3A_2 = vector.shape_cast %get3A_1 : vector<1x128xf32> to vector<128xf32>
    %mul3A = arith.constant 9.99999974E-5 : f32
    %mul3A_3 = vector.broadcast %mul3A : f32 to vector<128xf32>
    %mul3A_4 = arith.mulf %get3A_2, %mul3A_3 : vector<128xf32>
    %get3A_5 = arith.constant 1 : index
    %get3A_6 = arith.constant 0 : index
    %get3A_7 = vector.load %arg2[%get3A_5, %get3A_6] : memref<8x128xf32, #tpu.memory_space<vmem>>, vector<1x128xf32>
    %get3A_8 = vector.shape_cast %get3A_7 : vector<1x128xf32> to vector<128xf32>
    %mul3A_9 = arith.constant 9.99999974E-5 : f32
    %mul3A_10 = vector.broadcast %mul3A_9 : f32 to vector<128xf32>
    %mul3A_11 = arith.mulf %get3A_8, %mul3A_10 : vector<128xf32>
    %mul3A_12 = arith.mulf %mul3A_4, %mul3A_4 : vector<128xf32>
    %sub3A = arith.subf %mul3A_11, %mul3A_12 : vector<128xf32>
    %get3A_13 = arith.constant 0 : index
    %get3A_14 = arith.constant 0 : index
    %get3A_15 = vector.load %arg3[%get3A_13, %get3A_14] : memref<2x128xf32, #tpu.memory_space<vmem>>, vector<1x128xf32>
    %get3A_16 = vector.shape_cast %get3A_15 : vector<1x128xf32> to vector<128xf32>
    %add3A = arith.constant 9.99999974E-6 : f32
    %add3A_17 = vector.broadcast %add3A : f32 to vector<128xf32>
    %add3A_18 = arith.addf %sub3A, %add3A_17 : vector<128xf32>
    %rsqrt3A = math.rsqrt %add3A_18 : vector<128xf32>
    %mul3A_19 = arith.mulf %get3A_16, %rsqrt3A : vector<128xf32>
    %get3A_20 = arith.constant 0 : index
    %get3A_21 = arith.constant 0 : index
    %get3A_22 = vector.load %arg1[%get3A_20, %get3A_21] : memref<1024x128xf32, #tpu.memory_space<vmem>>, vector<1024x128xf32>
    %broadcast_in_dim3A = vector.shape_cast %mul3A_4 : vector<128xf32> to vector<1x128xf32>
    %sub3A_23 = vector.broadcast %broadcast_in_dim3A : vector<1x128xf32> to vector<1024x128xf32>
    %sub3A_24 = arith.subf %get3A_22, %sub3A_23 : vector<1024x128xf32>
    %broadcast_in_dim3A_25 = vector.shape_cast %mul3A_19 : vector<128xf32> to vector<1x128xf32>
    %mul3A_26 = vector.broadcast %broadcast_in_dim3A_25 : vector<1x128xf32> to vector<1024x128xf32>
    %mul3A_27 = arith.mulf %sub3A_24, %mul3A_26 : vector<1024x128xf32>
    %get3A_28 = arith.constant 1 : index
    %get3A_29 = arith.constant 0 : index
    %get3A_30 = vector.load %arg3[%get3A_28, %get3A_29] : memref<2x128xf32, #tpu.memory_space<vmem>>, vector<1x128xf32>
    %get3A_31 = vector.shape_cast %get3A_30 : vector<1x128xf32> to vector<128xf32>
    %broadcast_in_dim3A_32 = vector.shape_cast %get3A_31 : vector<128xf32> to vector<1x128xf32>
    %add3A_33 = vector.broadcast %broadcast_in_dim3A_32 : vector<1x128xf32> to vector<1024x128xf32>
    %add3A_34 = arith.addf %mul3A_27, %add3A_33 : vector<1024x128xf32>
    %swap3A = arith.constant 0 : index
    %swap3A_35 = arith.constant 0 : index
    %swap3A_36 = vector.load %arg4[%swap3A, %swap3A_35] : memref<1024x128xf32, #tpu.memory_space<vmem>>, vector<1024x128xf32>
    tpu.vector_store %arg4[%swap3A, %swap3A_35], %add3A_34 {strides = array<i32>} : memref<1024x128xf32, #tpu.memory_space<vmem>>, vector<1024x128xf32>,
    return
  }
  func.func @transform_0(%arg0: i32) -> (i32, i32) {
    %c0_i32 = arith.constant 0 : i32
    %c0_i32_0 = arith.constant 0 : i32
    return %arg0, %c0_i32 : i32, i32
  }
  func.func @transform_1(%arg0: i32) -> (i32, i32) {
    %c0_i32 = arith.constant 0 : i32
    %c0_i32_0 = arith.constant 0 : i32
    %c0_i32_1 = arith.constant 0 : i32
    return %c0_i32, %c0_i32_0 : i32, i32
  }
  func.func @transform_2(%arg0: i32) -> (i32, i32) {
    %c0_i32 = arith.constant 0 : i32
    %c0_i32_0 = arith.constant 0 : i32
    %c0_i32_1 = arith.constant 0 : i32
    return %c0_i32, %c0_i32_0 : i32, i32
  }
  func.func @transform_3(%arg0: i32) -> (i32, i32) {
    %c0_i32 = arith.constant 0 : i32
    %c0_i32_0 = arith.constant 0 : i32
    return %arg0, %c0_i32 : i32, i32
  }
}

</mosaic_0001>

<sc_bundles>
// kernel: kernel.6.cloned.1.call-start
scs
__scs_entry_jumppad:
0x0: {  	(pc) =	sbr.rel $0x88, $3  }
0x1: {  	(tag) =	ssettag $0x0;
	lr =	simm.s32 $0x1  }
0x2: {  	[smem:$0x3F96] =	sst lr;
	_ =	strace $0xD0000000  }
0x3: {  	_ = 	snop  }
0x4: {  	_ = 	snop  }
0x5: {  	_ = 	snop  }
0x6: {  	_ = 	snop  }
0x7: {  	_ = 	snop  }
__scs_overlays_trampoline_lowered:
0x8: {  	[smem:$0x3FA5] =	sst s0  }
0x9: {  	[smem:$0x3FA6] =	sst s1  }
0xa: {  	[smem:$0x3FA7] =	sst s2  }
0xb: {  	[smem:$0x3FA8] =	sst s3  }
0xc: {  	[smem:$0x3FA9] =	sst s4  }
0xd: {  	[smem:$0x3FAA] =	sst s5  }
0xe: {  	[smem:$0x3FAB] =	sst s6  }
0xf: {  	[smem:$0x3FAC] =	sst s7  }
0x10: {  	[smem:$0x3FAD] =	sst s8  }
0x11: {  	[smem:$0x3FAE] =	sst s9;
	s0 =	simm.s32 @!p0 $0x0  }
0x12: {  	s1 =	sld [smem:$0x3F94];
	s0 =	simm.s32 @p0 $0x1  }
0x13: {  	[smem:$0x3FAF] =	sst s0;
	s0 =	simm.s32 @!p1 $0x0  }
0x14: {  	s2 =	sld [smem:$0x3F93];
	s0 =	simm.s32 @p1 $0x1  }
0x15: {  	[smem:$0x3FB0] =	sst s0;
	s0 =	simm.s32 @!p2 $0x0  }
0x16: {  	s3 =	sld [smem:$0x3FDB];
	s0 =	simm.s32 @p2 $0x1  }
0x17: {  	s4 =	simm.s32 $0x1BF5;
	[smem:$0x3FB2] =	sst s0  }
0x18: {  	s0 =	sld [smem:$0x3F95];
	_ =	swait.ge [sflag:s4], $0x0  }
0x19: {  	s7 =	sld [smem:$0x3F96]  }
0x1a: {  	s8 =	sadd.s32 $0xFFFFE003, lr  }
0x1b: {  	s9 =	sadd.s32 $0xFFFFFEF7, lr;
	s5 =	simm.s32 $0xFFFFFFFF;
	p2 =	slt.u32 s8, $0xFFFFF086  }
0x1c: {  	p1 =	slt.u32 s9, $0xF7A;
	s5 =	simm.s32 @!p2 $0x0  }
0x1d: {  	s5 =	simm.s32 @p1 $0x1;
	p0 =	seq.s32 s7, s2  }
0x1e: {  	s7 =	smul.u32 @!p0 $0xF7A, s2;
	p2 =	seq.s32 @!p0 s5, $0x0  }
0x1f: {  	s9 =	smul.u32 $0xF7A, s1;
	s8 =	simm.s32 @!p0 $0x1BF5;
	p2 =	por !p2, p0  }
0x20: {  	[sflag:s8] =	ssyncset.s32 @!p0 $0xFFFFF086;
	s6 =	sadd.s32 @!p0 s3, s7;
	s7 =	simm.s32 @!p0 $0x108  }
0x21: {  	s3 =	sadd.s32 s3, s9;
	s6 =	sadd.s32 @!p0 $0x88, s6;
	s7 =	simm.s32 @p2 $0x1082  }
0x22: {  	[simem:s7], [sflag:s8] =	dma.local @!p0 [hbm:s6], $0xF7A  }
0x23: {  	s9 =	sor.u32 $0xD0000000, s2;
	s6 =	simm.s32 $0x108;
	_ =	swait.ge @!p0 [sflag:s8], $0x0  }
0x24: {  	s3 =	sadd.s32 $0x88, s3;
	s6 =	simm.s32 @!p1 $0x1082;
	[sflag:s4] =	ssyncset.s32 $0xFFFFF086  }
0x25: {  	[simem:s6], [sflag:s4] =	dma.local [hbm:s3], $0xF7A  }
0x26: {  	[smem:$0x3F96] =	sst s1;
	(tag) =	ssettag s2;
	_ =	strace s9  }
0x27: {  	s1 =	sld [smem:$0x3FA6]  }
0x28: {  	s2 =	sld [smem:$0x3FA7]  }
0x29: {  	s4 =	sld [smem:$0x3FA9]  }
0x2a: {  	p0 =	seq.s32 s5, $0x0;
	s5 =	sld [smem:$0x3FAA]  }
0x2b: {  	s6 =	sld [smem:$0x3FAB]  }
0x2c: {  	s7 =	sld [smem:$0x3FAC]  }
0x2d: {  	s3 =	simm.s32 $0x108;
	s8 =	sld [smem:$0x3FAD]  }
0x2e: {  	s3 =	simm.s32 @!p0 $0x1082;
	s9 =	sld [smem:$0x3FAE]  }
0x2f: {  	lr =	sadd.s32 s0, s3;
	s0 =	sld [smem:$0x3FA5]  }
0x30: {  	s3 =	sld [smem:$0x3FA8]  }
0x31: {  	[smem:$0x3FB1] =	sst s10  }
0x32: {  	s10 =	sld [smem:$0x3FAF];
	_ =	sdelay $0x3  }
0x33: {  	p0 =	seq.s32 s10, $0x1;
	s10 =	sld [smem:$0x3FB1];
	_ =	sdelay $0x3  }
0x34: {  	[smem:$0x3FB1] =	sst s10  }
0x35: {  	s10 =	sld [smem:$0x3FB0];
	_ =	sdelay $0x3  }
0x36: {  	p1 =	seq.s32 s10, $0x1;
	s10 =	sld [smem:$0x3FB1];
	_ =	sdelay $0x3  }
0x37: {  	[smem:$0x3FB1] =	sst s10  }
0x38: {  	s10 =	sld [smem:$0x3FB2]  }
0x39: {  	_ = 	snop;
	(pc) =	sbr.ind lr, $3  }
0x3a: {  	_ = 	snop  }
0x3b: {  	_ = 	snop  }
0x3c: {  	p2 =	seq.s32 s10, $0x1;
	s10 =	sld [smem:$0x3FB1]  }
0x3d: {  	_ =	shalt  }
0x3e: {  	_ =	shalt  }
0x3f: {  	_ =	shalt  }
0x40: {  	_ =	shalt  }
0x41: {  	_ =	shalt  }
0x42: {  	_ =	shalt  }
0x43: {  	_ =	shalt  }
0x44: {  	_ =	shalt  }
0x45: {  	_ =	shalt  }
0x46: {  	_ =	shalt  }
0x47: {  	_ =	shalt  }
0x48: {  	_ =	shalt  }
0x49: {  	_ =	shalt  }
0x4a: {  	_ =	shalt  }
0x4b: {  	_ =	shalt  }
0x4c: {  	_ =	shalt  }
0x4d: {  	_ =	shalt  }
0x4e: {  	_ =	shalt  }
0x4f: {  	_ =	shalt  }
0x50: {  	_ =	shalt  }
0x51: {  	_ =	shalt  }
0x52: {  	_ =	shalt  }
0x53: {  	_ =	shalt  }
0x54: {  	_ =	shalt  }
0x55: {  	_ =	shalt  }
0x56: {  	_ =	shalt  }
0x57: {  	_ =	shalt  }
0x58: {  	_ =	shalt  }
0x59: {  	_ =	shalt  }
0x5a: {  	_ =	shalt  }
0x5b: {  	_ =	shalt  }
0x5c: {  	_ =	shalt  }
0x5d: {  	_ =	shalt  }
0x5e: {  	_ =	shalt  }
0x5f: {  	_ =	shalt  }
0x60: {  	_ =	shalt  }
0x61: {  	_ =	shalt  }
0x62: {  	_ =	shalt  }
0x63: {  	_ =	shalt  }
0x64: {  	_ =	shalt  }
0x65: {  	_ =	shalt  }
0x66: {  	_ =	shalt  }
0x67: {  	_ =	shalt  }
0x68: {  	_ =	shalt  }
0x69: {  	_ =	shalt  }
0x6a: {  	_ =	shalt  }
0x6b: {  	_ =	shalt  }
0x6c: {  	_ =	shalt  }
0x6d: {  	_ =	shalt  }
0x6e: {  	_ =	shalt  }
0x6f: {  	_ =	shalt  }
0x70: {  	_ =	shalt  }
0x71: {  	_ =	shalt  }
0x72: {  	_ =	shalt  }
0x73: {  	_ =	shalt  }
0x74: {  	_ =	shalt  }
0x75: {  	_ =	shalt  }
0x76: {  	_ =	shalt  }
0x77: {  	_ =	shalt  }
0x78: {  	_ =	shalt  }
0x79: {  	_ =	shalt  }
0x7a: {  	_ =	shalt  }
0x7b: {  	_ =	shalt  }
0x7c: {  	_ =	shalt  }
0x7d: {  	_ =	shalt  }
0x7e: {  	_ =	shalt  }
0x7f: {  	_ =	shalt  }
0x80: {  	_ =	shalt  }
0x81: {  	_ =	shalt  }
0x82: {  	_ =	shalt  }
0x83: {  	_ =	shalt  }
0x84: {  	_ =	shalt  }
0x85: {  	_ =	shalt  }
0x86: {  	_ =	shalt  }
0x87: {  	_ =	shalt  }
.Lfunc_end0:
.L_simem_size_0:
called_computation_lowered:
.L_overlay_start_0:
0x88: {  	s2 =	sld [smem:$0x3FD9]  }
0x89: {  	s3 =	sld [smem:$0x3FFE];
	_ =	sdelay $0x1  }
0x8a: {  	s1 =	srdreg.scid  }
0x8b: {  	s0 =	sand.u32 $0x1, s1  }
0x8c: {  	s17 =	sshll.u32 s0, $0xA;
	s2 =	sadd.s32 s3, s2  }
0x8d: {  	s2 =	sadd.s32 s2, s17  }
0x8e: {  	[smem:$0x3FBD] =	sst s2  }
0x8f: {  	_ = 	snop  }
0x90: {  	s2 =	sld [smem:$0x3FD0];
	(tm) =	ssettm $0x1  }
0x91: {  	s18 =	sld [smem:$0x3FFB];
	_ =	sdelay $0x3  }
0x92: {  	_ =	strace s18  }
0x93: {  	s3 =	sld [smem:$0x3FFC];
	_ =	sdelay $0x3  }
0x94: {  	_ =	strace s3  }
0x95: {  	s3 =	sld [smem:$0x3FFD];
	_ =	sdelay $0x3  }
0x96: {  	_ =	strace s3  }
0x97: {  	_ =	strace $0x8FFFFFFF  }
0x98: {  	s19 =	sld [smem:$0x3FDB];
	_ =	sdelay $0x1  }
0x99: {  	s4 =	simm.s32 $_scs_section_size  }
0x9a: {  	s5 =	simm.s32 $_size__tile_overlayer_lowered;
	s6 =	simm.s32 $_tile_overlayer_lowered  }
0x9b: {  	s22 =	simm.s32 $0x1BFF;
	s21 =	sshll.u32 s6, $0x1;
	s3 =	sadd.s32 s4, s19  }
0x9c: {  	s7 =	simm.s32 $0x0;
	s20 =	sshll.u32 s5, $0x1;
	s5 =	sadd.s32 s21, s3  }
0x9d: {  	[timem:s7], [sflag:s22] =	dma.local [hbm:s5], s20  }
0x9e: {  	_ =	swait.ge [sflag:s22], s20  }
0x9f: {  	s4 =	ssub.s32 $0x0, s20;
	[sflag:s22] =	ssyncset.done $0x0  }
0xa0: {  	[sflag:s22] =	ssyncadd.s32 s4;
	_ =	sdelay $0x1  }
0xa1: {  	s23 =	simm.s32 $0x1B8B  }
0xa2: {  	_ =	swait.ge [sflag:s23], $0x1  }
0xa3: {  	[sflag:s23] =	ssyncset.done $0x0  }
0xa4: {  	s25 =	simm.s32 $0x1B8E;
	s24 =	sld [smem:$0x3FFE];
	[sflag:s23] =	ssyncadd.s32 $0xFFFFFFFF  }
0xa5: {  	s26 =	simm.s32 $execute0_lowered;
	[smem:$0x3FD2] =	sst s25  }
0xa6: {  	s5 =	sshll.u32 s26, $0x1;
	_ =	strace $0x80000046;
	[dreg:$0x1] =	wrdreg $0xFFFFFFFF  }
0xa7: {  	s28 =	simm.s32 $_size_execute0_lowered;
	s3 =	sadd.s32 s3, s5;
	[dreg:$0x0] =	wrdreg $0x0  }
0xa8: {  	s5 =	sshll.u32 s28, $0x1;
	[dreg:$0x2] =	wrdreg s3  }
0xa9: {  	[dreg:$0x3] =	wrdreg s5  }
0xaa: {  	[dreg:$0x4] =	wrdreg $0xC0  }
0xab: {  	_ =	task [dreg:s7], $0x5FFFF  }
0xac: {  	[dreg:$0x1] =	wrdreg $0xFFFFFFFF  }
0xad: {  	[dreg:$0x0] =	wrdreg $0x60  }
0xae: {  	[dreg:$0x2] =	wrdreg s24  }
0xaf: {  	[dreg:$0x3] =	wrdreg s2  }
0xb0: {  	[dreg:$0x4] =	wrdreg $0xBA000  }
0xb1: {  	[dreg:$0x5] =	wrdreg $0xB7800  }
0xb2: {  	[dreg:$0x6] =	wrdreg $0xB2800  }
0xb3: {  	[dreg:$0x7] =	wrdreg $0xB5000  }
0xb4: {  	[dreg:$0x8] =	wrdreg $0x9  }
0xb5: {  	_ =	task.clear_ibuf [dreg:s7], $0x9FFFF;
	_ =	strace $0x90000046  }
0xb6: {  	s29 =	simm.s32 $0x9;
	_ =	strace $0x80000048  }
0xb7: {  	_ =	swait.ge [sflag:s29], $0x1  }
0xb8: {  	[sflag:s29] =	ssyncadd.s32 $0xFFFFFFFF  }
0xb9: {  	_ =	strace $0x90000048  }
0xba: {  	_ =	sfence  }
0xbb: {  	s30 =	sld [smem:$0x0];
	_ =	sdelay $0x2  }
0xbc: {  	s31 =	sshll.u32 s1, $0xD;
	s1 =	sshrl.u32 s1, $0x2  }
0xbd: {  	s3 =	sand.u32 $0x4000, s31;
	s1 =	sadd.s32 s1, s30  }
0xbe: {  	s0 =	sor.u32 s3, s0;
	s1 =	sshll.u32 s1, $0x11  }
0xbf: {  	s0 =	sor.u32 s1, s0  }
0xc0: {  	s0 =	sadd.s32 $0x8F2B, s0  }
0xc1: {  	[sflag:s0] =	ssyncadd.remote.s32 $0x1  }
0xc2: {  	_ =	sfence.sel $0xFFFF  }
0xc3: {  	[dreg:$0x0] =	wrdreg $0xFFFFFFFF;
	(pc) =	sbr.abs _section_cstart, $3  }
0xc4: {  	[dreg:$0x1] =	wrdreg $0xFFFFFFFF  }
0xc5: {  	_ =	task.clear_ibuf [dreg:s7], $0x2FFFF;
	_ =	strace $0x9FFFFFFF  }
0xc6: {  	(tm) =	ssettm $0x7FFFFFFF  }
0xc7: {  	_ =	shalt  }
tec
execute0_lowered:
.L_overlay_start_1:
0x0: {  	(tag) =	ssettag $0x1  }
0x1: {  	s0 =	srdreg.scid;
	s19 =	stileid.u32  }
0x2: {  	s4 =	sand.u32 $0x1, s0;
	s0 =	smul.u32 $0x280, s19  }
0x3: {  	s2 =	simm.s32 $0x0;
	s11 =	smul.u32 $0x14000, s19  }
0x4: {  	[smem:$0x7FF] =	sst s2;
	s2 =	smul.u32 $0x2800, s4  }
0x5: {  	s3 =	rddreg [dreg:$0x0];
	s8 =	sshrl.u32 s19, $0x3;
	s9 =	smul.u32 $0x50000, s4  }
0x6: {  	s20 =	rddreg [dreg:$0x1];
	s6 =	sadd.s32 $0x67200, s3;
	s8 =	smul.u32 $0x28000, s8  }
0x7: {  	s18 =	sshll.u32 s19, $0x7;
	s1 =	ssub.s32 $0x2, s4;
	s4 =	smul.u32 $0x140000, s4  }
0x8: {  	s24 =	sand.u32 $0x380, s18;
	s5 =	sshrl.u32 s1, $0x1;
	s23 =	sshll.u32 s0, $0x7  }
0x9: {  	s1 =	ssub.s32 s1, s5;
	s7 =	sor.u32 $0x2000, s23;
	s10 =	sadd.s32 $0x4000, s23  }
0xa: {  	s12 =	sadd.s32 $0x6000, s23;
	s13 =	sadd.s32 $0x8000, s23;
	s14 =	sadd.s32 $0xA000, s23  }
0xb: {  	s15 =	sadd.s32 $0xC000, s23;
	s16 =	sadd.s32 $0xE000, s23;
	s17 =	sadd.s32 $0x10000, s23  }
0xc: {  	s5 =	sadd.s32 $0x12000, s23;
	s8 =	sadd.s32 s9, s8;
	s11 =	sadd.s32 s11, s4  }
0xd: {  	s18 =	sor.u32 s24, s8;
	s25 =	sshrl.u32 s11, $0x3;
	s26 =	sadd.s32 s4, s7  }
0xe: {  	s11 =	sadd.s32 s4, s10;
	s22 =	sadd.s32 s4, s12;
	s24 =	sadd.s32 s4, s13  }
0xf: {  	s8 =	sadd.s32 s6, s25;
	s9 =	sshrl.u32 s26, $0x3;
	s21 =	sshrl.u32 s11, $0x3  }
0x10: {  	s23 =	sshrl.u32 s22, $0x3;
	s25 =	sshrl.u32 s24, $0x3;
	s26 =	sadd.s32 s4, s14  }
0x11: {  	s11 =	sadd.s32 s4, s15;
	s22 =	sadd.s32 s4, s16;
	s24 =	sadd.s32 s4, s17  }
0x12: {  	s4 =	sadd.s32 s4, s5;
	[dreg:$0x8] =	wrdreg s8;
	s8 =	sadd.s32 s6, s9  }
0x13: {  	s4 =	sshrl.u32 s4, $0x3;
	[dreg:$0x9] =	wrdreg s8  }
0x14: {  	s8 =	sadd.s32 s6, s21;
	s21 =	sshrl.u32 s11, $0x3;
	s11 =	rddreg [dreg:$0x2]  }
0x15: {  	s4 =	sadd.s32 s6, s4;
	[dreg:$0xa] =	wrdreg s8  }
0x16: {  	s8 =	sadd.s32 s6, s23;
	s23 =	sshrl.u32 s22, $0x3;
	s22 =	rddreg [dreg:$0x4]  }
0x17: {  	[dreg:$0x11] =	wrdreg s4  }
0x18: {  	s9 =	sshrl.u32 s26, $0x3;
	[dreg:$0xb] =	wrdreg s8;
	s8 =	sadd.s32 s6, s25  }
0x19: {  	[dreg:$0xc] =	wrdreg s8;
	s8 =	sadd.s32 s6, s9  }
0x1a: {  	[dreg:$0xd] =	wrdreg s8  }
0x1b: {  	s8 =	sadd.s32 s6, s21;
	s21 =	rddreg [dreg:$0x3]  }
0x1c: {  	s26 =	smul.u32 $0x50000, s19;
	[dreg:$0xe] =	wrdreg s8;
	s8 =	sadd.s32 s6, s23  }
0x1d: {  	s25 =	sadd.s32 s0, s2;
	[dreg:$0xf] =	wrdreg s8;
	s8 =	sshrl.u32 s24, $0x3  }
0x1e: {  	s9 =	sshrl.u32 s26, $0x2;
	s23 =	rddreg [dreg:$0x5];
	s8 =	sadd.s32 s6, s8  }
0x1f: {  	[dreg:$0x10] =	wrdreg s8;
	s8 =	sshrl.u32 s25, $0x3;
	s25 =	sadd.s32 s9, s11  }
0x20: {  	s26 =	sadd.s32 s7, s11;
	_ =	strace $0x80000047;
	[dreg:$0x13] =	wrdreg s25  }
0x21: {  	s6 =	sadd.s32 s10, s11;
	[dreg:$0x14] =	wrdreg s26  }
0x22: {  	s28 =	simm.s32 $0x2;
	s7 =	sadd.s32 s12, s11;
	[dreg:$0x15] =	wrdreg s6  }
0x23: {  	s29 =	simm.s32 $0x3;
	s9 =	sadd.s32 s13, s11;
	[dreg:$0x16] =	wrdreg s7  }
0x24: {  	s30 =	simm.s32 $0x4;
	s10 =	sadd.s32 s14, s11;
	[dreg:$0x17] =	wrdreg s9  }
0x25: {  	s31 =	simm.s32 $0x5;
	s12 =	sadd.s32 s16, s11;
	[dreg:$0x18] =	wrdreg s10  }
0x26: {  	s16 =	sadd.s32 s0, s22;
	s13 =	sadd.s32 s5, s11;
	[dreg:$0x1a] =	wrdreg s12  }
0x27: {  	s14 =	sadd.s32 s0, s21;
	s21 =	sshrl.u32 s18, $0x3;
	[dreg:$0x1c] =	wrdreg s13  }
0x28: {  	s0 =	sadd.s32 s0, s23;
	s23 =	sadd.s32 s20, s21;
	[dreg:$0x1d] =	wrdreg s14  }
0x29: {  	s1 =	smax.u32 s1, $0x1;
	s24 =	sadd.s32 $0x1E00, s3;
	[smem:$0x7F8] =	sst s23  }
0x2a: {  	s19 =	sadd.s32 $0x15E00, s3;
	s15 =	sadd.s32 s15, s11;
	[dreg:$0x12] =	wrdreg s24  }
0x2b: {  	s17 =	sadd.s32 s17, s11;
	s0 =	sshrl.u32 s0, $0x3;
	[smem:$0x7FA] =	sst s1  }
0x2c: {  	v0 =	vmov s2;
	s2 =	simm.s32 $0x0;
	s4 =	sadd.s32 s8, s3;
	[smem:$0x7FC] =	sst s0  }
0x2d: {  	s24 =	sadd.s32 s24, s21;
	s25 =	sshrl.u32 s16, $0x3;
	[dreg:$0x7] =	wrdreg s18  }
0x2e: {  	s26 =	sadd.s32 $0x8000, s18;
	s10 =	simm.s32 $0xB000;
	s12 =	simm.s32 $0xC  }
0x2f: {  	s16 =	simm.s32 $0x3000;
	s18 =	simm.s32 $0x800;
	[dreg:$0x19] =	wrdreg s15  }
0x30: {  	s6 =	simm.s32 $0x2800;
	s23 =	simm.s32 $0x5000;
	[dreg:$0x1b] =	wrdreg s17  }
0x31: {  	s14 =	simm.s32 $0x6;
	s1 =	simm.s32 $0x7;
	[smem:$0x7F9] =	sst s24  }
0x32: {  	s3 =	simm.s32 $0x8;
	s13 =	simm.s32 $0xB;
	[smem:$0x7FB] =	sst s25  }
0x33: {  	s22 =	sadd.s32 $0x65E00, s4;
	s4 =	sadd.s32 $0x66800, s4;
	[smem:$0x7FD] =	sst s26  }
0x34: {  	s24 =	simm.s32 $0x7000;
	s25 =	simm.s32 $0x9000;
	[dreg:$0x1e] =	wrdreg s22  }
0x35: {  	v1 =	vimm.f32 $0.0e+00;
	s26 =	simm.s32 $0x1;
	[dreg:$0x1f] =	wrdreg s4;
	s22 =	simm.s32 $0x40  }
.LBB2_1:
0x36: {  	[smem:$0x7F7] =	sst s2;
	s0 =	simm.s32 $0x0;
	s2 =	simm.s32 $0x200  }
.LBB2_2:
0x37: {  	p0 =	sne.s32 s2, $0x7E00;
	[tilespmem:s0+$0x3070] =	vst v1  }
0x38: {  	[tilespmem:s0+$0x3000] =	vst v1  }
0x39: {  	[tilespmem:s0+$0x3010] =	vst v1  }
.Ltmp0:
0x3a: {  	[tilespmem:s0+$0x3020] =	vst v1;
	(pc) =	sbr.rel @p0 .LBB2_2-.Ltmp0, $4  }
0x3b: {  	[tilespmem:s0+$0x3030] =	vst v1  }
0x3c: {  	[tilespmem:s0+$0x3040] =	vst v1  }
0x3d: {  	[tilespmem:s0+$0x3050] =	vst v1  }
0x3e: {  	[tilespmem:s0+$0x3060] =	vst v1;
	s0 =	sshra.s32 s2, $0x2;
	s2 =	sadd.s32 $0x200, s2  }
0x3f: {  	[tilespmem:s0+$0x3070] =	vst v1  }
0x40: {  	[tilespmem:s0+$0x3000] =	vst v1  }
0x41: {  	[tilespmem:s0+$0x3010] =	vst v1  }
0x42: {  	[tilespmem:s0+$0x3020] =	vst v1  }
0x43: {  	[tilespmem:s0+$0x3030] =	vst v1  }
0x44: {  	[tilespmem:s0+$0x3040] =	vst v1  }
0x45: {  	[tilespmem:s0+$0x3050] =	vst v1  }
0x46: {  	[tilespmem:s0+$0x3060] =	vst v1  }
0x47: {  	[tilespmem:$0xB000] =	vst v1  }
0x48: {  	[tilespmem:$0xB010] =	vst v1  }
0x49: {  	[tilespmem:$0xB020] =	vst v1  }
0x4a: {  	[tilespmem:$0xB030] =	vst v1  }
0x4b: {  	[tilespmem:$0xB040] =	vst v1  }
0x4c: {  	[tilespmem:$0xB050] =	vst v1  }
0x4d: {  	[tilespmem:$0xB060] =	vst v1  }
0x4e: {  	[tilespmem:$0xB070] =	vst v1  }
0x4f: {  	[tilespmem:$0xB080] =	vst v1  }
0x50: {  	[tilespmem:$0xB090] =	vst v1  }
0x51: {  	[tilespmem:$0xB0A0] =	vst v1  }
0x52: {  	[tilespmem:$0xB0B0] =	vst v1  }
0x53: {  	[tilespmem:$0xB0C0] =	vst v1  }
0x54: {  	[tilespmem:$0xB0D0] =	vst v1  }
0x55: {  	[tilespmem:$0xB0E0] =	vst v1  }
0x56: {  	[tilespmem:$0xB0F0] =	vst v1  }
0x57: {  	[tilespmem:$0xB100] =	vst v1  }
0x58: {  	[tilespmem:$0xB110] =	vst v1  }
0x59: {  	[tilespmem:$0xB120] =	vst v1  }
0x5a: {  	[tilespmem:$0xB130] =	vst v1  }
0x5b: {  	[tilespmem:$0xB140] =	vst v1  }
0x5c: {  	[tilespmem:$0xB150] =	vst v1  }
0x5d: {  	[tilespmem:$0xB160] =	vst v1  }
0x5e: {  	[tilespmem:$0xB170] =	vst v1  }
0x5f: {  	[tilespmem:$0xB180] =	vst v1  }
0x60: {  	[tilespmem:$0xB190] =	vst v1  }
0x61: {  	[tilespmem:$0xB1A0] =	vst v1  }
0x62: {  	[tilespmem:$0xB1B0] =	vst v1  }
0x63: {  	[tilespmem:$0xB1C0] =	vst v1  }
0x64: {  	[tilespmem:$0xB1D0] =	vst v1  }
0x65: {  	[tilespmem:$0xB1E0] =	vst v1  }
0x66: {  	[tilespmem:$0xB1F0] =	vst v1  }
0x67: {  	[tilespmem:$0xB200] =	vst v1  }
0x68: {  	[tilespmem:$0xB210] =	vst v1  }
0x69: {  	[tilespmem:$0xB220] =	vst v1  }
0x6a: {  	[tilespmem:$0xB230] =	vst v1  }
0x6b: {  	[tilespmem:$0xB240] =	vst v1  }
0x6c: {  	[tilespmem:$0xB250] =	vst v1  }
0x6d: {  	[tilespmem:$0xB260] =	vst v1  }
0x6e: {  	s4 =	rddreg [dreg:$0x1d];
	[tilespmem:$0xB270] =	vst v1  }
0x6f: {  	[spmem:s4] =	stream.linear.scatter [tilespmem:s10], [sflag:$0xC], $0x280, $0x38;
	[tilespmem:$0x1FA00] =	vst v63  }
0x70: {  	_ =	swait.ge [sflag:s12], $0x280  }
0x71: {  	[sflag:s12] =	ssyncset.done $0x0  }
0x72: {  	s5 =	rddreg [dreg:$0x13];
	[sflag:s12] =	ssyncadd.s32 $0xFFFFFD80  }
0x73: {  	[spmem:s5] =	stream.linear.scatter [tilespmem:s16], [sflag:$0xC], $0x2000, $0x38;
	[tilespmem:$0x1FA00] =	vst v63  }
0x74: {  	_ =	swait.ge [sflag:s12], $0x2000  }
0x75: {  	[sflag:s12] =	ssyncset.done $0x0  }
0x76: {  	s7 =	rddreg [dreg:$0x14];
	[sflag:s12] =	ssyncadd.s32 $0xFFFFE000  }
0x77: {  	[spmem:s7] =	stream.linear.scatter [tilespmem:s16], [sflag:$0xC], $0x2000, $0x38;
	[tilespmem:$0x1FA00] =	vst v63  }
0x78: {  	_ =	swait.ge [sflag:s12], $0x2000  }
0x79: {  	[sflag:s12] =	ssyncset.done $0x0  }
0x7a: {  	s8 =	rddreg [dreg:$0x15];
	[sflag:s12] =	ssyncadd.s32 $0xFFFFE000  }
0x7b: {  	[spmem:s8] =	stream.linear.scatter [tilespmem:s16], [sflag:$0xC], $0x2000, $0x38;
	[tilespmem:$0x1FA00] =	vst v63  }
0x7c: {  	_ =	swait.ge [sflag:s12], $0x2000  }
0x7d: {  	[sflag:s12] =	ssyncset.done $0x0  }
0x7e: {  	s9 =	rddreg [dreg:$0x16];
	[sflag:s12] =	ssyncadd.s32 $0xFFFFE000  }
0x7f: {  	[spmem:s9] =	stream.linear.scatter [tilespmem:s16], [sflag:$0xC], $0x2000, $0x38;
	[tilespmem:$0x1FA00] =	vst v63  }
0x80: {  	_ =	swait.ge [sflag:s12], $0x2000  }
0x81: {  	[sflag:s12] =	ssyncset.done $0x0  }
0x82: {  	s20 =	rddreg [dreg:$0x17];
	[sflag:s12] =	ssyncadd.s32 $0xFFFFE000  }
0x83: {  	[spmem:s20] =	stream.linear.scatter [tilespmem:s16], [sflag:$0xC], $0x2000, $0x38;
	[tilespmem:$0x1FA00] =	vst v63  }
0x84: {  	_ =	swait.ge [sflag:s12], $0x2000  }
0x85: {  	[sflag:s12] =	ssyncset.done $0x0  }
0x86: {  	s21 =	rddreg [dreg:$0x18];
	[sflag:s12] =	ssyncadd.s32 $0xFFFFE000  }
0x87: {  	[spmem:s21] =	stream.linear.scatter [tilespmem:s16], [sflag:$0xC], $0x2000, $0x38;
	[tilespmem:$0x1FA00] =	vst v63  }
0x88: {  	_ =	swait.ge [sflag:s12], $0x2000  }
0x89: {  	[sflag:s12] =	ssyncset.done $0x0  }
0x8a: {  	[sflag:s12] =	ssyncadd.s32 $0xFFFFE000  }
0x8b: {  	[spmem:s15] =	stream.linear.scatter [tilespmem:s16], [sflag:$0xC], $0x2000, $0x38;
	[tilespmem:$0x1FA00] =	vst v63  }
0x8c: {  	_ =	swait.ge [sflag:s12], $0x2000  }
0x8d: {  	[sflag:s12] =	ssyncset.done $0x0  }
0x8e: {  	s2 =	rddreg [dreg:$0x1a];
	[sflag:s12] =	ssyncadd.s32 $0xFFFFE000  }
0x8f: {  	[spmem:s2] =	stream.linear.scatter [tilespmem:s16], [sflag:$0xC], $0x2000, $0x38;
	[tilespmem:$0x1FA00] =	vst v63  }
0x90: {  	_ =	swait.ge [sflag:s12], $0x2000  }
0x91: {  	[sflag:s12] =	ssyncset.done $0x0  }
0x92: {  	[sflag:s12] =	ssyncadd.s32 $0xFFFFE000  }
0x93: {  	[spmem:s17] =	stream.linear.scatter [tilespmem:s16], [sflag:$0xC], $0x2000, $0x38;
	[tilespmem:$0x1FA00] =	vst v63  }
0x94: {  	_ =	swait.ge [sflag:s12], $0x2000  }
0x95: {  	[sflag:s12] =	ssyncset.done $0x0  }
0x96: {  	s4 =	rddreg [dreg:$0x1c];
	[sflag:s12] =	ssyncadd.s32 $0xFFFFE000  }
0x97: {  	[spmem:s4] =	stream.linear.scatter [tilespmem:s16], [sflag:$0xC], $0x2000, $0x38;
	[tilespmem:$0x1FA00] =	vst v63  }
0x98: {  	_ =	swait.ge [sflag:s12], $0x2000  }
0x99: {  	s5 =	stileid.u32;
	s4 =	sld [smem:$0x7FB]  }
0x9a: {  	s0 =	sshll.u32 s5, $0x6;
	[sflag:s12] =	ssyncset.done $0x0  }
0x9b: {  	s0 =	sor.u32 $0x1C0C, s0;
	s2 =	rddreg [dreg:$0x1e];
	[sflag:s12] =	ssyncadd.s32 $0xFFFFE000  }
0x9c: {  	[spmem:s4], [sflag:s0] =	dma.local [hbm:s2], $0x50  }
0x9d: {  	_ =	swait.ge [sflag:s12], $0x50  }
0x9e: {  	s8 =	sld [smem:$0x7FC]  }
0x9f: {  	[sflag:s12] =	ssyncset.done $0x0  }
0xa0: {  	s7 =	rddreg [dreg:$0x1f];
	[sflag:s12] =	ssyncadd.s32 $0xFFFFFFB0  }
0xa1: {  	[spmem:s8], [sflag:s0] =	dma.local [hbm:s7], $0x50  }
0xa2: {  	_ =	swait.ge [sflag:s12], $0x50  }
0xa3: {  	[sflag:s12] =	ssyncset.done $0x0  }
0xa4: {  	[sflag:s12] =	ssyncadd.s32 $0xFFFFFFB0  }
0xa5: {  	[bflag:$0x0] =	sbarrier.arrive $0xFFFF  }
0xa6: {  	s9 =	sld [smem:$0x7F8]  }
0xa7: {  	s5 =	simm.s32 $0x0  }
0xa8: {  	s20 =	simm.s32 $0x400;
	s15 =	simm.s32 $0x80;
	s21 =	sld [smem:$0x7F9]  }
0xa9: {  	[tilespmem:s5], [sflag:$0x9] =	stream.strided.gather [hbm4b:s9+s15], $0x800, s20, s15, $0x38;
	[tilespmem:$0x1FA00] =	vst v63  }
0xaa: {  	s17 =	simm.s32 $0x800;
	s7 =	simm.s32 $0x0;
	s9 =	simm.s32 $0x0  }
0xab: {  	[tilespmem:s17], [sflag:$0xA] =	stream.strided.gather [hbm4b:s21+s15], $0x800, s20, s15, $0x38;
	[tilespmem:$0x1FA00] =	vst v63  }
.LBB2_4:
0xac: {  	s0 =	simm.s32 $0x9  }
0xad: {  	_ =	swait.ge [sflag:s0], $0x800  }
0xae: {  	[sflag:s0] =	ssyncset.done $0x0  }
0xaf: {  	s15 =	simm.s32 $0xA;
	[sflag:s0] =	ssyncadd.s32 $0xFFFFF800  }
0xb0: {  	_ =	swait.ge [sflag:s15], $0x800  }
0xb1: {  	[sflag:s15] =	ssyncset.done $0x0  }
0xb2: {  	[sflag:s15] =	ssyncadd.s32 $0xFFFFF800  }
0xb3: {  	s2 =	simm.s32 $0x0;
	s0 =	rddreg [dreg:$0x4]  }
0xb4: {  	[tilespmem:s6], [sflag:$0xC] =	stream.indirect.gather [spmem:s0], $0x1, s2, s18, $0xb8;
	[tilespmem:$0x1FA00] =	vst v63  }
0xb5: {  	_ =	swait.ge [sflag:s12], $0x800  }
0xb6: {  	[sflag:s12] =	ssyncset.done $0x0  }
0xb7: {  	[sflag:s12] =	ssyncadd.s32 $0xFFFFF800  }
0xb8: {  	s21 =	simm.s32 $0x2000;
	s20 =	rddreg [dreg:$0x5]  }
0xb9: {  	[tilespmem:s21], [sflag:$0xC] =	stream.indirect.gather [spmem:s20], $0x1, s18, s18, $0xb8;
	[tilespmem:$0x1FA00] =	vst v63  }
0xba: {  	_ =	swait.ge [sflag:s12], $0x800  }
0xbb: {  	[sflag:s12] =	ssyncset.done $0x0  }
0xbc: {  	s4 =	simm.s32 $0x0;
	[sflag:s12] =	ssyncadd.s32 $0xFFFFF800  }
0xbd: {  	v2 =	vld [tilespmem:s4+$0x2000]  }
0xbe: {  	v3 =	vld [tilespmem:s4+$0x2800];
	_ =	sdelay $0x4  }
0xbf: {  	v2 =	vadd.f32 v2, v3;
	_ =	sdelay $0x1  }
0xc0: {  	v3 =	vmul.f32 $2.000000030e-01, v2  }
0xc1: {  	vm0 =	vgt.f32 v2, $0.0e+00  }
0xc2: {  	v2 =	vsel vm0, v2, v3  }
0xc3: {  	v2 =	vmul.f32 $1.442695020e+00, v2;
	_ =	sdelay $0x1  }
0xc4: {  	(erf) = vpow2.f32 v2;
	_ =	sdelay $0x3  }
0xc5: {  	v2 =	vld [tilespmem:s4+$0x0];
	_ =	sdelay $0x4  }
0xc6: {  	p0 =	slt.u32 s9, $0x4E20;
	v2 =	vadd.s32 v0, v2;
	v3 =	vpop (erf)  }
0xc7: {  	s2 =	simm.s32 $0x10;
	[tilespmem:s4+$0x0] =	vst v2;
	v3 =	vpsel !p0, $0x0, v3  }
0xc8: {  	s8 =	smov.u32 s9;
	s0 =	simm.s32 $0x80;
	v2 =	vld [tilespmem:s2+$0x2000];
	[tilespmem:s4+$0x2800] =	vst v3  }
.LBB2_5:
0xc9: {  	p0 =	sne.s32 s0, $0x1FC0;
	v3 =	vld [tilespmem:s2+$0x2800];
	_ =	sdelay $0x4  }
0xca: {  	v2 =	vadd.f32 v2, v3;
	_ =	sdelay $0x1  }
0xcb: {  	v3 =	vmul.f32 $2.000000030e-01, v2  }
0xcc: {  	vm0 =	vgt.f32 v2, $0.0e+00  }
0xcd: {  	v2 =	vsel vm0, v2, v3  }
0xce: {  	v2 =	vmul.f32 $1.442695020e+00, v2;
	_ =	sdelay $0x1  }
0xcf: {  	(erf) = vpow2.f32 v2;
	_ =	sdelay $0x3  }
0xd0: {  	v2 =	vld [tilespmem:s2+$0x0];
	_ =	sdelay $0x2  }
.Ltmp1:
0xd1: {  	(pc) =	sbr.rel @p0 .LBB2_5-.Ltmp1, $4  }
0xd2: {  	s8 =	sadd.s32 $0x10, s8  }
0xd3: {  	p1 =	slt.u32 s8, $0x4E20;
	v2 =	vadd.s32 v0, v2;
	v3 =	vpop (erf)  }
0xd4: {  	s4 =	sshra.s32 s0, $0x2;
	v3 =	vpsel !p1, $0x0, v3;
	[tilespmem:s2+$0x0] =	vst v2  }
0xd5: {  	s0 =	sadd.s32 $0x40, s0;
	v2 =	vld [tilespmem:s4+$0x2000];
	[tilespmem:s2+$0x2800] =	vst v3;
	s2 =	smov.u32 s4  }
0xd6: {  	v3 =	vld [tilespmem:s2+$0x2800];
	_ =	sdelay $0x4  }
0xd7: {  	v2 =	vadd.f32 v2, v3;
	_ =	sdelay $0x1  }
0xd8: {  	v3 =	vmul.f32 $2.000000030e-01, v2  }
0xd9: {  	vm0 =	vgt.f32 v2, $0.0e+00  }
0xda: {  	v2 =	vsel vm0, v2, v3  }
0xdb: {  	v2 =	vmul.f32 $1.442695020e+00, v2;
	_ =	sdelay $0x1  }
0xdc: {  	(erf) = vpow2.f32 v2;
	_ =	sdelay $0x3  }
0xdd: {  	v2 =	vld [tilespmem:s2+$0x0];
	_ =	sdelay $0x3  }
0xde: {  	s0 =	sadd.s32 $0x10, s8;
	s5 =	sshll.u32 s7, $0xF;
	s8 =	rddreg [dreg:$0x7]  }
0xdf: {  	s4 =	rddreg [dreg:$0x3];
	p0 =	slt.u32 s0, $0x4E20;
	s0 =	sadd.s32 s5, s8;
	v2 =	vadd.s32 v0, v2;
	v3 =	vpop (erf)  }
0xe0: {  	s15 =	rddreg [dreg:$0x1];
	s0 =	sadd.s32 $0x4000, s0;
	[tilespmem:s2+$0x0] =	vst v2;
	v3 =	vpsel !p0, $0x0, v3  }
0xe1: {  	s20 =	rddreg [dreg:$0x12];
	s5 =	simm.s32 $0x400;
	s0 =	sshrl.u32 s0, $0x3;
	[tilespmem:s2+$0x2800] =	vst v3  }
0xe2: {  	[spmem:s4] =	stream.indirect.scatter.add.f32 [tilespmem:s6], [sflag:$0xB], $0x1, s18, s18, $0xb8;
	[tilespmem:$0x1FA00] =	vst v63  }
0xe3: {  	s2 =	sadd.s32 s15, s0;
	s4 =	simm.s32 $0x80;
	s18 =	simm.s32 $0x1000  }
0xe4: {  	[tilespmem:s18], [sflag:$0x9] =	stream.strided.gather [hbm4b:s2+s4], $0x800, s5, s4, $0x38;
	[tilespmem:$0x1FA00] =	vst v63  }
0xe5: {  	s21 =	simm.s32 $0x1800;
	s0 =	sadd.s32 s20, s0  }
0xe6: {  	[tilespmem:s21], [sflag:$0xA] =	stream.strided.gather [hbm4b:s0+s4], $0x800, s5, s4, $0x38;
	[tilespmem:$0x1FA00] =	vst v63  }
0xe7: {  	s2 =	simm.s32 $0x0  }
0xe8: {  	[tilespmem:s16], [sflag:$0x1] =	stream.indirect.gather [hbm4b:s19+s22], $0x80, s2, s22, $0xb8;
	[tilespmem:$0x1FA00] =	vst v63  }
0xe9: {  	_ = 	snop  }
0xea: {  	[tilespmem:s23], [sflag:$0x2] =	stream.indirect.gather [hbm4b:s19+s22], $0x80, s22, s22, $0xb8;
	[tilespmem:$0x1FA00] =	vst v63  }
0xeb: {  	_ = 	snop  }
0xec: {  	[tilespmem:s24], [sflag:$0x3] =	stream.indirect.gather [hbm4b:s19+s22], $0x80, s4, s22, $0xb8;
	[tilespmem:$0x1FA00] =	vst v63  }
.LBB2_7:
0xed: {  	p0 =	seq.s32 s2, $0x0  }
0xee: {  	s0 =	simm.s32 @!p0 $0x8  }
0xef: {  	_ =	swait.ge @!p0 [sflag:s0], $0x2000  }
0xf0: {  	s18 =	sshll.u32 s2, $0x8;
	[sflag:s0] =	ssyncset.done @!p0 $0x0  }
0xf1: {  	s15 =	sor.u32 $0xC0, s18;
	[sflag:s0] =	ssyncadd.s32 @!p0 $0xFFFFE000  }
0xf2: {  	[tilespmem:s25], [sflag:$0x4] =	stream.indirect.gather [hbm4b:s19+s22], $0x80, s15, s22, $0xb8;
	[tilespmem:$0x1FA00] =	vst v63  }
0xf3: {  	s21 =	sadd.s32 $0x0, s18;
	_ =	swait.ge [sflag:s26], $0x2000  }
0xf4: {  	v2 =	vmov s21;
	[sflag:s26] =	ssyncset.done $0x0  }
0xf5: {  	s8 =	simm.s32 $0x3040;
	[sflag:s26] =	ssyncadd.s32 $0xFFFFE000  }
0xf6: {  	v6 =	vld [tilespmem:s8+$0x30]  }
0xf7: {  	v9 =	vld [tilespmem:s8+$0x10]  }
0xf8: {  	v7 =	vld [tilespmem:s8+$0xFFFFFFC0]  }
0xf9: {  	v3 =	vld.idx.msk [tilespmem:v2+s6+$0x0], $0xffff  }
0xfa: {  	v11 =	vld [tilespmem:s8+$0xFFFFFFE0]  }
0xfb: {  	v2 =	vld [tilespmem:s8+$0xFFFFFFF0]  }
0xfc: {  	v4 =	vld [tilespmem:s8+$0x20]  }
0xfd: {  	v5 =	vld [tilespmem:s8+$0xFFFFFFD0]  }
0xfe: {  	v10 =	vmul.f32 v6, v3;
	v6 =	vld [tilespmem:s8+$0x0]  }
0xff: {  	v8 =	vmul.f32 v7, v3  }
0x100: {  	s20 =	simm.s32 $0x1;
	s21 =	sshll.u32 s2, $0x2;
	s0 =	simm.s32 $0x3040;
	v7 =	vmul.f32 v11, v3;
	v9 =	vmul.f32 v9, v3  }
.LBB2_8:
0x101: {  	p0 =	sne.s32 s20, $0x3F  }
0x102: {  	v5 =	vmul.f32 v5, v3;
	v4 =	vmul.f32 v4, v3;
	[tilespmem:s8+$0x30] =	vst v10;
	s0 =	sadd.s32 $0x80, s0;
	s4 =	smov.u32 s20;
	s20 =	sadd.s32 $0x1, s20  }
0x103: {  	[tilespmem:s8+$0xFFFFFFC0] =	vst v8;
	v8 =	vmul.f32 v2, v3;
	v3 =	vmul.f32 v6, v3  }
0x104: {  	s4 =	sadd.s32 s18, s4;
	[tilespmem:s8+$0x10] =	vst v9  }
0x105: {  	v6 =	vmov s4;
	[tilespmem:s8+$0xFFFFFFE0] =	vst v7  }
0x106: {  	v2 =	vld [tilespmem:s0+$0xFFFFFFF0];
	[tilespmem:s8+$0xFFFFFFF0] =	vst v8  }
0x107: {  	v7 =	vld [tilespmem:s0+$0x30];
	[tilespmem:s8+$0x0] =	vst v3  }
0x108: {  	v9 =	vld [tilespmem:s0+$0x10];
	[tilespmem:s8+$0x20] =	vst v4  }
0x109: {  	v8 =	vld [tilespmem:s0+$0xFFFFFFC0];
	[tilespmem:s8+$0xFFFFFFD0] =	vst v5;
	s8 =	smov.u32 s0  }
0x10a: {  	v3 =	vld.idx.msk [tilespmem:v6+s6+$0x0], $0xffff  }
0x10b: {  	v11 =	vld [tilespmem:s0+$0xFFFFFFE0]  }
0x10c: {  	v4 =	vld [tilespmem:s0+$0x20]  }
.Ltmp2:
0x10d: {  	v5 =	vld [tilespmem:s0+$0xFFFFFFD0];
	(pc) =	sbr.rel @p0 .LBB2_8-.Ltmp2, $3  }
0x10e: {  	v6 =	vld [tilespmem:s0+$0x0];
	_ =	sdelay $0x1  }
0x10f: {  	v8 =	vmul.f32 v8, v3;
	v10 =	vmul.f32 v7, v3  }
0x110: {  	v9 =	vmul.f32 v9, v3;
	v7 =	vmul.f32 v11, v3  }
0x111: {  	[tilespmem:s8+$0x30] =	vst v10  }
0x112: {  	[tilespmem:s8+$0xFFFFFFC0] =	vst v8  }
0x113: {  	v2 =	vmul.f32 v2, v3;
	[tilespmem:s8+$0x10] =	vst v9  }
0x114: {  	v4 =	vmul.f32 v4, v3;
	[tilespmem:s8+$0xFFFFFFE0] =	vst v7  }
0x115: {  	v6 =	vmul.f32 v6, v3;
	[tilespmem:s8+$0xFFFFFFF0] =	vst v2  }
0x116: {  	s0 =	sshll.u32 s2, $0xA;
	v2 =	vmul.f32 v5, v3;
	[tilespmem:s8+$0x20] =	vst v4  }
0x117: {  	s4 =	sshrl.u32 s0, $0x2;
	[tilespmem:s8+$0x0] =	vst v6  }
0x118: {  	p0 =	seq.s32 s2, $0x7;
	s4 =	sadd.s32 $0x800, s4;
	[tilespmem:s8+$0xFFFFFFD0] =	vst v2  }
0x119: {  	[spmem:s11] =	stream.indirect.scatter.add.f32 [tilespmem:s16], [sflag:$0x5], $0x80, s4, s22, $0xb8;
	[tilespmem:$0x1FA00] =	vst v63  }
0x11a: {  	s4 =	simm.s32 @!p0 $0x5  }
0x11b: {  	s20 =	sor.u32 $0x1, s21;
	_ =	swait.ge @!p0 [sflag:s4], $0x2000  }
0x11c: {  	s18 =	simm.s32 @!p0 $0x3000;
	s8 =	sshrl.u32 @!p0 s0, $0x2;
	[sflag:s4] =	ssyncset.done @!p0 $0x0  }
0x11d: {  	s0 =	sadd.s32 @!p0 $0x100, s8;
	[sflag:s4] =	ssyncadd.s32 @!p0 $0xFFFFE000;
	s4 =	simm.s32 @!p0 $0x40  }
0x11e: {  	[tilespmem:s18], [sflag:$0x1] =	stream.indirect.gather @!p0 [hbm4b:s19+s4], $0x80, s0, s4, $0xb8;
	[tilespmem:$0x1FA00] =	vst v63  }
0x11f: {  	s18 =	sshll.u32 s20, $0x6  }
0x120: {  	_ =	swait.ge [sflag:s28], $0x2000;
	s0 =	sadd.s32 $0x0, s18  }
0x121: {  	[sflag:s28] =	ssyncset.done $0x0;
	v2 =	vmov s0  }
0x122: {  	s20 =	simm.s32 $0x5040;
	[sflag:s28] =	ssyncadd.s32 $0xFFFFE000  }
0x123: {  	v6 =	vld [tilespmem:s20+$0x30]  }
0x124: {  	v9 =	vld [tilespmem:s20+$0x10]  }
0x125: {  	v7 =	vld [tilespmem:s20+$0xFFFFFFC0]  }
0x126: {  	v3 =	vld.idx.msk [tilespmem:v2+s6+$0x0], $0xffff  }
0x127: {  	v11 =	vld [tilespmem:s20+$0xFFFFFFE0]  }
0x128: {  	v4 =	vld [tilespmem:s20+$0x20]  }
0x129: {  	v5 =	vld [tilespmem:s20+$0xFFFFFFD0]  }
0x12a: {  	v2 =	vld [tilespmem:s20+$0xFFFFFFF0]  }
0x12b: {  	v10 =	vmul.f32 v6, v3;
	v6 =	vld [tilespmem:s20+$0x0]  }
0x12c: {  	v8 =	vmul.f32 v7, v3  }
0x12d: {  	s4 =	simm.s32 $0x5040;
	s0 =	simm.s32 $0x1;
	v7 =	vmul.f32 v11, v3;
	v9 =	vmul.f32 v9, v3  }
.LBB2_10:
0x12e: {  	p1 =	sne.s32 s0, $0x3F  }
0x12f: {  	v5 =	vmul.f32 v5, v3;
	v4 =	vmul.f32 v4, v3;
	[tilespmem:s20+$0x30] =	vst v10;
	s4 =	sadd.s32 $0x80, s4;
	s5 =	smov.u32 s0;
	s0 =	sadd.s32 $0x1, s0  }
0x130: {  	[tilespmem:s20+$0xFFFFFFC0] =	vst v8;
	v8 =	vmul.f32 v2, v3;
	v3 =	vmul.f32 v6, v3  }
0x131: {  	s5 =	sadd.s32 s18, s5;
	[tilespmem:s20+$0x10] =	vst v9  }
0x132: {  	v6 =	vmov s5;
	[tilespmem:s20+$0xFFFFFFE0] =	vst v7  }
0x133: {  	v2 =	vld [tilespmem:s4+$0xFFFFFFF0];
	[tilespmem:s20+$0xFFFFFFF0] =	vst v8  }
0x134: {  	v7 =	vld [tilespmem:s4+$0x30];
	[tilespmem:s20+$0x0] =	vst v3  }
0x135: {  	v9 =	vld [tilespmem:s4+$0x10];
	[tilespmem:s20+$0x20] =	vst v4  }
0x136: {  	v8 =	vld [tilespmem:s4+$0xFFFFFFC0];
	[tilespmem:s20+$0xFFFFFFD0] =	vst v5;
	s20 =	smov.u32 s4  }
0x137: {  	v3 =	vld.idx.msk [tilespmem:v6+s6+$0x0], $0xffff  }
0x138: {  	v11 =	vld [tilespmem:s4+$0xFFFFFFE0]  }
0x139: {  	v4 =	vld [tilespmem:s4+$0x20]  }
.Ltmp3:
0x13a: {  	v5 =	vld [tilespmem:s4+$0xFFFFFFD0];
	(pc) =	sbr.rel @p1 .LBB2_10-.Ltmp3, $3  }
0x13b: {  	v6 =	vld [tilespmem:s4+$0x0];
	_ =	sdelay $0x1  }
0x13c: {  	v8 =	vmul.f32 v8, v3;
	v10 =	vmul.f32 v7, v3  }
0x13d: {  	v9 =	vmul.f32 v9, v3;
	v7 =	vmul.f32 v11, v3  }
0x13e: {  	[tilespmem:s20+$0x30] =	vst v10  }
0x13f: {  	[tilespmem:s20+$0xFFFFFFC0] =	vst v8  }
0x140: {  	v2 =	vmul.f32 v2, v3;
	[tilespmem:s20+$0x10] =	vst v9  }
0x141: {  	v4 =	vmul.f32 v4, v3;
	[tilespmem:s20+$0xFFFFFFE0] =	vst v7  }
0x142: {  	v6 =	vmul.f32 v6, v3;
	[tilespmem:s20+$0xFFFFFFF0] =	vst v2  }
0x143: {  	v2 =	vmul.f32 v5, v3;
	[tilespmem:s20+$0x20] =	vst v4  }
0x144: {  	s0 =	sand.u32 $0x3FFFFFC0, s18;
	[tilespmem:s20+$0x0] =	vst v6  }
0x145: {  	s0 =	sadd.s32 $0x800, s0;
	[tilespmem:s20+$0xFFFFFFD0] =	vst v2  }
0x146: {  	[spmem:s11] =	stream.indirect.scatter.add.f32 [tilespmem:s23], [sflag:$0x6], $0x80, s0, s22, $0xb8;
	[tilespmem:$0x1FA00] =	vst v63  }
0x147: {  	s0 =	simm.s32 @!p0 $0x6  }
0x148: {  	s4 =	simm.s32 @!p0 $0x40;
	_ =	swait.ge @!p0 [sflag:s0], $0x2000  }
0x149: {  	s5 =	simm.s32 @!p0 $0x5000;
	s21 =	sor.u32 $0x2, s21;
	[sflag:s0] =	ssyncset.done @!p0 $0x0  }
0x14a: {  	s18 =	sshll.u32 s21, $0x6;
	[sflag:s0] =	ssyncadd.s32 @!p0 $0xFFFFE000;
	s0 =	sadd.s32 @!p0 $0x140, s8  }
0x14b: {  	[tilespmem:s5], [sflag:$0x2] =	stream.indirect.gather @!p0 [hbm4b:s19+s4], $0x80, s0, s4, $0xb8;
	[tilespmem:$0x1FA00] =	vst v63  }
0x14c: {  	s0 =	sadd.s32 $0x0, s18;
	_ =	swait.ge [sflag:s29], $0x2000  }
0x14d: {  	v2 =	vmov s0;
	[sflag:s29] =	ssyncset.done $0x0  }
0x14e: {  	s20 =	simm.s32 $0x7040;
	[sflag:s29] =	ssyncadd.s32 $0xFFFFE000  }
0x14f: {  	v6 =	vld [tilespmem:s20+$0x30]  }
0x150: {  	v9 =	vld [tilespmem:s20+$0x10]  }
0x151: {  	v7 =	vld [tilespmem:s20+$0xFFFFFFC0]  }
0x152: {  	v3 =	vld.idx.msk [tilespmem:v2+s6+$0x0], $0xffff  }
0x153: {  	v11 =	vld [tilespmem:s20+$0xFFFFFFE0]  }
0x154: {  	v4 =	vld [tilespmem:s20+$0x20]  }
0x155: {  	v5 =	vld [tilespmem:s20+$0xFFFFFFD0]  }
0x156: {  	v2 =	vld [tilespmem:s20+$0xFFFFFFF0]  }
0x157: {  	v10 =	vmul.f32 v6, v3;
	v6 =	vld [tilespmem:s20+$0x0]  }
0x158: {  	v8 =	vmul.f32 v7, v3  }
0x159: {  	s4 =	simm.s32 $0x7040;
	s0 =	simm.s32 $0x1;
	v7 =	vmul.f32 v11, v3;
	v9 =	vmul.f32 v9, v3  }
.LBB2_12:
0x15a: {  	p1 =	sne.s32 s0, $0x3F  }
0x15b: {  	v5 =	vmul.f32 v5, v3;
	v4 =	vmul.f32 v4, v3;
	[tilespmem:s20+$0x30] =	vst v10;
	s4 =	sadd.s32 $0x80, s4;
	s5 =	smov.u32 s0;
	s0 =	sadd.s32 $0x1, s0  }
0x15c: {  	[tilespmem:s20+$0xFFFFFFC0] =	vst v8;
	v8 =	vmul.f32 v2, v3;
	v3 =	vmul.f32 v6, v3  }
0x15d: {  	s5 =	sadd.s32 s18, s5;
	[tilespmem:s20+$0x10] =	vst v9  }
0x15e: {  	v6 =	vmov s5;
	[tilespmem:s20+$0xFFFFFFE0] =	vst v7  }
0x15f: {  	v2 =	vld [tilespmem:s4+$0xFFFFFFF0];
	[tilespmem:s20+$0xFFFFFFF0] =	vst v8  }
0x160: {  	v7 =	vld [tilespmem:s4+$0x30];
	[tilespmem:s20+$0x0] =	vst v3  }
0x161: {  	v9 =	vld [tilespmem:s4+$0x10];
	[tilespmem:s20+$0x20] =	vst v4  }
0x162: {  	v8 =	vld [tilespmem:s4+$0xFFFFFFC0];
	[tilespmem:s20+$0xFFFFFFD0] =	vst v5;
	s20 =	smov.u32 s4  }
0x163: {  	v3 =	vld.idx.msk [tilespmem:v6+s6+$0x0], $0xffff  }
0x164: {  	v11 =	vld [tilespmem:s4+$0xFFFFFFE0]  }
0x165: {  	v4 =	vld [tilespmem:s4+$0x20]  }
.Ltmp4:
0x166: {  	v5 =	vld [tilespmem:s4+$0xFFFFFFD0];
	(pc) =	sbr.rel @p1 .LBB2_12-.Ltmp4, $3  }
0x167: {  	v6 =	vld [tilespmem:s4+$0x0];
	_ =	sdelay $0x1  }
0x168: {  	v8 =	vmul.f32 v8, v3;
	v10 =	vmul.f32 v7, v3  }
0x169: {  	v9 =	vmul.f32 v9, v3;
	v7 =	vmul.f32 v11, v3  }
0x16a: {  	[tilespmem:s20+$0x30] =	vst v10  }
0x16b: {  	[tilespmem:s20+$0xFFFFFFC0] =	vst v8  }
0x16c: {  	v2 =	vmul.f32 v2, v3;
	[tilespmem:s20+$0x10] =	vst v9  }
0x16d: {  	v4 =	vmul.f32 v4, v3;
	[tilespmem:s20+$0xFFFFFFE0] =	vst v7  }
0x16e: {  	v6 =	vmul.f32 v6, v3;
	[tilespmem:s20+$0xFFFFFFF0] =	vst v2  }
0x16f: {  	v2 =	vmul.f32 v5, v3;
	[tilespmem:s20+$0x20] =	vst v4  }
0x170: {  	s0 =	sand.u32 $0x3FFFFFC0, s18;
	[tilespmem:s20+$0x0] =	vst v6  }
0x171: {  	s0 =	sadd.s32 $0x800, s0;
	[tilespmem:s20+$0xFFFFFFD0] =	vst v2  }
0x172: {  	[spmem:s11] =	stream.indirect.scatter.add.f32 [tilespmem:s24], [sflag:$0x7], $0x80, s0, s22, $0xb8;
	[tilespmem:$0x1FA00] =	vst v63  }
0x173: {  	s0 =	simm.s32 @!p0 $0x7  }
0x174: {  	_ =	swait.ge @!p0 [sflag:s0], $0x2000  }
0x175: {  	s4 =	simm.s32 @!p0 $0x40;
	[sflag:s0] =	ssyncset.done @!p0 $0x0  }
0x176: {  	s5 =	simm.s32 @!p0 $0x7000;
	[sflag:s0] =	ssyncadd.s32 @!p0 $0xFFFFE000;
	s0 =	sadd.s32 @!p0 $0x180, s8  }
0x177: {  	[tilespmem:s5], [sflag:$0x3] =	stream.indirect.gather @!p0 [hbm4b:s19+s4], $0x80, s0, s4, $0xb8;
	[tilespmem:$0x1FA00] =	vst v63  }
0x178: {  	s21 =	sadd.s32 $0x0, s15;
	_ =	swait.ge [sflag:s30], $0x2000  }
0x179: {  	v2 =	vmov s21;
	[sflag:s30] =	ssyncset.done $0x0  }
0x17a: {  	s8 =	simm.s32 $0x9040;
	[sflag:s30] =	ssyncadd.s32 $0xFFFFE000  }
0x17b: {  	v6 =	vld [tilespmem:s8+$0x30]  }
0x17c: {  	v9 =	vld [tilespmem:s8+$0x10]  }
0x17d: {  	v7 =	vld [tilespmem:s8+$0xFFFFFFC0]  }
0x17e: {  	v3 =	vld.idx.msk [tilespmem:v2+s6+$0x0], $0xffff  }
0x17f: {  	v11 =	vld [tilespmem:s8+$0xFFFFFFE0]  }
0x180: {  	v2 =	vld [tilespmem:s8+$0xFFFFFFF0]  }
0x181: {  	v4 =	vld [tilespmem:s8+$0x20]  }
0x182: {  	v5 =	vld [tilespmem:s8+$0xFFFFFFD0]  }
0x183: {  	v10 =	vmul.f32 v6, v3;
	v6 =	vld [tilespmem:s8+$0x0]  }
0x184: {  	v8 =	vmul.f32 v7, v3  }
0x185: {  	s0 =	simm.s32 $0x1;
	s4 =	simm.s32 $0x9040;
	v7 =	vmul.f32 v11, v3;
	v9 =	vmul.f32 v9, v3  }
.LBB2_14:
0x186: {  	p0 =	sne.s32 s0, $0x3F  }
0x187: {  	v5 =	vmul.f32 v5, v3;
	v4 =	vmul.f32 v4, v3;
	[tilespmem:s8+$0x30] =	vst v10;
	s4 =	sadd.s32 $0x80, s4;
	s5 =	smov.u32 s0;
	s0 =	sadd.s32 $0x1, s0  }
0x188: {  	[tilespmem:s8+$0xFFFFFFC0] =	vst v8;
	v8 =	vmul.f32 v2, v3;
	v3 =	vmul.f32 v6, v3  }
0x189: {  	s5 =	sadd.s32 s15, s5;
	[tilespmem:s8+$0x10] =	vst v9  }
0x18a: {  	v6 =	vmov s5;
	[tilespmem:s8+$0xFFFFFFE0] =	vst v7  }
0x18b: {  	v2 =	vld [tilespmem:s4+$0xFFFFFFF0];
	[tilespmem:s8+$0xFFFFFFF0] =	vst v8  }
0x18c: {  	v7 =	vld [tilespmem:s4+$0x30];
	[tilespmem:s8+$0x0] =	vst v3  }
0x18d: {  	v9 =	vld [tilespmem:s4+$0x10];
	[tilespmem:s8+$0x20] =	vst v4  }
0x18e: {  	v8 =	vld [tilespmem:s4+$0xFFFFFFC0];
	[tilespmem:s8+$0xFFFFFFD0] =	vst v5;
	s8 =	smov.u32 s4  }
0x18f: {  	v3 =	vld.idx.msk [tilespmem:v6+s6+$0x0], $0xffff  }
0x190: {  	v11 =	vld [tilespmem:s4+$0xFFFFFFE0]  }
0x191: {  	v4 =	vld [tilespmem:s4+$0x20]  }
.Ltmp5:
0x192: {  	v5 =	vld [tilespmem:s4+$0xFFFFFFD0];
	(pc) =	sbr.rel @p0 .LBB2_14-.Ltmp5, $3  }
0x193: {  	v6 =	vld [tilespmem:s4+$0x0];
	_ =	sdelay $0x1  }
0x194: {  	v8 =	vmul.f32 v8, v3;
	v10 =	vmul.f32 v7, v3  }
0x195: {  	v9 =	vmul.f32 v9, v3;
	v7 =	vmul.f32 v11, v3  }
0x196: {  	[tilespmem:s8+$0x30] =	vst v10  }
0x197: {  	[tilespmem:s8+$0xFFFFFFC0] =	vst v8  }
0x198: {  	v2 =	vmul.f32 v2, v3;
	s2 =	sadd.s32 $0x1, s2;
	[tilespmem:s8+$0x10] =	vst v9  }
0x199: {  	v4 =	vmul.f32 v4, v3;
	[tilespmem:s8+$0xFFFFFFE0] =	vst v7;
	p0 =	sne.s32 s2, $0x8  }
.Ltmp6:
0x19a: {  	v6 =	vmul.f32 v6, v3;
	[tilespmem:s8+$0xFFFFFFF0] =	vst v2;
	(pc) =	sbr.rel @p0 .LBB2_7-.Ltmp6, $4  }
0x19b: {  	v2 =	vmul.f32 v5, v3;
	[tilespmem:s8+$0x20] =	vst v4  }
0x19c: {  	[tilespmem:s8+$0x0] =	vst v6  }
0x19d: {  	s0 =	sadd.s32 $0x800, s15;
	[tilespmem:s8+$0xFFFFFFD0] =	vst v2  }
0x19e: {  	[spmem:s11] =	stream.indirect.scatter.add.f32 [tilespmem:s25], [sflag:$0x8], $0x80, s0, s22, $0xb8;
	[tilespmem:$0x1FA00] =	vst v63  }
0x19f: {  	_ =	swait.ge [sflag:s31], $0x2000  }
0x1a0: {  	[sflag:s31] =	ssyncset.done $0x0  }
0x1a1: {  	[sflag:s31] =	ssyncadd.s32 $0xFFFFE000  }
0x1a2: {  	_ =	swait.ge [sflag:s14], $0x2000  }
0x1a3: {  	[sflag:s14] =	ssyncset.done $0x0  }
0x1a4: {  	[sflag:s14] =	ssyncadd.s32 $0xFFFFE000  }
0x1a5: {  	_ =	swait.ge [sflag:s1], $0x2000  }
0x1a6: {  	[sflag:s1] =	ssyncset.done $0x0  }
0x1a7: {  	[sflag:s1] =	ssyncadd.s32 $0xFFFFE000  }
0x1a8: {  	_ =	swait.ge [sflag:s3], $0x2000  }
0x1a9: {  	[sflag:s3] =	ssyncset.done $0x0  }
0x1aa: {  	[sflag:s3] =	ssyncadd.s32 $0xFFFFE000  }
0x1ab: {  	_ =	swait.ge [sflag:s13], $0x800  }
0x1ac: {  	[sflag:s13] =	ssyncset.done $0x0  }
0x1ad: {  	s0 =	simm.s32 $0x9;
	[sflag:s13] =	ssyncadd.s32 $0xFFFFF800  }
0x1ae: {  	_ =	swait.ge [sflag:s0], $0x800  }
0x1af: {  	[sflag:s0] =	ssyncset.done $0x0  }
0x1b0: {  	s15 =	simm.s32 $0xA;
	[sflag:s0] =	ssyncadd.s32 $0xFFFFF800  }
0x1b1: {  	_ =	swait.ge [sflag:s15], $0x800  }
0x1b2: {  	[sflag:s15] =	ssyncset.done $0x0  }
0x1b3: {  	[sflag:s15] =	ssyncadd.s32 $0xFFFFF800  }
0x1b4: {  	s5 =	simm.s32 $0x800;
	s2 =	simm.s32 $0x1000;
	s0 =	rddreg [dreg:$0x4]  }
0x1b5: {  	[tilespmem:s6], [sflag:$0xC] =	stream.indirect.gather [spmem:s0], $0x1, s2, s5, $0xb8;
	[tilespmem:$0x1FA00] =	vst v63  }
0x1b6: {  	_ =	swait.ge [sflag:s12], $0x800  }
0x1b7: {  	[sflag:s12] =	ssyncset.done $0x0  }
0x1b8: {  	[sflag:s12] =	ssyncadd.s32 $0xFFFFF800  }
0x1b9: {  	s20 =	simm.s32 $0x2000;
	s4 =	simm.s32 $0x1800;
	s18 =	rddreg [dreg:$0x5]  }
0x1ba: {  	[tilespmem:s20], [sflag:$0xC] =	stream.indirect.gather [spmem:s18], $0x1, s4, s5, $0xb8;
	[tilespmem:$0x1FA00] =	vst v63  }
0x1bb: {  	_ =	swait.ge [sflag:s12], $0x800  }
0x1bc: {  	[sflag:s12] =	ssyncset.done $0x0  }
0x1bd: {  	s21 =	simm.s32 $0x0;
	[sflag:s12] =	ssyncadd.s32 $0xFFFFF800  }
0x1be: {  	v2 =	vld [tilespmem:s21+$0x2000]  }
0x1bf: {  	v3 =	vld [tilespmem:s21+$0x2800];
	_ =	sdelay $0x4  }
0x1c0: {  	v2 =	vadd.f32 v2, v3;
	_ =	sdelay $0x1  }
0x1c1: {  	v3 =	vmul.f32 $2.000000030e-01, v2  }
0x1c2: {  	vm0 =	vgt.f32 v2, $0.0e+00  }
0x1c3: {  	v2 =	vsel vm0, v2, v3  }
0x1c4: {  	v2 =	vmul.f32 $1.442695020e+00, v2;
	_ =	sdelay $0x1  }
0x1c5: {  	(erf) = vpow2.f32 v2;
	_ =	sdelay $0x3  }
0x1c6: {  	v2 =	vld [tilespmem:s21+$0x1000];
	_ =	sdelay $0x4  }
0x1c7: {  	p0 =	slt.u32 s17, $0x4E20;
	v2 =	vadd.s32 v0, v2;
	v3 =	vpop (erf)  }
0x1c8: {  	s2 =	simm.s32 $0x10;
	[tilespmem:s21+$0x1000] =	vst v2;
	v3 =	vpsel !p0, $0x0, v3  }
0x1c9: {  	s8 =	smov.u32 s17;
	s0 =	simm.s32 $0x80;
	v2 =	vld [tilespmem:s2+$0x2000];
	[tilespmem:s21+$0x2800] =	vst v3  }
.LBB2_17:
0x1ca: {  	p0 =	sne.s32 s0, $0x1FC0;
	v3 =	vld [tilespmem:s2+$0x2800];
	_ =	sdelay $0x4  }
0x1cb: {  	v2 =	vadd.f32 v2, v3;
	_ =	sdelay $0x1  }
0x1cc: {  	v3 =	vmul.f32 $2.000000030e-01, v2  }
0x1cd: {  	vm0 =	vgt.f32 v2, $0.0e+00  }
0x1ce: {  	v2 =	vsel vm0, v2, v3  }
0x1cf: {  	v2 =	vmul.f32 $1.442695020e+00, v2;
	_ =	sdelay $0x1  }
0x1d0: {  	(erf) = vpow2.f32 v2;
	_ =	sdelay $0x3  }
0x1d1: {  	v2 =	vld [tilespmem:s2+$0x1000];
	_ =	sdelay $0x2  }
.Ltmp7:
0x1d2: {  	(pc) =	sbr.rel @p0 .LBB2_17-.Ltmp7, $4  }
0x1d3: {  	s8 =	sadd.s32 $0x10, s8  }
0x1d4: {  	p1 =	slt.u32 s8, $0x4E20;
	v2 =	vadd.s32 v0, v2;
	v3 =	vpop (erf)  }
0x1d5: {  	s4 =	sshra.s32 s0, $0x2;
	v3 =	vpsel !p1, $0x0, v3;
	[tilespmem:s2+$0x1000] =	vst v2  }
0x1d6: {  	s0 =	sadd.s32 $0x40, s0;
	v2 =	vld [tilespmem:s4+$0x2000];
	[tilespmem:s2+$0x2800] =	vst v3;
	s2 =	smov.u32 s4  }
0x1d7: {  	v3 =	vld [tilespmem:s2+$0x2800];
	_ =	sdelay $0x4  }
0x1d8: {  	v2 =	vadd.f32 v2, v3;
	_ =	sdelay $0x1  }
0x1d9: {  	v3 =	vmul.f32 $2.000000030e-01, v2  }
0x1da: {  	vm0 =	vgt.f32 v2, $0.0e+00  }
0x1db: {  	v2 =	vsel vm0, v2, v3  }
0x1dc: {  	v2 =	vmul.f32 $1.442695020e+00, v2;
	_ =	sdelay $0x1  }
0x1dd: {  	(erf) = vpow2.f32 v2;
	_ =	sdelay $0x3  }
0x1de: {  	v2 =	vld [tilespmem:s2+$0x1000];
	_ =	sdelay $0x3  }
0x1df: {  	s0 =	sadd.s32 $0x10, s8  }
0x1e0: {  	p0 =	slt.u32 s0, $0x4E20;
	v2 =	vadd.s32 v0, v2;
	v3 =	vpop (erf)  }
0x1e1: {  	[tilespmem:s2+$0x1000] =	vst v2;
	v3 =	vpsel !p0, $0x0, v3  }
0x1e2: {  	p0 =	seq.s32 s7, $0x4;
	[tilespmem:s2+$0x2800] =	vst v3;
	s2 =	sld [smem:$0x7FD]  }
0x1e3: {  	s8 =	rddreg [dreg:$0x3];
	s15 =	simm.s32 $0x1800;
	s0 =	sshll.u32 @!p0 s7, $0xF  }
0x1e4: {  	[spmem:s8] =	stream.indirect.scatter.add.f32 [tilespmem:s6], [sflag:$0xB], $0x1, s15, s5, $0xb8;
	[tilespmem:$0x1FA00] =	vst v63  }
0x1e5: {  	s0 =	sadd.s32 @!p0 s0, s2  }
0x1e6: {  	s4 =	simm.s32 @!p0 $0x80;
	s2 =	rddreg [dreg:$0x1];
	s0 =	sshrl.u32 @!p0 s0, $0x3  }
0x1e7: {  	s5 =	simm.s32 @!p0 $0x400;
	s8 =	simm.s32 @!p0 $0x0;
	s2 =	sadd.s32 @!p0 s2, s0  }
0x1e8: {  	[tilespmem:s8], [sflag:$0x9] =	stream.strided.gather @!p0 [hbm4b:s2+s4], $0x800, s5, s4, $0x38;
	[tilespmem:$0x1FA00] =	vst v63  }
0x1e9: {  	s2 =	rddreg [dreg:$0x12]  }
0x1ea: {  	s0 =	sadd.s32 @!p0 s2, s0;
	s2 =	simm.s32 @!p0 $0x800  }
0x1eb: {  	[tilespmem:s2], [sflag:$0xA] =	stream.strided.gather @!p0 [hbm4b:s0+s4], $0x800, s5, s4, $0x38;
	[tilespmem:$0x1FA00] =	vst v63  }
0x1ec: {  	s18 =	simm.s32 $0x1000  }
0x1ed: {  	[tilespmem:s16], [sflag:$0x1] =	stream.indirect.gather [hbm4b:s19+s22], $0x80, s18, s22, $0xb8;
	[tilespmem:$0x1FA00] =	vst v63  }
0x1ee: {  	s20 =	simm.s32 $0x1040  }
0x1ef: {  	[tilespmem:s23], [sflag:$0x2] =	stream.indirect.gather [hbm4b:s19+s22], $0x80, s20, s22, $0xb8;
	[tilespmem:$0x1FA00] =	vst v63  }
0x1f0: {  	s21 =	simm.s32 $0x1080;
	s2 =	simm.s32 $0x0  }
0x1f1: {  	[tilespmem:s24], [sflag:$0x3] =	stream.indirect.gather [hbm4b:s19+s22], $0x80, s21, s22, $0xb8;
	[tilespmem:$0x1FA00] =	vst v63  }
.LBB2_19:
0x1f2: {  	p0 =	seq.s32 s2, $0x0  }
0x1f3: {  	s0 =	simm.s32 @!p0 $0x8  }
0x1f4: {  	_ =	swait.ge @!p0 [sflag:s0], $0x2000  }
0x1f5: {  	s18 =	sshll.u32 s2, $0x8;
	[sflag:s0] =	ssyncset.done @!p0 $0x0  }
0x1f6: {  	s20 =	sadd.s32 $0x10C0, s18;
	[sflag:s0] =	ssyncadd.s32 @!p0 $0xFFFFE000  }
0x1f7: {  	[tilespmem:s25], [sflag:$0x4] =	stream.indirect.gather [hbm4b:s19+s22], $0x80, s20, s22, $0xb8;
	[tilespmem:$0x1FA00] =	vst v63  }
0x1f8: {  	s21 =	sadd.s32 $0x0, s18;
	_ =	swait.ge [sflag:s26], $0x2000  }
0x1f9: {  	v2 =	vmov s21;
	[sflag:s26] =	ssyncset.done $0x0  }
0x1fa: {  	s8 =	simm.s32 $0x3040;
	[sflag:s26] =	ssyncadd.s32 $0xFFFFE000  }
0x1fb: {  	v6 =	vld [tilespmem:s8+$0x30]  }
0x1fc: {  	v9 =	vld [tilespmem:s8+$0x10]  }
0x1fd: {  	v7 =	vld [tilespmem:s8+$0xFFFFFFC0]  }
0x1fe: {  	v3 =	vld.idx.msk [tilespmem:v2+s6+$0x0], $0xffff  }
0x1ff: {  	v11 =	vld [tilespmem:s8+$0xFFFFFFE0]  }
0x200: {  	v2 =	vld [tilespmem:s8+$0xFFFFFFF0]  }
0x201: {  	v4 =	vld [tilespmem:s8+$0x20]  }
0x202: {  	v5 =	vld [tilespmem:s8+$0xFFFFFFD0]  }
0x203: {  	v10 =	vmul.f32 v6, v3;
	v6 =	vld [tilespmem:s8+$0x0]  }
0x204: {  	s4 =	simm.s32 $0x3040;
	v8 =	vmul.f32 v7, v3  }
0x205: {  	s15 =	sor.u32 $0xC0, s18;
	s21 =	sshll.u32 s2, $0x2;
	s0 =	simm.s32 $0x1;
	v7 =	vmul.f32 v11, v3;
	v9 =	vmul.f32 v9, v3  }
.LBB2_20:
0x206: {  	p0 =	sne.s32 s0, $0x3F  }
0x207: {  	v5 =	vmul.f32 v5, v3;
	v4 =	vmul.f32 v4, v3;
	[tilespmem:s8+$0x30] =	vst v10;
	s4 =	sadd.s32 $0x80, s4;
	s5 =	smov.u32 s0;
	s0 =	sadd.s32 $0x1, s0  }
0x208: {  	[tilespmem:s8+$0xFFFFFFC0] =	vst v8;
	v8 =	vmul.f32 v2, v3;
	v3 =	vmul.f32 v6, v3  }
0x209: {  	s5 =	sadd.s32 s18, s5;
	[tilespmem:s8+$0x10] =	vst v9  }
0x20a: {  	v6 =	vmov s5;
	[tilespmem:s8+$0xFFFFFFE0] =	vst v7  }
0x20b: {  	v2 =	vld [tilespmem:s4+$0xFFFFFFF0];
	[tilespmem:s8+$0xFFFFFFF0] =	vst v8  }
0x20c: {  	v7 =	vld [tilespmem:s4+$0x30];
	[tilespmem:s8+$0x0] =	vst v3  }
0x20d: {  	v9 =	vld [tilespmem:s4+$0x10];
	[tilespmem:s8+$0x20] =	vst v4  }
0x20e: {  	v8 =	vld [tilespmem:s4+$0xFFFFFFC0];
	[tilespmem:s8+$0xFFFFFFD0] =	vst v5;
	s8 =	smov.u32 s4  }
0x20f: {  	v3 =	vld.idx.msk [tilespmem:v6+s6+$0x0], $0xffff  }
0x210: {  	v11 =	vld [tilespmem:s4+$0xFFFFFFE0]  }
0x211: {  	v4 =	vld [tilespmem:s4+$0x20]  }
.Ltmp8:
0x212: {  	v5 =	vld [tilespmem:s4+$0xFFFFFFD0];
	(pc) =	sbr.rel @p0 .LBB2_20-.Ltmp8, $3  }
0x213: {  	v6 =	vld [tilespmem:s4+$0x0];
	_ =	sdelay $0x1  }
0x214: {  	v8 =	vmul.f32 v8, v3;
	v10 =	vmul.f32 v7, v3  }
0x215: {  	v9 =	vmul.f32 v9, v3;
	v7 =	vmul.f32 v11, v3  }
0x216: {  	[tilespmem:s8+$0x30] =	vst v10  }
0x217: {  	[tilespmem:s8+$0xFFFFFFC0] =	vst v8  }
0x218: {  	v2 =	vmul.f32 v2, v3;
	[tilespmem:s8+$0x10] =	vst v9  }
0x219: {  	v4 =	vmul.f32 v4, v3;
	[tilespmem:s8+$0xFFFFFFE0] =	vst v7  }
0x21a: {  	v6 =	vmul.f32 v6, v3;
	[tilespmem:s8+$0xFFFFFFF0] =	vst v2  }
0x21b: {  	s0 =	sshll.u32 s2, $0xA;
	v2 =	vmul.f32 v5, v3;
	[tilespmem:s8+$0x20] =	vst v4  }
0x21c: {  	s4 =	sshrl.u32 s0, $0x2;
	[tilespmem:s8+$0x0] =	vst v6  }
0x21d: {  	p0 =	seq.s32 s2, $0x7;
	s4 =	sadd.s32 $0x1800, s4;
	[tilespmem:s8+$0xFFFFFFD0] =	vst v2  }
0x21e: {  	[spmem:s11] =	stream.indirect.scatter.add.f32 [tilespmem:s16], [sflag:$0x5], $0x80, s4, s22, $0xb8;
	[tilespmem:$0x1FA00] =	vst v63  }
0x21f: {  	s4 =	simm.s32 @!p0 $0x5  }
0x220: {  	s20 =	sor.u32 $0x1, s21;
	s5 =	simm.s32 @!p0 $0x3000;
	_ =	swait.ge @!p0 [sflag:s4], $0x2000  }
0x221: {  	s18 =	sshll.u32 s20, $0x6;
	s8 =	sshrl.u32 @!p0 s0, $0x2;
	[sflag:s4] =	ssyncset.done @!p0 $0x0  }
0x222: {  	s0 =	sadd.s32 @!p0 $0x1100, s8;
	[sflag:s4] =	ssyncadd.s32 @!p0 $0xFFFFE000;
	s4 =	simm.s32 @!p0 $0x40  }
0x223: {  	[tilespmem:s5], [sflag:$0x1] =	stream.indirect.gather @!p0 [hbm4b:s19+s4], $0x80, s0, s4, $0xb8;
	[tilespmem:$0x1FA00] =	vst v63  }
0x224: {  	s0 =	sadd.s32 $0x0, s18;
	_ =	swait.ge [sflag:s28], $0x2000  }
0x225: {  	v2 =	vmov s0;
	[sflag:s28] =	ssyncset.done $0x0  }
0x226: {  	s20 =	simm.s32 $0x5040;
	[sflag:s28] =	ssyncadd.s32 $0xFFFFE000  }
0x227: {  	v6 =	vld [tilespmem:s20+$0x30]  }
0x228: {  	v9 =	vld [tilespmem:s20+$0x10]  }
0x229: {  	v7 =	vld [tilespmem:s20+$0xFFFFFFC0]  }
0x22a: {  	v3 =	vld.idx.msk [tilespmem:v2+s6+$0x0], $0xffff  }
0x22b: {  	v11 =	vld [tilespmem:s20+$0xFFFFFFE0]  }
0x22c: {  	v4 =	vld [tilespmem:s20+$0x20]  }
0x22d: {  	v5 =	vld [tilespmem:s20+$0xFFFFFFD0]  }
0x22e: {  	v2 =	vld [tilespmem:s20+$0xFFFFFFF0]  }
0x22f: {  	v10 =	vmul.f32 v6, v3;
	v6 =	vld [tilespmem:s20+$0x0]  }
0x230: {  	v8 =	vmul.f32 v7, v3  }
0x231: {  	s4 =	simm.s32 $0x5040;
	s0 =	simm.s32 $0x1;
	v7 =	vmul.f32 v11, v3;
	v9 =	vmul.f32 v9, v3  }
.LBB2_22:
0x232: {  	p1 =	sne.s32 s0, $0x3F  }
0x233: {  	v5 =	vmul.f32 v5, v3;
	v4 =	vmul.f32 v4, v3;
	[tilespmem:s20+$0x30] =	vst v10;
	s4 =	sadd.s32 $0x80, s4;
	s5 =	smov.u32 s0;
	s0 =	sadd.s32 $0x1, s0  }
0x234: {  	[tilespmem:s20+$0xFFFFFFC0] =	vst v8;
	v8 =	vmul.f32 v2, v3;
	v3 =	vmul.f32 v6, v3  }
0x235: {  	s5 =	sadd.s32 s18, s5;
	[tilespmem:s20+$0x10] =	vst v9  }
0x236: {  	v6 =	vmov s5;
	[tilespmem:s20+$0xFFFFFFE0] =	vst v7  }
0x237: {  	v2 =	vld [tilespmem:s4+$0xFFFFFFF0];
	[tilespmem:s20+$0xFFFFFFF0] =	vst v8  }
0x238: {  	v7 =	vld [tilespmem:s4+$0x30];
	[tilespmem:s20+$0x0] =	vst v3  }
0x239: {  	v9 =	vld [tilespmem:s4+$0x10];
	[tilespmem:s20+$0x20] =	vst v4  }
0x23a: {  	v8 =	vld [tilespmem:s4+$0xFFFFFFC0];
	[tilespmem:s20+$0xFFFFFFD0] =	vst v5;
	s20 =	smov.u32 s4  }
0x23b: {  	v3 =	vld.idx.msk [tilespmem:v6+s6+$0x0], $0xffff  }
0x23c: {  	v11 =	vld [tilespmem:s4+$0xFFFFFFE0]  }
0x23d: {  	v4 =	vld [tilespmem:s4+$0x20]  }
.Ltmp9:
0x23e: {  	v5 =	vld [tilespmem:s4+$0xFFFFFFD0];
	(pc) =	sbr.rel @p1 .LBB2_22-.Ltmp9, $3  }
0x23f: {  	v6 =	vld [tilespmem:s4+$0x0];
	_ =	sdelay $0x1  }
0x240: {  	v8 =	vmul.f32 v8, v3;
	v10 =	vmul.f32 v7, v3  }
0x241: {  	v9 =	vmul.f32 v9, v3;
	v7 =	vmul.f32 v11, v3  }
0x242: {  	[tilespmem:s20+$0x30] =	vst v10  }
0x243: {  	[tilespmem:s20+$0xFFFFFFC0] =	vst v8  }
0x244: {  	v2 =	vmul.f32 v2, v3;
	[tilespmem:s20+$0x10] =	vst v9  }
0x245: {  	v4 =	vmul.f32 v4, v3;
	[tilespmem:s20+$0xFFFFFFE0] =	vst v7  }
0x246: {  	v6 =	vmul.f32 v6, v3;
	[tilespmem:s20+$0xFFFFFFF0] =	vst v2  }
0x247: {  	v2 =	vmul.f32 v5, v3;
	[tilespmem:s20+$0x20] =	vst v4  }
0x248: {  	s0 =	sand.u32 $0x3FFFFFC0, s18;
	[tilespmem:s20+$0x0] =	vst v6  }
0x249: {  	s0 =	sadd.s32 $0x1800, s0;
	[tilespmem:s20+$0xFFFFFFD0] =	vst v2  }
0x24a: {  	[spmem:s11] =	stream.indirect.scatter.add.f32 [tilespmem:s23], [sflag:$0x6], $0x80, s0, s22, $0xb8;
	[tilespmem:$0x1FA00] =	vst v63  }
0x24b: {  	s0 =	simm.s32 @!p0 $0x6  }
0x24c: {  	s4 =	simm.s32 @!p0 $0x40;
	_ =	swait.ge @!p0 [sflag:s0], $0x2000  }
0x24d: {  	s5 =	simm.s32 @!p0 $0x5000;
	s21 =	sor.u32 $0x2, s21;
	[sflag:s0] =	ssyncset.done @!p0 $0x0  }
0x24e: {  	s18 =	sshll.u32 s21, $0x6;
	[sflag:s0] =	ssyncadd.s32 @!p0 $0xFFFFE000;
	s0 =	sadd.s32 @!p0 $0x1140, s8  }
0x24f: {  	[tilespmem:s5], [sflag:$0x2] =	stream.indirect.gather @!p0 [hbm4b:s19+s4], $0x80, s0, s4, $0xb8;
	[tilespmem:$0x1FA00] =	vst v63  }
0x250: {  	s0 =	sadd.s32 $0x0, s18;
	_ =	swait.ge [sflag:s29], $0x2000  }
0x251: {  	v2 =	vmov s0;
	[sflag:s29] =	ssyncset.done $0x0  }
0x252: {  	s20 =	simm.s32 $0x7040;
	[sflag:s29] =	ssyncadd.s32 $0xFFFFE000  }
0x253: {  	v6 =	vld [tilespmem:s20+$0x30]  }
0x254: {  	v9 =	vld [tilespmem:s20+$0x10]  }
0x255: {  	v7 =	vld [tilespmem:s20+$0xFFFFFFC0]  }
0x256: {  	v3 =	vld.idx.msk [tilespmem:v2+s6+$0x0], $0xffff  }
0x257: {  	v11 =	vld [tilespmem:s20+$0xFFFFFFE0]  }
0x258: {  	v4 =	vld [tilespmem:s20+$0x20]  }
0x259: {  	v5 =	vld [tilespmem:s20+$0xFFFFFFD0]  }
0x25a: {  	v2 =	vld [tilespmem:s20+$0xFFFFFFF0]  }
0x25b: {  	v10 =	vmul.f32 v6, v3;
	v6 =	vld [tilespmem:s20+$0x0]  }
0x25c: {  	v8 =	vmul.f32 v7, v3  }
0x25d: {  	s4 =	simm.s32 $0x7040;
	s0 =	simm.s32 $0x1;
	v7 =	vmul.f32 v11, v3;
	v9 =	vmul.f32 v9, v3  }
.LBB2_24:
0x25e: {  	p1 =	sne.s32 s0, $0x3F  }
0x25f: {  	v5 =	vmul.f32 v5, v3;
	v4 =	vmul.f32 v4, v3;
	[tilespmem:s20+$0x30] =	vst v10;
	s4 =	sadd.s32 $0x80, s4;
	s5 =	smov.u32 s0;
	s0 =	sadd.s32 $0x1, s0  }
0x260: {  	[tilespmem:s20+$0xFFFFFFC0] =	vst v8;
	v8 =	vmul.f32 v2, v3;
	v3 =	vmul.f32 v6, v3  }
0x261: {  	s5 =	sadd.s32 s18, s5;
	[tilespmem:s20+$0x10] =	vst v9  }
0x262: {  	v6 =	vmov s5;
	[tilespmem:s20+$0xFFFFFFE0] =	vst v7  }
0x263: {  	v2 =	vld [tilespmem:s4+$0xFFFFFFF0];
	[tilespmem:s20+$0xFFFFFFF0] =	vst v8  }
0x264: {  	v7 =	vld [tilespmem:s4+$0x30];
	[tilespmem:s20+$0x0] =	vst v3  }
0x265: {  	v9 =	vld [tilespmem:s4+$0x10];
	[tilespmem:s20+$0x20] =	vst v4  }
0x266: {  	v8 =	vld [tilespmem:s4+$0xFFFFFFC0];
	[tilespmem:s20+$0xFFFFFFD0] =	vst v5;
	s20 =	smov.u32 s4  }
0x267: {  	v3 =	vld.idx.msk [tilespmem:v6+s6+$0x0], $0xffff  }
0x268: {  	v11 =	vld [tilespmem:s4+$0xFFFFFFE0]  }
0x269: {  	v4 =	vld [tilespmem:s4+$0x20]  }
.Ltmp10:
0x26a: {  	v5 =	vld [tilespmem:s4+$0xFFFFFFD0];
	(pc) =	sbr.rel @p1 .LBB2_24-.Ltmp10, $3  }
0x26b: {  	v6 =	vld [tilespmem:s4+$0x0];
	_ =	sdelay $0x1  }
0x26c: {  	v8 =	vmul.f32 v8, v3;
	v10 =	vmul.f32 v7, v3  }
0x26d: {  	v9 =	vmul.f32 v9, v3;
	v7 =	vmul.f32 v11, v3  }
0x26e: {  	[tilespmem:s20+$0x30] =	vst v10  }
0x26f: {  	[tilespmem:s20+$0xFFFFFFC0] =	vst v8  }
0x270: {  	v2 =	vmul.f32 v2, v3;
	[tilespmem:s20+$0x10] =	vst v9  }
0x271: {  	v4 =	vmul.f32 v4, v3;
	[tilespmem:s20+$0xFFFFFFE0] =	vst v7  }
0x272: {  	v6 =	vmul.f32 v6, v3;
	[tilespmem:s20+$0xFFFFFFF0] =	vst v2  }
0x273: {  	v2 =	vmul.f32 v5, v3;
	[tilespmem:s20+$0x20] =	vst v4  }
0x274: {  	s0 =	sand.u32 $0x3FFFFFC0, s18;
	[tilespmem:s20+$0x0] =	vst v6  }
0x275: {  	s0 =	sadd.s32 $0x1800, s0;
	[tilespmem:s20+$0xFFFFFFD0] =	vst v2  }
0x276: {  	[spmem:s11] =	stream.indirect.scatter.add.f32 [tilespmem:s24], [sflag:$0x7], $0x80, s0, s22, $0xb8;
	[tilespmem:$0x1FA00] =	vst v63  }
0x277: {  	s0 =	simm.s32 @!p0 $0x7  }
0x278: {  	_ =	swait.ge @!p0 [sflag:s0], $0x2000  }
0x279: {  	s4 =	simm.s32 @!p0 $0x40;
	[sflag:s0] =	ssyncset.done @!p0 $0x0  }
0x27a: {  	s5 =	simm.s32 @!p0 $0x7000;
	[sflag:s0] =	ssyncadd.s32 @!p0 $0xFFFFE000;
	s0 =	sadd.s32 @!p0 $0x1180, s8  }
0x27b: {  	[tilespmem:s5], [sflag:$0x3] =	stream.indirect.gather @!p0 [hbm4b:s19+s4], $0x80, s0, s4, $0xb8;
	[tilespmem:$0x1FA00] =	vst v63  }
0x27c: {  	s21 =	sadd.s32 $0x0, s15;
	_ =	swait.ge [sflag:s30], $0x2000  }
0x27d: {  	v2 =	vmov s21;
	[sflag:s30] =	ssyncset.done $0x0  }
0x27e: {  	s8 =	simm.s32 $0x9040;
	[sflag:s30] =	ssyncadd.s32 $0xFFFFE000  }
0x27f: {  	v6 =	vld [tilespmem:s8+$0x30]  }
0x280: {  	v9 =	vld [tilespmem:s8+$0x10]  }
0x281: {  	v7 =	vld [tilespmem:s8+$0xFFFFFFC0]  }
0x282: {  	v3 =	vld.idx.msk [tilespmem:v2+s6+$0x0], $0xffff  }
0x283: {  	v11 =	vld [tilespmem:s8+$0xFFFFFFE0]  }
0x284: {  	v2 =	vld [tilespmem:s8+$0xFFFFFFF0]  }
0x285: {  	v4 =	vld [tilespmem:s8+$0x20]  }
0x286: {  	v5 =	vld [tilespmem:s8+$0xFFFFFFD0]  }
0x287: {  	v10 =	vmul.f32 v6, v3;
	v6 =	vld [tilespmem:s8+$0x0]  }
0x288: {  	v8 =	vmul.f32 v7, v3  }
0x289: {  	s0 =	simm.s32 $0x1;
	s4 =	simm.s32 $0x9040;
	v7 =	vmul.f32 v11, v3;
	v9 =	vmul.f32 v9, v3  }
.LBB2_26:
0x28a: {  	p0 =	sne.s32 s0, $0x3F  }
0x28b: {  	v5 =	vmul.f32 v5, v3;
	v4 =	vmul.f32 v4, v3;
	[tilespmem:s8+$0x30] =	vst v10;
	s4 =	sadd.s32 $0x80, s4;
	s5 =	smov.u32 s0;
	s0 =	sadd.s32 $0x1, s0  }
0x28c: {  	[tilespmem:s8+$0xFFFFFFC0] =	vst v8;
	v8 =	vmul.f32 v2, v3;
	v3 =	vmul.f32 v6, v3  }
0x28d: {  	s5 =	sadd.s32 s15, s5;
	[tilespmem:s8+$0x10] =	vst v9  }
0x28e: {  	v6 =	vmov s5;
	[tilespmem:s8+$0xFFFFFFE0] =	vst v7  }
0x28f: {  	v2 =	vld [tilespmem:s4+$0xFFFFFFF0];
	[tilespmem:s8+$0xFFFFFFF0] =	vst v8  }
0x290: {  	v7 =	vld [tilespmem:s4+$0x30];
	[tilespmem:s8+$0x0] =	vst v3  }
0x291: {  	v9 =	vld [tilespmem:s4+$0x10];
	[tilespmem:s8+$0x20] =	vst v4  }
0x292: {  	v8 =	vld [tilespmem:s4+$0xFFFFFFC0];
	[tilespmem:s8+$0xFFFFFFD0] =	vst v5;
	s8 =	smov.u32 s4  }
0x293: {  	v3 =	vld.idx.msk [tilespmem:v6+s6+$0x0], $0xffff  }
0x294: {  	v11 =	vld [tilespmem:s4+$0xFFFFFFE0]  }
0x295: {  	v4 =	vld [tilespmem:s4+$0x20]  }
.Ltmp11:
0x296: {  	v5 =	vld [tilespmem:s4+$0xFFFFFFD0];
	(pc) =	sbr.rel @p0 .LBB2_26-.Ltmp11, $3  }
0x297: {  	v6 =	vld [tilespmem:s4+$0x0];
	_ =	sdelay $0x1  }
0x298: {  	v8 =	vmul.f32 v8, v3;
	v10 =	vmul.f32 v7, v3  }
0x299: {  	v9 =	vmul.f32 v9, v3;
	v7 =	vmul.f32 v11, v3  }
0x29a: {  	[tilespmem:s8+$0x30] =	vst v10  }
0x29b: {  	[tilespmem:s8+$0xFFFFFFC0] =	vst v8  }
0x29c: {  	v2 =	vmul.f32 v2, v3;
	s2 =	sadd.s32 $0x1, s2;
	[tilespmem:s8+$0x10] =	vst v9  }
0x29d: {  	v4 =	vmul.f32 v4, v3;
	[tilespmem:s8+$0xFFFFFFE0] =	vst v7;
	p0 =	sne.s32 s2, $0x8  }
.Ltmp12:
0x29e: {  	v6 =	vmul.f32 v6, v3;
	[tilespmem:s8+$0xFFFFFFF0] =	vst v2;
	(pc) =	sbr.rel @p0 .LBB2_19-.Ltmp12, $4  }
0x29f: {  	v2 =	vmul.f32 v5, v3;
	[tilespmem:s8+$0x20] =	vst v4  }
0x2a0: {  	[tilespmem:s8+$0x0] =	vst v6  }
0x2a1: {  	s0 =	sadd.s32 $0x1800, s15;
	[tilespmem:s8+$0xFFFFFFD0] =	vst v2  }
0x2a2: {  	[spmem:s11] =	stream.indirect.scatter.add.f32 [tilespmem:s25], [sflag:$0x8], $0x80, s0, s22, $0xb8;
	[tilespmem:$0x1FA00] =	vst v63  }
0x2a3: {  	_ =	swait.ge [sflag:s31], $0x2000  }
0x2a4: {  	[sflag:s31] =	ssyncset.done $0x0  }
0x2a5: {  	[sflag:s31] =	ssyncadd.s32 $0xFFFFE000  }
0x2a6: {  	_ =	swait.ge [sflag:s14], $0x2000  }
0x2a7: {  	[sflag:s14] =	ssyncset.done $0x0  }
0x2a8: {  	[sflag:s14] =	ssyncadd.s32 $0xFFFFE000  }
0x2a9: {  	_ =	swait.ge [sflag:s1], $0x2000  }
0x2aa: {  	[sflag:s1] =	ssyncset.done $0x0  }
0x2ab: {  	s7 =	sadd.s32 $0x1, s7;
	[sflag:s1] =	ssyncadd.s32 $0xFFFFE000  }
0x2ac: {  	p0 =	sne.s32 s7, $0x5;
	_ =	swait.ge [sflag:s3], $0x2000  }
.Ltmp13:
0x2ad: {  	[sflag:s3] =	ssyncset.done $0x0;
	(pc) =	sbr.rel @p0 .LBB2_4-.Ltmp13, $4  }
0x2ae: {  	[sflag:s3] =	ssyncadd.s32 $0xFFFFE000  }
0x2af: {  	_ =	swait.ge [sflag:s13], $0x800  }
0x2b0: {  	s9 =	sadd.s32 $0x1000, s9;
	[sflag:s13] =	ssyncset.done $0x0  }
0x2b1: {  	s17 =	sadd.s32 $0x1000, s17;
	s18 =	simm.s32 $0x800;
	[sflag:s13] =	ssyncadd.s32 $0xFFFFF800  }
0x2b2: {  	[bflag:$0x0] =	sbarrier.arrive $0xFFFF  }
0x2b3: {  	s0 =	rddreg [dreg:$0x1d]  }
0x2b4: {  	[tilespmem:s10], [sflag:$0xC] =	stream.linear.gather [spmem:s0], $0x280, $0x38;
	[tilespmem:$0x1FA00] =	vst v63  }
0x2b5: {  	_ =	swait.ge [sflag:s12], $0x280  }
0x2b6: {  	[sflag:s12] =	ssyncset.done $0x0  }
0x2b7: {  	s2 =	simm.s32 $0x40;
	s0 =	simm.s32 $0x0;
	[sflag:s12] =	ssyncadd.s32 $0xFFFFFD80  }
.LBB2_30:
0x2b8: {  	p0 =	sne.s32 s2, $0x9C0;
	v2 =	vld [tilespmem:s0+$0xB000];
	_ =	sdelay $0x4  }
0x2b9: {  	v2 =	vadd.f32 $9.999999710e-10, v2;
	_ =	sdelay $0x1  }
0x2ba: {  	(erf) = vrcp.f32 v2;
	_ =	sdelay $0x5  }
.Ltmp14:
0x2bb: {  	(pc) =	sbr.rel @p0 .LBB2_30-.Ltmp14, $3  }
0x2bc: {  	_ =	sdelay $0x1  }
0x2bd: {  	v2 =	vpop (erf)  }
0x2be: {  	[tilespmem:s0+$0xB000] =	vst v2;
	s0 =	sshra.s32 s2, $0x2;
	s2 =	sadd.s32 $0x40, s2  }
0x2bf: {  	v2 =	vld [tilespmem:s0+$0xB000];
	_ =	sdelay $0x4  }
0x2c0: {  	v2 =	vadd.f32 $9.999999710e-10, v2;
	_ =	sdelay $0x1  }
0x2c1: {  	(erf) = vrcp.f32 v2;
	_ =	sdelay $0x8  }
0x2c2: {  	v2 =	vpop (erf)  }
0x2c3: {  	s20 =	rddreg [dreg:$0x13];
	[tilespmem:s0+$0xB000] =	vst v2  }
0x2c4: {  	[tilespmem:s16], [sflag:$0xC] =	stream.linear.gather [spmem:s20], $0x2000, $0x38;
	[tilespmem:$0x1FA00] =	vst v63  }
0x2c5: {  	s21 =	simm.s32 $0x0;
	_ =	swait.ge [sflag:s12], $0x2000  }
0x2c6: {  	v2 =	vmov s21;
	[sflag:s12] =	ssyncset.done $0x0  }
0x2c7: {  	s2 =	simm.s32 $0x3040;
	[sflag:s12] =	ssyncadd.s32 $0xFFFFE000  }
0x2c8: {  	v6 =	vld [tilespmem:s2+$0x30]  }
0x2c9: {  	v9 =	vld [tilespmem:s2+$0x10]  }
0x2ca: {  	v7 =	vld [tilespmem:s2+$0xFFFFFFC0]  }
0x2cb: {  	v3 =	vld.idx.msk [tilespmem:v2+s10+$0x0], $0xffff  }
0x2cc: {  	v11 =	vld [tilespmem:s2+$0xFFFFFFE0]  }
0x2cd: {  	v2 =	vld [tilespmem:s2+$0xFFFFFFF0]  }
0x2ce: {  	v4 =	vld [tilespmem:s2+$0x20]  }
0x2cf: {  	v5 =	vld [tilespmem:s2+$0xFFFFFFD0]  }
0x2d0: {  	v10 =	vmul.f32 v6, v3;
	v6 =	vld [tilespmem:s2+$0x0]  }
0x2d1: {  	s15 =	rddreg [dreg:$0x19];
	v8 =	vmul.f32 v7, v3  }
0x2d2: {  	s4 =	simm.s32 $0x3040;
	s0 =	simm.s32 $0x1;
	s17 =	rddreg [dreg:$0x1b];
	v7 =	vmul.f32 v11, v3;
	v9 =	vmul.f32 v9, v3  }
.LBB2_32:
0x2d3: {  	p0 =	sne.s32 s0, $0x3F  }
0x2d4: {  	v5 =	vmul.f32 v5, v3;
	v4 =	vmul.f32 v4, v3;
	[tilespmem:s2+$0x30] =	vst v10;
	s4 =	sadd.s32 $0x80, s4;
	s5 =	smov.u32 s0;
	s0 =	sadd.s32 $0x1, s0  }
0x2d5: {  	[tilespmem:s2+$0xFFFFFFC0] =	vst v8;
	v8 =	vmul.f32 v2, v3;
	v3 =	vmul.f32 v6, v3  }
0x2d6: {  	[tilespmem:s2+$0x10] =	vst v9  }
0x2d7: {  	v6 =	vmov s5;
	[tilespmem:s2+$0xFFFFFFE0] =	vst v7  }
0x2d8: {  	v2 =	vld [tilespmem:s4+$0xFFFFFFF0];
	[tilespmem:s2+$0xFFFFFFF0] =	vst v8  }
0x2d9: {  	v7 =	vld [tilespmem:s4+$0x30];
	[tilespmem:s2+$0x0] =	vst v3  }
0x2da: {  	v9 =	vld [tilespmem:s4+$0x10];
	[tilespmem:s2+$0x20] =	vst v4  }
0x2db: {  	v8 =	vld [tilespmem:s4+$0xFFFFFFC0];
	[tilespmem:s2+$0xFFFFFFD0] =	vst v5;
	s2 =	smov.u32 s4  }
0x2dc: {  	v3 =	vld.idx.msk [tilespmem:v6+s10+$0x0], $0xffff  }
0x2dd: {  	v11 =	vld [tilespmem:s4+$0xFFFFFFE0]  }
0x2de: {  	v4 =	vld [tilespmem:s4+$0x20]  }
.Ltmp15:
0x2df: {  	v5 =	vld [tilespmem:s4+$0xFFFFFFD0];
	(pc) =	sbr.rel @p0 .LBB2_32-.Ltmp15, $3  }
0x2e0: {  	v6 =	vld [tilespmem:s4+$0x0];
	_ =	sdelay $0x1  }
0x2e1: {  	v8 =	vmul.f32 v8, v3;
	v10 =	vmul.f32 v7, v3  }
0x2e2: {  	v9 =	vmul.f32 v9, v3;
	v7 =	vmul.f32 v11, v3  }
0x2e3: {  	[tilespmem:s2+$0x30] =	vst v10  }
0x2e4: {  	[tilespmem:s2+$0xFFFFFFC0] =	vst v8  }
0x2e5: {  	v2 =	vmul.f32 v2, v3;
	[tilespmem:s2+$0x10] =	vst v9  }
0x2e6: {  	v4 =	vmul.f32 v4, v3;
	[tilespmem:s2+$0xFFFFFFE0] =	vst v7  }
0x2e7: {  	v6 =	vmul.f32 v6, v3;
	[tilespmem:s2+$0xFFFFFFF0] =	vst v2  }
0x2e8: {  	v2 =	vmul.f32 v5, v3;
	[tilespmem:s2+$0x20] =	vst v4  }
0x2e9: {  	[tilespmem:s2+$0x0] =	vst v6  }
0x2ea: {  	s0 =	simm.s32 $0x0;
	s20 =	rddreg [dreg:$0x8];
	[tilespmem:s2+$0xFFFFFFD0] =	vst v2  }
0x2eb: {  	[hbm4b:s20+s0] =	stream.linear.scatter [tilespmem:s16], [sflag:$0xC], $0x2000, $0x38;
	[tilespmem:$0x1FA00] =	vst v63  }
0x2ec: {  	_ =	swait.ge [sflag:s12], $0x2000  }
0x2ed: {  	[sflag:s12] =	ssyncset.done $0x0  }
0x2ee: {  	v2 =	vmov s0;
	s21 =	rddreg [dreg:$0x14];
	[sflag:s12] =	ssyncadd.s32 $0xFFFFE000  }
0x2ef: {  	v2 =	vadd.s32 $0x40, v2;
	[tilespmem:s16], [sflag:$0xC] =	stream.linear.gather [spmem:s21], $0x2000, $0x38;
	[tilespmem:$0x1FA00] =	vst v63  }
0x2f0: {  	v2 =	vbroadcast v2, $0x0;
	_ =	swait.ge [sflag:s12], $0x2000  }
0x2f1: {  	[sflag:s12] =	ssyncset.done $0x0  }
0x2f2: {  	s2 =	simm.s32 $0x3040;
	[sflag:s12] =	ssyncadd.s32 $0xFFFFE000  }
0x2f3: {  	v6 =	vld [tilespmem:s2+$0x30]  }
0x2f4: {  	v9 =	vld [tilespmem:s2+$0x10]  }
0x2f5: {  	v7 =	vld [tilespmem:s2+$0xFFFFFFC0]  }
0x2f6: {  	v3 =	vld.idx.msk [tilespmem:v2+s10+$0x0], $0xffff  }
0x2f7: {  	v11 =	vld [tilespmem:s2+$0xFFFFFFE0]  }
0x2f8: {  	v2 =	vld [tilespmem:s2+$0xFFFFFFF0]  }
0x2f9: {  	v4 =	vld [tilespmem:s2+$0x20]  }
0x2fa: {  	v5 =	vld [tilespmem:s2+$0xFFFFFFD0]  }
0x2fb: {  	v10 =	vmul.f32 v6, v3;
	v6 =	vld [tilespmem:s2+$0x0]  }
0x2fc: {  	v8 =	vmul.f32 v7, v3  }
0x2fd: {  	s9 =	simm.s32 $0x1;
	s8 =	simm.s32 $0x2;
	s7 =	simm.s32 $0x3040;
	v7 =	vmul.f32 v11, v3;
	v9 =	vmul.f32 v9, v3  }
.LBB2_34:
0x2fe: {  	p0 =	sne.s32 s8, $0x3F  }
0x2ff: {  	v11 =	vmov s9;
	v5 =	vmul.f32 v5, v3;
	v4 =	vmul.f32 v4, v3;
	[tilespmem:s2+$0x30] =	vst v10;
	s7 =	sadd.s32 $0x80, s7;
	s9 =	smov.u32 s8;
	s8 =	sadd.s32 $0x1, s8  }
0x300: {  	v10 =	vadd.s32 $0x40, v11;
	[tilespmem:s2+$0xFFFFFFC0] =	vst v8;
	v8 =	vmul.f32 v2, v3;
	v3 =	vmul.f32 v6, v3  }
0x301: {  	v6 =	vbroadcast v10, $0x0;
	[tilespmem:s2+$0x10] =	vst v9  }
0x302: {  	[tilespmem:s2+$0xFFFFFFE0] =	vst v7  }
0x303: {  	v2 =	vld [tilespmem:s7+$0xFFFFFFF0];
	[tilespmem:s2+$0xFFFFFFF0] =	vst v8  }
0x304: {  	v7 =	vld [tilespmem:s7+$0x30];
	[tilespmem:s2+$0x0] =	vst v3  }
0x305: {  	v9 =	vld [tilespmem:s7+$0x10];
	[tilespmem:s2+$0x20] =	vst v4  }
0x306: {  	v8 =	vld [tilespmem:s7+$0xFFFFFFC0];
	[tilespmem:s2+$0xFFFFFFD0] =	vst v5;
	s2 =	smov.u32 s7  }
0x307: {  	v3 =	vld.idx.msk [tilespmem:v6+s10+$0x0], $0xffff  }
0x308: {  	v11 =	vld [tilespmem:s7+$0xFFFFFFE0]  }
0x309: {  	v4 =	vld [tilespmem:s7+$0x20]  }
.Ltmp16:
0x30a: {  	v5 =	vld [tilespmem:s7+$0xFFFFFFD0];
	(pc) =	sbr.rel @p0 .LBB2_34-.Ltmp16, $3  }
0x30b: {  	v6 =	vld [tilespmem:s7+$0x0];
	_ =	sdelay $0x1  }
0x30c: {  	v8 =	vmul.f32 v8, v3;
	v10 =	vmul.f32 v7, v3  }
0x30d: {  	v9 =	vmul.f32 v9, v3;
	v7 =	vmul.f32 v11, v3  }
0x30e: {  	[tilespmem:s2+$0xFFFFFFC0] =	vst v8;
	v8 =	vmov s9  }
0x30f: {  	[tilespmem:s2+$0x30] =	vst v10;
	v8 =	vadd.s32 $0x40, v8  }
0x310: {  	v2 =	vmul.f32 v2, v3;
	[tilespmem:s2+$0xFFFFFFE0] =	vst v7;
	v7 =	vbroadcast v8, $0x0  }
0x311: {  	s0 =	sadd.s32 $0x80, s7;
	[tilespmem:s2+$0x10] =	vst v9;
	v6 =	vmul.f32 v6, v3  }
0x312: {  	v4 =	vmul.f32 v4, v3;
	v8 =	vld [tilespmem:s0+$0xFFFFFFF0];
	[tilespmem:s2+$0xFFFFFFF0] =	vst v2  }
0x313: {  	v3 =	vmul.f32 v5, v3;
	v2 =	vld [tilespmem:s0+$0x30];
	[tilespmem:s2+$0x0] =	vst v6  }
0x314: {  	v5 =	vld [tilespmem:s0+$0x10];
	[tilespmem:s2+$0x20] =	vst v4  }
0x315: {  	v4 =	vld [tilespmem:s0+$0xFFFFFFC0];
	[tilespmem:s2+$0xFFFFFFD0] =	vst v3  }
0x316: {  	v3 =	vld.idx.msk [tilespmem:v7+s10+$0x0], $0xffff;
	_ =	sdelay $0x2  }
0x317: {  	v6 =	vld [tilespmem:s0+$0xFFFFFFE0];
	_ =	sdelay $0x1  }
0x318: {  	v7 =	vld [tilespmem:s0+$0x0];
	v2 =	vmul.f32 v2, v3  }
0x319: {  	v9 =	vld [tilespmem:s0+$0x20];
	v4 =	vmul.f32 v4, v3  }
0x31a: {  	v10 =	vld [tilespmem:s0+$0xFFFFFFD0];
	v5 =	vmul.f32 v5, v3;
	[tilespmem:s0+$0x30] =	vst v2  }
0x31b: {  	v2 =	vmul.f32 v6, v3;
	[tilespmem:s0+$0xFFFFFFC0] =	vst v4  }
0x31c: {  	v4 =	vmul.f32 v8, v3;
	[tilespmem:s0+$0x10] =	vst v5  }
0x31d: {  	v5 =	vmul.f32 v7, v3;
	[tilespmem:s0+$0xFFFFFFE0] =	vst v2  }
0x31e: {  	v2 =	vmul.f32 v9, v3;
	[tilespmem:s0+$0xFFFFFFF0] =	vst v4  }
0x31f: {  	v3 =	vmul.f32 v10, v3;
	[tilespmem:s0+$0x0] =	vst v5  }
0x320: {  	[tilespmem:s0+$0x20] =	vst v2  }
0x321: {  	s9 =	simm.s32 $0x0;
	s20 =	rddreg [dreg:$0x9];
	[tilespmem:s0+$0xFFFFFFD0] =	vst v3  }
0x322: {  	[hbm4b:s20+s9] =	stream.linear.scatter [tilespmem:s16], [sflag:$0xC], $0x2000, $0x38;
	[tilespmem:$0x1FA00] =	vst v63  }
0x323: {  	_ =	swait.ge [sflag:s12], $0x2000  }
0x324: {  	[sflag:s12] =	ssyncset.done $0x0  }
0x325: {  	v2 =	vmov s9;
	s21 =	rddreg [dreg:$0x15];
	[sflag:s12] =	ssyncadd.s32 $0xFFFFE000  }
0x326: {  	v2 =	vadd.s32 $0x80, v2;
	[tilespmem:s16], [sflag:$0xC] =	stream.linear.gather [spmem:s21], $0x2000, $0x38;
	[tilespmem:$0x1FA00] =	vst v63  }
0x327: {  	v2 =	vbroadcast v2, $0x0;
	_ =	swait.ge [sflag:s12], $0x2000  }
0x328: {  	[sflag:s12] =	ssyncset.done $0x0  }
0x329: {  	s2 =	simm.s32 $0x3040;
	[sflag:s12] =	ssyncadd.s32 $0xFFFFE000  }
0x32a: {  	v6 =	vld [tilespmem:s2+$0x30]  }
0x32b: {  	v9 =	vld [tilespmem:s2+$0x10]  }
0x32c: {  	v7 =	vld [tilespmem:s2+$0xFFFFFFC0]  }
0x32d: {  	v3 =	vld.idx.msk [tilespmem:v2+s10+$0x0], $0xffff  }
0x32e: {  	v11 =	vld [tilespmem:s2+$0xFFFFFFE0]  }
0x32f: {  	v2 =	vld [tilespmem:s2+$0xFFFFFFF0]  }
0x330: {  	v4 =	vld [tilespmem:s2+$0x20]  }
0x331: {  	v5 =	vld [tilespmem:s2+$0xFFFFFFD0]  }
0x332: {  	v10 =	vmul.f32 v6, v3;
	v6 =	vld [tilespmem:s2+$0x0]  }
0x333: {  	v8 =	vmul.f32 v7, v3  }
0x334: {  	s8 =	simm.s32 $0x2;
	s7 =	simm.s32 $0x3040;
	s9 =	simm.s32 $0x1;
	v7 =	vmul.f32 v11, v3;
	v9 =	vmul.f32 v9, v3  }
.LBB2_36:
0x335: {  	p0 =	sne.s32 s8, $0x3F  }
0x336: {  	v11 =	vmov s9;
	v5 =	vmul.f32 v5, v3;
	v4 =	vmul.f32 v4, v3;
	[tilespmem:s2+$0x30] =	vst v10;
	s7 =	sadd.s32 $0x80, s7;
	s9 =	smov.u32 s8;
	s8 =	sadd.s32 $0x1, s8  }
0x337: {  	v10 =	vadd.s32 $0x80, v11;
	[tilespmem:s2+$0xFFFFFFC0] =	vst v8;
	v8 =	vmul.f32 v2, v3;
	v3 =	vmul.f32 v6, v3  }
0x338: {  	v6 =	vbroadcast v10, $0x0;
	[tilespmem:s2+$0x10] =	vst v9  }
0x339: {  	[tilespmem:s2+$0xFFFFFFE0] =	vst v7  }
0x33a: {  	v2 =	vld [tilespmem:s7+$0xFFFFFFF0];
	[tilespmem:s2+$0xFFFFFFF0] =	vst v8  }
0x33b: {  	v7 =	vld [tilespmem:s7+$0x30];
	[tilespmem:s2+$0x0] =	vst v3  }
0x33c: {  	v9 =	vld [tilespmem:s7+$0x10];
	[tilespmem:s2+$0x20] =	vst v4  }
0x33d: {  	v8 =	vld [tilespmem:s7+$0xFFFFFFC0];
	[tilespmem:s2+$0xFFFFFFD0] =	vst v5;
	s2 =	smov.u32 s7  }
0x33e: {  	v3 =	vld.idx.msk [tilespmem:v6+s10+$0x0], $0xffff  }
0x33f: {  	v11 =	vld [tilespmem:s7+$0xFFFFFFE0]  }
0x340: {  	v4 =	vld [tilespmem:s7+$0x20]  }
.Ltmp17:
0x341: {  	v5 =	vld [tilespmem:s7+$0xFFFFFFD0];
	(pc) =	sbr.rel @p0 .LBB2_36-.Ltmp17, $3  }
0x342: {  	v6 =	vld [tilespmem:s7+$0x0];
	_ =	sdelay $0x1  }
0x343: {  	v8 =	vmul.f32 v8, v3;
	v10 =	vmul.f32 v7, v3  }
0x344: {  	v9 =	vmul.f32 v9, v3;
	v7 =	vmul.f32 v11, v3  }
0x345: {  	[tilespmem:s2+$0xFFFFFFC0] =	vst v8;
	v8 =	vmov s9  }
0x346: {  	[tilespmem:s2+$0x30] =	vst v10;
	v8 =	vadd.s32 $0x80, v8  }
0x347: {  	v2 =	vmul.f32 v2, v3;
	[tilespmem:s2+$0xFFFFFFE0] =	vst v7;
	v7 =	vbroadcast v8, $0x0  }
0x348: {  	s0 =	sadd.s32 $0x80, s7;
	[tilespmem:s2+$0x10] =	vst v9;
	v6 =	vmul.f32 v6, v3  }
0x349: {  	v4 =	vmul.f32 v4, v3;
	v8 =	vld [tilespmem:s0+$0xFFFFFFF0];
	[tilespmem:s2+$0xFFFFFFF0] =	vst v2  }
0x34a: {  	v3 =	vmul.f32 v5, v3;
	v2 =	vld [tilespmem:s0+$0x30];
	[tilespmem:s2+$0x0] =	vst v6  }
0x34b: {  	v5 =	vld [tilespmem:s0+$0x10];
	[tilespmem:s2+$0x20] =	vst v4  }
0x34c: {  	v4 =	vld [tilespmem:s0+$0xFFFFFFC0];
	[tilespmem:s2+$0xFFFFFFD0] =	vst v3  }
0x34d: {  	v3 =	vld.idx.msk [tilespmem:v7+s10+$0x0], $0xffff;
	_ =	sdelay $0x2  }
0x34e: {  	v6 =	vld [tilespmem:s0+$0xFFFFFFE0];
	_ =	sdelay $0x1  }
0x34f: {  	v7 =	vld [tilespmem:s0+$0x0];
	v2 =	vmul.f32 v2, v3  }
0x350: {  	v9 =	vld [tilespmem:s0+$0x20];
	v4 =	vmul.f32 v4, v3  }
0x351: {  	v10 =	vld [tilespmem:s0+$0xFFFFFFD0];
	v5 =	vmul.f32 v5, v3;
	[tilespmem:s0+$0x30] =	vst v2  }
0x352: {  	v2 =	vmul.f32 v6, v3;
	[tilespmem:s0+$0xFFFFFFC0] =	vst v4  }
0x353: {  	v4 =	vmul.f32 v8, v3;
	[tilespmem:s0+$0x10] =	vst v5  }
0x354: {  	v5 =	vmul.f32 v7, v3;
	[tilespmem:s0+$0xFFFFFFE0] =	vst v2  }
0x355: {  	v2 =	vmul.f32 v9, v3;
	[tilespmem:s0+$0xFFFFFFF0] =	vst v4  }
0x356: {  	v3 =	vmul.f32 v10, v3;
	[tilespmem:s0+$0x0] =	vst v5  }
0x357: {  	[tilespmem:s0+$0x20] =	vst v2  }
0x358: {  	s9 =	simm.s32 $0x0;
	s20 =	rddreg [dreg:$0xa];
	[tilespmem:s0+$0xFFFFFFD0] =	vst v3  }
0x359: {  	[hbm4b:s20+s9] =	stream.linear.scatter [tilespmem:s16], [sflag:$0xC], $0x2000, $0x38;
	[tilespmem:$0x1FA00] =	vst v63  }
0x35a: {  	_ =	swait.ge [sflag:s12], $0x2000  }
0x35b: {  	[sflag:s12] =	ssyncset.done $0x0  }
0x35c: {  	v2 =	vmov s9;
	s21 =	rddreg [dreg:$0x16];
	[sflag:s12] =	ssyncadd.s32 $0xFFFFE000  }
0x35d: {  	v2 =	vadd.s32 $0xC0, v2;
	[tilespmem:s16], [sflag:$0xC] =	stream.linear.gather [spmem:s21], $0x2000, $0x38;
	[tilespmem:$0x1FA00] =	vst v63  }
0x35e: {  	v2 =	vbroadcast v2, $0x0;
	_ =	swait.ge [sflag:s12], $0x2000  }
0x35f: {  	[sflag:s12] =	ssyncset.done $0x0  }
0x360: {  	s2 =	simm.s32 $0x3040;
	[sflag:s12] =	ssyncadd.s32 $0xFFFFE000  }
0x361: {  	v6 =	vld [tilespmem:s2+$0x30]  }
0x362: {  	v9 =	vld [tilespmem:s2+$0x10]  }
0x363: {  	v7 =	vld [tilespmem:s2+$0xFFFFFFC0]  }
0x364: {  	v3 =	vld.idx.msk [tilespmem:v2+s10+$0x0], $0xffff  }
0x365: {  	v11 =	vld [tilespmem:s2+$0xFFFFFFE0]  }
0x366: {  	v2 =	vld [tilespmem:s2+$0xFFFFFFF0]  }
0x367: {  	v4 =	vld [tilespmem:s2+$0x20]  }
0x368: {  	v5 =	vld [tilespmem:s2+$0xFFFFFFD0]  }
0x369: {  	v10 =	vmul.f32 v6, v3;
	v6 =	vld [tilespmem:s2+$0x0]  }
0x36a: {  	v8 =	vmul.f32 v7, v3  }
0x36b: {  	s8 =	simm.s32 $0x2;
	s7 =	simm.s32 $0x3040;
	s9 =	simm.s32 $0x1;
	v7 =	vmul.f32 v11, v3;
	v9 =	vmul.f32 v9, v3  }
.LBB2_38:
0x36c: {  	p0 =	sne.s32 s8, $0x3F  }
0x36d: {  	v11 =	vmov s9;
	v5 =	vmul.f32 v5, v3;
	v4 =	vmul.f32 v4, v3;
	[tilespmem:s2+$0x30] =	vst v10;
	s7 =	sadd.s32 $0x80, s7;
	s9 =	smov.u32 s8;
	s8 =	sadd.s32 $0x1, s8  }
0x36e: {  	v10 =	vadd.s32 $0xC0, v11;
	[tilespmem:s2+$0xFFFFFFC0] =	vst v8;
	v8 =	vmul.f32 v2, v3;
	v3 =	vmul.f32 v6, v3  }
0x36f: {  	v6 =	vbroadcast v10, $0x0;
	[tilespmem:s2+$0x10] =	vst v9  }
0x370: {  	[tilespmem:s2+$0xFFFFFFE0] =	vst v7  }
0x371: {  	v2 =	vld [tilespmem:s7+$0xFFFFFFF0];
	[tilespmem:s2+$0xFFFFFFF0] =	vst v8  }
0x372: {  	v7 =	vld [tilespmem:s7+$0x30];
	[tilespmem:s2+$0x0] =	vst v3  }
0x373: {  	v9 =	vld [tilespmem:s7+$0x10];
	[tilespmem:s2+$0x20] =	vst v4  }
0x374: {  	v8 =	vld [tilespmem:s7+$0xFFFFFFC0];
	[tilespmem:s2+$0xFFFFFFD0] =	vst v5;
	s2 =	smov.u32 s7  }
0x375: {  	v3 =	vld.idx.msk [tilespmem:v6+s10+$0x0], $0xffff  }
0x376: {  	v11 =	vld [tilespmem:s7+$0xFFFFFFE0]  }
0x377: {  	v4 =	vld [tilespmem:s7+$0x20]  }
.Ltmp18:
0x378: {  	v5 =	vld [tilespmem:s7+$0xFFFFFFD0];
	(pc) =	sbr.rel @p0 .LBB2_38-.Ltmp18, $3  }
0x379: {  	v6 =	vld [tilespmem:s7+$0x0];
	_ =	sdelay $0x1  }
0x37a: {  	v8 =	vmul.f32 v8, v3;
	v10 =	vmul.f32 v7, v3  }
0x37b: {  	v9 =	vmul.f32 v9, v3;
	v7 =	vmul.f32 v11, v3  }
0x37c: {  	[tilespmem:s2+$0xFFFFFFC0] =	vst v8;
	v8 =	vmov s9  }
0x37d: {  	[tilespmem:s2+$0x30] =	vst v10;
	v8 =	vadd.s32 $0xC0, v8  }
0x37e: {  	v2 =	vmul.f32 v2, v3;
	[tilespmem:s2+$0xFFFFFFE0] =	vst v7;
	v7 =	vbroadcast v8, $0x0  }
0x37f: {  	s0 =	sadd.s32 $0x80, s7;
	[tilespmem:s2+$0x10] =	vst v9;
	v6 =	vmul.f32 v6, v3  }
0x380: {  	v4 =	vmul.f32 v4, v3;
	v8 =	vld [tilespmem:s0+$0xFFFFFFF0];
	[tilespmem:s2+$0xFFFFFFF0] =	vst v2  }
0x381: {  	v3 =	vmul.f32 v5, v3;
	v2 =	vld [tilespmem:s0+$0x30];
	[tilespmem:s2+$0x0] =	vst v6  }
0x382: {  	v5 =	vld [tilespmem:s0+$0x10];
	[tilespmem:s2+$0x20] =	vst v4  }
0x383: {  	v4 =	vld [tilespmem:s0+$0xFFFFFFC0];
	[tilespmem:s2+$0xFFFFFFD0] =	vst v3  }
0x384: {  	v3 =	vld.idx.msk [tilespmem:v7+s10+$0x0], $0xffff;
	_ =	sdelay $0x2  }
0x385: {  	v6 =	vld [tilespmem:s0+$0xFFFFFFE0];
	_ =	sdelay $0x1  }
0x386: {  	v7 =	vld [tilespmem:s0+$0x0];
	v2 =	vmul.f32 v2, v3  }
0x387: {  	v9 =	vld [tilespmem:s0+$0x20];
	v4 =	vmul.f32 v4, v3  }
0x388: {  	v10 =	vld [tilespmem:s0+$0xFFFFFFD0];
	v5 =	vmul.f32 v5, v3;
	[tilespmem:s0+$0x30] =	vst v2  }
0x389: {  	v2 =	vmul.f32 v6, v3;
	[tilespmem:s0+$0xFFFFFFC0] =	vst v4  }
0x38a: {  	v4 =	vmul.f32 v8, v3;
	[tilespmem:s0+$0x10] =	vst v5  }
0x38b: {  	v5 =	vmul.f32 v7, v3;
	[tilespmem:s0+$0xFFFFFFE0] =	vst v2  }
0x38c: {  	v2 =	vmul.f32 v9, v3;
	[tilespmem:s0+$0xFFFFFFF0] =	vst v4  }
0x38d: {  	v3 =	vmul.f32 v10, v3;
	[tilespmem:s0+$0x0] =	vst v5  }
0x38e: {  	[tilespmem:s0+$0x20] =	vst v2  }
0x38f: {  	s9 =	simm.s32 $0x0;
	s20 =	rddreg [dreg:$0xb];
	[tilespmem:s0+$0xFFFFFFD0] =	vst v3  }
0x390: {  	[hbm4b:s20+s9] =	stream.linear.scatter [tilespmem:s16], [sflag:$0xC], $0x2000, $0x38;
	[tilespmem:$0x1FA00] =	vst v63  }
0x391: {  	_ =	swait.ge [sflag:s12], $0x2000  }
0x392: {  	[sflag:s12] =	ssyncset.done $0x0  }
0x393: {  	v2 =	vmov s9;
	s21 =	rddreg [dreg:$0x17];
	[sflag:s12] =	ssyncadd.s32 $0xFFFFE000  }
0x394: {  	v2 =	vadd.s32 $0x100, v2;
	[tilespmem:s16], [sflag:$0xC] =	stream.linear.gather [spmem:s21], $0x2000, $0x38;
	[tilespmem:$0x1FA00] =	vst v63  }
0x395: {  	v2 =	vbroadcast v2, $0x0;
	_ =	swait.ge [sflag:s12], $0x2000  }
0x396: {  	[sflag:s12] =	ssyncset.done $0x0  }
0x397: {  	s2 =	simm.s32 $0x3040;
	[sflag:s12] =	ssyncadd.s32 $0xFFFFE000  }
0x398: {  	v6 =	vld [tilespmem:s2+$0x30]  }
0x399: {  	v9 =	vld [tilespmem:s2+$0x10]  }
0x39a: {  	v7 =	vld [tilespmem:s2+$0xFFFFFFC0]  }
0x39b: {  	v3 =	vld.idx.msk [tilespmem:v2+s10+$0x0], $0xffff  }
0x39c: {  	v11 =	vld [tilespmem:s2+$0xFFFFFFE0]  }
0x39d: {  	v2 =	vld [tilespmem:s2+$0xFFFFFFF0]  }
0x39e: {  	v4 =	vld [tilespmem:s2+$0x20]  }
0x39f: {  	v5 =	vld [tilespmem:s2+$0xFFFFFFD0]  }
0x3a0: {  	v10 =	vmul.f32 v6, v3;
	v6 =	vld [tilespmem:s2+$0x0]  }
0x3a1: {  	v8 =	vmul.f32 v7, v3  }
0x3a2: {  	s8 =	simm.s32 $0x2;
	s7 =	simm.s32 $0x3040;
	s9 =	simm.s32 $0x1;
	v7 =	vmul.f32 v11, v3;
	v9 =	vmul.f32 v9, v3  }
.LBB2_40:
0x3a3: {  	p0 =	sne.s32 s8, $0x3F  }
0x3a4: {  	v11 =	vmov s9;
	v5 =	vmul.f32 v5, v3;
	v4 =	vmul.f32 v4, v3;
	[tilespmem:s2+$0x30] =	vst v10;
	s7 =	sadd.s32 $0x80, s7;
	s9 =	smov.u32 s8;
	s8 =	sadd.s32 $0x1, s8  }
0x3a5: {  	v10 =	vadd.s32 $0x100, v11;
	[tilespmem:s2+$0xFFFFFFC0] =	vst v8;
	v8 =	vmul.f32 v2, v3;
	v3 =	vmul.f32 v6, v3  }
0x3a6: {  	v6 =	vbroadcast v10, $0x0;
	[tilespmem:s2+$0x10] =	vst v9  }
0x3a7: {  	[tilespmem:s2+$0xFFFFFFE0] =	vst v7  }
0x3a8: {  	v2 =	vld [tilespmem:s7+$0xFFFFFFF0];
	[tilespmem:s2+$0xFFFFFFF0] =	vst v8  }
0x3a9: {  	v7 =	vld [tilespmem:s7+$0x30];
	[tilespmem:s2+$0x0] =	vst v3  }
0x3aa: {  	v9 =	vld [tilespmem:s7+$0x10];
	[tilespmem:s2+$0x20] =	vst v4  }
0x3ab: {  	v8 =	vld [tilespmem:s7+$0xFFFFFFC0];
	[tilespmem:s2+$0xFFFFFFD0] =	vst v5;
	s2 =	smov.u32 s7  }
0x3ac: {  	v3 =	vld.idx.msk [tilespmem:v6+s10+$0x0], $0xffff  }
0x3ad: {  	v11 =	vld [tilespmem:s7+$0xFFFFFFE0]  }
0x3ae: {  	v4 =	vld [tilespmem:s7+$0x20]  }
.Ltmp19:
0x3af: {  	v5 =	vld [tilespmem:s7+$0xFFFFFFD0];
	(pc) =	sbr.rel @p0 .LBB2_40-.Ltmp19, $3  }
0x3b0: {  	v6 =	vld [tilespmem:s7+$0x0];
	_ =	sdelay $0x1  }
0x3b1: {  	v8 =	vmul.f32 v8, v3;
	v10 =	vmul.f32 v7, v3  }
0x3b2: {  	v9 =	vmul.f32 v9, v3;
	v7 =	vmul.f32 v11, v3  }
0x3b3: {  	[tilespmem:s2+$0xFFFFFFC0] =	vst v8;
	v8 =	vmov s9  }
0x3b4: {  	[tilespmem:s2+$0x30] =	vst v10;
	v8 =	vadd.s32 $0x100, v8  }
0x3b5: {  	v2 =	vmul.f32 v2, v3;
	[tilespmem:s2+$0xFFFFFFE0] =	vst v7;
	v7 =	vbroadcast v8, $0x0  }
0x3b6: {  	s0 =	sadd.s32 $0x80, s7;
	[tilespmem:s2+$0x10] =	vst v9;
	v6 =	vmul.f32 v6, v3  }
0x3b7: {  	v4 =	vmul.f32 v4, v3;
	v8 =	vld [tilespmem:s0+$0xFFFFFFF0];
	[tilespmem:s2+$0xFFFFFFF0] =	vst v2  }
0x3b8: {  	v3 =	vmul.f32 v5, v3;
	v2 =	vld [tilespmem:s0+$0x30];
	[tilespmem:s2+$0x0] =	vst v6  }
0x3b9: {  	v5 =	vld [tilespmem:s0+$0x10];
	[tilespmem:s2+$0x20] =	vst v4  }
0x3ba: {  	v4 =	vld [tilespmem:s0+$0xFFFFFFC0];
	[tilespmem:s2+$0xFFFFFFD0] =	vst v3  }
0x3bb: {  	v3 =	vld.idx.msk [tilespmem:v7+s10+$0x0], $0xffff;
	_ =	sdelay $0x2  }
0x3bc: {  	v6 =	vld [tilespmem:s0+$0xFFFFFFE0];
	_ =	sdelay $0x1  }
0x3bd: {  	v7 =	vld [tilespmem:s0+$0x0];
	v2 =	vmul.f32 v2, v3  }
0x3be: {  	v9 =	vld [tilespmem:s0+$0x20];
	v4 =	vmul.f32 v4, v3  }
0x3bf: {  	v10 =	vld [tilespmem:s0+$0xFFFFFFD0];
	v5 =	vmul.f32 v5, v3;
	[tilespmem:s0+$0x30] =	vst v2  }
0x3c0: {  	v2 =	vmul.f32 v6, v3;
	[tilespmem:s0+$0xFFFFFFC0] =	vst v4  }
0x3c1: {  	v4 =	vmul.f32 v8, v3;
	[tilespmem:s0+$0x10] =	vst v5  }
0x3c2: {  	v5 =	vmul.f32 v7, v3;
	[tilespmem:s0+$0xFFFFFFE0] =	vst v2  }
0x3c3: {  	v2 =	vmul.f32 v9, v3;
	[tilespmem:s0+$0xFFFFFFF0] =	vst v4  }
0x3c4: {  	v3 =	vmul.f32 v10, v3;
	[tilespmem:s0+$0x0] =	vst v5  }
0x3c5: {  	[tilespmem:s0+$0x20] =	vst v2  }
0x3c6: {  	s9 =	simm.s32 $0x0;
	s20 =	rddreg [dreg:$0xc];
	[tilespmem:s0+$0xFFFFFFD0] =	vst v3  }
0x3c7: {  	[hbm4b:s20+s9] =	stream.linear.scatter [tilespmem:s16], [sflag:$0xC], $0x2000, $0x38;
	[tilespmem:$0x1FA00] =	vst v63  }
0x3c8: {  	_ =	swait.ge [sflag:s12], $0x2000  }
0x3c9: {  	[sflag:s12] =	ssyncset.done $0x0  }
0x3ca: {  	v2 =	vmov s9;
	s21 =	rddreg [dreg:$0x18];
	[sflag:s12] =	ssyncadd.s32 $0xFFFFE000  }
0x3cb: {  	v2 =	vadd.s32 $0x140, v2;
	[tilespmem:s16], [sflag:$0xC] =	stream.linear.gather [spmem:s21], $0x2000, $0x38;
	[tilespmem:$0x1FA00] =	vst v63  }
0x3cc: {  	v2 =	vbroadcast v2, $0x0;
	_ =	swait.ge [sflag:s12], $0x2000  }
0x3cd: {  	[sflag:s12] =	ssyncset.done $0x0  }
0x3ce: {  	s2 =	simm.s32 $0x3040;
	[sflag:s12] =	ssyncadd.s32 $0xFFFFE000  }
0x3cf: {  	v6 =	vld [tilespmem:s2+$0x30]  }
0x3d0: {  	v9 =	vld [tilespmem:s2+$0x10]  }
0x3d1: {  	v7 =	vld [tilespmem:s2+$0xFFFFFFC0]  }
0x3d2: {  	v3 =	vld.idx.msk [tilespmem:v2+s10+$0x0], $0xffff  }
0x3d3: {  	v11 =	vld [tilespmem:s2+$0xFFFFFFE0]  }
0x3d4: {  	v2 =	vld [tilespmem:s2+$0xFFFFFFF0]  }
0x3d5: {  	v4 =	vld [tilespmem:s2+$0x20]  }
0x3d6: {  	v5 =	vld [tilespmem:s2+$0xFFFFFFD0]  }
0x3d7: {  	v10 =	vmul.f32 v6, v3;
	v6 =	vld [tilespmem:s2+$0x0]  }
0x3d8: {  	v8 =	vmul.f32 v7, v3  }
0x3d9: {  	s8 =	simm.s32 $0x2;
	s7 =	simm.s32 $0x3040;
	s9 =	simm.s32 $0x1;
	v7 =	vmul.f32 v11, v3;
	v9 =	vmul.f32 v9, v3  }
.LBB2_42:
0x3da: {  	p0 =	sne.s32 s8, $0x3F  }
0x3db: {  	v11 =	vmov s9;
	v5 =	vmul.f32 v5, v3;
	v4 =	vmul.f32 v4, v3;
	[tilespmem:s2+$0x30] =	vst v10;
	s7 =	sadd.s32 $0x80, s7;
	s9 =	smov.u32 s8;
	s8 =	sadd.s32 $0x1, s8  }
0x3dc: {  	v10 =	vadd.s32 $0x140, v11;
	[tilespmem:s2+$0xFFFFFFC0] =	vst v8;
	v8 =	vmul.f32 v2, v3;
	v3 =	vmul.f32 v6, v3  }
0x3dd: {  	v6 =	vbroadcast v10, $0x0;
	[tilespmem:s2+$0x10] =	vst v9  }
0x3de: {  	[tilespmem:s2+$0xFFFFFFE0] =	vst v7  }
0x3df: {  	v2 =	vld [tilespmem:s7+$0xFFFFFFF0];
	[tilespmem:s2+$0xFFFFFFF0] =	vst v8  }
0x3e0: {  	v7 =	vld [tilespmem:s7+$0x30];
	[tilespmem:s2+$0x0] =	vst v3  }
0x3e1: {  	v9 =	vld [tilespmem:s7+$0x10];
	[tilespmem:s2+$0x20] =	vst v4  }
0x3e2: {  	v8 =	vld [tilespmem:s7+$0xFFFFFFC0];
	[tilespmem:s2+$0xFFFFFFD0] =	vst v5;
	s2 =	smov.u32 s7  }
0x3e3: {  	v3 =	vld.idx.msk [tilespmem:v6+s10+$0x0], $0xffff  }
0x3e4: {  	v11 =	vld [tilespmem:s7+$0xFFFFFFE0]  }
0x3e5: {  	v4 =	vld [tilespmem:s7+$0x20]  }
.Ltmp20:
0x3e6: {  	v5 =	vld [tilespmem:s7+$0xFFFFFFD0];
	(pc) =	sbr.rel @p0 .LBB2_42-.Ltmp20, $3  }
0x3e7: {  	v6 =	vld [tilespmem:s7+$0x0];
	_ =	sdelay $0x1  }
0x3e8: {  	v8 =	vmul.f32 v8, v3;
	v10 =	vmul.f32 v7, v3  }
0x3e9: {  	v9 =	vmul.f32 v9, v3;
	v7 =	vmul.f32 v11, v3  }
0x3ea: {  	[tilespmem:s2+$0xFFFFFFC0] =	vst v8;
	v8 =	vmov s9  }
0x3eb: {  	[tilespmem:s2+$0x30] =	vst v10;
	v8 =	vadd.s32 $0x140, v8  }
0x3ec: {  	v2 =	vmul.f32 v2, v3;
	[tilespmem:s2+$0xFFFFFFE0] =	vst v7;
	v7 =	vbroadcast v8, $0x0  }
0x3ed: {  	s0 =	sadd.s32 $0x80, s7;
	[tilespmem:s2+$0x10] =	vst v9;
	v6 =	vmul.f32 v6, v3  }
0x3ee: {  	v4 =	vmul.f32 v4, v3;
	v8 =	vld [tilespmem:s0+$0xFFFFFFF0];
	[tilespmem:s2+$0xFFFFFFF0] =	vst v2  }
0x3ef: {  	v3 =	vmul.f32 v5, v3;
	v2 =	vld [tilespmem:s0+$0x30];
	[tilespmem:s2+$0x0] =	vst v6  }
0x3f0: {  	v5 =	vld [tilespmem:s0+$0x10];
	[tilespmem:s2+$0x20] =	vst v4  }
0x3f1: {  	v4 =	vld [tilespmem:s0+$0xFFFFFFC0];
	[tilespmem:s2+$0xFFFFFFD0] =	vst v3  }
0x3f2: {  	v3 =	vld.idx.msk [tilespmem:v7+s10+$0x0], $0xffff;
	_ =	sdelay $0x2  }
0x3f3: {  	v6 =	vld [tilespmem:s0+$0xFFFFFFE0];
	_ =	sdelay $0x1  }
0x3f4: {  	v7 =	vld [tilespmem:s0+$0x0];
	v2 =	vmul.f32 v2, v3  }
0x3f5: {  	v9 =	vld [tilespmem:s0+$0x20];
	v4 =	vmul.f32 v4, v3  }
0x3f6: {  	v10 =	vld [tilespmem:s0+$0xFFFFFFD0];
	v5 =	vmul.f32 v5, v3;
	[tilespmem:s0+$0x30] =	vst v2  }
0x3f7: {  	v2 =	vmul.f32 v6, v3;
	[tilespmem:s0+$0xFFFFFFC0] =	vst v4  }
0x3f8: {  	v4 =	vmul.f32 v8, v3;
	[tilespmem:s0+$0x10] =	vst v5  }
0x3f9: {  	v5 =	vmul.f32 v7, v3;
	[tilespmem:s0+$0xFFFFFFE0] =	vst v2  }
0x3fa: {  	v2 =	vmul.f32 v9, v3;
	[tilespmem:s0+$0xFFFFFFF0] =	vst v4  }
0x3fb: {  	v3 =	vmul.f32 v10, v3;
	[tilespmem:s0+$0x0] =	vst v5  }
0x3fc: {  	[tilespmem:s0+$0x20] =	vst v2  }
0x3fd: {  	s20 =	simm.s32 $0x0;
	s21 =	rddreg [dreg:$0xd];
	[tilespmem:s0+$0xFFFFFFD0] =	vst v3  }
0x3fe: {  	[hbm4b:s21+s20] =	stream.linear.scatter [tilespmem:s16], [sflag:$0xC], $0x2000, $0x38;
	[tilespmem:$0x1FA00] =	vst v63  }
0x3ff: {  	_ =	swait.ge [sflag:s12], $0x2000  }
0x400: {  	[sflag:s12] =	ssyncset.done $0x0  }
0x401: {  	v2 =	vmov s20;
	[sflag:s12] =	ssyncadd.s32 $0xFFFFE000  }
0x402: {  	v2 =	vadd.s32 $0x180, v2;
	[tilespmem:s16], [sflag:$0xC] =	stream.linear.gather [spmem:s15], $0x2000, $0x38;
	[tilespmem:$0x1FA00] =	vst v63  }
0x403: {  	v2 =	vbroadcast v2, $0x0;
	_ =	swait.ge [sflag:s12], $0x2000  }
0x404: {  	[sflag:s12] =	ssyncset.done $0x0  }
0x405: {  	s2 =	simm.s32 $0x3040;
	[sflag:s12] =	ssyncadd.s32 $0xFFFFE000  }
0x406: {  	v6 =	vld [tilespmem:s2+$0x30]  }
0x407: {  	v9 =	vld [tilespmem:s2+$0x10]  }
0x408: {  	v7 =	vld [tilespmem:s2+$0xFFFFFFC0]  }
0x409: {  	v3 =	vld.idx.msk [tilespmem:v2+s10+$0x0], $0xffff  }
0x40a: {  	v11 =	vld [tilespmem:s2+$0xFFFFFFE0]  }
0x40b: {  	v2 =	vld [tilespmem:s2+$0xFFFFFFF0]  }
0x40c: {  	v4 =	vld [tilespmem:s2+$0x20]  }
0x40d: {  	v5 =	vld [tilespmem:s2+$0xFFFFFFD0]  }
0x40e: {  	v10 =	vmul.f32 v6, v3;
	v6 =	vld [tilespmem:s2+$0x0]  }
0x40f: {  	v8 =	vmul.f32 v7, v3  }
0x410: {  	s9 =	simm.s32 $0x1;
	s8 =	simm.s32 $0x2;
	s7 =	simm.s32 $0x3040;
	v7 =	vmul.f32 v11, v3;
	v9 =	vmul.f32 v9, v3  }
.LBB2_44:
0x411: {  	p0 =	sne.s32 s8, $0x3F  }
0x412: {  	v11 =	vmov s9;
	v5 =	vmul.f32 v5, v3;
	v4 =	vmul.f32 v4, v3;
	[tilespmem:s2+$0x30] =	vst v10;
	s7 =	sadd.s32 $0x80, s7;
	s9 =	smov.u32 s8;
	s8 =	sadd.s32 $0x1, s8  }
0x413: {  	v10 =	vadd.s32 $0x180, v11;
	[tilespmem:s2+$0xFFFFFFC0] =	vst v8;
	v8 =	vmul.f32 v2, v3;
	v3 =	vmul.f32 v6, v3  }
0x414: {  	v6 =	vbroadcast v10, $0x0;
	[tilespmem:s2+$0x10] =	vst v9  }
0x415: {  	[tilespmem:s2+$0xFFFFFFE0] =	vst v7  }
0x416: {  	v2 =	vld [tilespmem:s7+$0xFFFFFFF0];
	[tilespmem:s2+$0xFFFFFFF0] =	vst v8  }
0x417: {  	v7 =	vld [tilespmem:s7+$0x30];
	[tilespmem:s2+$0x0] =	vst v3  }
0x418: {  	v9 =	vld [tilespmem:s7+$0x10];
	[tilespmem:s2+$0x20] =	vst v4  }
0x419: {  	v8 =	vld [tilespmem:s7+$0xFFFFFFC0];
	[tilespmem:s2+$0xFFFFFFD0] =	vst v5;
	s2 =	smov.u32 s7  }
0x41a: {  	v3 =	vld.idx.msk [tilespmem:v6+s10+$0x0], $0xffff  }
0x41b: {  	v11 =	vld [tilespmem:s7+$0xFFFFFFE0]  }
0x41c: {  	v4 =	vld [tilespmem:s7+$0x20]  }
.Ltmp21:
0x41d: {  	v5 =	vld [tilespmem:s7+$0xFFFFFFD0];
	(pc) =	sbr.rel @p0 .LBB2_44-.Ltmp21, $3  }
0x41e: {  	v6 =	vld [tilespmem:s7+$0x0];
	_ =	sdelay $0x1  }
0x41f: {  	v8 =	vmul.f32 v8, v3;
	v10 =	vmul.f32 v7, v3  }
0x420: {  	v9 =	vmul.f32 v9, v3;
	v7 =	vmul.f32 v11, v3  }
0x421: {  	[tilespmem:s2+$0xFFFFFFC0] =	vst v8;
	v8 =	vmov s9  }
0x422: {  	[tilespmem:s2+$0x30] =	vst v10;
	v8 =	vadd.s32 $0x180, v8  }
0x423: {  	v2 =	vmul.f32 v2, v3;
	[tilespmem:s2+$0xFFFFFFE0] =	vst v7;
	v7 =	vbroadcast v8, $0x0  }
0x424: {  	s0 =	sadd.s32 $0x80, s7;
	[tilespmem:s2+$0x10] =	vst v9;
	v6 =	vmul.f32 v6, v3  }
0x425: {  	v4 =	vmul.f32 v4, v3;
	v8 =	vld [tilespmem:s0+$0xFFFFFFF0];
	[tilespmem:s2+$0xFFFFFFF0] =	vst v2  }
0x426: {  	v3 =	vmul.f32 v5, v3;
	v2 =	vld [tilespmem:s0+$0x30];
	[tilespmem:s2+$0x0] =	vst v6  }
0x427: {  	v5 =	vld [tilespmem:s0+$0x10];
	[tilespmem:s2+$0x20] =	vst v4  }
0x428: {  	v4 =	vld [tilespmem:s0+$0xFFFFFFC0];
	[tilespmem:s2+$0xFFFFFFD0] =	vst v3  }
0x429: {  	v3 =	vld.idx.msk [tilespmem:v7+s10+$0x0], $0xffff;
	_ =	sdelay $0x2  }
0x42a: {  	v6 =	vld [tilespmem:s0+$0xFFFFFFE0];
	_ =	sdelay $0x1  }
0x42b: {  	v7 =	vld [tilespmem:s0+$0x0];
	v2 =	vmul.f32 v2, v3  }
0x42c: {  	v9 =	vld [tilespmem:s0+$0x20];
	v4 =	vmul.f32 v4, v3  }
0x42d: {  	v10 =	vld [tilespmem:s0+$0xFFFFFFD0];
	v5 =	vmul.f32 v5, v3;
	[tilespmem:s0+$0x30] =	vst v2  }
0x42e: {  	v2 =	vmul.f32 v6, v3;
	[tilespmem:s0+$0xFFFFFFC0] =	vst v4  }
0x42f: {  	v4 =	vmul.f32 v8, v3;
	[tilespmem:s0+$0x10] =	vst v5  }
0x430: {  	v5 =	vmul.f32 v7, v3;
	[tilespmem:s0+$0xFFFFFFE0] =	vst v2  }
0x431: {  	v2 =	vmul.f32 v9, v3;
	[tilespmem:s0+$0xFFFFFFF0] =	vst v4  }
0x432: {  	v3 =	vmul.f32 v10, v3;
	[tilespmem:s0+$0x0] =	vst v5  }
0x433: {  	[tilespmem:s0+$0x20] =	vst v2  }
0x434: {  	s9 =	simm.s32 $0x0;
	s20 =	rddreg [dreg:$0xe];
	[tilespmem:s0+$0xFFFFFFD0] =	vst v3  }
0x435: {  	[hbm4b:s20+s9] =	stream.linear.scatter [tilespmem:s16], [sflag:$0xC], $0x2000, $0x38;
	[tilespmem:$0x1FA00] =	vst v63  }
0x436: {  	_ =	swait.ge [sflag:s12], $0x2000  }
0x437: {  	[sflag:s12] =	ssyncset.done $0x0  }
0x438: {  	v2 =	vmov s9;
	s21 =	rddreg [dreg:$0x1a];
	[sflag:s12] =	ssyncadd.s32 $0xFFFFE000  }
0x439: {  	v2 =	vadd.s32 $0x1C0, v2;
	[tilespmem:s16], [sflag:$0xC] =	stream.linear.gather [spmem:s21], $0x2000, $0x38;
	[tilespmem:$0x1FA00] =	vst v63  }
0x43a: {  	v2 =	vbroadcast v2, $0x0;
	_ =	swait.ge [sflag:s12], $0x2000  }
0x43b: {  	[sflag:s12] =	ssyncset.done $0x0  }
0x43c: {  	s2 =	simm.s32 $0x3040;
	[sflag:s12] =	ssyncadd.s32 $0xFFFFE000  }
0x43d: {  	v6 =	vld [tilespmem:s2+$0x30]  }
0x43e: {  	v9 =	vld [tilespmem:s2+$0x10]  }
0x43f: {  	v7 =	vld [tilespmem:s2+$0xFFFFFFC0]  }
0x440: {  	v3 =	vld.idx.msk [tilespmem:v2+s10+$0x0], $0xffff  }
0x441: {  	v11 =	vld [tilespmem:s2+$0xFFFFFFE0]  }
0x442: {  	v2 =	vld [tilespmem:s2+$0xFFFFFFF0]  }
0x443: {  	v4 =	vld [tilespmem:s2+$0x20]  }
0x444: {  	v5 =	vld [tilespmem:s2+$0xFFFFFFD0]  }
0x445: {  	v10 =	vmul.f32 v6, v3;
	v6 =	vld [tilespmem:s2+$0x0]  }
0x446: {  	v8 =	vmul.f32 v7, v3  }
0x447: {  	s8 =	simm.s32 $0x2;
	s7 =	simm.s32 $0x3040;
	s9 =	simm.s32 $0x1;
	v7 =	vmul.f32 v11, v3;
	v9 =	vmul.f32 v9, v3  }
.LBB2_46:
0x448: {  	p0 =	sne.s32 s8, $0x3F  }
0x449: {  	v11 =	vmov s9;
	v5 =	vmul.f32 v5, v3;
	v4 =	vmul.f32 v4, v3;
	[tilespmem:s2+$0x30] =	vst v10;
	s7 =	sadd.s32 $0x80, s7;
	s9 =	smov.u32 s8;
	s8 =	sadd.s32 $0x1, s8  }
0x44a: {  	v10 =	vadd.s32 $0x1C0, v11;
	[tilespmem:s2+$0xFFFFFFC0] =	vst v8;
	v8 =	vmul.f32 v2, v3;
	v3 =	vmul.f32 v6, v3  }
0x44b: {  	v6 =	vbroadcast v10, $0x0;
	[tilespmem:s2+$0x10] =	vst v9  }
0x44c: {  	[tilespmem:s2+$0xFFFFFFE0] =	vst v7  }
0x44d: {  	v2 =	vld [tilespmem:s7+$0xFFFFFFF0];
	[tilespmem:s2+$0xFFFFFFF0] =	vst v8  }
0x44e: {  	v7 =	vld [tilespmem:s7+$0x30];
	[tilespmem:s2+$0x0] =	vst v3  }
0x44f: {  	v9 =	vld [tilespmem:s7+$0x10];
	[tilespmem:s2+$0x20] =	vst v4  }
0x450: {  	v8 =	vld [tilespmem:s7+$0xFFFFFFC0];
	[tilespmem:s2+$0xFFFFFFD0] =	vst v5;
	s2 =	smov.u32 s7  }
0x451: {  	v3 =	vld.idx.msk [tilespmem:v6+s10+$0x0], $0xffff  }
0x452: {  	v11 =	vld [tilespmem:s7+$0xFFFFFFE0]  }
0x453: {  	v4 =	vld [tilespmem:s7+$0x20]  }
.Ltmp22:
0x454: {  	v5 =	vld [tilespmem:s7+$0xFFFFFFD0];
	(pc) =	sbr.rel @p0 .LBB2_46-.Ltmp22, $3  }
0x455: {  	v6 =	vld [tilespmem:s7+$0x0];
	_ =	sdelay $0x1  }
0x456: {  	v8 =	vmul.f32 v8, v3;
	v10 =	vmul.f32 v7, v3  }
0x457: {  	v9 =	vmul.f32 v9, v3;
	v7 =	vmul.f32 v11, v3  }
0x458: {  	[tilespmem:s2+$0xFFFFFFC0] =	vst v8;
	v8 =	vmov s9  }
0x459: {  	[tilespmem:s2+$0x30] =	vst v10;
	v8 =	vadd.s32 $0x1C0, v8  }
0x45a: {  	v2 =	vmul.f32 v2, v3;
	[tilespmem:s2+$0xFFFFFFE0] =	vst v7;
	v7 =	vbroadcast v8, $0x0  }
0x45b: {  	s0 =	sadd.s32 $0x80, s7;
	[tilespmem:s2+$0x10] =	vst v9;
	v6 =	vmul.f32 v6, v3  }
0x45c: {  	v4 =	vmul.f32 v4, v3;
	v8 =	vld [tilespmem:s0+$0xFFFFFFF0];
	[tilespmem:s2+$0xFFFFFFF0] =	vst v2  }
0x45d: {  	v3 =	vmul.f32 v5, v3;
	v2 =	vld [tilespmem:s0+$0x30];
	[tilespmem:s2+$0x0] =	vst v6  }
0x45e: {  	v5 =	vld [tilespmem:s0+$0x10];
	[tilespmem:s2+$0x20] =	vst v4  }
0x45f: {  	v4 =	vld [tilespmem:s0+$0xFFFFFFC0];
	[tilespmem:s2+$0xFFFFFFD0] =	vst v3  }
0x460: {  	v3 =	vld.idx.msk [tilespmem:v7+s10+$0x0], $0xffff;
	_ =	sdelay $0x2  }
0x461: {  	v6 =	vld [tilespmem:s0+$0xFFFFFFE0];
	_ =	sdelay $0x1  }
0x462: {  	v7 =	vld [tilespmem:s0+$0x0];
	v2 =	vmul.f32 v2, v3  }
0x463: {  	v9 =	vld [tilespmem:s0+$0x20];
	v4 =	vmul.f32 v4, v3  }
0x464: {  	v10 =	vld [tilespmem:s0+$0xFFFFFFD0];
	v5 =	vmul.f32 v5, v3;
	[tilespmem:s0+$0x30] =	vst v2  }
0x465: {  	v2 =	vmul.f32 v6, v3;
	[tilespmem:s0+$0xFFFFFFC0] =	vst v4  }
0x466: {  	v4 =	vmul.f32 v8, v3;
	[tilespmem:s0+$0x10] =	vst v5  }
0x467: {  	v5 =	vmul.f32 v7, v3;
	[tilespmem:s0+$0xFFFFFFE0] =	vst v2  }
0x468: {  	v2 =	vmul.f32 v9, v3;
	[tilespmem:s0+$0xFFFFFFF0] =	vst v4  }
0x469: {  	v3 =	vmul.f32 v10, v3;
	[tilespmem:s0+$0x0] =	vst v5  }
0x46a: {  	[tilespmem:s0+$0x20] =	vst v2  }
0x46b: {  	s20 =	simm.s32 $0x0;
	s21 =	rddreg [dreg:$0xf];
	[tilespmem:s0+$0xFFFFFFD0] =	vst v3  }
0x46c: {  	[hbm4b:s21+s20] =	stream.linear.scatter [tilespmem:s16], [sflag:$0xC], $0x2000, $0x38;
	[tilespmem:$0x1FA00] =	vst v63  }
0x46d: {  	_ =	swait.ge [sflag:s12], $0x2000  }
0x46e: {  	[sflag:s12] =	ssyncset.done $0x0  }
0x46f: {  	v2 =	vmov s20;
	[sflag:s12] =	ssyncadd.s32 $0xFFFFE000  }
0x470: {  	v2 =	vadd.s32 $0x200, v2;
	[tilespmem:s16], [sflag:$0xC] =	stream.linear.gather [spmem:s17], $0x2000, $0x38;
	[tilespmem:$0x1FA00] =	vst v63  }
0x471: {  	v2 =	vbroadcast v2, $0x0;
	_ =	swait.ge [sflag:s12], $0x2000  }
0x472: {  	[sflag:s12] =	ssyncset.done $0x0  }
0x473: {  	s2 =	simm.s32 $0x3040;
	[sflag:s12] =	ssyncadd.s32 $0xFFFFE000  }
0x474: {  	v6 =	vld [tilespmem:s2+$0x30]  }
0x475: {  	v9 =	vld [tilespmem:s2+$0x10]  }
0x476: {  	v7 =	vld [tilespmem:s2+$0xFFFFFFC0]  }
0x477: {  	v3 =	vld.idx.msk [tilespmem:v2+s10+$0x0], $0xffff  }
0x478: {  	v11 =	vld [tilespmem:s2+$0xFFFFFFE0]  }
0x479: {  	v2 =	vld [tilespmem:s2+$0xFFFFFFF0]  }
0x47a: {  	v4 =	vld [tilespmem:s2+$0x20]  }
0x47b: {  	v5 =	vld [tilespmem:s2+$0xFFFFFFD0]  }
0x47c: {  	v10 =	vmul.f32 v6, v3;
	v6 =	vld [tilespmem:s2+$0x0]  }
0x47d: {  	v8 =	vmul.f32 v7, v3  }
0x47e: {  	s9 =	simm.s32 $0x1;
	s8 =	simm.s32 $0x2;
	s7 =	simm.s32 $0x3040;
	v7 =	vmul.f32 v11, v3;
	v9 =	vmul.f32 v9, v3  }
.LBB2_48:
0x47f: {  	p0 =	sne.s32 s8, $0x3F  }
0x480: {  	v11 =	vmov s9;
	v5 =	vmul.f32 v5, v3;
	v4 =	vmul.f32 v4, v3;
	[tilespmem:s2+$0x30] =	vst v10;
	s7 =	sadd.s32 $0x80, s7;
	s9 =	smov.u32 s8;
	s8 =	sadd.s32 $0x1, s8  }
0x481: {  	v10 =	vadd.s32 $0x200, v11;
	[tilespmem:s2+$0xFFFFFFC0] =	vst v8;
	v8 =	vmul.f32 v2, v3;
	v3 =	vmul.f32 v6, v3  }
0x482: {  	v6 =	vbroadcast v10, $0x0;
	[tilespmem:s2+$0x10] =	vst v9  }
0x483: {  	[tilespmem:s2+$0xFFFFFFE0] =	vst v7  }
0x484: {  	v2 =	vld [tilespmem:s7+$0xFFFFFFF0];
	[tilespmem:s2+$0xFFFFFFF0] =	vst v8  }
0x485: {  	v7 =	vld [tilespmem:s7+$0x30];
	[tilespmem:s2+$0x0] =	vst v3  }
0x486: {  	v9 =	vld [tilespmem:s7+$0x10];
	[tilespmem:s2+$0x20] =	vst v4  }
0x487: {  	v8 =	vld [tilespmem:s7+$0xFFFFFFC0];
	[tilespmem:s2+$0xFFFFFFD0] =	vst v5;
	s2 =	smov.u32 s7  }
0x488: {  	v3 =	vld.idx.msk [tilespmem:v6+s10+$0x0], $0xffff  }
0x489: {  	v11 =	vld [tilespmem:s7+$0xFFFFFFE0]  }
0x48a: {  	v4 =	vld [tilespmem:s7+$0x20]  }
.Ltmp23:
0x48b: {  	v5 =	vld [tilespmem:s7+$0xFFFFFFD0];
	(pc) =	sbr.rel @p0 .LBB2_48-.Ltmp23, $3  }
0x48c: {  	v6 =	vld [tilespmem:s7+$0x0];
	_ =	sdelay $0x1  }
0x48d: {  	v8 =	vmul.f32 v8, v3;
	v10 =	vmul.f32 v7, v3  }
0x48e: {  	v9 =	vmul.f32 v9, v3;
	v7 =	vmul.f32 v11, v3  }
0x48f: {  	[tilespmem:s2+$0xFFFFFFC0] =	vst v8;
	v8 =	vmov s9  }
0x490: {  	[tilespmem:s2+$0x30] =	vst v10;
	v8 =	vadd.s32 $0x200, v8  }
0x491: {  	v2 =	vmul.f32 v2, v3;
	[tilespmem:s2+$0xFFFFFFE0] =	vst v7;
	v7 =	vbroadcast v8, $0x0  }
0x492: {  	s0 =	sadd.s32 $0x80, s7;
	[tilespmem:s2+$0x10] =	vst v9;
	v6 =	vmul.f32 v6, v3  }
0x493: {  	v4 =	vmul.f32 v4, v3;
	v8 =	vld [tilespmem:s0+$0xFFFFFFF0];
	[tilespmem:s2+$0xFFFFFFF0] =	vst v2  }
0x494: {  	v3 =	vmul.f32 v5, v3;
	v2 =	vld [tilespmem:s0+$0x30];
	[tilespmem:s2+$0x0] =	vst v6  }
0x495: {  	v5 =	vld [tilespmem:s0+$0x10];
	[tilespmem:s2+$0x20] =	vst v4  }
0x496: {  	v4 =	vld [tilespmem:s0+$0xFFFFFFC0];
	[tilespmem:s2+$0xFFFFFFD0] =	vst v3  }
0x497: {  	v3 =	vld.idx.msk [tilespmem:v7+s10+$0x0], $0xffff;
	_ =	sdelay $0x2  }
0x498: {  	v6 =	vld [tilespmem:s0+$0xFFFFFFE0];
	_ =	sdelay $0x1  }
0x499: {  	v7 =	vld [tilespmem:s0+$0x0];
	v2 =	vmul.f32 v2, v3  }
0x49a: {  	v9 =	vld [tilespmem:s0+$0x20];
	v4 =	vmul.f32 v4, v3  }
0x49b: {  	v10 =	vld [tilespmem:s0+$0xFFFFFFD0];
	v5 =	vmul.f32 v5, v3;
	[tilespmem:s0+$0x30] =	vst v2  }
0x49c: {  	v2 =	vmul.f32 v6, v3;
	[tilespmem:s0+$0xFFFFFFC0] =	vst v4  }
0x49d: {  	v4 =	vmul.f32 v8, v3;
	[tilespmem:s0+$0x10] =	vst v5  }
0x49e: {  	v5 =	vmul.f32 v7, v3;
	[tilespmem:s0+$0xFFFFFFE0] =	vst v2  }
0x49f: {  	v2 =	vmul.f32 v9, v3;
	[tilespmem:s0+$0xFFFFFFF0] =	vst v4  }
0x4a0: {  	v3 =	vmul.f32 v10, v3;
	[tilespmem:s0+$0x0] =	vst v5  }
0x4a1: {  	[tilespmem:s0+$0x20] =	vst v2  }
0x4a2: {  	s9 =	simm.s32 $0x0;
	s20 =	rddreg [dreg:$0x10];
	[tilespmem:s0+$0xFFFFFFD0] =	vst v3  }
0x4a3: {  	[hbm4b:s20+s9] =	stream.linear.scatter [tilespmem:s16], [sflag:$0xC], $0x2000, $0x38;
	[tilespmem:$0x1FA00] =	vst v63  }
0x4a4: {  	_ =	swait.ge [sflag:s12], $0x2000  }
0x4a5: {  	[sflag:s12] =	ssyncset.done $0x0  }
0x4a6: {  	v2 =	vmov s9;
	s21 =	rddreg [dreg:$0x1c];
	[sflag:s12] =	ssyncadd.s32 $0xFFFFE000  }
0x4a7: {  	v2 =	vadd.s32 $0x240, v2;
	[tilespmem:s16], [sflag:$0xC] =	stream.linear.gather [spmem:s21], $0x2000, $0x38;
	[tilespmem:$0x1FA00] =	vst v63  }
0x4a8: {  	v2 =	vbroadcast v2, $0x0;
	_ =	swait.ge [sflag:s12], $0x2000  }
0x4a9: {  	[sflag:s12] =	ssyncset.done $0x0  }
0x4aa: {  	s2 =	simm.s32 $0x3040;
	[sflag:s12] =	ssyncadd.s32 $0xFFFFE000  }
0x4ab: {  	v6 =	vld [tilespmem:s2+$0x30]  }
0x4ac: {  	v9 =	vld [tilespmem:s2+$0x10]  }
0x4ad: {  	v7 =	vld [tilespmem:s2+$0xFFFFFFC0]  }
0x4ae: {  	v3 =	vld.idx.msk [tilespmem:v2+s10+$0x0], $0xffff  }
0x4af: {  	v11 =	vld [tilespmem:s2+$0xFFFFFFE0]  }
0x4b0: {  	v2 =	vld [tilespmem:s2+$0xFFFFFFF0]  }
0x4b1: {  	v4 =	vld [tilespmem:s2+$0x20]  }
0x4b2: {  	v5 =	vld [tilespmem:s2+$0xFFFFFFD0]  }
0x4b3: {  	v10 =	vmul.f32 v6, v3;
	v6 =	vld [tilespmem:s2+$0x0]  }
0x4b4: {  	v8 =	vmul.f32 v7, v3  }
0x4b5: {  	s8 =	simm.s32 $0x2;
	s7 =	simm.s32 $0x3040;
	s9 =	simm.s32 $0x1;
	v7 =	vmul.f32 v11, v3;
	v9 =	vmul.f32 v9, v3  }
.LBB2_50:
0x4b6: {  	p0 =	sne.s32 s8, $0x3F  }
0x4b7: {  	v11 =	vmov s9;
	v5 =	vmul.f32 v5, v3;
	v4 =	vmul.f32 v4, v3;
	[tilespmem:s2+$0x30] =	vst v10;
	s7 =	sadd.s32 $0x80, s7;
	s9 =	smov.u32 s8;
	s8 =	sadd.s32 $0x1, s8  }
0x4b8: {  	v10 =	vadd.s32 $0x240, v11;
	[tilespmem:s2+$0xFFFFFFC0] =	vst v8;
	v8 =	vmul.f32 v2, v3;
	v3 =	vmul.f32 v6, v3  }
0x4b9: {  	v6 =	vbroadcast v10, $0x0;
	[tilespmem:s2+$0x10] =	vst v9  }
0x4ba: {  	[tilespmem:s2+$0xFFFFFFE0] =	vst v7  }
0x4bb: {  	v2 =	vld [tilespmem:s7+$0xFFFFFFF0];
	[tilespmem:s2+$0xFFFFFFF0] =	vst v8  }
0x4bc: {  	v7 =	vld [tilespmem:s7+$0x30];
	[tilespmem:s2+$0x0] =	vst v3  }
0x4bd: {  	v9 =	vld [tilespmem:s7+$0x10];
	[tilespmem:s2+$0x20] =	vst v4  }
0x4be: {  	v8 =	vld [tilespmem:s7+$0xFFFFFFC0];
	[tilespmem:s2+$0xFFFFFFD0] =	vst v5;
	s2 =	smov.u32 s7  }
0x4bf: {  	v3 =	vld.idx.msk [tilespmem:v6+s10+$0x0], $0xffff  }
0x4c0: {  	v11 =	vld [tilespmem:s7+$0xFFFFFFE0]  }
0x4c1: {  	v4 =	vld [tilespmem:s7+$0x20]  }
.Ltmp24:
0x4c2: {  	v5 =	vld [tilespmem:s7+$0xFFFFFFD0];
	(pc) =	sbr.rel @p0 .LBB2_50-.Ltmp24, $3  }
0x4c3: {  	v6 =	vld [tilespmem:s7+$0x0];
	_ =	sdelay $0x1  }
0x4c4: {  	v8 =	vmul.f32 v8, v3;
	v10 =	vmul.f32 v7, v3  }
0x4c5: {  	v9 =	vmul.f32 v9, v3;
	v7 =	vmul.f32 v11, v3  }
0x4c6: {  	[tilespmem:s2+$0x30] =	vst v10;
	v55 =	vmov s9  }
0x4c7: {  	[tilespmem:s2+$0xFFFFFFC0] =	vst v8;
	v8 =	vadd.s32 $0x240, v55  }
0x4c8: {  	v2 =	vmul.f32 v2, v3;
	[tilespmem:s2+$0x10] =	vst v9;
	v56 =	vbroadcast v8, $0x0  }
0x4c9: {  	s0 =	sadd.s32 $0x80, s7;
	[tilespmem:s2+$0xFFFFFFE0] =	vst v7;
	v6 =	vmul.f32 v6, v3  }
0x4ca: {  	v4 =	vmul.f32 v4, v3;
	v3 =	vmul.f32 v5, v3;
	v57 =	vld [tilespmem:s0+$0xFFFFFFF0];
	[tilespmem:s2+$0xFFFFFFF0] =	vst v2  }
0x4cb: {  	v2 =	vld [tilespmem:s0+$0x30];
	[tilespmem:s2+$0x0] =	vst v6  }
0x4cc: {  	v59 =	vld [tilespmem:s0+$0xFFFFFFC0];
	[tilespmem:s2+$0xFFFFFFD0] =	vst v3  }
0x4cd: {  	v58 =	vld [tilespmem:s0+$0x10];
	[tilespmem:s2+$0x20] =	vst v4  }
0x4ce: {  	v3 =	vld.idx.msk [tilespmem:v56+s10+$0x0], $0xffff;
	_ =	sdelay $0x3  }
0x4cf: {  	v6 =	vld [tilespmem:s0+$0xFFFFFFE0]  }
0x4d0: {  	v60 =	vld [tilespmem:s0+$0x0];
	v2 =	vmul.f32 v2, v3  }
0x4d1: {  	v9 =	vld [tilespmem:s0+$0x20];
	v4 =	vmul.f32 v59, v3  }
0x4d2: {  	v61 =	vld [tilespmem:s0+$0xFFFFFFD0];
	v5 =	vmul.f32 v58, v3;
	[tilespmem:s0+$0x30] =	vst v2  }
0x4d3: {  	v62 =	vmul.f32 v57, v3;
	[tilespmem:s0+$0xFFFFFFC0] =	vst v4  }
0x4d4: {  	v2 =	vmul.f32 v6, v3;
	[tilespmem:s0+$0x10] =	vst v5  }
0x4d5: {  	v63 =	vmul.f32 v60, v3;
	[tilespmem:s0+$0xFFFFFFF0] =	vst v62  }
0x4d6: {  	[tilespmem:s0+$0xFFFFFFE0] =	vst v2;
	v2 =	vmul.f32 v9, v3  }
0x4d7: {  	[tilespmem:s0+$0x0] =	vst v63;
	v3 =	vmul.f32 v61, v3  }
0x4d8: {  	[tilespmem:s0+$0x20] =	vst v2  }
0x4d9: {  	s8 =	simm.s32 $0x0;
	s9 =	rddreg [dreg:$0x11];
	[tilespmem:s0+$0xFFFFFFD0] =	vst v3  }
0x4da: {  	[hbm4b:s9+s8] =	stream.linear.scatter [tilespmem:s16], [sflag:$0xC], $0x2000, $0x38;
	[tilespmem:$0x1FA00] =	vst v63  }
0x4db: {  	_ =	swait.ge [sflag:s12], $0x2000  }
0x4dc: {  	s20 =	sld [smem:$0x7F7]  }
0x4dd: {  	s21 =	sld [smem:$0x7FA];
	_ =	sdelay $0x1  }
0x4de: {  	s2 =	sadd.s32 $0x1, s20  }
0x4df: {  	p0 =	sne.s32 s2, s21  }
.Ltmp25:
0x4e0: {  	_ = 	snop;
	(pc) =	sbr.rel @p0 .LBB2_1-.Ltmp25, $3  }
0x4e1: {  	_ =	sdelay $0x1  }
0x4e2: {  	[sflag:s12] =	ssyncset.done $0x0  }
0x4e3: {  	[sflag:s12] =	ssyncadd.s32 $0xFFFFE000  }
0x4e4: {  	_ =	sfence.sel $0x180000  }
0x4e5: {  	[bflag:$0x0] =	sbarrier.arrive $0xFFFF  }
0x4e6: {  	_ =	strace $0x90000047  }
0x4e7: {  	s0 =	stileid.u32;
	[bflag:$0x2] =	sbarrier.arrive $0xFFFF  }
0x4e8: {  	p0 =	sne.s32 s0, $0x0;
	s0 =	rddreg [dreg:$0x6]  }
0x4e9: {  	s0 =	sadd.s32 @!p0 $0x100000, s0  }
0x4ea: {  	[sflag:s0] =	ssyncadd.tile.s32 @!p0 $0x1;
	_ =	shalt  }
.Lfunc_end2:
_tile_overlayer_lowered:
.L_overlay_start_2:
0x4eb: {  	(tag) =	ssettag $0x2  }
0x4ec: {  	s0 =	rddreg [dreg:$0x0];
	s2 =	stileid.u32  }
0x4ed: {  	s1 =	rddreg [dreg:$0x1];
	p0 =	sne.s32 s2, $0x0  }
0x4ee: {  	s3 =	rddreg [dreg:$0x2];
	[bflag:$0x3] =	sbarrier.arrive $0xFFFF;
	s2 =	simm.s32 @!p0 $0x1C0C  }
0x4ef: {  	[timem:s3], [sflag:s2] =	dma.local @!p0 [hbm:s0], s1  }
0x4f0: {  	s0 =	simm.s32 @!p0 $0xC  }
0x4f1: {  	_ =	swait.ge @!p0 [sflag:s0], s1  }
0x4f2: {  	s1 =	ssub.s32 @!p0 $0x0, s1;
	[sflag:s0] =	ssyncset.done @!p0 $0x0  }
0x4f3: {  	[sflag:s0] =	ssyncadd.s32 @!p0 s1  }
0x4f4: {  	[bflag:$0x3] =	sbarrier.arrive $0xFFFF  }
0x4f5: {  	_ =	shalt  }

</sc_bundles>
